<compile_context>
chip_gen: v7x
topology: tpu7x:2x2x1
jax: 0.10.2.dev20260603
libtpu: 0.0.44.dev20260713+nightly
codegen_flags: <defaults>
</compile_context>

<pallas_src>
import dataclasses
import functools

import jax
import jax.numpy as jnp
from jax import lax
from jax.experimental import pallas as pl
from jax.experimental.pallas import tpu as pltpu
from jax.experimental.pallas import tpu_sc as plsc

_N = 10000
_E = 320000
_D = 128
_H = 128
_C = 64

_NC = 2
_NS = 16
_NW = _NC * _NS
_B = 128
_NCHUNK = 80
_EPT = _NCHUNK * _B
_EPAD = _NW * _EPT
_NP = 10112
_RPT = _NP // _NS

_mesh = plsc.VectorSubcoreMesh(
    core_axis_name="c", subcore_axis_name="s", num_cores=_NC, num_subcores=_NS
)

_sc_params = pltpu.CompilerParams()
if "needs_layout_passes" in pltpu.CompilerParams.__dataclass_fields__:
    _sc_params = dataclasses.replace(_sc_params, needs_layout_passes=False)
_sc_flat = dataclasses.replace(_sc_params, use_tc_tiling_on_sc=False)


def _make_hist():

    @functools.partial(
        pl.kernel,
        out_type=jax.ShapeDtypeStruct((_NW, _NP), jnp.float32),
        mesh=_mesh,
        scratch_types=[
            pltpu.VMEM((_EPT,), jnp.int32),
            pltpu.VMEM((_NP,), jnp.float32),
        ],
        compiler_params=_sc_params,
    )
    def hist(dst_hbm, out_hbm, idxv, histv):
        c = lax.axis_index("c")
        s = lax.axis_index("s")
        wid = s * _NC + c
        pltpu.sync_copy(dst_hbm.at[wid], idxv)

        zero16 = jnp.zeros((16,), jnp.float32)

        @pl.loop(0, _NP, step=16)
        def _(i):
            histv[pl.ds(i, 16)] = zero16

        ones16 = jnp.ones((16,), jnp.float32)

        @pl.loop(0, _EPT, step=16)
        def _(i):
            idx = idxv[pl.ds(i, 16)]
            plsc.addupdate_scatter(histv, [idx], ones16)

        pltpu.sync_copy(histv, out_hbm.at[wid])

    return hist


def _make_prop(feat, from_spmem):
    nslot = 5

    @functools.partial(
        pl.kernel,
        out_type=jax.ShapeDtypeStruct((_NC, _NP, feat), jnp.bfloat16),
        mesh=_mesh,
        scratch_types=[
            pltpu.VMEM((nslot, 2, _B), jnp.int32),
            pltpu.VMEM((nslot, _B, feat), jnp.bfloat16),
            pltpu.VMEM_SHARED((_NP, feat), jnp.bfloat16),
        ] + ([pltpu.VMEM_SHARED((_NP, feat), jnp.bfloat16)] if from_spmem
             else []) + [pltpu.SemaphoreType.DMA] * (2 * nslot),
        compiler_params=_sc_flat,
    )
    def prop(y_hbm, idx_hbm, zero_hbm, out_hbm, idxb, rows, acc, *rest):
        if from_spmem:
            ysrc = rest[0]
            sems = rest[1:]
        else:
            ysrc = y_hbm
            sems = rest
        c = lax.axis_index("c")
        s = lax.axis_index("s")
        wid = s * _NC + c
        semi = sems[:nslot]
        semg = sems[nslot:]

        def idx_start(j, slot):
            pltpu.async_copy(idx_hbm.at[wid, j], idxb.at[slot], semi[slot])

        def idx_wait(j, slot):
            pltpu.make_async_copy(
                idx_hbm.at[wid, j], idxb.at[slot], semi[slot]).wait()

        def gather_start(j, slot):
            pltpu.async_copy(ysrc.at[idxb.at[slot, 0]], rows.at[slot],
                             semg[slot])

        def gather_wait(j, slot):
            pltpu.make_async_copy(ysrc.at[idxb.at[slot, 0]], rows.at[slot],
                                  semg[slot]).wait()

        def scatter_add(j, slot):
            pltpu.sync_copy(rows.at[slot], acc.at[idxb.at[slot, 1]], add=True)

        for j in range(3):
            idx_start(j, j)
        r0 = s * _RPT
        pltpu.sync_copy(zero_hbm.at[pl.ds(r0, _RPT)], acc.at[pl.ds(r0, _RPT)])
        if from_spmem:
            pltpu.sync_copy(y_hbm.at[pl.ds(r0, _RPT)], ysrc.at[pl.ds(r0, _RPT)])
        plsc.subcore_barrier()
        for j in range(2):
            idx_wait(j, j)
            gather_start(j, j)

        nmain = ((_NCHUNK - nslot) // nslot) * nslot

        @pl.loop(0, nmain, step=nslot)
        def _(g):
            for b in range(nslot):
                j = g + b
                gather_wait(j, b)
                scatter_add(j, b)
                idx_start(j + 3, (b + 3) % nslot)
                idx_wait(j + 2, (b + 2) % nslot)
                gather_start(j + 2, (b + 2) % nslot)

        for jt in range(nmain, _NCHUNK):
            b = jt % nslot
            gather_wait(jt, b)
            scatter_add(jt, b)
            if jt + 3 < _NCHUNK:
                idx_start(jt + 3, (b + 3) % nslot)
            if jt + 2 < _NCHUNK:
                idx_wait(jt + 2, (b + 2) % nslot)
                gather_start(jt + 2, (b + 2) % nslot)

        plsc.subcore_barrier()
        pltpu.sync_copy(acc.at[pl.ds(r0, _RPT)], out_hbm.at[c, pl.ds(r0, _RPT)])

    return prop


_hist_kernel = _make_hist()
_prop_h = _make_prop(_H, True)
_prop_c = _make_prop(_C, True)


def _tc_prep(x, w1, hists):

    def body(x_ref, w_ref, h_ref, o_ref, d_ref):
        dinv = lax.rsqrt(1.0 + jnp.sum(h_ref[...], axis=0))[:, None]
        d_ref[...] = dinv
        xw = jnp.dot(x_ref[...], w_ref[...], preferred_element_type=jnp.float32)
        o_ref[...] = jnp.zeros((_NP, _H), jnp.bfloat16)
        o_ref[:_N, :] = (xw * dinv[:_N]).astype(jnp.bfloat16)

    return pl.pallas_call(
        body,
        out_shape=(
            jax.ShapeDtypeStruct((_NP, _H), jnp.bfloat16),
            jax.ShapeDtypeStruct((_NP, 1), jnp.float32),
        ),
    )(x, w1, hists)


def _tc_mid(acc1, y1, dinv, b1, w2):
    def body(a_ref, y_ref, d_ref, b_ref, w_ref, o_ref):
        dinv = d_ref[...]
        a = a_ref[...].astype(jnp.float32)
        tot = a[0] + a[1] + y_ref[...].astype(jnp.float32)
        hid = jnp.maximum(tot * dinv + b_ref[...], 0.0)
        hw = jnp.dot(hid, w_ref[...], preferred_element_type=jnp.float32)
        o_ref[...] = (hw * dinv).astype(jnp.bfloat16)

    return pl.pallas_call(
        body, out_shape=jax.ShapeDtypeStruct((_NP, _C), jnp.bfloat16)
    )(acc1, y1, dinv, b1, w2)


def _tc_final(acc2, y2, dinv, b2):
    def body(a_ref, y_ref, d_ref, b_ref, o_ref):
        a = a_ref[...].astype(jnp.float32)
        logits = (a[0] + a[1] + y_ref[...].astype(jnp.float32)) * d_ref[...] \
            + b_ref[...]
        m = jnp.max(logits, axis=1, keepdims=True)
        z = logits - m
        lse = jnp.log(jnp.sum(jnp.exp(z), axis=1, keepdims=True))
        o_ref[...] = (z - lse)[:_N, :]

    return pl.pallas_call(
        body, out_shape=jax.ShapeDtypeStruct((_N, _C), jnp.float32)
    )(acc2, y2, dinv, b2)


def kernel(x, edge_index, W1, b1, W2, b2):
    src = edge_index[0]
    dst = edge_index[1]
    ereal = _E // _NW
    padw = _EPT - ereal
    pad_src = jnp.full((_NW, padw), _N, jnp.int32)
    pad_dst = jnp.broadcast_to(
        _N + (jnp.arange(padw, dtype=jnp.int32) % (_NP - _N)), (_NW, padw))
    srcp = jnp.concatenate(
        [src.reshape(_NW, ereal), pad_src], axis=1).reshape(_NW, _NCHUNK, _B)
    dstp = jnp.concatenate(
        [dst.reshape(_NW, ereal), pad_dst], axis=1).reshape(_NW, _NCHUNK, _B)
    idxp = jnp.stack([srcp, dstp], axis=2)
    dsth = dstp.reshape(_NW, _EPT)

    b1r = b1.reshape(1, _H)
    b2r = b2.reshape(1, _C)

    hists = _hist_kernel(dsth)
    y1, dinv = _tc_prep(x, W1, hists)
    zh = jnp.zeros((_NP, _H), jnp.bfloat16)
    acc1 = _prop_h(y1, idxp, zh)
    y2 = _tc_mid(acc1, y1, dinv, b1r, W2)
    zc = jnp.zeros((_NP, _C), jnp.bfloat16)
    acc2 = _prop_c(y2, idxp, zc)
    return _tc_final(acc2, y2, dinv, b2r)

# --- scband reference (transcript-rebuilt; emitter-appended) ---
"""Pipeline reference for scband-gcn-46411416600685 (READ-ONLY COPY).

The authoritative reference and input builder live on the scoring server;
editing this copy changes nothing except your own understanding.
"""

import jax, jax.numpy as jnp
import numpy as np

N = 10000
E = 320000
D = 128
H = 128
C = 64


def setup_inputs(seed: int = 0) -> dict:
    key = jax.random.key(seed)
    k1, k2, k3, k4, k5 = jax.random.split(key, 5)
    x = jax.random.normal(k1, (N, D), dtype=jnp.float32)
    edge_index = jax.random.randint(k2, (2, E), 0, N, dtype=jnp.int32)
    W1 = jax.random.normal(k3, (D, H), dtype=jnp.float32) * (1.0 / np.sqrt(D))
    b1 = jnp.zeros((H,), dtype=jnp.float32)
    W2 = jax.random.normal(k4, (H, C), dtype=jnp.float32) * (1.0 / np.sqrt(H))
    b2 = jnp.zeros((C,), dtype=jnp.float32)
    return {"x": x, "edge_index": edge_index, "W1": W1, "b1": b1, "W2": W2, "b2": b2}


def _gcn_conv(x, edge_index, W, b):
    # PyG GCNConv: add self loops, symmetric normalization D^-1/2 (A+I) D^-1/2 X W + b
    src = edge_index[0]
    dst = edge_index[1]
    loop = jnp.arange(N, dtype=src.dtype)
    src = jnp.concatenate([src, loop], axis=0)
    dst = jnp.concatenate([dst, loop], axis=0)
    deg = jnp.zeros((N,), dtype=x.dtype).at[dst].add(1.0)
    dinv = jnp.where(deg > 0, jax.lax.rsqrt(deg), 0.0)
    norm = dinv[src] * dinv[dst]
    xw = x @ W
    msg = xw[src] * norm[:, None]
    out = jnp.zeros((N, W.shape[1]), dtype=x.dtype).at[dst].add(msg)
    return out + b


def reference(x, edge_index, W1, b1, W2, b2):
    h = _gcn_conv(x, edge_index, W1, b1)
    h = jax.nn.relu(h)
    # dropout is identity in eval mode (training=False)
    out = _gcn_conv(h, edge_index, W2, b2)
    return jax.nn.log_softmax(out, axis=1)

if __name__ == "__main__":
    import jax
    _d = setup_inputs()
    print(jax.jit(kernel)(*tuple(_d.values())))

</pallas_src>

<mosaic_0001>
#map = affine_map<(d0, d1) -> (0, 0)>
#map1 = affine_map<(d0, d1) -> (0, 0, 0, 0)>
#map2 = affine_map<(d0, d1) -> (0, 0, 0)>
module attributes {stable_mosaic.version = 14 : i64} {
  func.func @prop(%arg0: i32, %arg1: i32, %arg2: memref<10112x64xbf16, #tpu.memory_space<hbm>>, %arg3: memref<32x80x2x128xi32, #tpu.memory_space<hbm>>, %arg4: memref<10112x64xbf16, #tpu.memory_space<hbm>>, %arg5: memref<2x10112x64xbf16, #tpu.memory_space<hbm>>, %arg6: memref<5x2x128xi32, #tpu.memory_space<vmem>>, %arg7: memref<5x128x64xbf16, #tpu.memory_space<vmem>>, %arg8: memref<10112x64xbf16, #tpu.memory_space<vmem_shared>>, %arg9: memref<10112x64xbf16, #tpu.memory_space<vmem_shared>>, %arg10: memref<!tpu.dma_semaphore, #tpu.memory_space<semaphore_mem>>, %arg11: memref<!tpu.dma_semaphore, #tpu.memory_space<semaphore_mem>>, %arg12: memref<!tpu.dma_semaphore, #tpu.memory_space<semaphore_mem>>, %arg13: memref<!tpu.dma_semaphore, #tpu.memory_space<semaphore_mem>>, %arg14: memref<!tpu.dma_semaphore, #tpu.memory_space<semaphore_mem>>, %arg15: memref<!tpu.dma_semaphore, #tpu.memory_space<semaphore_mem>>, %arg16: memref<!tpu.dma_semaphore, #tpu.memory_space<semaphore_mem>>, %arg17: memref<!tpu.dma_semaphore, #tpu.memory_space<semaphore_mem>>, %arg18: memref<!tpu.dma_semaphore, #tpu.memory_space<semaphore_mem>>, %arg19: memref<!tpu.dma_semaphore, #tpu.memory_space<semaphore_mem>>) attributes {dimension_semantics = [#tpu.dimension_semantics<core_parallel>, #tpu.dimension_semantics<subcore_parallel>], iteration_bounds = array<i64: 2, 16>, scalar_prefetch = 0 : i64, scratch_operands = 14 : i64, tpu.core_type = #tpu.core_type<sc_vector_subcore>, window_params = [{transform_indices = #map}, {transform_indices = #map1}, {transform_indices = #map}, {transform_indices = #map2}]} {
    %mul3A = arith.constant 2 : i32
    %mul3A_0 = arith.muli %arg1, %mul3A : i32
    %add3A = arith.addi %mul3A_0, %arg0 : i32
    %dma_start3A = arith.constant 0 : i32
    %dma_start3A_1 = arith.constant 0 : i32
    %dma_start3A_2 = arith.constant 0 : i32
    %dma_start3A_3 = arith.constant 0 : i32
    %dma_start3A_4 = tpu.memref_slice %arg6[%dma_start3A_1, %dma_start3A_2, %dma_start3A_3] : memref<5x2x128xi32, #tpu.memory_space<vmem>> -> memref<1x2x128xi32, #tpu.memory_space<vmem>>
    %dma_start3A_5 = tpu.memref_squeeze %dma_start3A_4 : memref<1x2x128xi32, #tpu.memory_space<vmem>> -> memref<2x128xi32, #tpu.memory_space<vmem>>
    %dma_start3A_6 = arith.constant 0 : i32
    %dma_start3A_7 = arith.constant 0 : i32
    %dma_start3A_8 = tpu.memref_slice %arg3[%add3A, %dma_start3A, %dma_start3A_6, %dma_start3A_7] : memref<32x80x2x128xi32, #tpu.memory_space<hbm>> -> memref<1x1x2x128xi32, #tpu.memory_space<hbm>>
    %dma_start3A_9 = tpu.memref_squeeze %dma_start3A_8 : memref<1x1x2x128xi32, #tpu.memory_space<hbm>> -> memref<2x128xi32, #tpu.memory_space<hbm>>
    %dma_start3A_10 = arith.constant 0 : i32
    %dma_start3A_11 = arith.constant 0 : i32
    %dma_start3A_12 = tpu.memref_slice %arg6[%dma_start3A_1, %dma_start3A_10, %dma_start3A_11] : memref<5x2x128xi32, #tpu.memory_space<vmem>> -> memref<1x2x128xi32, #tpu.memory_space<vmem>>
    %dma_start3A_13 = tpu.memref_squeeze %dma_start3A_12 : memref<1x2x128xi32, #tpu.memory_space<vmem>> -> memref<2x128xi32, #tpu.memory_space<vmem>>
    %dma_start3A_14 = arith.constant 0 : i32
    %dma_start3A_15 = arith.constant 0 : i32
    %dma_start3A_16 = tpu.memref_slice %arg3[%add3A, %dma_start3A, %dma_start3A_14, %dma_start3A_15] : memref<32x80x2x128xi32, #tpu.memory_space<hbm>> -> memref<1x1x2x128xi32, #tpu.memory_space<hbm>>
    %dma_start3A_17 = tpu.memref_squeeze %dma_start3A_16 : memref<1x1x2x128xi32, #tpu.memory_space<hbm>> -> memref<2x128xi32, #tpu.memory_space<hbm>>
    tpu.enqueue_dma source(%dma_start3A_17 : memref<2x128xi32, #tpu.memory_space<hbm>>) target(%dma_start3A_13 : memref<2x128xi32, #tpu.memory_space<vmem>>) target_semaphore(%arg10 : memref<!tpu.dma_semaphore, #tpu.memory_space<semaphore_mem>>)
    %dma_start3A_18 = arith.constant 1 : i32
    %dma_start3A_19 = arith.constant 1 : i32
    %dma_start3A_20 = arith.constant 0 : i32
    %dma_start3A_21 = arith.constant 0 : i32
    %dma_start3A_22 = tpu.memref_slice %arg6[%dma_start3A_19, %dma_start3A_20, %dma_start3A_21] : memref<5x2x128xi32, #tpu.memory_space<vmem>> -> memref<1x2x128xi32, #tpu.memory_space<vmem>>
    %dma_start3A_23 = tpu.memref_squeeze %dma_start3A_22 : memref<1x2x128xi32, #tpu.memory_space<vmem>> -> memref<2x128xi32, #tpu.memory_space<vmem>>
    %dma_start3A_24 = arith.constant 0 : i32
    %dma_start3A_25 = arith.constant 0 : i32
    %dma_start3A_26 = tpu.memref_slice %arg3[%add3A, %dma_start3A_18, %dma_start3A_24, %dma_start3A_25] : memref<32x80x2x128xi32, #tpu.memory_space<hbm>> -> memref<1x1x2x128xi32, #tpu.memory_space<hbm>>
    %dma_start3A_27 = tpu.memref_squeeze %dma_start3A_26 : memref<1x1x2x128xi32, #tpu.memory_space<hbm>> -> memref<2x128xi32, #tpu.memory_space<hbm>>
    %dma_start3A_28 = arith.constant 0 : i32
    %dma_start3A_29 = arith.constant 0 : i32
    %dma_start3A_30 = tpu.memref_slice %arg6[%dma_start3A_19, %dma_start3A_28, %dma_start3A_29] : memref<5x2x128xi32, #tpu.memory_space<vmem>> -> memref<1x2x128xi32, #tpu.memory_space<vmem>>
    %dma_start3A_31 = tpu.memref_squeeze %dma_start3A_30 : memref<1x2x128xi32, #tpu.memory_space<vmem>> -> memref<2x128xi32, #tpu.memory_space<vmem>>
    %dma_start3A_32 = arith.constant 0 : i32
    %dma_start3A_33 = arith.constant 0 : i32
    %dma_start3A_34 = tpu.memref_slice %arg3[%add3A, %dma_start3A_18, %dma_start3A_32, %dma_start3A_33] : memref<32x80x2x128xi32, #tpu.memory_space<hbm>> -> memref<1x1x2x128xi32, #tpu.memory_space<hbm>>
    %dma_start3A_35 = tpu.memref_squeeze %dma_start3A_34 : memref<1x1x2x128xi32, #tpu.memory_space<hbm>> -> memref<2x128xi32, #tpu.memory_space<hbm>>
    tpu.enqueue_dma source(%dma_start3A_35 : memref<2x128xi32, #tpu.memory_space<hbm>>) target(%dma_start3A_31 : memref<2x128xi32, #tpu.memory_space<vmem>>) target_semaphore(%arg11 : memref<!tpu.dma_semaphore, #tpu.memory_space<semaphore_mem>>)
    %dma_start3A_36 = arith.constant 2 : i32
    %dma_start3A_37 = arith.constant 2 : i32
    %dma_start3A_38 = arith.constant 0 : i32
    %dma_start3A_39 = arith.constant 0 : i32
    %dma_start3A_40 = tpu.memref_slice %arg6[%dma_start3A_37, %dma_start3A_38, %dma_start3A_39] : memref<5x2x128xi32, #tpu.memory_space<vmem>> -> memref<1x2x128xi32, #tpu.memory_space<vmem>>
    %dma_start3A_41 = tpu.memref_squeeze %dma_start3A_40 : memref<1x2x128xi32, #tpu.memory_space<vmem>> -> memref<2x128xi32, #tpu.memory_space<vmem>>
    %dma_start3A_42 = arith.constant 0 : i32
    %dma_start3A_43 = arith.constant 0 : i32
    %dma_start3A_44 = tpu.memref_slice %arg3[%add3A, %dma_start3A_36, %dma_start3A_42, %dma_start3A_43] : memref<32x80x2x128xi32, #tpu.memory_space<hbm>> -> memref<1x1x2x128xi32, #tpu.memory_space<hbm>>
    %dma_start3A_45 = tpu.memref_squeeze %dma_start3A_44 : memref<1x1x2x128xi32, #tpu.memory_space<hbm>> -> memref<2x128xi32, #tpu.memory_space<hbm>>
    %dma_start3A_46 = arith.constant 0 : i32
    %dma_start3A_47 = arith.constant 0 : i32
    %dma_start3A_48 = tpu.memref_slice %arg6[%dma_start3A_37, %dma_start3A_46, %dma_start3A_47] : memref<5x2x128xi32, #tpu.memory_space<vmem>> -> memref<1x2x128xi32, #tpu.memory_space<vmem>>
    %dma_start3A_49 = tpu.memref_squeeze %dma_start3A_48 : memref<1x2x128xi32, #tpu.memory_space<vmem>> -> memref<2x128xi32, #tpu.memory_space<vmem>>
    %dma_start3A_50 = arith.constant 0 : i32
    %dma_start3A_51 = arith.constant 0 : i32
    %dma_start3A_52 = tpu.memref_slice %arg3[%add3A, %dma_start3A_36, %dma_start3A_50, %dma_start3A_51] : memref<32x80x2x128xi32, #tpu.memory_space<hbm>> -> memref<1x1x2x128xi32, #tpu.memory_space<hbm>>
    %dma_start3A_53 = tpu.memref_squeeze %dma_start3A_52 : memref<1x1x2x128xi32, #tpu.memory_space<hbm>> -> memref<2x128xi32, #tpu.memory_space<hbm>>
    tpu.enqueue_dma source(%dma_start3A_53 : memref<2x128xi32, #tpu.memory_space<hbm>>) target(%dma_start3A_49 : memref<2x128xi32, #tpu.memory_space<vmem>>) target_semaphore(%arg12 : memref<!tpu.dma_semaphore, #tpu.memory_space<semaphore_mem>>)
    %mul3A_54 = arith.constant 632 : i32
    %mul3A_55 = arith.muli %arg1, %mul3A_54 : i32
    "tpu.region"() ({
      %run_scoped3A_330 = tpu.sem_alloc : memref<!tpu.dma_semaphore, #tpu.memory_space<semaphore_mem>>
      %dma_start3A_331 = arith.constant 0 : i32
      %dma_start3A_332 = tpu.memref_slice %arg8[%mul3A_55, %dma_start3A_331] : memref<10112x64xbf16, #tpu.memory_space<vmem_shared>> -> memref<632x64xbf16, #tpu.memory_space<vmem_shared>>
      %dma_start3A_333 = arith.constant 0 : i32
      %dma_start3A_334 = tpu.memref_slice %arg4[%mul3A_55, %dma_start3A_333] : memref<10112x64xbf16, #tpu.memory_space<hbm>> -> memref<632x64xbf16, #tpu.memory_space<hbm>>
      tpu.enqueue_dma source(%dma_start3A_334 : memref<632x64xbf16, #tpu.memory_space<hbm>>) target(%dma_start3A_332 : memref<632x64xbf16, #tpu.memory_space<vmem_shared>>) target_semaphore(%run_scoped3A_330 : memref<!tpu.dma_semaphore, #tpu.memory_space<semaphore_mem>>)
      %dma_wait3A_335 = arith.constant 0 : i32
      %dma_wait3A_336 = tpu.memref_slice %arg8[%mul3A_55, %dma_wait3A_335] : memref<10112x64xbf16, #tpu.memory_space<vmem_shared>> -> memref<632x64xbf16, #tpu.memory_space<vmem_shared>>
      %dma_wait3A_337 = arith.constant 0 : i32
      %dma_wait3A_338 = tpu.memref_slice %arg4[%mul3A_55, %dma_wait3A_337] : memref<10112x64xbf16, #tpu.memory_space<hbm>> -> memref<632x64xbf16, #tpu.memory_space<hbm>>
      tpu.wait_dma2 semaphore(%run_scoped3A_330 : memref<!tpu.dma_semaphore, #tpu.memory_space<semaphore_mem>>) src(%dma_wait3A_338 : memref<632x64xbf16, #tpu.memory_space<hbm>>) dst(%dma_wait3A_336 : memref<632x64xbf16, #tpu.memory_space<vmem_shared>>)
      tpu.yield
    }) : () -> ()
    "tpu.region"() ({
      %run_scoped3A_330 = tpu.sem_alloc : memref<!tpu.dma_semaphore, #tpu.memory_space<semaphore_mem>>
      %dma_start3A_331 = arith.constant 0 : i32
      %dma_start3A_332 = tpu.memref_slice %arg9[%mul3A_55, %dma_start3A_331] : memref<10112x64xbf16, #tpu.memory_space<vmem_shared>> -> memref<632x64xbf16, #tpu.memory_space<vmem_shared>>
      %dma_start3A_333 = arith.constant 0 : i32
      %dma_start3A_334 = tpu.memref_slice %arg2[%mul3A_55, %dma_start3A_333] : memref<10112x64xbf16, #tpu.memory_space<hbm>> -> memref<632x64xbf16, #tpu.memory_space<hbm>>
      tpu.enqueue_dma source(%dma_start3A_334 : memref<632x64xbf16, #tpu.memory_space<hbm>>) target(%dma_start3A_332 : memref<632x64xbf16, #tpu.memory_space<vmem_shared>>) target_semaphore(%run_scoped3A_330 : memref<!tpu.dma_semaphore, #tpu.memory_space<semaphore_mem>>)
      %dma_wait3A_335 = arith.constant 0 : i32
      %dma_wait3A_336 = tpu.memref_slice %arg9[%mul3A_55, %dma_wait3A_335] : memref<10112x64xbf16, #tpu.memory_space<vmem_shared>> -> memref<632x64xbf16, #tpu.memory_space<vmem_shared>>
      %dma_wait3A_337 = arith.constant 0 : i32
      %dma_wait3A_338 = tpu.memref_slice %arg2[%mul3A_55, %dma_wait3A_337] : memref<10112x64xbf16, #tpu.memory_space<hbm>> -> memref<632x64xbf16, #tpu.memory_space<hbm>>
      tpu.wait_dma2 semaphore(%run_scoped3A_330 : memref<!tpu.dma_semaphore, #tpu.memory_space<semaphore_mem>>) src(%dma_wait3A_338 : memref<632x64xbf16, #tpu.memory_space<hbm>>) dst(%dma_wait3A_336 : memref<632x64xbf16, #tpu.memory_space<vmem_shared>>)
      tpu.yield
    }) : () -> ()
    %barrier3A = arith.constant 0 : index
    tpu.barrier barrier_id(%barrier3A)
    %dma_wait3A = arith.constant 0 : i32
    %dma_wait3A_56 = arith.constant 0 : i32
    %dma_wait3A_57 = arith.constant 0 : i32
    %dma_wait3A_58 = arith.constant 0 : i32
    %dma_wait3A_59 = tpu.memref_slice %arg6[%dma_wait3A_56, %dma_wait3A_57, %dma_wait3A_58] : memref<5x2x128xi32, #tpu.memory_space<vmem>> -> memref<1x2x128xi32, #tpu.memory_space<vmem>>
    %dma_wait3A_60 = tpu.memref_squeeze %dma_wait3A_59 : memref<1x2x128xi32, #tpu.memory_space<vmem>> -> memref<2x128xi32, #tpu.memory_space<vmem>>
    %dma_wait3A_61 = arith.constant 0 : i32
    %dma_wait3A_62 = arith.constant 0 : i32
    %dma_wait3A_63 = tpu.memref_slice %arg3[%add3A, %dma_wait3A, %dma_wait3A_61, %dma_wait3A_62] : memref<32x80x2x128xi32, #tpu.memory_space<hbm>> -> memref<1x1x2x128xi32, #tpu.memory_space<hbm>>
    %dma_wait3A_64 = tpu.memref_squeeze %dma_wait3A_63 : memref<1x1x2x128xi32, #tpu.memory_space<hbm>> -> memref<2x128xi32, #tpu.memory_space<hbm>>
    %dma_wait3A_65 = arith.constant 0 : i32
    %dma_wait3A_66 = arith.constant 0 : i32
    %dma_wait3A_67 = tpu.memref_slice %arg6[%dma_wait3A_56, %dma_wait3A_65, %dma_wait3A_66] : memref<5x2x128xi32, #tpu.memory_space<vmem>> -> memref<1x2x128xi32, #tpu.memory_space<vmem>>
    %dma_wait3A_68 = tpu.memref_squeeze %dma_wait3A_67 : memref<1x2x128xi32, #tpu.memory_space<vmem>> -> memref<2x128xi32, #tpu.memory_space<vmem>>
    %dma_wait3A_69 = arith.constant 0 : i32
    %dma_wait3A_70 = arith.constant 0 : i32
    %dma_wait3A_71 = tpu.memref_slice %arg3[%add3A, %dma_wait3A, %dma_wait3A_69, %dma_wait3A_70] : memref<32x80x2x128xi32, #tpu.memory_space<hbm>> -> memref<1x1x2x128xi32, #tpu.memory_space<hbm>>
    %dma_wait3A_72 = tpu.memref_squeeze %dma_wait3A_71 : memref<1x1x2x128xi32, #tpu.memory_space<hbm>> -> memref<2x128xi32, #tpu.memory_space<hbm>>
    tpu.wait_dma2 semaphore(%arg10 : memref<!tpu.dma_semaphore, #tpu.memory_space<semaphore_mem>>) src(%dma_wait3A_72 : memref<2x128xi32, #tpu.memory_space<hbm>>) dst(%dma_wait3A_68 : memref<2x128xi32, #tpu.memory_space<vmem>>)
    %dma_start3A_73 = arith.constant 0 : i32
    %dma_start3A_74 = arith.constant 0 : i32
    %dma_start3A_75 = arith.constant 0 : i32
    %dma_start3A_76 = arith.constant 0 : i32
    %dma_start3A_77 = arith.constant 0 : i32
    %dma_start3A_78 = tpu.memref_slice %arg7[%dma_start3A_75, %dma_start3A_76, %dma_start3A_77] : memref<5x128x64xbf16, #tpu.memory_space<vmem>> -> memref<1x128x64xbf16, #tpu.memory_space<vmem>>
    %dma_start3A_79 = tpu.memref_squeeze %dma_start3A_78 : memref<1x128x64xbf16, #tpu.memory_space<vmem>> -> memref<128x64xbf16, #tpu.memory_space<vmem>>
    %dma_start3A_80 = arith.constant 0 : i32
    %dma_start3A_81 = tpu.memref_slice %arg6[%dma_start3A_73, %dma_start3A_74, %dma_start3A_80] : memref<5x2x128xi32, #tpu.memory_space<vmem>> -> memref<1x1x128xi32, #tpu.memory_space<vmem>>
    %dma_start3A_82 = tpu.memref_squeeze %dma_start3A_81 : memref<1x1x128xi32, #tpu.memory_space<vmem>> -> memref<128xi32, #tpu.memory_space<vmem>>
    %dma_start3A_83 = arith.constant 0 : i32
    %dma_start3A_84 = arith.constant 0 : i32
    %dma_start3A_85 = tpu.memref_slice %arg9[%dma_start3A_83, %dma_start3A_84] : memref<10112x64xbf16, #tpu.memory_space<vmem_shared>> -> memref<10112x64xbf16, #tpu.memory_space<vmem_shared>>
    tpu.enqueue_indirect_dma source(%dma_start3A_85 : memref<10112x64xbf16, #tpu.memory_space<vmem_shared>>) target(%dma_start3A_79 : memref<128x64xbf16, #tpu.memory_space<vmem>>) offsets(%dma_start3A_82 : memref<128xi32, #tpu.memory_space<vmem>>) semaphore(%arg15 : memref<!tpu.dma_semaphore, #tpu.memory_space<semaphore_mem>>)
    %dma_wait3A_86 = arith.constant 1 : i32
    %dma_wait3A_87 = arith.constant 1 : i32
    %dma_wait3A_88 = arith.constant 0 : i32
    %dma_wait3A_89 = arith.constant 0 : i32
    %dma_wait3A_90 = tpu.memref_slice %arg6[%dma_wait3A_87, %dma_wait3A_88, %dma_wait3A_89] : memref<5x2x128xi32, #tpu.memory_space<vmem>> -> memref<1x2x128xi32, #tpu.memory_space<vmem>>
    %dma_wait3A_91 = tpu.memref_squeeze %dma_wait3A_90 : memref<1x2x128xi32, #tpu.memory_space<vmem>> -> memref<2x128xi32, #tpu.memory_space<vmem>>
    %dma_wait3A_92 = arith.constant 0 : i32
    %dma_wait3A_93 = arith.constant 0 : i32
    %dma_wait3A_94 = tpu.memref_slice %arg3[%add3A, %dma_wait3A_86, %dma_wait3A_92, %dma_wait3A_93] : memref<32x80x2x128xi32, #tpu.memory_space<hbm>> -> memref<1x1x2x128xi32, #tpu.memory_space<hbm>>
    %dma_wait3A_95 = tpu.memref_squeeze %dma_wait3A_94 : memref<1x1x2x128xi32, #tpu.memory_space<hbm>> -> memref<2x128xi32, #tpu.memory_space<hbm>>
    %dma_wait3A_96 = arith.constant 0 : i32
    %dma_wait3A_97 = arith.constant 0 : i32
    %dma_wait3A_98 = tpu.memref_slice %arg6[%dma_wait3A_87, %dma_wait3A_96, %dma_wait3A_97] : memref<5x2x128xi32, #tpu.memory_space<vmem>> -> memref<1x2x128xi32, #tpu.memory_space<vmem>>
    %dma_wait3A_99 = tpu.memref_squeeze %dma_wait3A_98 : memref<1x2x128xi32, #tpu.memory_space<vmem>> -> memref<2x128xi32, #tpu.memory_space<vmem>>
    %dma_wait3A_100 = arith.constant 0 : i32
    %dma_wait3A_101 = arith.constant 0 : i32
    %dma_wait3A_102 = tpu.memref_slice %arg3[%add3A, %dma_wait3A_86, %dma_wait3A_100, %dma_wait3A_101] : memref<32x80x2x128xi32, #tpu.memory_space<hbm>> -> memref<1x1x2x128xi32, #tpu.memory_space<hbm>>
    %dma_wait3A_103 = tpu.memref_squeeze %dma_wait3A_102 : memref<1x1x2x128xi32, #tpu.memory_space<hbm>> -> memref<2x128xi32, #tpu.memory_space<hbm>>
    tpu.wait_dma2 semaphore(%arg11 : memref<!tpu.dma_semaphore, #tpu.memory_space<semaphore_mem>>) src(%dma_wait3A_103 : memref<2x128xi32, #tpu.memory_space<hbm>>) dst(%dma_wait3A_99 : memref<2x128xi32, #tpu.memory_space<vmem>>)
    %dma_start3A_104 = arith.constant 1 : i32
    %dma_start3A_105 = arith.constant 0 : i32
    %dma_start3A_106 = arith.constant 1 : i32
    %dma_start3A_107 = arith.constant 0 : i32
    %dma_start3A_108 = arith.constant 0 : i32
    %dma_start3A_109 = tpu.memref_slice %arg7[%dma_start3A_106, %dma_start3A_107, %dma_start3A_108] : memref<5x128x64xbf16, #tpu.memory_space<vmem>> -> memref<1x128x64xbf16, #tpu.memory_space<vmem>>
    %dma_start3A_110 = tpu.memref_squeeze %dma_start3A_109 : memref<1x128x64xbf16, #tpu.memory_space<vmem>> -> memref<128x64xbf16, #tpu.memory_space<vmem>>
    %dma_start3A_111 = arith.constant 0 : i32
    %dma_start3A_112 = tpu.memref_slice %arg6[%dma_start3A_104, %dma_start3A_105, %dma_start3A_111] : memref<5x2x128xi32, #tpu.memory_space<vmem>> -> memref<1x1x128xi32, #tpu.memory_space<vmem>>
    %dma_start3A_113 = tpu.memref_squeeze %dma_start3A_112 : memref<1x1x128xi32, #tpu.memory_space<vmem>> -> memref<128xi32, #tpu.memory_space<vmem>>
    %dma_start3A_114 = arith.constant 0 : i32
    %dma_start3A_115 = arith.constant 0 : i32
    %dma_start3A_116 = tpu.memref_slice %arg9[%dma_start3A_114, %dma_start3A_115] : memref<10112x64xbf16, #tpu.memory_space<vmem_shared>> -> memref<10112x64xbf16, #tpu.memory_space<vmem_shared>>
    tpu.enqueue_indirect_dma source(%dma_start3A_116 : memref<10112x64xbf16, #tpu.memory_space<vmem_shared>>) target(%dma_start3A_110 : memref<128x64xbf16, #tpu.memory_space<vmem>>) offsets(%dma_start3A_113 : memref<128xi32, #tpu.memory_space<vmem>>) semaphore(%arg16 : memref<!tpu.dma_semaphore, #tpu.memory_space<semaphore_mem>>)
    %scan3A = arith.constant 0 : i32
    %scan3A_117 = arith.constant 15 : i32
    %scan3A_118 = arith.addi %scan3A, %scan3A_117 : i32
    %scan3A_119 = arith.constant 1 : i32
    scf.for %scan3A_330 = %scan3A to %scan3A_118 step %scan3A_119  : i32 {
      %mul3A_331 = arith.constant 5 : i32
      %mul3A_332 = arith.muli %scan3A_330, %mul3A_331 : i32
      %add3A_333 = arith.constant 0 : i32
      %add3A_334 = arith.addi %add3A_333, %mul3A_332 : i32
      %add3A_335 = arith.constant 0 : i32
      %add3A_336 = arith.addi %add3A_334, %add3A_335 : i32
      %dma_wait3A_337 = arith.constant 0 : i32
      %dma_wait3A_338 = arith.constant 0 : i32
      %dma_wait3A_339 = arith.constant 0 : i32
      %dma_wait3A_340 = arith.constant 0 : i32
      %dma_wait3A_341 = arith.constant 0 : i32
      %dma_wait3A_342 = tpu.memref_slice %arg7[%dma_wait3A_339, %dma_wait3A_340, %dma_wait3A_341] : memref<5x128x64xbf16, #tpu.memory_space<vmem>> -> memref<1x128x64xbf16, #tpu.memory_space<vmem>>
      %dma_wait3A_343 = tpu.memref_squeeze %dma_wait3A_342 : memref<1x128x64xbf16, #tpu.memory_space<vmem>> -> memref<128x64xbf16, #tpu.memory_space<vmem>>
      %dma_wait3A_344 = arith.constant 0 : i32
      %dma_wait3A_345 = tpu.memref_slice %arg6[%dma_wait3A_337, %dma_wait3A_338, %dma_wait3A_344] : memref<5x2x128xi32, #tpu.memory_space<vmem>> -> memref<1x1x128xi32, #tpu.memory_space<vmem>>
      %dma_wait3A_346 = tpu.memref_squeeze %dma_wait3A_345 : memref<1x1x128xi32, #tpu.memory_space<vmem>> -> memref<128xi32, #tpu.memory_space<vmem>>
      %dma_wait3A_347 = arith.constant 0 : i32
      %dma_wait3A_348 = arith.constant 0 : i32
      %dma_wait3A_349 = tpu.memref_slice %arg9[%dma_wait3A_347, %dma_wait3A_348] : memref<10112x64xbf16, #tpu.memory_space<vmem_shared>> -> memref<10112x64xbf16, #tpu.memory_space<vmem_shared>>
      tpu.wait_indirect_dma semaphore(%arg15 : memref<!tpu.dma_semaphore, #tpu.memory_space<semaphore_mem>>) src(%dma_wait3A_349 : memref<10112x64xbf16, #tpu.memory_space<vmem_shared>>) dst(%dma_wait3A_343 : memref<128x64xbf16, #tpu.memory_space<vmem>>)
      %run_scoped3A_350 = arith.constant 0 : i32
      %run_scoped3A_351 = arith.constant 0 : i32
      %run_scoped3A_352 = arith.constant 1 : i32
      "tpu.region"() ({
        %run_scoped3A_690 = tpu.sem_alloc : memref<!tpu.dma_semaphore, #tpu.memory_space<semaphore_mem>>
        %dma_start3A_691 = arith.constant 0 : i32
        %dma_start3A_692 = arith.constant 0 : i32
        %dma_start3A_693 = tpu.memref_slice %arg7[%run_scoped3A_350, %dma_start3A_691, %dma_start3A_692] : memref<5x128x64xbf16, #tpu.memory_space<vmem>> -> memref<1x128x64xbf16, #tpu.memory_space<vmem>>
        %dma_start3A_694 = tpu.memref_squeeze %dma_start3A_693 : memref<1x128x64xbf16, #tpu.memory_space<vmem>> -> memref<128x64xbf16, #tpu.memory_space<vmem>>
        %dma_start3A_695 = arith.constant 0 : i32
        %dma_start3A_696 = tpu.memref_slice %arg6[%run_scoped3A_351, %run_scoped3A_352, %dma_start3A_695] : memref<5x2x128xi32, #tpu.memory_space<vmem>> -> memref<1x1x128xi32, #tpu.memory_space<vmem>>
        %dma_start3A_697 = tpu.memref_squeeze %dma_start3A_696 : memref<1x1x128xi32, #tpu.memory_space<vmem>> -> memref<128xi32, #tpu.memory_space<vmem>>
        %dma_start3A_698 = arith.constant 0 : i32
        %dma_start3A_699 = arith.constant 0 : i32
        %dma_start3A_700 = tpu.memref_slice %arg8[%dma_start3A_698, %dma_start3A_699] : memref<10112x64xbf16, #tpu.memory_space<vmem_shared>> -> memref<10112x64xbf16, #tpu.memory_space<vmem_shared>>
        tpu.enqueue_indirect_dma source(%dma_start3A_694 : memref<128x64xbf16, #tpu.memory_space<vmem>>) target(%dma_start3A_700 : memref<10112x64xbf16, #tpu.memory_space<vmem_shared>>) offsets(%dma_start3A_697 : memref<128xi32, #tpu.memory_space<vmem>>) semaphore(%run_scoped3A_690 : memref<!tpu.dma_semaphore, #tpu.memory_space<semaphore_mem>>) {add = true}
        %dma_wait3A_701 = arith.constant 0 : i32
        %dma_wait3A_702 = arith.constant 0 : i32
        %dma_wait3A_703 = tpu.memref_slice %arg7[%run_scoped3A_350, %dma_wait3A_701, %dma_wait3A_702] : memref<5x128x64xbf16, #tpu.memory_space<vmem>> -> memref<1x128x64xbf16, #tpu.memory_space<vmem>>
        %dma_wait3A_704 = tpu.memref_squeeze %dma_wait3A_703 : memref<1x128x64xbf16, #tpu.memory_space<vmem>> -> memref<128x64xbf16, #tpu.memory_space<vmem>>
        %dma_wait3A_705 = arith.constant 0 : i32
        %dma_wait3A_706 = tpu.memref_slice %arg6[%run_scoped3A_351, %run_scoped3A_352, %dma_wait3A_705] : memref<5x2x128xi32, #tpu.memory_space<vmem>> -> memref<1x1x128xi32, #tpu.memory_space<vmem>>
        %dma_wait3A_707 = tpu.memref_squeeze %dma_wait3A_706 : memref<1x1x128xi32, #tpu.memory_space<vmem>> -> memref<128xi32, #tpu.memory_space<vmem>>
        %dma_wait3A_708 = arith.constant 0 : i32
        %dma_wait3A_709 = arith.constant 0 : i32
        %dma_wait3A_710 = tpu.memref_slice %arg8[%dma_wait3A_708, %dma_wait3A_709] : memref<10112x64xbf16, #tpu.memory_space<vmem_shared>> -> memref<10112x64xbf16, #tpu.memory_space<vmem_shared>>
        tpu.wait_indirect_dma semaphore(%run_scoped3A_690 : memref<!tpu.dma_semaphore, #tpu.memory_space<semaphore_mem>>) src(%dma_wait3A_704 : memref<128x64xbf16, #tpu.memory_space<vmem>>) dst(%dma_wait3A_710 : memref<10112x64xbf16, #tpu.memory_space<vmem_shared>>)
        tpu.yield
      }) : () -> ()
      %add3A_353 = arith.constant 3 : i32
      %add3A_354 = arith.addi %add3A_336, %add3A_353 : i32
      %dma_start3A_355 = arith.constant 3 : i32
      %dma_start3A_356 = arith.constant 0 : i32
      %dma_start3A_357 = arith.constant 0 : i32
      %dma_start3A_358 = tpu.memref_slice %arg6[%dma_start3A_355, %dma_start3A_356, %dma_start3A_357] : memref<5x2x128xi32, #tpu.memory_space<vmem>> -> memref<1x2x128xi32, #tpu.memory_space<vmem>>
      %dma_start3A_359 = tpu.memref_squeeze %dma_start3A_358 : memref<1x2x128xi32, #tpu.memory_space<vmem>> -> memref<2x128xi32, #tpu.memory_space<vmem>>
      %dma_start3A_360 = arith.constant 0 : i32
      %dma_start3A_361 = arith.constant 0 : i32
      %dma_start3A_362 = tpu.memref_slice %arg3[%add3A, %add3A_354, %dma_start3A_360, %dma_start3A_361] : memref<32x80x2x128xi32, #tpu.memory_space<hbm>> -> memref<1x1x2x128xi32, #tpu.memory_space<hbm>>
      %dma_start3A_363 = tpu.memref_squeeze %dma_start3A_362 : memref<1x1x2x128xi32, #tpu.memory_space<hbm>> -> memref<2x128xi32, #tpu.memory_space<hbm>>
      %dma_start3A_364 = arith.constant 0 : i32
      %dma_start3A_365 = arith.constant 0 : i32
      %dma_start3A_366 = tpu.memref_slice %arg6[%dma_start3A_355, %dma_start3A_364, %dma_start3A_365] : memref<5x2x128xi32, #tpu.memory_space<vmem>> -> memref<1x2x128xi32, #tpu.memory_space<vmem>>
      %dma_start3A_367 = tpu.memref_squeeze %dma_start3A_366 : memref<1x2x128xi32, #tpu.memory_space<vmem>> -> memref<2x128xi32, #tpu.memory_space<vmem>>
      %dma_start3A_368 = arith.constant 0 : i32
      %dma_start3A_369 = arith.constant 0 : i32
      %dma_start3A_370 = tpu.memref_slice %arg3[%add3A, %add3A_354, %dma_start3A_368, %dma_start3A_369] : memref<32x80x2x128xi32, #tpu.memory_space<hbm>> -> memref<1x1x2x128xi32, #tpu.memory_space<hbm>>
      %dma_start3A_371 = tpu.memref_squeeze %dma_start3A_370 : memref<1x1x2x128xi32, #tpu.memory_space<hbm>> -> memref<2x128xi32, #tpu.memory_space<hbm>>
      tpu.enqueue_dma source(%dma_start3A_371 : memref<2x128xi32, #tpu.memory_space<hbm>>) target(%dma_start3A_367 : memref<2x128xi32, #tpu.memory_space<vmem>>) target_semaphore(%arg13 : memref<!tpu.dma_semaphore, #tpu.memory_space<semaphore_mem>>)
      %add3A_372 = arith.constant 2 : i32
      %add3A_373 = arith.addi %add3A_336, %add3A_372 : i32
      %dma_wait3A_374 = arith.constant 2 : i32
      %dma_wait3A_375 = arith.constant 0 : i32
      %dma_wait3A_376 = arith.constant 0 : i32
      %dma_wait3A_377 = tpu.memref_slice %arg6[%dma_wait3A_374, %dma_wait3A_375, %dma_wait3A_376] : memref<5x2x128xi32, #tpu.memory_space<vmem>> -> memref<1x2x128xi32, #tpu.memory_space<vmem>>
      %dma_wait3A_378 = tpu.memref_squeeze %dma_wait3A_377 : memref<1x2x128xi32, #tpu.memory_space<vmem>> -> memref<2x128xi32, #tpu.memory_space<vmem>>
      %dma_wait3A_379 = arith.constant 0 : i32
      %dma_wait3A_380 = arith.constant 0 : i32
      %dma_wait3A_381 = tpu.memref_slice %arg3[%add3A, %add3A_373, %dma_wait3A_379, %dma_wait3A_380] : memref<32x80x2x128xi32, #tpu.memory_space<hbm>> -> memref<1x1x2x128xi32, #tpu.memory_space<hbm>>
      %dma_wait3A_382 = tpu.memref_squeeze %dma_wait3A_381 : memref<1x1x2x128xi32, #tpu.memory_space<hbm>> -> memref<2x128xi32, #tpu.memory_space<hbm>>
      %dma_wait3A_383 = arith.constant 0 : i32
      %dma_wait3A_384 = arith.constant 0 : i32
      %dma_wait3A_385 = tpu.memref_slice %arg6[%dma_wait3A_374, %dma_wait3A_383, %dma_wait3A_384] : memref<5x2x128xi32, #tpu.memory_space<vmem>> -> memref<1x2x128xi32, #tpu.memory_space<vmem>>
      %dma_wait3A_386 = tpu.memref_squeeze %dma_wait3A_385 : memref<1x2x128xi32, #tpu.memory_space<vmem>> -> memref<2x128xi32, #tpu.memory_space<vmem>>
      %dma_wait3A_387 = arith.constant 0 : i32
      %dma_wait3A_388 = arith.constant 0 : i32
      %dma_wait3A_389 = tpu.memref_slice %arg3[%add3A, %add3A_373, %dma_wait3A_387, %dma_wait3A_388] : memref<32x80x2x128xi32, #tpu.memory_space<hbm>> -> memref<1x1x2x128xi32, #tpu.memory_space<hbm>>
      %dma_wait3A_390 = tpu.memref_squeeze %dma_wait3A_389 : memref<1x1x2x128xi32, #tpu.memory_space<hbm>> -> memref<2x128xi32, #tpu.memory_space<hbm>>
      tpu.wait_dma2 semaphore(%arg12 : memref<!tpu.dma_semaphore, #tpu.memory_space<semaphore_mem>>) src(%dma_wait3A_390 : memref<2x128xi32, #tpu.memory_space<hbm>>) dst(%dma_wait3A_386 : memref<2x128xi32, #tpu.memory_space<vmem>>)
      %add3A_391 = arith.constant 2 : i32
      %add3A_392 = arith.addi %add3A_336, %add3A_391 : i32
      %dma_start3A_393 = arith.constant 2 : i32
      %dma_start3A_394 = arith.constant 0 : i32
      %dma_start3A_395 = arith.constant 2 : i32
      %dma_start3A_396 = arith.constant 0 : i32
      %dma_start3A_397 = arith.constant 0 : i32
      %dma_start3A_398 = tpu.memref_slice %arg7[%dma_start3A_395, %dma_start3A_396, %dma_start3A_397] : memref<5x128x64xbf16, #tpu.memory_space<vmem>> -> memref<1x128x64xbf16, #tpu.memory_space<vmem>>
      %dma_start3A_399 = tpu.memref_squeeze %dma_start3A_398 : memref<1x128x64xbf16, #tpu.memory_space<vmem>> -> memref<128x64xbf16, #tpu.memory_space<vmem>>
      %dma_start3A_400 = arith.constant 0 : i32
      %dma_start3A_401 = tpu.memref_slice %arg6[%dma_start3A_393, %dma_start3A_394, %dma_start3A_400] : memref<5x2x128xi32, #tpu.memory_space<vmem>> -> memref<1x1x128xi32, #tpu.memory_space<vmem>>
      %dma_start3A_402 = tpu.memref_squeeze %dma_start3A_401 : memref<1x1x128xi32, #tpu.memory_space<vmem>> -> memref<128xi32, #tpu.memory_space<vmem>>
      %dma_start3A_403 = arith.constant 0 : i32
      %dma_start3A_404 = arith.constant 0 : i32
      %dma_start3A_405 = tpu.memref_slice %arg9[%dma_start3A_403, %dma_start3A_404] : memref<10112x64xbf16, #tpu.memory_space<vmem_shared>> -> memref<10112x64xbf16, #tpu.memory_space<vmem_shared>>
      tpu.enqueue_indirect_dma source(%dma_start3A_405 : memref<10112x64xbf16, #tpu.memory_space<vmem_shared>>) target(%dma_start3A_399 : memref<128x64xbf16, #tpu.memory_space<vmem>>) offsets(%dma_start3A_402 : memref<128xi32, #tpu.memory_space<vmem>>) semaphore(%arg17 : memref<!tpu.dma_semaphore, #tpu.memory_space<semaphore_mem>>)
      %add3A_406 = arith.constant 1 : i32
      %add3A_407 = arith.addi %add3A_334, %add3A_406 : i32
      %dma_wait3A_408 = arith.constant 1 : i32
      %dma_wait3A_409 = arith.constant 0 : i32
      %dma_wait3A_410 = arith.constant 1 : i32
      %dma_wait3A_411 = arith.constant 0 : i32
      %dma_wait3A_412 = arith.constant 0 : i32
      %dma_wait3A_413 = tpu.memref_slice %arg7[%dma_wait3A_410, %dma_wait3A_411, %dma_wait3A_412] : memref<5x128x64xbf16, #tpu.memory_space<vmem>> -> memref<1x128x64xbf16, #tpu.memory_space<vmem>>
      %dma_wait3A_414 = tpu.memref_squeeze %dma_wait3A_413 : memref<1x128x64xbf16, #tpu.memory_space<vmem>> -> memref<128x64xbf16, #tpu.memory_space<vmem>>
      %dma_wait3A_415 = arith.constant 0 : i32
      %dma_wait3A_416 = tpu.memref_slice %arg6[%dma_wait3A_408, %dma_wait3A_409, %dma_wait3A_415] : memref<5x2x128xi32, #tpu.memory_space<vmem>> -> memref<1x1x128xi32, #tpu.memory_space<vmem>>
      %dma_wait3A_417 = tpu.memref_squeeze %dma_wait3A_416 : memref<1x1x128xi32, #tpu.memory_space<vmem>> -> memref<128xi32, #tpu.memory_space<vmem>>
      %dma_wait3A_418 = arith.constant 0 : i32
      %dma_wait3A_419 = arith.constant 0 : i32
      %dma_wait3A_420 = tpu.memref_slice %arg9[%dma_wait3A_418, %dma_wait3A_419] : memref<10112x64xbf16, #tpu.memory_space<vmem_shared>> -> memref<10112x64xbf16, #tpu.memory_space<vmem_shared>>
      tpu.wait_indirect_dma semaphore(%arg16 : memref<!tpu.dma_semaphore, #tpu.memory_space<semaphore_mem>>) src(%dma_wait3A_420 : memref<10112x64xbf16, #tpu.memory_space<vmem_shared>>) dst(%dma_wait3A_414 : memref<128x64xbf16, #tpu.memory_space<vmem>>)
      %run_scoped3A_421 = arith.constant 1 : i32
      %run_scoped3A_422 = arith.constant 1 : i32
      %run_scoped3A_423 = arith.constant 1 : i32
      "tpu.region"() ({
        %run_scoped3A_690 = tpu.sem_alloc : memref<!tpu.dma_semaphore, #tpu.memory_space<semaphore_mem>>
        %dma_start3A_691 = arith.constant 0 : i32
        %dma_start3A_692 = arith.constant 0 : i32
        %dma_start3A_693 = tpu.memref_slice %arg7[%run_scoped3A_421, %dma_start3A_691, %dma_start3A_692] : memref<5x128x64xbf16, #tpu.memory_space<vmem>> -> memref<1x128x64xbf16, #tpu.memory_space<vmem>>
        %dma_start3A_694 = tpu.memref_squeeze %dma_start3A_693 : memref<1x128x64xbf16, #tpu.memory_space<vmem>> -> memref<128x64xbf16, #tpu.memory_space<vmem>>
        %dma_start3A_695 = arith.constant 0 : i32
        %dma_start3A_696 = tpu.memref_slice %arg6[%run_scoped3A_422, %run_scoped3A_423, %dma_start3A_695] : memref<5x2x128xi32, #tpu.memory_space<vmem>> -> memref<1x1x128xi32, #tpu.memory_space<vmem>>
        %dma_start3A_697 = tpu.memref_squeeze %dma_start3A_696 : memref<1x1x128xi32, #tpu.memory_space<vmem>> -> memref<128xi32, #tpu.memory_space<vmem>>
        %dma_start3A_698 = arith.constant 0 : i32
        %dma_start3A_699 = arith.constant 0 : i32
        %dma_start3A_700 = tpu.memref_slice %arg8[%dma_start3A_698, %dma_start3A_699] : memref<10112x64xbf16, #tpu.memory_space<vmem_shared>> -> memref<10112x64xbf16, #tpu.memory_space<vmem_shared>>
        tpu.enqueue_indirect_dma source(%dma_start3A_694 : memref<128x64xbf16, #tpu.memory_space<vmem>>) target(%dma_start3A_700 : memref<10112x64xbf16, #tpu.memory_space<vmem_shared>>) offsets(%dma_start3A_697 : memref<128xi32, #tpu.memory_space<vmem>>) semaphore(%run_scoped3A_690 : memref<!tpu.dma_semaphore, #tpu.memory_space<semaphore_mem>>) {add = true}
        %dma_wait3A_701 = arith.constant 0 : i32
        %dma_wait3A_702 = arith.constant 0 : i32
        %dma_wait3A_703 = tpu.memref_slice %arg7[%run_scoped3A_421, %dma_wait3A_701, %dma_wait3A_702] : memref<5x128x64xbf16, #tpu.memory_space<vmem>> -> memref<1x128x64xbf16, #tpu.memory_space<vmem>>
        %dma_wait3A_704 = tpu.memref_squeeze %dma_wait3A_703 : memref<1x128x64xbf16, #tpu.memory_space<vmem>> -> memref<128x64xbf16, #tpu.memory_space<vmem>>
        %dma_wait3A_705 = arith.constant 0 : i32
        %dma_wait3A_706 = tpu.memref_slice %arg6[%run_scoped3A_422, %run_scoped3A_423, %dma_wait3A_705] : memref<5x2x128xi32, #tpu.memory_space<vmem>> -> memref<1x1x128xi32, #tpu.memory_space<vmem>>
        %dma_wait3A_707 = tpu.memref_squeeze %dma_wait3A_706 : memref<1x1x128xi32, #tpu.memory_space<vmem>> -> memref<128xi32, #tpu.memory_space<vmem>>
        %dma_wait3A_708 = arith.constant 0 : i32
        %dma_wait3A_709 = arith.constant 0 : i32
        %dma_wait3A_710 = tpu.memref_slice %arg8[%dma_wait3A_708, %dma_wait3A_709] : memref<10112x64xbf16, #tpu.memory_space<vmem_shared>> -> memref<10112x64xbf16, #tpu.memory_space<vmem_shared>>
        tpu.wait_indirect_dma semaphore(%run_scoped3A_690 : memref<!tpu.dma_semaphore, #tpu.memory_space<semaphore_mem>>) src(%dma_wait3A_704 : memref<128x64xbf16, #tpu.memory_space<vmem>>) dst(%dma_wait3A_710 : memref<10112x64xbf16, #tpu.memory_space<vmem_shared>>)
        tpu.yield
      }) : () -> ()
      %add3A_424 = arith.constant 3 : i32
      %add3A_425 = arith.addi %add3A_407, %add3A_424 : i32
      %dma_start3A_426 = arith.constant 4 : i32
      %dma_start3A_427 = arith.constant 0 : i32
      %dma_start3A_428 = arith.constant 0 : i32
      %dma_start3A_429 = tpu.memref_slice %arg6[%dma_start3A_426, %dma_start3A_427, %dma_start3A_428] : memref<5x2x128xi32, #tpu.memory_space<vmem>> -> memref<1x2x128xi32, #tpu.memory_space<vmem>>
      %dma_start3A_430 = tpu.memref_squeeze %dma_start3A_429 : memref<1x2x128xi32, #tpu.memory_space<vmem>> -> memref<2x128xi32, #tpu.memory_space<vmem>>
      %dma_start3A_431 = arith.constant 0 : i32
      %dma_start3A_432 = arith.constant 0 : i32
      %dma_start3A_433 = tpu.memref_slice %arg3[%add3A, %add3A_425, %dma_start3A_431, %dma_start3A_432] : memref<32x80x2x128xi32, #tpu.memory_space<hbm>> -> memref<1x1x2x128xi32, #tpu.memory_space<hbm>>
      %dma_start3A_434 = tpu.memref_squeeze %dma_start3A_433 : memref<1x1x2x128xi32, #tpu.memory_space<hbm>> -> memref<2x128xi32, #tpu.memory_space<hbm>>
      %dma_start3A_435 = arith.constant 0 : i32
      %dma_start3A_436 = arith.constant 0 : i32
      %dma_start3A_437 = tpu.memref_slice %arg6[%dma_start3A_426, %dma_start3A_435, %dma_start3A_436] : memref<5x2x128xi32, #tpu.memory_space<vmem>> -> memref<1x2x128xi32, #tpu.memory_space<vmem>>
      %dma_start3A_438 = tpu.memref_squeeze %dma_start3A_437 : memref<1x2x128xi32, #tpu.memory_space<vmem>> -> memref<2x128xi32, #tpu.memory_space<vmem>>
      %dma_start3A_439 = arith.constant 0 : i32
      %dma_start3A_440 = arith.constant 0 : i32
      %dma_start3A_441 = tpu.memref_slice %arg3[%add3A, %add3A_425, %dma_start3A_439, %dma_start3A_440] : memref<32x80x2x128xi32, #tpu.memory_space<hbm>> -> memref<1x1x2x128xi32, #tpu.memory_space<hbm>>
      %dma_start3A_442 = tpu.memref_squeeze %dma_start3A_441 : memref<1x1x2x128xi32, #tpu.memory_space<hbm>> -> memref<2x128xi32, #tpu.memory_space<hbm>>
      tpu.enqueue_dma source(%dma_start3A_442 : memref<2x128xi32, #tpu.memory_space<hbm>>) target(%dma_start3A_438 : memref<2x128xi32, #tpu.memory_space<vmem>>) target_semaphore(%arg14 : memref<!tpu.dma_semaphore, #tpu.memory_space<semaphore_mem>>)
      %add3A_443 = arith.constant 2 : i32
      %add3A_444 = arith.addi %add3A_407, %add3A_443 : i32
      %dma_wait3A_445 = arith.constant 3 : i32
      %dma_wait3A_446 = arith.constant 0 : i32
      %dma_wait3A_447 = arith.constant 0 : i32
      %dma_wait3A_448 = tpu.memref_slice %arg6[%dma_wait3A_445, %dma_wait3A_446, %dma_wait3A_447] : memref<5x2x128xi32, #tpu.memory_space<vmem>> -> memref<1x2x128xi32, #tpu.memory_space<vmem>>
      %dma_wait3A_449 = tpu.memref_squeeze %dma_wait3A_448 : memref<1x2x128xi32, #tpu.memory_space<vmem>> -> memref<2x128xi32, #tpu.memory_space<vmem>>
      %dma_wait3A_450 = arith.constant 0 : i32
      %dma_wait3A_451 = arith.constant 0 : i32
      %dma_wait3A_452 = tpu.memref_slice %arg3[%add3A, %add3A_444, %dma_wait3A_450, %dma_wait3A_451] : memref<32x80x2x128xi32, #tpu.memory_space<hbm>> -> memref<1x1x2x128xi32, #tpu.memory_space<hbm>>
      %dma_wait3A_453 = tpu.memref_squeeze %dma_wait3A_452 : memref<1x1x2x128xi32, #tpu.memory_space<hbm>> -> memref<2x128xi32, #tpu.memory_space<hbm>>
      %dma_wait3A_454 = arith.constant 0 : i32
      %dma_wait3A_455 = arith.constant 0 : i32
      %dma_wait3A_456 = tpu.memref_slice %arg6[%dma_wait3A_445, %dma_wait3A_454, %dma_wait3A_455] : memref<5x2x128xi32, #tpu.memory_space<vmem>> -> memref<1x2x128xi32, #tpu.memory_space<vmem>>
      %dma_wait3A_457 = tpu.memref_squeeze %dma_wait3A_456 : memref<1x2x128xi32, #tpu.memory_space<vmem>> -> memref<2x128xi32, #tpu.memory_space<vmem>>
      %dma_wait3A_458 = arith.constant 0 : i32
      %dma_wait3A_459 = arith.constant 0 : i32
      %dma_wait3A_460 = tpu.memref_slice %arg3[%add3A, %add3A_444, %dma_wait3A_458, %dma_wait3A_459] : memref<32x80x2x128xi32, #tpu.memory_space<hbm>> -> memref<1x1x2x128xi32, #tpu.memory_space<hbm>>
      %dma_wait3A_461 = tpu.memref_squeeze %dma_wait3A_460 : memref<1x1x2x128xi32, #tpu.memory_space<hbm>> -> memref<2x128xi32, #tpu.memory_space<hbm>>
      tpu.wait_dma2 semaphore(%arg13 : memref<!tpu.dma_semaphore, #tpu.memory_space<semaphore_mem>>) src(%dma_wait3A_461 : memref<2x128xi32, #tpu.memory_space<hbm>>) dst(%dma_wait3A_457 : memref<2x128xi32, #tpu.memory_space<vmem>>)
      %add3A_462 = arith.constant 2 : i32
      %add3A_463 = arith.addi %add3A_407, %add3A_462 : i32
      %dma_start3A_464 = arith.constant 3 : i32
      %dma_start3A_465 = arith.constant 0 : i32
      %dma_start3A_466 = arith.constant 3 : i32
      %dma_start3A_467 = arith.constant 0 : i32
      %dma_start3A_468 = arith.constant 0 : i32
      %dma_start3A_469 = tpu.memref_slice %arg7[%dma_start3A_466, %dma_start3A_467, %dma_start3A_468] : memref<5x128x64xbf16, #tpu.memory_space<vmem>> -> memref<1x128x64xbf16, #tpu.memory_space<vmem>>
      %dma_start3A_470 = tpu.memref_squeeze %dma_start3A_469 : memref<1x128x64xbf16, #tpu.memory_space<vmem>> -> memref<128x64xbf16, #tpu.memory_space<vmem>>
      %dma_start3A_471 = arith.constant 0 : i32
      %dma_start3A_472 = tpu.memref_slice %arg6[%dma_start3A_464, %dma_start3A_465, %dma_start3A_471] : memref<5x2x128xi32, #tpu.memory_space<vmem>> -> memref<1x1x128xi32, #tpu.memory_space<vmem>>
      %dma_start3A_473 = tpu.memref_squeeze %dma_start3A_472 : memref<1x1x128xi32, #tpu.memory_space<vmem>> -> memref<128xi32, #tpu.memory_space<vmem>>
      %dma_start3A_474 = arith.constant 0 : i32
      %dma_start3A_475 = arith.constant 0 : i32
      %dma_start3A_476 = tpu.memref_slice %arg9[%dma_start3A_474, %dma_start3A_475] : memref<10112x64xbf16, #tpu.memory_space<vmem_shared>> -> memref<10112x64xbf16, #tpu.memory_space<vmem_shared>>
      tpu.enqueue_indirect_dma source(%dma_start3A_476 : memref<10112x64xbf16, #tpu.memory_space<vmem_shared>>) target(%dma_start3A_470 : memref<128x64xbf16, #tpu.memory_space<vmem>>) offsets(%dma_start3A_473 : memref<128xi32, #tpu.memory_space<vmem>>) semaphore(%arg18 : memref<!tpu.dma_semaphore, #tpu.memory_space<semaphore_mem>>)
      %add3A_477 = arith.constant 2 : i32
      %add3A_478 = arith.addi %add3A_334, %add3A_477 : i32
      %dma_wait3A_479 = arith.constant 2 : i32
      %dma_wait3A_480 = arith.constant 0 : i32
      %dma_wait3A_481 = arith.constant 2 : i32
      %dma_wait3A_482 = arith.constant 0 : i32
      %dma_wait3A_483 = arith.constant 0 : i32
      %dma_wait3A_484 = tpu.memref_slice %arg7[%dma_wait3A_481, %dma_wait3A_482, %dma_wait3A_483] : memref<5x128x64xbf16, #tpu.memory_space<vmem>> -> memref<1x128x64xbf16, #tpu.memory_space<vmem>>
      %dma_wait3A_485 = tpu.memref_squeeze %dma_wait3A_484 : memref<1x128x64xbf16, #tpu.memory_space<vmem>> -> memref<128x64xbf16, #tpu.memory_space<vmem>>
      %dma_wait3A_486 = arith.constant 0 : i32
      %dma_wait3A_487 = tpu.memref_slice %arg6[%dma_wait3A_479, %dma_wait3A_480, %dma_wait3A_486] : memref<5x2x128xi32, #tpu.memory_space<vmem>> -> memref<1x1x128xi32, #tpu.memory_space<vmem>>
      %dma_wait3A_488 = tpu.memref_squeeze %dma_wait3A_487 : memref<1x1x128xi32, #tpu.memory_space<vmem>> -> memref<128xi32, #tpu.memory_space<vmem>>
      %dma_wait3A_489 = arith.constant 0 : i32
      %dma_wait3A_490 = arith.constant 0 : i32
      %dma_wait3A_491 = tpu.memref_slice %arg9[%dma_wait3A_489, %dma_wait3A_490] : memref<10112x64xbf16, #tpu.memory_space<vmem_shared>> -> memref<10112x64xbf16, #tpu.memory_space<vmem_shared>>
      tpu.wait_indirect_dma semaphore(%arg17 : memref<!tpu.dma_semaphore, #tpu.memory_space<semaphore_mem>>) src(%dma_wait3A_491 : memref<10112x64xbf16, #tpu.memory_space<vmem_shared>>) dst(%dma_wait3A_485 : memref<128x64xbf16, #tpu.memory_space<vmem>>)
      %run_scoped3A_492 = arith.constant 2 : i32
      %run_scoped3A_493 = arith.constant 2 : i32
      %run_scoped3A_494 = arith.constant 1 : i32
      "tpu.region"() ({
        %run_scoped3A_690 = tpu.sem_alloc : memref<!tpu.dma_semaphore, #tpu.memory_space<semaphore_mem>>
        %dma_start3A_691 = arith.constant 0 : i32
        %dma_start3A_692 = arith.constant 0 : i32
        %dma_start3A_693 = tpu.memref_slice %arg7[%run_scoped3A_492, %dma_start3A_691, %dma_start3A_692] : memref<5x128x64xbf16, #tpu.memory_space<vmem>> -> memref<1x128x64xbf16, #tpu.memory_space<vmem>>
        %dma_start3A_694 = tpu.memref_squeeze %dma_start3A_693 : memref<1x128x64xbf16, #tpu.memory_space<vmem>> -> memref<128x64xbf16, #tpu.memory_space<vmem>>
        %dma_start3A_695 = arith.constant 0 : i32
        %dma_start3A_696 = tpu.memref_slice %arg6[%run_scoped3A_493, %run_scoped3A_494, %dma_start3A_695] : memref<5x2x128xi32, #tpu.memory_space<vmem>> -> memref<1x1x128xi32, #tpu.memory_space<vmem>>
        %dma_start3A_697 = tpu.memref_squeeze %dma_start3A_696 : memref<1x1x128xi32, #tpu.memory_space<vmem>> -> memref<128xi32, #tpu.memory_space<vmem>>
        %dma_start3A_698 = arith.constant 0 : i32
        %dma_start3A_699 = arith.constant 0 : i32
        %dma_start3A_700 = tpu.memref_slice %arg8[%dma_start3A_698, %dma_start3A_699] : memref<10112x64xbf16, #tpu.memory_space<vmem_shared>> -> memref<10112x64xbf16, #tpu.memory_space<vmem_shared>>
        tpu.enqueue_indirect_dma source(%dma_start3A_694 : memref<128x64xbf16, #tpu.memory_space<vmem>>) target(%dma_start3A_700 : memref<10112x64xbf16, #tpu.memory_space<vmem_shared>>) offsets(%dma_start3A_697 : memref<128xi32, #tpu.memory_space<vmem>>) semaphore(%run_scoped3A_690 : memref<!tpu.dma_semaphore, #tpu.memory_space<semaphore_mem>>) {add = true}
        %dma_wait3A_701 = arith.constant 0 : i32
        %dma_wait3A_702 = arith.constant 0 : i32
        %dma_wait3A_703 = tpu.memref_slice %arg7[%run_scoped3A_492, %dma_wait3A_701, %dma_wait3A_702] : memref<5x128x64xbf16, #tpu.memory_space<vmem>> -> memref<1x128x64xbf16, #tpu.memory_space<vmem>>
        %dma_wait3A_704 = tpu.memref_squeeze %dma_wait3A_703 : memref<1x128x64xbf16, #tpu.memory_space<vmem>> -> memref<128x64xbf16, #tpu.memory_space<vmem>>
        %dma_wait3A_705 = arith.constant 0 : i32
        %dma_wait3A_706 = tpu.memref_slice %arg6[%run_scoped3A_493, %run_scoped3A_494, %dma_wait3A_705] : memref<5x2x128xi32, #tpu.memory_space<vmem>> -> memref<1x1x128xi32, #tpu.memory_space<vmem>>
        %dma_wait3A_707 = tpu.memref_squeeze %dma_wait3A_706 : memref<1x1x128xi32, #tpu.memory_space<vmem>> -> memref<128xi32, #tpu.memory_space<vmem>>
        %dma_wait3A_708 = arith.constant 0 : i32
        %dma_wait3A_709 = arith.constant 0 : i32
        %dma_wait3A_710 = tpu.memref_slice %arg8[%dma_wait3A_708, %dma_wait3A_709] : memref<10112x64xbf16, #tpu.memory_space<vmem_shared>> -> memref<10112x64xbf16, #tpu.memory_space<vmem_shared>>
        tpu.wait_indirect_dma semaphore(%run_scoped3A_690 : memref<!tpu.dma_semaphore, #tpu.memory_space<semaphore_mem>>) src(%dma_wait3A_704 : memref<128x64xbf16, #tpu.memory_space<vmem>>) dst(%dma_wait3A_710 : memref<10112x64xbf16, #tpu.memory_space<vmem_shared>>)
        tpu.yield
      }) : () -> ()
      %add3A_495 = arith.constant 3 : i32
      %add3A_496 = arith.addi %add3A_478, %add3A_495 : i32
      %dma_start3A_497 = arith.constant 0 : i32
      %dma_start3A_498 = arith.constant 0 : i32
      %dma_start3A_499 = arith.constant 0 : i32
      %dma_start3A_500 = tpu.memref_slice %arg6[%dma_start3A_497, %dma_start3A_498, %dma_start3A_499] : memref<5x2x128xi32, #tpu.memory_space<vmem>> -> memref<1x2x128xi32, #tpu.memory_space<vmem>>
      %dma_start3A_501 = tpu.memref_squeeze %dma_start3A_500 : memref<1x2x128xi32, #tpu.memory_space<vmem>> -> memref<2x128xi32, #tpu.memory_space<vmem>>
      %dma_start3A_502 = arith.constant 0 : i32
      %dma_start3A_503 = arith.constant 0 : i32
      %dma_start3A_504 = tpu.memref_slice %arg3[%add3A, %add3A_496, %dma_start3A_502, %dma_start3A_503] : memref<32x80x2x128xi32, #tpu.memory_space<hbm>> -> memref<1x1x2x128xi32, #tpu.memory_space<hbm>>
      %dma_start3A_505 = tpu.memref_squeeze %dma_start3A_504 : memref<1x1x2x128xi32, #tpu.memory_space<hbm>> -> memref<2x128xi32, #tpu.memory_space<hbm>>
      %dma_start3A_506 = arith.constant 0 : i32
      %dma_start3A_507 = arith.constant 0 : i32
      %dma_start3A_508 = tpu.memref_slice %arg6[%dma_start3A_497, %dma_start3A_506, %dma_start3A_507] : memref<5x2x128xi32, #tpu.memory_space<vmem>> -> memref<1x2x128xi32, #tpu.memory_space<vmem>>
      %dma_start3A_509 = tpu.memref_squeeze %dma_start3A_508 : memref<1x2x128xi32, #tpu.memory_space<vmem>> -> memref<2x128xi32, #tpu.memory_space<vmem>>
      %dma_start3A_510 = arith.constant 0 : i32
      %dma_start3A_511 = arith.constant 0 : i32
      %dma_start3A_512 = tpu.memref_slice %arg3[%add3A, %add3A_496, %dma_start3A_510, %dma_start3A_511] : memref<32x80x2x128xi32, #tpu.memory_space<hbm>> -> memref<1x1x2x128xi32, #tpu.memory_space<hbm>>
      %dma_start3A_513 = tpu.memref_squeeze %dma_start3A_512 : memref<1x1x2x128xi32, #tpu.memory_space<hbm>> -> memref<2x128xi32, #tpu.memory_space<hbm>>
      tpu.enqueue_dma source(%dma_start3A_513 : memref<2x128xi32, #tpu.memory_space<hbm>>) target(%dma_start3A_509 : memref<2x128xi32, #tpu.memory_space<vmem>>) target_semaphore(%arg10 : memref<!tpu.dma_semaphore, #tpu.memory_space<semaphore_mem>>)
      %add3A_514 = arith.constant 2 : i32
      %add3A_515 = arith.addi %add3A_478, %add3A_514 : i32
      %dma_wait3A_516 = arith.constant 4 : i32
      %dma_wait3A_517 = arith.constant 0 : i32
      %dma_wait3A_518 = arith.constant 0 : i32
      %dma_wait3A_519 = tpu.memref_slice %arg6[%dma_wait3A_516, %dma_wait3A_517, %dma_wait3A_518] : memref<5x2x128xi32, #tpu.memory_space<vmem>> -> memref<1x2x128xi32, #tpu.memory_space<vmem>>
      %dma_wait3A_520 = tpu.memref_squeeze %dma_wait3A_519 : memref<1x2x128xi32, #tpu.memory_space<vmem>> -> memref<2x128xi32, #tpu.memory_space<vmem>>
      %dma_wait3A_521 = arith.constant 0 : i32
      %dma_wait3A_522 = arith.constant 0 : i32
      %dma_wait3A_523 = tpu.memref_slice %arg3[%add3A, %add3A_515, %dma_wait3A_521, %dma_wait3A_522] : memref<32x80x2x128xi32, #tpu.memory_space<hbm>> -> memref<1x1x2x128xi32, #tpu.memory_space<hbm>>
      %dma_wait3A_524 = tpu.memref_squeeze %dma_wait3A_523 : memref<1x1x2x128xi32, #tpu.memory_space<hbm>> -> memref<2x128xi32, #tpu.memory_space<hbm>>
      %dma_wait3A_525 = arith.constant 0 : i32
      %dma_wait3A_526 = arith.constant 0 : i32
      %dma_wait3A_527 = tpu.memref_slice %arg6[%dma_wait3A_516, %dma_wait3A_525, %dma_wait3A_526] : memref<5x2x128xi32, #tpu.memory_space<vmem>> -> memref<1x2x128xi32, #tpu.memory_space<vmem>>
      %dma_wait3A_528 = tpu.memref_squeeze %dma_wait3A_527 : memref<1x2x128xi32, #tpu.memory_space<vmem>> -> memref<2x128xi32, #tpu.memory_space<vmem>>
      %dma_wait3A_529 = arith.constant 0 : i32
      %dma_wait3A_530 = arith.constant 0 : i32
      %dma_wait3A_531 = tpu.memref_slice %arg3[%add3A, %add3A_515, %dma_wait3A_529, %dma_wait3A_530] : memref<32x80x2x128xi32, #tpu.memory_space<hbm>> -> memref<1x1x2x128xi32, #tpu.memory_space<hbm>>
      %dma_wait3A_532 = tpu.memref_squeeze %dma_wait3A_531 : memref<1x1x2x128xi32, #tpu.memory_space<hbm>> -> memref<2x128xi32, #tpu.memory_space<hbm>>
      tpu.wait_dma2 semaphore(%arg14 : memref<!tpu.dma_semaphore, #tpu.memory_space<semaphore_mem>>) src(%dma_wait3A_532 : memref<2x128xi32, #tpu.memory_space<hbm>>) dst(%dma_wait3A_528 : memref<2x128xi32, #tpu.memory_space<vmem>>)
      %add3A_533 = arith.constant 2 : i32
      %add3A_534 = arith.addi %add3A_478, %add3A_533 : i32
      %dma_start3A_535 = arith.constant 4 : i32
      %dma_start3A_536 = arith.constant 0 : i32
      %dma_start3A_537 = arith.constant 4 : i32
      %dma_start3A_538 = arith.constant 0 : i32
      %dma_start3A_539 = arith.constant 0 : i32
      %dma_start3A_540 = tpu.memref_slice %arg7[%dma_start3A_537, %dma_start3A_538, %dma_start3A_539] : memref<5x128x64xbf16, #tpu.memory_space<vmem>> -> memref<1x128x64xbf16, #tpu.memory_space<vmem>>
      %dma_start3A_541 = tpu.memref_squeeze %dma_start3A_540 : memref<1x128x64xbf16, #tpu.memory_space<vmem>> -> memref<128x64xbf16, #tpu.memory_space<vmem>>
      %dma_start3A_542 = arith.constant 0 : i32
      %dma_start3A_543 = tpu.memref_slice %arg6[%dma_start3A_535, %dma_start3A_536, %dma_start3A_542] : memref<5x2x128xi32, #tpu.memory_space<vmem>> -> memref<1x1x128xi32, #tpu.memory_space<vmem>>
      %dma_start3A_544 = tpu.memref_squeeze %dma_start3A_543 : memref<1x1x128xi32, #tpu.memory_space<vmem>> -> memref<128xi32, #tpu.memory_space<vmem>>
      %dma_start3A_545 = arith.constant 0 : i32
      %dma_start3A_546 = arith.constant 0 : i32
      %dma_start3A_547 = tpu.memref_slice %arg9[%dma_start3A_545, %dma_start3A_546] : memref<10112x64xbf16, #tpu.memory_space<vmem_shared>> -> memref<10112x64xbf16, #tpu.memory_space<vmem_shared>>
      tpu.enqueue_indirect_dma source(%dma_start3A_547 : memref<10112x64xbf16, #tpu.memory_space<vmem_shared>>) target(%dma_start3A_541 : memref<128x64xbf16, #tpu.memory_space<vmem>>) offsets(%dma_start3A_544 : memref<128xi32, #tpu.memory_space<vmem>>) semaphore(%arg19 : memref<!tpu.dma_semaphore, #tpu.memory_space<semaphore_mem>>)
      %add3A_548 = arith.constant 3 : i32
      %add3A_549 = arith.addi %add3A_334, %add3A_548 : i32
      %dma_wait3A_550 = arith.constant 3 : i32
      %dma_wait3A_551 = arith.constant 0 : i32
      %dma_wait3A_552 = arith.constant 3 : i32
      %dma_wait3A_553 = arith.constant 0 : i32
      %dma_wait3A_554 = arith.constant 0 : i32
      %dma_wait3A_555 = tpu.memref_slice %arg7[%dma_wait3A_552, %dma_wait3A_553, %dma_wait3A_554] : memref<5x128x64xbf16, #tpu.memory_space<vmem>> -> memref<1x128x64xbf16, #tpu.memory_space<vmem>>
      %dma_wait3A_556 = tpu.memref_squeeze %dma_wait3A_555 : memref<1x128x64xbf16, #tpu.memory_space<vmem>> -> memref<128x64xbf16, #tpu.memory_space<vmem>>
      %dma_wait3A_557 = arith.constant 0 : i32
      %dma_wait3A_558 = tpu.memref_slice %arg6[%dma_wait3A_550, %dma_wait3A_551, %dma_wait3A_557] : memref<5x2x128xi32, #tpu.memory_space<vmem>> -> memref<1x1x128xi32, #tpu.memory_space<vmem>>
      %dma_wait3A_559 = tpu.memref_squeeze %dma_wait3A_558 : memref<1x1x128xi32, #tpu.memory_space<vmem>> -> memref<128xi32, #tpu.memory_space<vmem>>
      %dma_wait3A_560 = arith.constant 0 : i32
      %dma_wait3A_561 = arith.constant 0 : i32
      %dma_wait3A_562 = tpu.memref_slice %arg9[%dma_wait3A_560, %dma_wait3A_561] : memref<10112x64xbf16, #tpu.memory_space<vmem_shared>> -> memref<10112x64xbf16, #tpu.memory_space<vmem_shared>>
      tpu.wait_indirect_dma semaphore(%arg18 : memref<!tpu.dma_semaphore, #tpu.memory_space<semaphore_mem>>) src(%dma_wait3A_562 : memref<10112x64xbf16, #tpu.memory_space<vmem_shared>>) dst(%dma_wait3A_556 : memref<128x64xbf16, #tpu.memory_space<vmem>>)
      %run_scoped3A_563 = arith.constant 3 : i32
      %run_scoped3A_564 = arith.constant 3 : i32
      %run_scoped3A_565 = arith.constant 1 : i32
      "tpu.region"() ({
        %run_scoped3A_690 = tpu.sem_alloc : memref<!tpu.dma_semaphore, #tpu.memory_space<semaphore_mem>>
        %dma_start3A_691 = arith.constant 0 : i32
        %dma_start3A_692 = arith.constant 0 : i32
        %dma_start3A_693 = tpu.memref_slice %arg7[%run_scoped3A_563, %dma_start3A_691, %dma_start3A_692] : memref<5x128x64xbf16, #tpu.memory_space<vmem>> -> memref<1x128x64xbf16, #tpu.memory_space<vmem>>
        %dma_start3A_694 = tpu.memref_squeeze %dma_start3A_693 : memref<1x128x64xbf16, #tpu.memory_space<vmem>> -> memref<128x64xbf16, #tpu.memory_space<vmem>>
        %dma_start3A_695 = arith.constant 0 : i32
        %dma_start3A_696 = tpu.memref_slice %arg6[%run_scoped3A_564, %run_scoped3A_565, %dma_start3A_695] : memref<5x2x128xi32, #tpu.memory_space<vmem>> -> memref<1x1x128xi32, #tpu.memory_space<vmem>>
        %dma_start3A_697 = tpu.memref_squeeze %dma_start3A_696 : memref<1x1x128xi32, #tpu.memory_space<vmem>> -> memref<128xi32, #tpu.memory_space<vmem>>
        %dma_start3A_698 = arith.constant 0 : i32
        %dma_start3A_699 = arith.constant 0 : i32
        %dma_start3A_700 = tpu.memref_slice %arg8[%dma_start3A_698, %dma_start3A_699] : memref<10112x64xbf16, #tpu.memory_space<vmem_shared>> -> memref<10112x64xbf16, #tpu.memory_space<vmem_shared>>
        tpu.enqueue_indirect_dma source(%dma_start3A_694 : memref<128x64xbf16, #tpu.memory_space<vmem>>) target(%dma_start3A_700 : memref<10112x64xbf16, #tpu.memory_space<vmem_shared>>) offsets(%dma_start3A_697 : memref<128xi32, #tpu.memory_space<vmem>>) semaphore(%run_scoped3A_690 : memref<!tpu.dma_semaphore, #tpu.memory_space<semaphore_mem>>) {add = true}
        %dma_wait3A_701 = arith.constant 0 : i32
        %dma_wait3A_702 = arith.constant 0 : i32
        %dma_wait3A_703 = tpu.memref_slice %arg7[%run_scoped3A_563, %dma_wait3A_701, %dma_wait3A_702] : memref<5x128x64xbf16, #tpu.memory_space<vmem>> -> memref<1x128x64xbf16, #tpu.memory_space<vmem>>
        %dma_wait3A_704 = tpu.memref_squeeze %dma_wait3A_703 : memref<1x128x64xbf16, #tpu.memory_space<vmem>> -> memref<128x64xbf16, #tpu.memory_space<vmem>>
        %dma_wait3A_705 = arith.constant 0 : i32
        %dma_wait3A_706 = tpu.memref_slice %arg6[%run_scoped3A_564, %run_scoped3A_565, %dma_wait3A_705] : memref<5x2x128xi32, #tpu.memory_space<vmem>> -> memref<1x1x128xi32, #tpu.memory_space<vmem>>
        %dma_wait3A_707 = tpu.memref_squeeze %dma_wait3A_706 : memref<1x1x128xi32, #tpu.memory_space<vmem>> -> memref<128xi32, #tpu.memory_space<vmem>>
        %dma_wait3A_708 = arith.constant 0 : i32
        %dma_wait3A_709 = arith.constant 0 : i32
        %dma_wait3A_710 = tpu.memref_slice %arg8[%dma_wait3A_708, %dma_wait3A_709] : memref<10112x64xbf16, #tpu.memory_space<vmem_shared>> -> memref<10112x64xbf16, #tpu.memory_space<vmem_shared>>
        tpu.wait_indirect_dma semaphore(%run_scoped3A_690 : memref<!tpu.dma_semaphore, #tpu.memory_space<semaphore_mem>>) src(%dma_wait3A_704 : memref<128x64xbf16, #tpu.memory_space<vmem>>) dst(%dma_wait3A_710 : memref<10112x64xbf16, #tpu.memory_space<vmem_shared>>)
        tpu.yield
      }) : () -> ()
      %add3A_566 = arith.constant 3 : i32
      %add3A_567 = arith.addi %add3A_549, %add3A_566 : i32
      %dma_start3A_568 = arith.constant 1 : i32
      %dma_start3A_569 = arith.constant 0 : i32
      %dma_start3A_570 = arith.constant 0 : i32
      %dma_start3A_571 = tpu.memref_slice %arg6[%dma_start3A_568, %dma_start3A_569, %dma_start3A_570] : memref<5x2x128xi32, #tpu.memory_space<vmem>> -> memref<1x2x128xi32, #tpu.memory_space<vmem>>
      %dma_start3A_572 = tpu.memref_squeeze %dma_start3A_571 : memref<1x2x128xi32, #tpu.memory_space<vmem>> -> memref<2x128xi32, #tpu.memory_space<vmem>>
      %dma_start3A_573 = arith.constant 0 : i32
      %dma_start3A_574 = arith.constant 0 : i32
      %dma_start3A_575 = tpu.memref_slice %arg3[%add3A, %add3A_567, %dma_start3A_573, %dma_start3A_574] : memref<32x80x2x128xi32, #tpu.memory_space<hbm>> -> memref<1x1x2x128xi32, #tpu.memory_space<hbm>>
      %dma_start3A_576 = tpu.memref_squeeze %dma_start3A_575 : memref<1x1x2x128xi32, #tpu.memory_space<hbm>> -> memref<2x128xi32, #tpu.memory_space<hbm>>
      %dma_start3A_577 = arith.constant 0 : i32
      %dma_start3A_578 = arith.constant 0 : i32
      %dma_start3A_579 = tpu.memref_slice %arg6[%dma_start3A_568, %dma_start3A_577, %dma_start3A_578] : memref<5x2x128xi32, #tpu.memory_space<vmem>> -> memref<1x2x128xi32, #tpu.memory_space<vmem>>
      %dma_start3A_580 = tpu.memref_squeeze %dma_start3A_579 : memref<1x2x128xi32, #tpu.memory_space<vmem>> -> memref<2x128xi32, #tpu.memory_space<vmem>>
      %dma_start3A_581 = arith.constant 0 : i32
      %dma_start3A_582 = arith.constant 0 : i32
      %dma_start3A_583 = tpu.memref_slice %arg3[%add3A, %add3A_567, %dma_start3A_581, %dma_start3A_582] : memref<32x80x2x128xi32, #tpu.memory_space<hbm>> -> memref<1x1x2x128xi32, #tpu.memory_space<hbm>>
      %dma_start3A_584 = tpu.memref_squeeze %dma_start3A_583 : memref<1x1x2x128xi32, #tpu.memory_space<hbm>> -> memref<2x128xi32, #tpu.memory_space<hbm>>
      tpu.enqueue_dma source(%dma_start3A_584 : memref<2x128xi32, #tpu.memory_space<hbm>>) target(%dma_start3A_580 : memref<2x128xi32, #tpu.memory_space<vmem>>) target_semaphore(%arg11 : memref<!tpu.dma_semaphore, #tpu.memory_space<semaphore_mem>>)
      %add3A_585 = arith.constant 2 : i32
      %add3A_586 = arith.addi %add3A_549, %add3A_585 : i32
      %dma_wait3A_587 = arith.constant 0 : i32
      %dma_wait3A_588 = arith.constant 0 : i32
      %dma_wait3A_589 = arith.constant 0 : i32
      %dma_wait3A_590 = tpu.memref_slice %arg6[%dma_wait3A_587, %dma_wait3A_588, %dma_wait3A_589] : memref<5x2x128xi32, #tpu.memory_space<vmem>> -> memref<1x2x128xi32, #tpu.memory_space<vmem>>
      %dma_wait3A_591 = tpu.memref_squeeze %dma_wait3A_590 : memref<1x2x128xi32, #tpu.memory_space<vmem>> -> memref<2x128xi32, #tpu.memory_space<vmem>>
      %dma_wait3A_592 = arith.constant 0 : i32
      %dma_wait3A_593 = arith.constant 0 : i32
      %dma_wait3A_594 = tpu.memref_slice %arg3[%add3A, %add3A_586, %dma_wait3A_592, %dma_wait3A_593] : memref<32x80x2x128xi32, #tpu.memory_space<hbm>> -> memref<1x1x2x128xi32, #tpu.memory_space<hbm>>
      %dma_wait3A_595 = tpu.memref_squeeze %dma_wait3A_594 : memref<1x1x2x128xi32, #tpu.memory_space<hbm>> -> memref<2x128xi32, #tpu.memory_space<hbm>>
      %dma_wait3A_596 = arith.constant 0 : i32
      %dma_wait3A_597 = arith.constant 0 : i32
      %dma_wait3A_598 = tpu.memref_slice %arg6[%dma_wait3A_587, %dma_wait3A_596, %dma_wait3A_597] : memref<5x2x128xi32, #tpu.memory_space<vmem>> -> memref<1x2x128xi32, #tpu.memory_space<vmem>>
      %dma_wait3A_599 = tpu.memref_squeeze %dma_wait3A_598 : memref<1x2x128xi32, #tpu.memory_space<vmem>> -> memref<2x128xi32, #tpu.memory_space<vmem>>
      %dma_wait3A_600 = arith.constant 0 : i32
      %dma_wait3A_601 = arith.constant 0 : i32
      %dma_wait3A_602 = tpu.memref_slice %arg3[%add3A, %add3A_586, %dma_wait3A_600, %dma_wait3A_601] : memref<32x80x2x128xi32, #tpu.memory_space<hbm>> -> memref<1x1x2x128xi32, #tpu.memory_space<hbm>>
      %dma_wait3A_603 = tpu.memref_squeeze %dma_wait3A_602 : memref<1x1x2x128xi32, #tpu.memory_space<hbm>> -> memref<2x128xi32, #tpu.memory_space<hbm>>
      tpu.wait_dma2 semaphore(%arg10 : memref<!tpu.dma_semaphore, #tpu.memory_space<semaphore_mem>>) src(%dma_wait3A_603 : memref<2x128xi32, #tpu.memory_space<hbm>>) dst(%dma_wait3A_599 : memref<2x128xi32, #tpu.memory_space<vmem>>)
      %add3A_604 = arith.constant 2 : i32
      %add3A_605 = arith.addi %add3A_549, %add3A_604 : i32
      %dma_start3A_606 = arith.constant 0 : i32
      %dma_start3A_607 = arith.constant 0 : i32
      %dma_start3A_608 = arith.constant 0 : i32
      %dma_start3A_609 = arith.constant 0 : i32
      %dma_start3A_610 = arith.constant 0 : i32
      %dma_start3A_611 = tpu.memref_slice %arg7[%dma_start3A_608, %dma_start3A_609, %dma_start3A_610] : memref<5x128x64xbf16, #tpu.memory_space<vmem>> -> memref<1x128x64xbf16, #tpu.memory_space<vmem>>
      %dma_start3A_612 = tpu.memref_squeeze %dma_start3A_611 : memref<1x128x64xbf16, #tpu.memory_space<vmem>> -> memref<128x64xbf16, #tpu.memory_space<vmem>>
      %dma_start3A_613 = arith.constant 0 : i32
      %dma_start3A_614 = tpu.memref_slice %arg6[%dma_start3A_606, %dma_start3A_607, %dma_start3A_613] : memref<5x2x128xi32, #tpu.memory_space<vmem>> -> memref<1x1x128xi32, #tpu.memory_space<vmem>>
      %dma_start3A_615 = tpu.memref_squeeze %dma_start3A_614 : memref<1x1x128xi32, #tpu.memory_space<vmem>> -> memref<128xi32, #tpu.memory_space<vmem>>
      %dma_start3A_616 = arith.constant 0 : i32
      %dma_start3A_617 = arith.constant 0 : i32
      %dma_start3A_618 = tpu.memref_slice %arg9[%dma_start3A_616, %dma_start3A_617] : memref<10112x64xbf16, #tpu.memory_space<vmem_shared>> -> memref<10112x64xbf16, #tpu.memory_space<vmem_shared>>
      tpu.enqueue_indirect_dma source(%dma_start3A_618 : memref<10112x64xbf16, #tpu.memory_space<vmem_shared>>) target(%dma_start3A_612 : memref<128x64xbf16, #tpu.memory_space<vmem>>) offsets(%dma_start3A_615 : memref<128xi32, #tpu.memory_space<vmem>>) semaphore(%arg15 : memref<!tpu.dma_semaphore, #tpu.memory_space<semaphore_mem>>)
      %add3A_619 = arith.constant 4 : i32
      %add3A_620 = arith.addi %add3A_334, %add3A_619 : i32
      %dma_wait3A_621 = arith.constant 4 : i32
      %dma_wait3A_622 = arith.constant 0 : i32
      %dma_wait3A_623 = arith.constant 4 : i32
      %dma_wait3A_624 = arith.constant 0 : i32
      %dma_wait3A_625 = arith.constant 0 : i32
      %dma_wait3A_626 = tpu.memref_slice %arg7[%dma_wait3A_623, %dma_wait3A_624, %dma_wait3A_625] : memref<5x128x64xbf16, #tpu.memory_space<vmem>> -> memref<1x128x64xbf16, #tpu.memory_space<vmem>>
      %dma_wait3A_627 = tpu.memref_squeeze %dma_wait3A_626 : memref<1x128x64xbf16, #tpu.memory_space<vmem>> -> memref<128x64xbf16, #tpu.memory_space<vmem>>
      %dma_wait3A_628 = arith.constant 0 : i32
      %dma_wait3A_629 = tpu.memref_slice %arg6[%dma_wait3A_621, %dma_wait3A_622, %dma_wait3A_628] : memref<5x2x128xi32, #tpu.memory_space<vmem>> -> memref<1x1x128xi32, #tpu.memory_space<vmem>>
      %dma_wait3A_630 = tpu.memref_squeeze %dma_wait3A_629 : memref<1x1x128xi32, #tpu.memory_space<vmem>> -> memref<128xi32, #tpu.memory_space<vmem>>
      %dma_wait3A_631 = arith.constant 0 : i32
      %dma_wait3A_632 = arith.constant 0 : i32
      %dma_wait3A_633 = tpu.memref_slice %arg9[%dma_wait3A_631, %dma_wait3A_632] : memref<10112x64xbf16, #tpu.memory_space<vmem_shared>> -> memref<10112x64xbf16, #tpu.memory_space<vmem_shared>>
      tpu.wait_indirect_dma semaphore(%arg19 : memref<!tpu.dma_semaphore, #tpu.memory_space<semaphore_mem>>) src(%dma_wait3A_633 : memref<10112x64xbf16, #tpu.memory_space<vmem_shared>>) dst(%dma_wait3A_627 : memref<128x64xbf16, #tpu.memory_space<vmem>>)
      %run_scoped3A_634 = arith.constant 4 : i32
      %run_scoped3A_635 = arith.constant 4 : i32
      %run_scoped3A_636 = arith.constant 1 : i32
      "tpu.region"() ({
        %run_scoped3A_690 = tpu.sem_alloc : memref<!tpu.dma_semaphore, #tpu.memory_space<semaphore_mem>>
        %dma_start3A_691 = arith.constant 0 : i32
        %dma_start3A_692 = arith.constant 0 : i32
        %dma_start3A_693 = tpu.memref_slice %arg7[%run_scoped3A_634, %dma_start3A_691, %dma_start3A_692] : memref<5x128x64xbf16, #tpu.memory_space<vmem>> -> memref<1x128x64xbf16, #tpu.memory_space<vmem>>
        %dma_start3A_694 = tpu.memref_squeeze %dma_start3A_693 : memref<1x128x64xbf16, #tpu.memory_space<vmem>> -> memref<128x64xbf16, #tpu.memory_space<vmem>>
        %dma_start3A_695 = arith.constant 0 : i32
        %dma_start3A_696 = tpu.memref_slice %arg6[%run_scoped3A_635, %run_scoped3A_636, %dma_start3A_695] : memref<5x2x128xi32, #tpu.memory_space<vmem>> -> memref<1x1x128xi32, #tpu.memory_space<vmem>>
        %dma_start3A_697 = tpu.memref_squeeze %dma_start3A_696 : memref<1x1x128xi32, #tpu.memory_space<vmem>> -> memref<128xi32, #tpu.memory_space<vmem>>
        %dma_start3A_698 = arith.constant 0 : i32
        %dma_start3A_699 = arith.constant 0 : i32
        %dma_start3A_700 = tpu.memref_slice %arg8[%dma_start3A_698, %dma_start3A_699] : memref<10112x64xbf16, #tpu.memory_space<vmem_shared>> -> memref<10112x64xbf16, #tpu.memory_space<vmem_shared>>
        tpu.enqueue_indirect_dma source(%dma_start3A_694 : memref<128x64xbf16, #tpu.memory_space<vmem>>) target(%dma_start3A_700 : memref<10112x64xbf16, #tpu.memory_space<vmem_shared>>) offsets(%dma_start3A_697 : memref<128xi32, #tpu.memory_space<vmem>>) semaphore(%run_scoped3A_690 : memref<!tpu.dma_semaphore, #tpu.memory_space<semaphore_mem>>) {add = true}
        %dma_wait3A_701 = arith.constant 0 : i32
        %dma_wait3A_702 = arith.constant 0 : i32
        %dma_wait3A_703 = tpu.memref_slice %arg7[%run_scoped3A_634, %dma_wait3A_701, %dma_wait3A_702] : memref<5x128x64xbf16, #tpu.memory_space<vmem>> -> memref<1x128x64xbf16, #tpu.memory_space<vmem>>
        %dma_wait3A_704 = tpu.memref_squeeze %dma_wait3A_703 : memref<1x128x64xbf16, #tpu.memory_space<vmem>> -> memref<128x64xbf16, #tpu.memory_space<vmem>>
        %dma_wait3A_705 = arith.constant 0 : i32
        %dma_wait3A_706 = tpu.memref_slice %arg6[%run_scoped3A_635, %run_scoped3A_636, %dma_wait3A_705] : memref<5x2x128xi32, #tpu.memory_space<vmem>> -> memref<1x1x128xi32, #tpu.memory_space<vmem>>
        %dma_wait3A_707 = tpu.memref_squeeze %dma_wait3A_706 : memref<1x1x128xi32, #tpu.memory_space<vmem>> -> memref<128xi32, #tpu.memory_space<vmem>>
        %dma_wait3A_708 = arith.constant 0 : i32
        %dma_wait3A_709 = arith.constant 0 : i32
        %dma_wait3A_710 = tpu.memref_slice %arg8[%dma_wait3A_708, %dma_wait3A_709] : memref<10112x64xbf16, #tpu.memory_space<vmem_shared>> -> memref<10112x64xbf16, #tpu.memory_space<vmem_shared>>
        tpu.wait_indirect_dma semaphore(%run_scoped3A_690 : memref<!tpu.dma_semaphore, #tpu.memory_space<semaphore_mem>>) src(%dma_wait3A_704 : memref<128x64xbf16, #tpu.memory_space<vmem>>) dst(%dma_wait3A_710 : memref<10112x64xbf16, #tpu.memory_space<vmem_shared>>)
        tpu.yield
      }) : () -> ()
      %add3A_637 = arith.constant 3 : i32
      %add3A_638 = arith.addi %add3A_620, %add3A_637 : i32
      %dma_start3A_639 = arith.constant 2 : i32
      %dma_start3A_640 = arith.constant 0 : i32
      %dma_start3A_641 = arith.constant 0 : i32
      %dma_start3A_642 = tpu.memref_slice %arg6[%dma_start3A_639, %dma_start3A_640, %dma_start3A_641] : memref<5x2x128xi32, #tpu.memory_space<vmem>> -> memref<1x2x128xi32, #tpu.memory_space<vmem>>
      %dma_start3A_643 = tpu.memref_squeeze %dma_start3A_642 : memref<1x2x128xi32, #tpu.memory_space<vmem>> -> memref<2x128xi32, #tpu.memory_space<vmem>>
      %dma_start3A_644 = arith.constant 0 : i32
      %dma_start3A_645 = arith.constant 0 : i32
      %dma_start3A_646 = tpu.memref_slice %arg3[%add3A, %add3A_638, %dma_start3A_644, %dma_start3A_645] : memref<32x80x2x128xi32, #tpu.memory_space<hbm>> -> memref<1x1x2x128xi32, #tpu.memory_space<hbm>>
      %dma_start3A_647 = tpu.memref_squeeze %dma_start3A_646 : memref<1x1x2x128xi32, #tpu.memory_space<hbm>> -> memref<2x128xi32, #tpu.memory_space<hbm>>
      %dma_start3A_648 = arith.constant 0 : i32
      %dma_start3A_649 = arith.constant 0 : i32
      %dma_start3A_650 = tpu.memref_slice %arg6[%dma_start3A_639, %dma_start3A_648, %dma_start3A_649] : memref<5x2x128xi32, #tpu.memory_space<vmem>> -> memref<1x2x128xi32, #tpu.memory_space<vmem>>
      %dma_start3A_651 = tpu.memref_squeeze %dma_start3A_650 : memref<1x2x128xi32, #tpu.memory_space<vmem>> -> memref<2x128xi32, #tpu.memory_space<vmem>>
      %dma_start3A_652 = arith.constant 0 : i32
      %dma_start3A_653 = arith.constant 0 : i32
      %dma_start3A_654 = tpu.memref_slice %arg3[%add3A, %add3A_638, %dma_start3A_652, %dma_start3A_653] : memref<32x80x2x128xi32, #tpu.memory_space<hbm>> -> memref<1x1x2x128xi32, #tpu.memory_space<hbm>>
      %dma_start3A_655 = tpu.memref_squeeze %dma_start3A_654 : memref<1x1x2x128xi32, #tpu.memory_space<hbm>> -> memref<2x128xi32, #tpu.memory_space<hbm>>
      tpu.enqueue_dma source(%dma_start3A_655 : memref<2x128xi32, #tpu.memory_space<hbm>>) target(%dma_start3A_651 : memref<2x128xi32, #tpu.memory_space<vmem>>) target_semaphore(%arg12 : memref<!tpu.dma_semaphore, #tpu.memory_space<semaphore_mem>>)
      %add3A_656 = arith.constant 2 : i32
      %add3A_657 = arith.addi %add3A_620, %add3A_656 : i32
      %dma_wait3A_658 = arith.constant 1 : i32
      %dma_wait3A_659 = arith.constant 0 : i32
      %dma_wait3A_660 = arith.constant 0 : i32
      %dma_wait3A_661 = tpu.memref_slice %arg6[%dma_wait3A_658, %dma_wait3A_659, %dma_wait3A_660] : memref<5x2x128xi32, #tpu.memory_space<vmem>> -> memref<1x2x128xi32, #tpu.memory_space<vmem>>
      %dma_wait3A_662 = tpu.memref_squeeze %dma_wait3A_661 : memref<1x2x128xi32, #tpu.memory_space<vmem>> -> memref<2x128xi32, #tpu.memory_space<vmem>>
      %dma_wait3A_663 = arith.constant 0 : i32
      %dma_wait3A_664 = arith.constant 0 : i32
      %dma_wait3A_665 = tpu.memref_slice %arg3[%add3A, %add3A_657, %dma_wait3A_663, %dma_wait3A_664] : memref<32x80x2x128xi32, #tpu.memory_space<hbm>> -> memref<1x1x2x128xi32, #tpu.memory_space<hbm>>
      %dma_wait3A_666 = tpu.memref_squeeze %dma_wait3A_665 : memref<1x1x2x128xi32, #tpu.memory_space<hbm>> -> memref<2x128xi32, #tpu.memory_space<hbm>>
      %dma_wait3A_667 = arith.constant 0 : i32
      %dma_wait3A_668 = arith.constant 0 : i32
      %dma_wait3A_669 = tpu.memref_slice %arg6[%dma_wait3A_658, %dma_wait3A_667, %dma_wait3A_668] : memref<5x2x128xi32, #tpu.memory_space<vmem>> -> memref<1x2x128xi32, #tpu.memory_space<vmem>>
      %dma_wait3A_670 = tpu.memref_squeeze %dma_wait3A_669 : memref<1x2x128xi32, #tpu.memory_space<vmem>> -> memref<2x128xi32, #tpu.memory_space<vmem>>
      %dma_wait3A_671 = arith.constant 0 : i32
      %dma_wait3A_672 = arith.constant 0 : i32
      %dma_wait3A_673 = tpu.memref_slice %arg3[%add3A, %add3A_657, %dma_wait3A_671, %dma_wait3A_672] : memref<32x80x2x128xi32, #tpu.memory_space<hbm>> -> memref<1x1x2x128xi32, #tpu.memory_space<hbm>>
      %dma_wait3A_674 = tpu.memref_squeeze %dma_wait3A_673 : memref<1x1x2x128xi32, #tpu.memory_space<hbm>> -> memref<2x128xi32, #tpu.memory_space<hbm>>
      tpu.wait_dma2 semaphore(%arg11 : memref<!tpu.dma_semaphore, #tpu.memory_space<semaphore_mem>>) src(%dma_wait3A_674 : memref<2x128xi32, #tpu.memory_space<hbm>>) dst(%dma_wait3A_670 : memref<2x128xi32, #tpu.memory_space<vmem>>)
      %add3A_675 = arith.constant 2 : i32
      %add3A_676 = arith.addi %add3A_620, %add3A_675 : i32
      %dma_start3A_677 = arith.constant 1 : i32
      %dma_start3A_678 = arith.constant 0 : i32
      %dma_start3A_679 = arith.constant 1 : i32
      %dma_start3A_680 = arith.constant 0 : i32
      %dma_start3A_681 = arith.constant 0 : i32
      %dma_start3A_682 = tpu.memref_slice %arg7[%dma_start3A_679, %dma_start3A_680, %dma_start3A_681] : memref<5x128x64xbf16, #tpu.memory_space<vmem>> -> memref<1x128x64xbf16, #tpu.memory_space<vmem>>
      %dma_start3A_683 = tpu.memref_squeeze %dma_start3A_682 : memref<1x128x64xbf16, #tpu.memory_space<vmem>> -> memref<128x64xbf16, #tpu.memory_space<vmem>>
      %dma_start3A_684 = arith.constant 0 : i32
      %dma_start3A_685 = tpu.memref_slice %arg6[%dma_start3A_677, %dma_start3A_678, %dma_start3A_684] : memref<5x2x128xi32, #tpu.memory_space<vmem>> -> memref<1x1x128xi32, #tpu.memory_space<vmem>>
      %dma_start3A_686 = tpu.memref_squeeze %dma_start3A_685 : memref<1x1x128xi32, #tpu.memory_space<vmem>> -> memref<128xi32, #tpu.memory_space<vmem>>
      %dma_start3A_687 = arith.constant 0 : i32
      %dma_start3A_688 = arith.constant 0 : i32
      %dma_start3A_689 = tpu.memref_slice %arg9[%dma_start3A_687, %dma_start3A_688] : memref<10112x64xbf16, #tpu.memory_space<vmem_shared>> -> memref<10112x64xbf16, #tpu.memory_space<vmem_shared>>
      tpu.enqueue_indirect_dma source(%dma_start3A_689 : memref<10112x64xbf16, #tpu.memory_space<vmem_shared>>) target(%dma_start3A_683 : memref<128x64xbf16, #tpu.memory_space<vmem>>) offsets(%dma_start3A_686 : memref<128xi32, #tpu.memory_space<vmem>>) semaphore(%arg16 : memref<!tpu.dma_semaphore, #tpu.memory_space<semaphore_mem>>)
    }
    %scan3A_120 = arith.constant 15 : i32
    %dma_wait3A_121 = arith.constant 0 : i32
    %dma_wait3A_122 = arith.constant 0 : i32
    %dma_wait3A_123 = arith.constant 0 : i32
    %dma_wait3A_124 = arith.constant 0 : i32
    %dma_wait3A_125 = arith.constant 0 : i32
    %dma_wait3A_126 = tpu.memref_slice %arg7[%dma_wait3A_123, %dma_wait3A_124, %dma_wait3A_125] : memref<5x128x64xbf16, #tpu.memory_space<vmem>> -> memref<1x128x64xbf16, #tpu.memory_space<vmem>>
    %dma_wait3A_127 = tpu.memref_squeeze %dma_wait3A_126 : memref<1x128x64xbf16, #tpu.memory_space<vmem>> -> memref<128x64xbf16, #tpu.memory_space<vmem>>
    %dma_wait3A_128 = arith.constant 0 : i32
    %dma_wait3A_129 = tpu.memref_slice %arg6[%dma_wait3A_121, %dma_wait3A_122, %dma_wait3A_128] : memref<5x2x128xi32, #tpu.memory_space<vmem>> -> memref<1x1x128xi32, #tpu.memory_space<vmem>>
    %dma_wait3A_130 = tpu.memref_squeeze %dma_wait3A_129 : memref<1x1x128xi32, #tpu.memory_space<vmem>> -> memref<128xi32, #tpu.memory_space<vmem>>
    %dma_wait3A_131 = arith.constant 0 : i32
    %dma_wait3A_132 = arith.constant 0 : i32
    %dma_wait3A_133 = tpu.memref_slice %arg9[%dma_wait3A_131, %dma_wait3A_132] : memref<10112x64xbf16, #tpu.memory_space<vmem_shared>> -> memref<10112x64xbf16, #tpu.memory_space<vmem_shared>>
    tpu.wait_indirect_dma semaphore(%arg15 : memref<!tpu.dma_semaphore, #tpu.memory_space<semaphore_mem>>) src(%dma_wait3A_133 : memref<10112x64xbf16, #tpu.memory_space<vmem_shared>>) dst(%dma_wait3A_127 : memref<128x64xbf16, #tpu.memory_space<vmem>>)
    %run_scoped3A = arith.constant 0 : i32
    %run_scoped3A_134 = arith.constant 0 : i32
    %run_scoped3A_135 = arith.constant 1 : i32
    "tpu.region"() ({
      %run_scoped3A_330 = tpu.sem_alloc : memref<!tpu.dma_semaphore, #tpu.memory_space<semaphore_mem>>
      %dma_start3A_331 = arith.constant 0 : i32
      %dma_start3A_332 = arith.constant 0 : i32
      %dma_start3A_333 = tpu.memref_slice %arg7[%run_scoped3A, %dma_start3A_331, %dma_start3A_332] : memref<5x128x64xbf16, #tpu.memory_space<vmem>> -> memref<1x128x64xbf16, #tpu.memory_space<vmem>>
      %dma_start3A_334 = tpu.memref_squeeze %dma_start3A_333 : memref<1x128x64xbf16, #tpu.memory_space<vmem>> -> memref<128x64xbf16, #tpu.memory_space<vmem>>
      %dma_start3A_335 = arith.constant 0 : i32
      %dma_start3A_336 = tpu.memref_slice %arg6[%run_scoped3A_134, %run_scoped3A_135, %dma_start3A_335] : memref<5x2x128xi32, #tpu.memory_space<vmem>> -> memref<1x1x128xi32, #tpu.memory_space<vmem>>
      %dma_start3A_337 = tpu.memref_squeeze %dma_start3A_336 : memref<1x1x128xi32, #tpu.memory_space<vmem>> -> memref<128xi32, #tpu.memory_space<vmem>>
      %dma_start3A_338 = arith.constant 0 : i32
      %dma_start3A_339 = arith.constant 0 : i32
      %dma_start3A_340 = tpu.memref_slice %arg8[%dma_start3A_338, %dma_start3A_339] : memref<10112x64xbf16, #tpu.memory_space<vmem_shared>> -> memref<10112x64xbf16, #tpu.memory_space<vmem_shared>>
      tpu.enqueue_indirect_dma source(%dma_start3A_334 : memref<128x64xbf16, #tpu.memory_space<vmem>>) target(%dma_start3A_340 : memref<10112x64xbf16, #tpu.memory_space<vmem_shared>>) offsets(%dma_start3A_337 : memref<128xi32, #tpu.memory_space<vmem>>) semaphore(%run_scoped3A_330 : memref<!tpu.dma_semaphore, #tpu.memory_space<semaphore_mem>>) {add = true}
      %dma_wait3A_341 = arith.constant 0 : i32
      %dma_wait3A_342 = arith.constant 0 : i32
      %dma_wait3A_343 = tpu.memref_slice %arg7[%run_scoped3A, %dma_wait3A_341, %dma_wait3A_342] : memref<5x128x64xbf16, #tpu.memory_space<vmem>> -> memref<1x128x64xbf16, #tpu.memory_space<vmem>>
      %dma_wait3A_344 = tpu.memref_squeeze %dma_wait3A_343 : memref<1x128x64xbf16, #tpu.memory_space<vmem>> -> memref<128x64xbf16, #tpu.memory_space<vmem>>
      %dma_wait3A_345 = arith.constant 0 : i32
      %dma_wait3A_346 = tpu.memref_slice %arg6[%run_scoped3A_134, %run_scoped3A_135, %dma_wait3A_345] : memref<5x2x128xi32, #tpu.memory_space<vmem>> -> memref<1x1x128xi32, #tpu.memory_space<vmem>>
      %dma_wait3A_347 = tpu.memref_squeeze %dma_wait3A_346 : memref<1x1x128xi32, #tpu.memory_space<vmem>> -> memref<128xi32, #tpu.memory_space<vmem>>
      %dma_wait3A_348 = arith.constant 0 : i32
      %dma_wait3A_349 = arith.constant 0 : i32
      %dma_wait3A_350 = tpu.memref_slice %arg8[%dma_wait3A_348, %dma_wait3A_349] : memref<10112x64xbf16, #tpu.memory_space<vmem_shared>> -> memref<10112x64xbf16, #tpu.memory_space<vmem_shared>>
      tpu.wait_indirect_dma semaphore(%run_scoped3A_330 : memref<!tpu.dma_semaphore, #tpu.memory_space<semaphore_mem>>) src(%dma_wait3A_344 : memref<128x64xbf16, #tpu.memory_space<vmem>>) dst(%dma_wait3A_350 : memref<10112x64xbf16, #tpu.memory_space<vmem_shared>>)
      tpu.yield
    }) : () -> ()
    %dma_start3A_136 = arith.constant 78 : i32
    %dma_start3A_137 = arith.constant 3 : i32
    %dma_start3A_138 = arith.constant 0 : i32
    %dma_start3A_139 = arith.constant 0 : i32
    %dma_start3A_140 = tpu.memref_slice %arg6[%dma_start3A_137, %dma_start3A_138, %dma_start3A_139] : memref<5x2x128xi32, #tpu.memory_space<vmem>> -> memref<1x2x128xi32, #tpu.memory_space<vmem>>
    %dma_start3A_141 = tpu.memref_squeeze %dma_start3A_140 : memref<1x2x128xi32, #tpu.memory_space<vmem>> -> memref<2x128xi32, #tpu.memory_space<vmem>>
    %dma_start3A_142 = arith.constant 0 : i32
    %dma_start3A_143 = arith.constant 0 : i32
    %dma_start3A_144 = tpu.memref_slice %arg3[%add3A, %dma_start3A_136, %dma_start3A_142, %dma_start3A_143] : memref<32x80x2x128xi32, #tpu.memory_space<hbm>> -> memref<1x1x2x128xi32, #tpu.memory_space<hbm>>
    %dma_start3A_145 = tpu.memref_squeeze %dma_start3A_144 : memref<1x1x2x128xi32, #tpu.memory_space<hbm>> -> memref<2x128xi32, #tpu.memory_space<hbm>>
    %dma_start3A_146 = arith.constant 0 : i32
    %dma_start3A_147 = arith.constant 0 : i32
    %dma_start3A_148 = tpu.memref_slice %arg6[%dma_start3A_137, %dma_start3A_146, %dma_start3A_147] : memref<5x2x128xi32, #tpu.memory_space<vmem>> -> memref<1x2x128xi32, #tpu.memory_space<vmem>>
    %dma_start3A_149 = tpu.memref_squeeze %dma_start3A_148 : memref<1x2x128xi32, #tpu.memory_space<vmem>> -> memref<2x128xi32, #tpu.memory_space<vmem>>
    %dma_start3A_150 = arith.constant 0 : i32
    %dma_start3A_151 = arith.constant 0 : i32
    %dma_start3A_152 = tpu.memref_slice %arg3[%add3A, %dma_start3A_136, %dma_start3A_150, %dma_start3A_151] : memref<32x80x2x128xi32, #tpu.memory_space<hbm>> -> memref<1x1x2x128xi32, #tpu.memory_space<hbm>>
    %dma_start3A_153 = tpu.memref_squeeze %dma_start3A_152 : memref<1x1x2x128xi32, #tpu.memory_space<hbm>> -> memref<2x128xi32, #tpu.memory_space<hbm>>
    tpu.enqueue_dma source(%dma_start3A_153 : memref<2x128xi32, #tpu.memory_space<hbm>>) target(%dma_start3A_149 : memref<2x128xi32, #tpu.memory_space<vmem>>) target_semaphore(%arg13 : memref<!tpu.dma_semaphore, #tpu.memory_space<semaphore_mem>>)
    %dma_wait3A_154 = arith.constant 77 : i32
    %dma_wait3A_155 = arith.constant 2 : i32
    %dma_wait3A_156 = arith.constant 0 : i32
    %dma_wait3A_157 = arith.constant 0 : i32
    %dma_wait3A_158 = tpu.memref_slice %arg6[%dma_wait3A_155, %dma_wait3A_156, %dma_wait3A_157] : memref<5x2x128xi32, #tpu.memory_space<vmem>> -> memref<1x2x128xi32, #tpu.memory_space<vmem>>
    %dma_wait3A_159 = tpu.memref_squeeze %dma_wait3A_158 : memref<1x2x128xi32, #tpu.memory_space<vmem>> -> memref<2x128xi32, #tpu.memory_space<vmem>>
    %dma_wait3A_160 = arith.constant 0 : i32
    %dma_wait3A_161 = arith.constant 0 : i32
    %dma_wait3A_162 = tpu.memref_slice %arg3[%add3A, %dma_wait3A_154, %dma_wait3A_160, %dma_wait3A_161] : memref<32x80x2x128xi32, #tpu.memory_space<hbm>> -> memref<1x1x2x128xi32, #tpu.memory_space<hbm>>
    %dma_wait3A_163 = tpu.memref_squeeze %dma_wait3A_162 : memref<1x1x2x128xi32, #tpu.memory_space<hbm>> -> memref<2x128xi32, #tpu.memory_space<hbm>>
    %dma_wait3A_164 = arith.constant 0 : i32
    %dma_wait3A_165 = arith.constant 0 : i32
    %dma_wait3A_166 = tpu.memref_slice %arg6[%dma_wait3A_155, %dma_wait3A_164, %dma_wait3A_165] : memref<5x2x128xi32, #tpu.memory_space<vmem>> -> memref<1x2x128xi32, #tpu.memory_space<vmem>>
    %dma_wait3A_167 = tpu.memref_squeeze %dma_wait3A_166 : memref<1x2x128xi32, #tpu.memory_space<vmem>> -> memref<2x128xi32, #tpu.memory_space<vmem>>
    %dma_wait3A_168 = arith.constant 0 : i32
    %dma_wait3A_169 = arith.constant 0 : i32
    %dma_wait3A_170 = tpu.memref_slice %arg3[%add3A, %dma_wait3A_154, %dma_wait3A_168, %dma_wait3A_169] : memref<32x80x2x128xi32, #tpu.memory_space<hbm>> -> memref<1x1x2x128xi32, #tpu.memory_space<hbm>>
    %dma_wait3A_171 = tpu.memref_squeeze %dma_wait3A_170 : memref<1x1x2x128xi32, #tpu.memory_space<hbm>> -> memref<2x128xi32, #tpu.memory_space<hbm>>
    tpu.wait_dma2 semaphore(%arg12 : memref<!tpu.dma_semaphore, #tpu.memory_space<semaphore_mem>>) src(%dma_wait3A_171 : memref<2x128xi32, #tpu.memory_space<hbm>>) dst(%dma_wait3A_167 : memref<2x128xi32, #tpu.memory_space<vmem>>)
    %dma_start3A_172 = arith.constant 2 : i32
    %dma_start3A_173 = arith.constant 0 : i32
    %dma_start3A_174 = arith.constant 2 : i32
    %dma_start3A_175 = arith.constant 0 : i32
    %dma_start3A_176 = arith.constant 0 : i32
    %dma_start3A_177 = tpu.memref_slice %arg7[%dma_start3A_174, %dma_start3A_175, %dma_start3A_176] : memref<5x128x64xbf16, #tpu.memory_space<vmem>> -> memref<1x128x64xbf16, #tpu.memory_space<vmem>>
    %dma_start3A_178 = tpu.memref_squeeze %dma_start3A_177 : memref<1x128x64xbf16, #tpu.memory_space<vmem>> -> memref<128x64xbf16, #tpu.memory_space<vmem>>
    %dma_start3A_179 = arith.constant 0 : i32
    %dma_start3A_180 = tpu.memref_slice %arg6[%dma_start3A_172, %dma_start3A_173, %dma_start3A_179] : memref<5x2x128xi32, #tpu.memory_space<vmem>> -> memref<1x1x128xi32, #tpu.memory_space<vmem>>
    %dma_start3A_181 = tpu.memref_squeeze %dma_start3A_180 : memref<1x1x128xi32, #tpu.memory_space<vmem>> -> memref<128xi32, #tpu.memory_space<vmem>>
    %dma_start3A_182 = arith.constant 0 : i32
    %dma_start3A_183 = arith.constant 0 : i32
    %dma_start3A_184 = tpu.memref_slice %arg9[%dma_start3A_182, %dma_start3A_183] : memref<10112x64xbf16, #tpu.memory_space<vmem_shared>> -> memref<10112x64xbf16, #tpu.memory_space<vmem_shared>>
    tpu.enqueue_indirect_dma source(%dma_start3A_184 : memref<10112x64xbf16, #tpu.memory_space<vmem_shared>>) target(%dma_start3A_178 : memref<128x64xbf16, #tpu.memory_space<vmem>>) offsets(%dma_start3A_181 : memref<128xi32, #tpu.memory_space<vmem>>) semaphore(%arg17 : memref<!tpu.dma_semaphore, #tpu.memory_space<semaphore_mem>>)
    %dma_wait3A_185 = arith.constant 1 : i32
    %dma_wait3A_186 = arith.constant 0 : i32
    %dma_wait3A_187 = arith.constant 1 : i32
    %dma_wait3A_188 = arith.constant 0 : i32
    %dma_wait3A_189 = arith.constant 0 : i32
    %dma_wait3A_190 = tpu.memref_slice %arg7[%dma_wait3A_187, %dma_wait3A_188, %dma_wait3A_189] : memref<5x128x64xbf16, #tpu.memory_space<vmem>> -> memref<1x128x64xbf16, #tpu.memory_space<vmem>>
    %dma_wait3A_191 = tpu.memref_squeeze %dma_wait3A_190 : memref<1x128x64xbf16, #tpu.memory_space<vmem>> -> memref<128x64xbf16, #tpu.memory_space<vmem>>
    %dma_wait3A_192 = arith.constant 0 : i32
    %dma_wait3A_193 = tpu.memref_slice %arg6[%dma_wait3A_185, %dma_wait3A_186, %dma_wait3A_192] : memref<5x2x128xi32, #tpu.memory_space<vmem>> -> memref<1x1x128xi32, #tpu.memory_space<vmem>>
    %dma_wait3A_194 = tpu.memref_squeeze %dma_wait3A_193 : memref<1x1x128xi32, #tpu.memory_space<vmem>> -> memref<128xi32, #tpu.memory_space<vmem>>
    %dma_wait3A_195 = arith.constant 0 : i32
    %dma_wait3A_196 = arith.constant 0 : i32
    %dma_wait3A_197 = tpu.memref_slice %arg9[%dma_wait3A_195, %dma_wait3A_196] : memref<10112x64xbf16, #tpu.memory_space<vmem_shared>> -> memref<10112x64xbf16, #tpu.memory_space<vmem_shared>>
    tpu.wait_indirect_dma semaphore(%arg16 : memref<!tpu.dma_semaphore, #tpu.memory_space<semaphore_mem>>) src(%dma_wait3A_197 : memref<10112x64xbf16, #tpu.memory_space<vmem_shared>>) dst(%dma_wait3A_191 : memref<128x64xbf16, #tpu.memory_space<vmem>>)
    %run_scoped3A_198 = arith.constant 1 : i32
    %run_scoped3A_199 = arith.constant 1 : i32
    %run_scoped3A_200 = arith.constant 1 : i32
    "tpu.region"() ({
      %run_scoped3A_330 = tpu.sem_alloc : memref<!tpu.dma_semaphore, #tpu.memory_space<semaphore_mem>>
      %dma_start3A_331 = arith.constant 0 : i32
      %dma_start3A_332 = arith.constant 0 : i32
      %dma_start3A_333 = tpu.memref_slice %arg7[%run_scoped3A_198, %dma_start3A_331, %dma_start3A_332] : memref<5x128x64xbf16, #tpu.memory_space<vmem>> -> memref<1x128x64xbf16, #tpu.memory_space<vmem>>
      %dma_start3A_334 = tpu.memref_squeeze %dma_start3A_333 : memref<1x128x64xbf16, #tpu.memory_space<vmem>> -> memref<128x64xbf16, #tpu.memory_space<vmem>>
      %dma_start3A_335 = arith.constant 0 : i32
      %dma_start3A_336 = tpu.memref_slice %arg6[%run_scoped3A_199, %run_scoped3A_200, %dma_start3A_335] : memref<5x2x128xi32, #tpu.memory_space<vmem>> -> memref<1x1x128xi32, #tpu.memory_space<vmem>>
      %dma_start3A_337 = tpu.memref_squeeze %dma_start3A_336 : memref<1x1x128xi32, #tpu.memory_space<vmem>> -> memref<128xi32, #tpu.memory_space<vmem>>
      %dma_start3A_338 = arith.constant 0 : i32
      %dma_start3A_339 = arith.constant 0 : i32
      %dma_start3A_340 = tpu.memref_slice %arg8[%dma_start3A_338, %dma_start3A_339] : memref<10112x64xbf16, #tpu.memory_space<vmem_shared>> -> memref<10112x64xbf16, #tpu.memory_space<vmem_shared>>
      tpu.enqueue_indirect_dma source(%dma_start3A_334 : memref<128x64xbf16, #tpu.memory_space<vmem>>) target(%dma_start3A_340 : memref<10112x64xbf16, #tpu.memory_space<vmem_shared>>) offsets(%dma_start3A_337 : memref<128xi32, #tpu.memory_space<vmem>>) semaphore(%run_scoped3A_330 : memref<!tpu.dma_semaphore, #tpu.memory_space<semaphore_mem>>) {add = true}
      %dma_wait3A_341 = arith.constant 0 : i32
      %dma_wait3A_342 = arith.constant 0 : i32
      %dma_wait3A_343 = tpu.memref_slice %arg7[%run_scoped3A_198, %dma_wait3A_341, %dma_wait3A_342] : memref<5x128x64xbf16, #tpu.memory_space<vmem>> -> memref<1x128x64xbf16, #tpu.memory_space<vmem>>
      %dma_wait3A_344 = tpu.memref_squeeze %dma_wait3A_343 : memref<1x128x64xbf16, #tpu.memory_space<vmem>> -> memref<128x64xbf16, #tpu.memory_space<vmem>>
      %dma_wait3A_345 = arith.constant 0 : i32
      %dma_wait3A_346 = tpu.memref_slice %arg6[%run_scoped3A_199, %run_scoped3A_200, %dma_wait3A_345] : memref<5x2x128xi32, #tpu.memory_space<vmem>> -> memref<1x1x128xi32, #tpu.memory_space<vmem>>
      %dma_wait3A_347 = tpu.memref_squeeze %dma_wait3A_346 : memref<1x1x128xi32, #tpu.memory_space<vmem>> -> memref<128xi32, #tpu.memory_space<vmem>>
      %dma_wait3A_348 = arith.constant 0 : i32
      %dma_wait3A_349 = arith.constant 0 : i32
      %dma_wait3A_350 = tpu.memref_slice %arg8[%dma_wait3A_348, %dma_wait3A_349] : memref<10112x64xbf16, #tpu.memory_space<vmem_shared>> -> memref<10112x64xbf16, #tpu.memory_space<vmem_shared>>
      tpu.wait_indirect_dma semaphore(%run_scoped3A_330 : memref<!tpu.dma_semaphore, #tpu.memory_space<semaphore_mem>>) src(%dma_wait3A_344 : memref<128x64xbf16, #tpu.memory_space<vmem>>) dst(%dma_wait3A_350 : memref<10112x64xbf16, #tpu.memory_space<vmem_shared>>)
      tpu.yield
    }) : () -> ()
    %dma_start3A_201 = arith.constant 79 : i32
    %dma_start3A_202 = arith.constant 4 : i32
    %dma_start3A_203 = arith.constant 0 : i32
    %dma_start3A_204 = arith.constant 0 : i32
    %dma_start3A_205 = tpu.memref_slice %arg6[%dma_start3A_202, %dma_start3A_203, %dma_start3A_204] : memref<5x2x128xi32, #tpu.memory_space<vmem>> -> memref<1x2x128xi32, #tpu.memory_space<vmem>>
    %dma_start3A_206 = tpu.memref_squeeze %dma_start3A_205 : memref<1x2x128xi32, #tpu.memory_space<vmem>> -> memref<2x128xi32, #tpu.memory_space<vmem>>
    %dma_start3A_207 = arith.constant 0 : i32
    %dma_start3A_208 = arith.constant 0 : i32
    %dma_start3A_209 = tpu.memref_slice %arg3[%add3A, %dma_start3A_201, %dma_start3A_207, %dma_start3A_208] : memref<32x80x2x128xi32, #tpu.memory_space<hbm>> -> memref<1x1x2x128xi32, #tpu.memory_space<hbm>>
    %dma_start3A_210 = tpu.memref_squeeze %dma_start3A_209 : memref<1x1x2x128xi32, #tpu.memory_space<hbm>> -> memref<2x128xi32, #tpu.memory_space<hbm>>
    %dma_start3A_211 = arith.constant 0 : i32
    %dma_start3A_212 = arith.constant 0 : i32
    %dma_start3A_213 = tpu.memref_slice %arg6[%dma_start3A_202, %dma_start3A_211, %dma_start3A_212] : memref<5x2x128xi32, #tpu.memory_space<vmem>> -> memref<1x2x128xi32, #tpu.memory_space<vmem>>
    %dma_start3A_214 = tpu.memref_squeeze %dma_start3A_213 : memref<1x2x128xi32, #tpu.memory_space<vmem>> -> memref<2x128xi32, #tpu.memory_space<vmem>>
    %dma_start3A_215 = arith.constant 0 : i32
    %dma_start3A_216 = arith.constant 0 : i32
    %dma_start3A_217 = tpu.memref_slice %arg3[%add3A, %dma_start3A_201, %dma_start3A_215, %dma_start3A_216] : memref<32x80x2x128xi32, #tpu.memory_space<hbm>> -> memref<1x1x2x128xi32, #tpu.memory_space<hbm>>
    %dma_start3A_218 = tpu.memref_squeeze %dma_start3A_217 : memref<1x1x2x128xi32, #tpu.memory_space<hbm>> -> memref<2x128xi32, #tpu.memory_space<hbm>>
    tpu.enqueue_dma source(%dma_start3A_218 : memref<2x128xi32, #tpu.memory_space<hbm>>) target(%dma_start3A_214 : memref<2x128xi32, #tpu.memory_space<vmem>>) target_semaphore(%arg14 : memref<!tpu.dma_semaphore, #tpu.memory_space<semaphore_mem>>)
    %dma_wait3A_219 = arith.constant 78 : i32
    %dma_wait3A_220 = arith.constant 3 : i32
    %dma_wait3A_221 = arith.constant 0 : i32
    %dma_wait3A_222 = arith.constant 0 : i32
    %dma_wait3A_223 = tpu.memref_slice %arg6[%dma_wait3A_220, %dma_wait3A_221, %dma_wait3A_222] : memref<5x2x128xi32, #tpu.memory_space<vmem>> -> memref<1x2x128xi32, #tpu.memory_space<vmem>>
    %dma_wait3A_224 = tpu.memref_squeeze %dma_wait3A_223 : memref<1x2x128xi32, #tpu.memory_space<vmem>> -> memref<2x128xi32, #tpu.memory_space<vmem>>
    %dma_wait3A_225 = arith.constant 0 : i32
    %dma_wait3A_226 = arith.constant 0 : i32
    %dma_wait3A_227 = tpu.memref_slice %arg3[%add3A, %dma_wait3A_219, %dma_wait3A_225, %dma_wait3A_226] : memref<32x80x2x128xi32, #tpu.memory_space<hbm>> -> memref<1x1x2x128xi32, #tpu.memory_space<hbm>>
    %dma_wait3A_228 = tpu.memref_squeeze %dma_wait3A_227 : memref<1x1x2x128xi32, #tpu.memory_space<hbm>> -> memref<2x128xi32, #tpu.memory_space<hbm>>
    %dma_wait3A_229 = arith.constant 0 : i32
    %dma_wait3A_230 = arith.constant 0 : i32
    %dma_wait3A_231 = tpu.memref_slice %arg6[%dma_wait3A_220, %dma_wait3A_229, %dma_wait3A_230] : memref<5x2x128xi32, #tpu.memory_space<vmem>> -> memref<1x2x128xi32, #tpu.memory_space<vmem>>
    %dma_wait3A_232 = tpu.memref_squeeze %dma_wait3A_231 : memref<1x2x128xi32, #tpu.memory_space<vmem>> -> memref<2x128xi32, #tpu.memory_space<vmem>>
    %dma_wait3A_233 = arith.constant 0 : i32
    %dma_wait3A_234 = arith.constant 0 : i32
    %dma_wait3A_235 = tpu.memref_slice %arg3[%add3A, %dma_wait3A_219, %dma_wait3A_233, %dma_wait3A_234] : memref<32x80x2x128xi32, #tpu.memory_space<hbm>> -> memref<1x1x2x128xi32, #tpu.memory_space<hbm>>
    %dma_wait3A_236 = tpu.memref_squeeze %dma_wait3A_235 : memref<1x1x2x128xi32, #tpu.memory_space<hbm>> -> memref<2x128xi32, #tpu.memory_space<hbm>>
    tpu.wait_dma2 semaphore(%arg13 : memref<!tpu.dma_semaphore, #tpu.memory_space<semaphore_mem>>) src(%dma_wait3A_236 : memref<2x128xi32, #tpu.memory_space<hbm>>) dst(%dma_wait3A_232 : memref<2x128xi32, #tpu.memory_space<vmem>>)
    %dma_start3A_237 = arith.constant 3 : i32
    %dma_start3A_238 = arith.constant 0 : i32
    %dma_start3A_239 = arith.constant 3 : i32
    %dma_start3A_240 = arith.constant 0 : i32
    %dma_start3A_241 = arith.constant 0 : i32
    %dma_start3A_242 = tpu.memref_slice %arg7[%dma_start3A_239, %dma_start3A_240, %dma_start3A_241] : memref<5x128x64xbf16, #tpu.memory_space<vmem>> -> memref<1x128x64xbf16, #tpu.memory_space<vmem>>
    %dma_start3A_243 = tpu.memref_squeeze %dma_start3A_242 : memref<1x128x64xbf16, #tpu.memory_space<vmem>> -> memref<128x64xbf16, #tpu.memory_space<vmem>>
    %dma_start3A_244 = arith.constant 0 : i32
    %dma_start3A_245 = tpu.memref_slice %arg6[%dma_start3A_237, %dma_start3A_238, %dma_start3A_244] : memref<5x2x128xi32, #tpu.memory_space<vmem>> -> memref<1x1x128xi32, #tpu.memory_space<vmem>>
    %dma_start3A_246 = tpu.memref_squeeze %dma_start3A_245 : memref<1x1x128xi32, #tpu.memory_space<vmem>> -> memref<128xi32, #tpu.memory_space<vmem>>
    %dma_start3A_247 = arith.constant 0 : i32
    %dma_start3A_248 = arith.constant 0 : i32
    %dma_start3A_249 = tpu.memref_slice %arg9[%dma_start3A_247, %dma_start3A_248] : memref<10112x64xbf16, #tpu.memory_space<vmem_shared>> -> memref<10112x64xbf16, #tpu.memory_space<vmem_shared>>
    tpu.enqueue_indirect_dma source(%dma_start3A_249 : memref<10112x64xbf16, #tpu.memory_space<vmem_shared>>) target(%dma_start3A_243 : memref<128x64xbf16, #tpu.memory_space<vmem>>) offsets(%dma_start3A_246 : memref<128xi32, #tpu.memory_space<vmem>>) semaphore(%arg18 : memref<!tpu.dma_semaphore, #tpu.memory_space<semaphore_mem>>)
    %dma_wait3A_250 = arith.constant 2 : i32
    %dma_wait3A_251 = arith.constant 0 : i32
    %dma_wait3A_252 = arith.constant 2 : i32
    %dma_wait3A_253 = arith.constant 0 : i32
    %dma_wait3A_254 = arith.constant 0 : i32
    %dma_wait3A_255 = tpu.memref_slice %arg7[%dma_wait3A_252, %dma_wait3A_253, %dma_wait3A_254] : memref<5x128x64xbf16, #tpu.memory_space<vmem>> -> memref<1x128x64xbf16, #tpu.memory_space<vmem>>
    %dma_wait3A_256 = tpu.memref_squeeze %dma_wait3A_255 : memref<1x128x64xbf16, #tpu.memory_space<vmem>> -> memref<128x64xbf16, #tpu.memory_space<vmem>>
    %dma_wait3A_257 = arith.constant 0 : i32
    %dma_wait3A_258 = tpu.memref_slice %arg6[%dma_wait3A_250, %dma_wait3A_251, %dma_wait3A_257] : memref<5x2x128xi32, #tpu.memory_space<vmem>> -> memref<1x1x128xi32, #tpu.memory_space<vmem>>
    %dma_wait3A_259 = tpu.memref_squeeze %dma_wait3A_258 : memref<1x1x128xi32, #tpu.memory_space<vmem>> -> memref<128xi32, #tpu.memory_space<vmem>>
    %dma_wait3A_260 = arith.constant 0 : i32
    %dma_wait3A_261 = arith.constant 0 : i32
    %dma_wait3A_262 = tpu.memref_slice %arg9[%dma_wait3A_260, %dma_wait3A_261] : memref<10112x64xbf16, #tpu.memory_space<vmem_shared>> -> memref<10112x64xbf16, #tpu.memory_space<vmem_shared>>
    tpu.wait_indirect_dma semaphore(%arg17 : memref<!tpu.dma_semaphore, #tpu.memory_space<semaphore_mem>>) src(%dma_wait3A_262 : memref<10112x64xbf16, #tpu.memory_space<vmem_shared>>) dst(%dma_wait3A_256 : memref<128x64xbf16, #tpu.memory_space<vmem>>)
    %run_scoped3A_263 = arith.constant 2 : i32
    %run_scoped3A_264 = arith.constant 2 : i32
    %run_scoped3A_265 = arith.constant 1 : i32
    "tpu.region"() ({
      %run_scoped3A_330 = tpu.sem_alloc : memref<!tpu.dma_semaphore, #tpu.memory_space<semaphore_mem>>
      %dma_start3A_331 = arith.constant 0 : i32
      %dma_start3A_332 = arith.constant 0 : i32
      %dma_start3A_333 = tpu.memref_slice %arg7[%run_scoped3A_263, %dma_start3A_331, %dma_start3A_332] : memref<5x128x64xbf16, #tpu.memory_space<vmem>> -> memref<1x128x64xbf16, #tpu.memory_space<vmem>>
      %dma_start3A_334 = tpu.memref_squeeze %dma_start3A_333 : memref<1x128x64xbf16, #tpu.memory_space<vmem>> -> memref<128x64xbf16, #tpu.memory_space<vmem>>
      %dma_start3A_335 = arith.constant 0 : i32
      %dma_start3A_336 = tpu.memref_slice %arg6[%run_scoped3A_264, %run_scoped3A_265, %dma_start3A_335] : memref<5x2x128xi32, #tpu.memory_space<vmem>> -> memref<1x1x128xi32, #tpu.memory_space<vmem>>
      %dma_start3A_337 = tpu.memref_squeeze %dma_start3A_336 : memref<1x1x128xi32, #tpu.memory_space<vmem>> -> memref<128xi32, #tpu.memory_space<vmem>>
      %dma_start3A_338 = arith.constant 0 : i32
      %dma_start3A_339 = arith.constant 0 : i32
      %dma_start3A_340 = tpu.memref_slice %arg8[%dma_start3A_338, %dma_start3A_339] : memref<10112x64xbf16, #tpu.memory_space<vmem_shared>> -> memref<10112x64xbf16, #tpu.memory_space<vmem_shared>>
      tpu.enqueue_indirect_dma source(%dma_start3A_334 : memref<128x64xbf16, #tpu.memory_space<vmem>>) target(%dma_start3A_340 : memref<10112x64xbf16, #tpu.memory_space<vmem_shared>>) offsets(%dma_start3A_337 : memref<128xi32, #tpu.memory_space<vmem>>) semaphore(%run_scoped3A_330 : memref<!tpu.dma_semaphore, #tpu.memory_space<semaphore_mem>>) {add = true}
      %dma_wait3A_341 = arith.constant 0 : i32
      %dma_wait3A_342 = arith.constant 0 : i32
      %dma_wait3A_343 = tpu.memref_slice %arg7[%run_scoped3A_263, %dma_wait3A_341, %dma_wait3A_342] : memref<5x128x64xbf16, #tpu.memory_space<vmem>> -> memref<1x128x64xbf16, #tpu.memory_space<vmem>>
      %dma_wait3A_344 = tpu.memref_squeeze %dma_wait3A_343 : memref<1x128x64xbf16, #tpu.memory_space<vmem>> -> memref<128x64xbf16, #tpu.memory_space<vmem>>
      %dma_wait3A_345 = arith.constant 0 : i32
      %dma_wait3A_346 = tpu.memref_slice %arg6[%run_scoped3A_264, %run_scoped3A_265, %dma_wait3A_345] : memref<5x2x128xi32, #tpu.memory_space<vmem>> -> memref<1x1x128xi32, #tpu.memory_space<vmem>>
      %dma_wait3A_347 = tpu.memref_squeeze %dma_wait3A_346 : memref<1x1x128xi32, #tpu.memory_space<vmem>> -> memref<128xi32, #tpu.memory_space<vmem>>
      %dma_wait3A_348 = arith.constant 0 : i32
      %dma_wait3A_349 = arith.constant 0 : i32
      %dma_wait3A_350 = tpu.memref_slice %arg8[%dma_wait3A_348, %dma_wait3A_349] : memref<10112x64xbf16, #tpu.memory_space<vmem_shared>> -> memref<10112x64xbf16, #tpu.memory_space<vmem_shared>>
      tpu.wait_indirect_dma semaphore(%run_scoped3A_330 : memref<!tpu.dma_semaphore, #tpu.memory_space<semaphore_mem>>) src(%dma_wait3A_344 : memref<128x64xbf16, #tpu.memory_space<vmem>>) dst(%dma_wait3A_350 : memref<10112x64xbf16, #tpu.memory_space<vmem_shared>>)
      tpu.yield
    }) : () -> ()
    %dma_wait3A_266 = arith.constant 79 : i32
    %dma_wait3A_267 = arith.constant 4 : i32
    %dma_wait3A_268 = arith.constant 0 : i32
    %dma_wait3A_269 = arith.constant 0 : i32
    %dma_wait3A_270 = tpu.memref_slice %arg6[%dma_wait3A_267, %dma_wait3A_268, %dma_wait3A_269] : memref<5x2x128xi32, #tpu.memory_space<vmem>> -> memref<1x2x128xi32, #tpu.memory_space<vmem>>
    %dma_wait3A_271 = tpu.memref_squeeze %dma_wait3A_270 : memref<1x2x128xi32, #tpu.memory_space<vmem>> -> memref<2x128xi32, #tpu.memory_space<vmem>>
    %dma_wait3A_272 = arith.constant 0 : i32
    %dma_wait3A_273 = arith.constant 0 : i32
    %dma_wait3A_274 = tpu.memref_slice %arg3[%add3A, %dma_wait3A_266, %dma_wait3A_272, %dma_wait3A_273] : memref<32x80x2x128xi32, #tpu.memory_space<hbm>> -> memref<1x1x2x128xi32, #tpu.memory_space<hbm>>
    %dma_wait3A_275 = tpu.memref_squeeze %dma_wait3A_274 : memref<1x1x2x128xi32, #tpu.memory_space<hbm>> -> memref<2x128xi32, #tpu.memory_space<hbm>>
    %dma_wait3A_276 = arith.constant 0 : i32
    %dma_wait3A_277 = arith.constant 0 : i32
    %dma_wait3A_278 = tpu.memref_slice %arg6[%dma_wait3A_267, %dma_wait3A_276, %dma_wait3A_277] : memref<5x2x128xi32, #tpu.memory_space<vmem>> -> memref<1x2x128xi32, #tpu.memory_space<vmem>>
    %dma_wait3A_279 = tpu.memref_squeeze %dma_wait3A_278 : memref<1x2x128xi32, #tpu.memory_space<vmem>> -> memref<2x128xi32, #tpu.memory_space<vmem>>
    %dma_wait3A_280 = arith.constant 0 : i32
    %dma_wait3A_281 = arith.constant 0 : i32
    %dma_wait3A_282 = tpu.memref_slice %arg3[%add3A, %dma_wait3A_266, %dma_wait3A_280, %dma_wait3A_281] : memref<32x80x2x128xi32, #tpu.memory_space<hbm>> -> memref<1x1x2x128xi32, #tpu.memory_space<hbm>>
    %dma_wait3A_283 = tpu.memref_squeeze %dma_wait3A_282 : memref<1x1x2x128xi32, #tpu.memory_space<hbm>> -> memref<2x128xi32, #tpu.memory_space<hbm>>
    tpu.wait_dma2 semaphore(%arg14 : memref<!tpu.dma_semaphore, #tpu.memory_space<semaphore_mem>>) src(%dma_wait3A_283 : memref<2x128xi32, #tpu.memory_space<hbm>>) dst(%dma_wait3A_279 : memref<2x128xi32, #tpu.memory_space<vmem>>)
    %dma_start3A_284 = arith.constant 4 : i32
    %dma_start3A_285 = arith.constant 0 : i32
    %dma_start3A_286 = arith.constant 4 : i32
    %dma_start3A_287 = arith.constant 0 : i32
    %dma_start3A_288 = arith.constant 0 : i32
    %dma_start3A_289 = tpu.memref_slice %arg7[%dma_start3A_286, %dma_start3A_287, %dma_start3A_288] : memref<5x128x64xbf16, #tpu.memory_space<vmem>> -> memref<1x128x64xbf16, #tpu.memory_space<vmem>>
    %dma_start3A_290 = tpu.memref_squeeze %dma_start3A_289 : memref<1x128x64xbf16, #tpu.memory_space<vmem>> -> memref<128x64xbf16, #tpu.memory_space<vmem>>
    %dma_start3A_291 = arith.constant 0 : i32
    %dma_start3A_292 = tpu.memref_slice %arg6[%dma_start3A_284, %dma_start3A_285, %dma_start3A_291] : memref<5x2x128xi32, #tpu.memory_space<vmem>> -> memref<1x1x128xi32, #tpu.memory_space<vmem>>
    %dma_start3A_293 = tpu.memref_squeeze %dma_start3A_292 : memref<1x1x128xi32, #tpu.memory_space<vmem>> -> memref<128xi32, #tpu.memory_space<vmem>>
    %dma_start3A_294 = arith.constant 0 : i32
    %dma_start3A_295 = arith.constant 0 : i32
    %dma_start3A_296 = tpu.memref_slice %arg9[%dma_start3A_294, %dma_start3A_295] : memref<10112x64xbf16, #tpu.memory_space<vmem_shared>> -> memref<10112x64xbf16, #tpu.memory_space<vmem_shared>>
    tpu.enqueue_indirect_dma source(%dma_start3A_296 : memref<10112x64xbf16, #tpu.memory_space<vmem_shared>>) target(%dma_start3A_290 : memref<128x64xbf16, #tpu.memory_space<vmem>>) offsets(%dma_start3A_293 : memref<128xi32, #tpu.memory_space<vmem>>) semaphore(%arg19 : memref<!tpu.dma_semaphore, #tpu.memory_space<semaphore_mem>>)
    %dma_wait3A_297 = arith.constant 3 : i32
    %dma_wait3A_298 = arith.constant 0 : i32
    %dma_wait3A_299 = arith.constant 3 : i32
    %dma_wait3A_300 = arith.constant 0 : i32
    %dma_wait3A_301 = arith.constant 0 : i32
    %dma_wait3A_302 = tpu.memref_slice %arg7[%dma_wait3A_299, %dma_wait3A_300, %dma_wait3A_301] : memref<5x128x64xbf16, #tpu.memory_space<vmem>> -> memref<1x128x64xbf16, #tpu.memory_space<vmem>>
    %dma_wait3A_303 = tpu.memref_squeeze %dma_wait3A_302 : memref<1x128x64xbf16, #tpu.memory_space<vmem>> -> memref<128x64xbf16, #tpu.memory_space<vmem>>
    %dma_wait3A_304 = arith.constant 0 : i32
    %dma_wait3A_305 = tpu.memref_slice %arg6[%dma_wait3A_297, %dma_wait3A_298, %dma_wait3A_304] : memref<5x2x128xi32, #tpu.memory_space<vmem>> -> memref<1x1x128xi32, #tpu.memory_space<vmem>>
    %dma_wait3A_306 = tpu.memref_squeeze %dma_wait3A_305 : memref<1x1x128xi32, #tpu.memory_space<vmem>> -> memref<128xi32, #tpu.memory_space<vmem>>
    %dma_wait3A_307 = arith.constant 0 : i32
    %dma_wait3A_308 = arith.constant 0 : i32
    %dma_wait3A_309 = tpu.memref_slice %arg9[%dma_wait3A_307, %dma_wait3A_308] : memref<10112x64xbf16, #tpu.memory_space<vmem_shared>> -> memref<10112x64xbf16, #tpu.memory_space<vmem_shared>>
    tpu.wait_indirect_dma semaphore(%arg18 : memref<!tpu.dma_semaphore, #tpu.memory_space<semaphore_mem>>) src(%dma_wait3A_309 : memref<10112x64xbf16, #tpu.memory_space<vmem_shared>>) dst(%dma_wait3A_303 : memref<128x64xbf16, #tpu.memory_space<vmem>>)
    %run_scoped3A_310 = arith.constant 3 : i32
    %run_scoped3A_311 = arith.constant 3 : i32
    %run_scoped3A_312 = arith.constant 1 : i32
    "tpu.region"() ({
      %run_scoped3A_330 = tpu.sem_alloc : memref<!tpu.dma_semaphore, #tpu.memory_space<semaphore_mem>>
      %dma_start3A_331 = arith.constant 0 : i32
      %dma_start3A_332 = arith.constant 0 : i32
      %dma_start3A_333 = tpu.memref_slice %arg7[%run_scoped3A_310, %dma_start3A_331, %dma_start3A_332] : memref<5x128x64xbf16, #tpu.memory_space<vmem>> -> memref<1x128x64xbf16, #tpu.memory_space<vmem>>
      %dma_start3A_334 = tpu.memref_squeeze %dma_start3A_333 : memref<1x128x64xbf16, #tpu.memory_space<vmem>> -> memref<128x64xbf16, #tpu.memory_space<vmem>>
      %dma_start3A_335 = arith.constant 0 : i32
      %dma_start3A_336 = tpu.memref_slice %arg6[%run_scoped3A_311, %run_scoped3A_312, %dma_start3A_335] : memref<5x2x128xi32, #tpu.memory_space<vmem>> -> memref<1x1x128xi32, #tpu.memory_space<vmem>>
      %dma_start3A_337 = tpu.memref_squeeze %dma_start3A_336 : memref<1x1x128xi32, #tpu.memory_space<vmem>> -> memref<128xi32, #tpu.memory_space<vmem>>
      %dma_start3A_338 = arith.constant 0 : i32
      %dma_start3A_339 = arith.constant 0 : i32
      %dma_start3A_340 = tpu.memref_slice %arg8[%dma_start3A_338, %dma_start3A_339] : memref<10112x64xbf16, #tpu.memory_space<vmem_shared>> -> memref<10112x64xbf16, #tpu.memory_space<vmem_shared>>
      tpu.enqueue_indirect_dma source(%dma_start3A_334 : memref<128x64xbf16, #tpu.memory_space<vmem>>) target(%dma_start3A_340 : memref<10112x64xbf16, #tpu.memory_space<vmem_shared>>) offsets(%dma_start3A_337 : memref<128xi32, #tpu.memory_space<vmem>>) semaphore(%run_scoped3A_330 : memref<!tpu.dma_semaphore, #tpu.memory_space<semaphore_mem>>) {add = true}
      %dma_wait3A_341 = arith.constant 0 : i32
      %dma_wait3A_342 = arith.constant 0 : i32
      %dma_wait3A_343 = tpu.memref_slice %arg7[%run_scoped3A_310, %dma_wait3A_341, %dma_wait3A_342] : memref<5x128x64xbf16, #tpu.memory_space<vmem>> -> memref<1x128x64xbf16, #tpu.memory_space<vmem>>
      %dma_wait3A_344 = tpu.memref_squeeze %dma_wait3A_343 : memref<1x128x64xbf16, #tpu.memory_space<vmem>> -> memref<128x64xbf16, #tpu.memory_space<vmem>>
      %dma_wait3A_345 = arith.constant 0 : i32
      %dma_wait3A_346 = tpu.memref_slice %arg6[%run_scoped3A_311, %run_scoped3A_312, %dma_wait3A_345] : memref<5x2x128xi32, #tpu.memory_space<vmem>> -> memref<1x1x128xi32, #tpu.memory_space<vmem>>
      %dma_wait3A_347 = tpu.memref_squeeze %dma_wait3A_346 : memref<1x1x128xi32, #tpu.memory_space<vmem>> -> memref<128xi32, #tpu.memory_space<vmem>>
      %dma_wait3A_348 = arith.constant 0 : i32
      %dma_wait3A_349 = arith.constant 0 : i32
      %dma_wait3A_350 = tpu.memref_slice %arg8[%dma_wait3A_348, %dma_wait3A_349] : memref<10112x64xbf16, #tpu.memory_space<vmem_shared>> -> memref<10112x64xbf16, #tpu.memory_space<vmem_shared>>
      tpu.wait_indirect_dma semaphore(%run_scoped3A_330 : memref<!tpu.dma_semaphore, #tpu.memory_space<semaphore_mem>>) src(%dma_wait3A_344 : memref<128x64xbf16, #tpu.memory_space<vmem>>) dst(%dma_wait3A_350 : memref<10112x64xbf16, #tpu.memory_space<vmem_shared>>)
      tpu.yield
    }) : () -> ()
    %dma_wait3A_313 = arith.constant 4 : i32
    %dma_wait3A_314 = arith.constant 0 : i32
    %dma_wait3A_315 = arith.constant 4 : i32
    %dma_wait3A_316 = arith.constant 0 : i32
    %dma_wait3A_317 = arith.constant 0 : i32
    %dma_wait3A_318 = tpu.memref_slice %arg7[%dma_wait3A_315, %dma_wait3A_316, %dma_wait3A_317] : memref<5x128x64xbf16, #tpu.memory_space<vmem>> -> memref<1x128x64xbf16, #tpu.memory_space<vmem>>
    %dma_wait3A_319 = tpu.memref_squeeze %dma_wait3A_318 : memref<1x128x64xbf16, #tpu.memory_space<vmem>> -> memref<128x64xbf16, #tpu.memory_space<vmem>>
    %dma_wait3A_320 = arith.constant 0 : i32
    %dma_wait3A_321 = tpu.memref_slice %arg6[%dma_wait3A_313, %dma_wait3A_314, %dma_wait3A_320] : memref<5x2x128xi32, #tpu.memory_space<vmem>> -> memref<1x1x128xi32, #tpu.memory_space<vmem>>
    %dma_wait3A_322 = tpu.memref_squeeze %dma_wait3A_321 : memref<1x1x128xi32, #tpu.memory_space<vmem>> -> memref<128xi32, #tpu.memory_space<vmem>>
    %dma_wait3A_323 = arith.constant 0 : i32
    %dma_wait3A_324 = arith.constant 0 : i32
    %dma_wait3A_325 = tpu.memref_slice %arg9[%dma_wait3A_323, %dma_wait3A_324] : memref<10112x64xbf16, #tpu.memory_space<vmem_shared>> -> memref<10112x64xbf16, #tpu.memory_space<vmem_shared>>
    tpu.wait_indirect_dma semaphore(%arg19 : memref<!tpu.dma_semaphore, #tpu.memory_space<semaphore_mem>>) src(%dma_wait3A_325 : memref<10112x64xbf16, #tpu.memory_space<vmem_shared>>) dst(%dma_wait3A_319 : memref<128x64xbf16, #tpu.memory_space<vmem>>)
    %run_scoped3A_326 = arith.constant 4 : i32
    %run_scoped3A_327 = arith.constant 4 : i32
    %run_scoped3A_328 = arith.constant 1 : i32
    "tpu.region"() ({
      %run_scoped3A_330 = tpu.sem_alloc : memref<!tpu.dma_semaphore, #tpu.memory_space<semaphore_mem>>
      %dma_start3A_331 = arith.constant 0 : i32
      %dma_start3A_332 = arith.constant 0 : i32
      %dma_start3A_333 = tpu.memref_slice %arg7[%run_scoped3A_326, %dma_start3A_331, %dma_start3A_332] : memref<5x128x64xbf16, #tpu.memory_space<vmem>> -> memref<1x128x64xbf16, #tpu.memory_space<vmem>>
      %dma_start3A_334 = tpu.memref_squeeze %dma_start3A_333 : memref<1x128x64xbf16, #tpu.memory_space<vmem>> -> memref<128x64xbf16, #tpu.memory_space<vmem>>
      %dma_start3A_335 = arith.constant 0 : i32
      %dma_start3A_336 = tpu.memref_slice %arg6[%run_scoped3A_327, %run_scoped3A_328, %dma_start3A_335] : memref<5x2x128xi32, #tpu.memory_space<vmem>> -> memref<1x1x128xi32, #tpu.memory_space<vmem>>
      %dma_start3A_337 = tpu.memref_squeeze %dma_start3A_336 : memref<1x1x128xi32, #tpu.memory_space<vmem>> -> memref<128xi32, #tpu.memory_space<vmem>>
      %dma_start3A_338 = arith.constant 0 : i32
      %dma_start3A_339 = arith.constant 0 : i32
      %dma_start3A_340 = tpu.memref_slice %arg8[%dma_start3A_338, %dma_start3A_339] : memref<10112x64xbf16, #tpu.memory_space<vmem_shared>> -> memref<10112x64xbf16, #tpu.memory_space<vmem_shared>>
      tpu.enqueue_indirect_dma source(%dma_start3A_334 : memref<128x64xbf16, #tpu.memory_space<vmem>>) target(%dma_start3A_340 : memref<10112x64xbf16, #tpu.memory_space<vmem_shared>>) offsets(%dma_start3A_337 : memref<128xi32, #tpu.memory_space<vmem>>) semaphore(%run_scoped3A_330 : memref<!tpu.dma_semaphore, #tpu.memory_space<semaphore_mem>>) {add = true}
      %dma_wait3A_341 = arith.constant 0 : i32
      %dma_wait3A_342 = arith.constant 0 : i32
      %dma_wait3A_343 = tpu.memref_slice %arg7[%run_scoped3A_326, %dma_wait3A_341, %dma_wait3A_342] : memref<5x128x64xbf16, #tpu.memory_space<vmem>> -> memref<1x128x64xbf16, #tpu.memory_space<vmem>>
      %dma_wait3A_344 = tpu.memref_squeeze %dma_wait3A_343 : memref<1x128x64xbf16, #tpu.memory_space<vmem>> -> memref<128x64xbf16, #tpu.memory_space<vmem>>
      %dma_wait3A_345 = arith.constant 0 : i32
      %dma_wait3A_346 = tpu.memref_slice %arg6[%run_scoped3A_327, %run_scoped3A_328, %dma_wait3A_345] : memref<5x2x128xi32, #tpu.memory_space<vmem>> -> memref<1x1x128xi32, #tpu.memory_space<vmem>>
      %dma_wait3A_347 = tpu.memref_squeeze %dma_wait3A_346 : memref<1x1x128xi32, #tpu.memory_space<vmem>> -> memref<128xi32, #tpu.memory_space<vmem>>
      %dma_wait3A_348 = arith.constant 0 : i32
      %dma_wait3A_349 = arith.constant 0 : i32
      %dma_wait3A_350 = tpu.memref_slice %arg8[%dma_wait3A_348, %dma_wait3A_349] : memref<10112x64xbf16, #tpu.memory_space<vmem_shared>> -> memref<10112x64xbf16, #tpu.memory_space<vmem_shared>>
      tpu.wait_indirect_dma semaphore(%run_scoped3A_330 : memref<!tpu.dma_semaphore, #tpu.memory_space<semaphore_mem>>) src(%dma_wait3A_344 : memref<128x64xbf16, #tpu.memory_space<vmem>>) dst(%dma_wait3A_350 : memref<10112x64xbf16, #tpu.memory_space<vmem_shared>>)
      tpu.yield
    }) : () -> ()
    %barrier3A_329 = arith.constant 0 : index
    tpu.barrier barrier_id(%barrier3A_329)
    "tpu.region"() ({
      %run_scoped3A_330 = tpu.sem_alloc : memref<!tpu.dma_semaphore, #tpu.memory_space<semaphore_mem>>
      %dma_start3A_331 = arith.constant 0 : i32
      %dma_start3A_332 = tpu.memref_slice %arg5[%arg0, %mul3A_55, %dma_start3A_331] : memref<2x10112x64xbf16, #tpu.memory_space<hbm>> -> memref<1x632x64xbf16, #tpu.memory_space<hbm>>
      %dma_start3A_333 = tpu.memref_squeeze %dma_start3A_332 : memref<1x632x64xbf16, #tpu.memory_space<hbm>> -> memref<632x64xbf16, #tpu.memory_space<hbm>>
      %dma_start3A_334 = arith.constant 0 : i32
      %dma_start3A_335 = tpu.memref_slice %arg8[%mul3A_55, %dma_start3A_334] : memref<10112x64xbf16, #tpu.memory_space<vmem_shared>> -> memref<632x64xbf16, #tpu.memory_space<vmem_shared>>
      tpu.enqueue_dma source(%dma_start3A_335 : memref<632x64xbf16, #tpu.memory_space<vmem_shared>>) target(%dma_start3A_333 : memref<632x64xbf16, #tpu.memory_space<hbm>>) target_semaphore(%run_scoped3A_330 : memref<!tpu.dma_semaphore, #tpu.memory_space<semaphore_mem>>)
      %dma_wait3A_336 = arith.constant 0 : i32
      %dma_wait3A_337 = tpu.memref_slice %arg5[%arg0, %mul3A_55, %dma_wait3A_336] : memref<2x10112x64xbf16, #tpu.memory_space<hbm>> -> memref<1x632x64xbf16, #tpu.memory_space<hbm>>
      %dma_wait3A_338 = tpu.memref_squeeze %dma_wait3A_337 : memref<1x632x64xbf16, #tpu.memory_space<hbm>> -> memref<632x64xbf16, #tpu.memory_space<hbm>>
      %dma_wait3A_339 = arith.constant 0 : i32
      %dma_wait3A_340 = tpu.memref_slice %arg8[%mul3A_55, %dma_wait3A_339] : memref<10112x64xbf16, #tpu.memory_space<vmem_shared>> -> memref<632x64xbf16, #tpu.memory_space<vmem_shared>>
      tpu.wait_dma2 semaphore(%run_scoped3A_330 : memref<!tpu.dma_semaphore, #tpu.memory_space<semaphore_mem>>) src(%dma_wait3A_340 : memref<632x64xbf16, #tpu.memory_space<vmem_shared>>) dst(%dma_wait3A_338 : memref<632x64xbf16, #tpu.memory_space<hbm>>)
      tpu.yield
    }) : () -> ()
    return
  }
}

#map = affine_map<(d0, d1) -> (0, 0)>
#map1 = affine_map<(d0, d1) -> (0, 0, 0, 0)>
#map2 = affine_map<(d0, d1) -> (0, 0, 0)>
module attributes {stable_mosaic.version = 14 : i64} {
  func.func @prop(%arg0: i32, %arg1: i32, %arg2: memref<10112x128xbf16, #tpu.memory_space<hbm>>, %arg3: memref<32x80x2x128xi32, #tpu.memory_space<hbm>>, %arg4: memref<10112x128xbf16, #tpu.memory_space<hbm>>, %arg5: memref<2x10112x128xbf16, #tpu.memory_space<hbm>>, %arg6: memref<5x2x128xi32, #tpu.memory_space<vmem>>, %arg7: memref<5x128x128xbf16, #tpu.memory_space<vmem>>, %arg8: memref<10112x128xbf16, #tpu.memory_space<vmem_shared>>, %arg9: memref<10112x128xbf16, #tpu.memory_space<vmem_shared>>, %arg10: memref<!tpu.dma_semaphore, #tpu.memory_space<semaphore_mem>>, %arg11: memref<!tpu.dma_semaphore, #tpu.memory_space<semaphore_mem>>, %arg12: memref<!tpu.dma_semaphore, #tpu.memory_space<semaphore_mem>>, %arg13: memref<!tpu.dma_semaphore, #tpu.memory_space<semaphore_mem>>, %arg14: memref<!tpu.dma_semaphore, #tpu.memory_space<semaphore_mem>>, %arg15: memref<!tpu.dma_semaphore, #tpu.memory_space<semaphore_mem>>, %arg16: memref<!tpu.dma_semaphore, #tpu.memory_space<semaphore_mem>>, %arg17: memref<!tpu.dma_semaphore, #tpu.memory_space<semaphore_mem>>, %arg18: memref<!tpu.dma_semaphore, #tpu.memory_space<semaphore_mem>>, %arg19: memref<!tpu.dma_semaphore, #tpu.memory_space<semaphore_mem>>) attributes {dimension_semantics = [#tpu.dimension_semantics<core_parallel>, #tpu.dimension_semantics<subcore_parallel>], iteration_bounds = array<i64: 2, 16>, scalar_prefetch = 0 : i64, scratch_operands = 14 : i64, tpu.core_type = #tpu.core_type<sc_vector_subcore>, window_params = [{transform_indices = #map}, {transform_indices = #map1}, {transform_indices = #map}, {transform_indices = #map2}]} {
    %mul3A = arith.constant 2 : i32
    %mul3A_0 = arith.muli %arg1, %mul3A : i32
    %add3A = arith.addi %mul3A_0, %arg0 : i32
    %dma_start3A = arith.constant 0 : i32
    %dma_start3A_1 = arith.constant 0 : i32
    %dma_start3A_2 = arith.constant 0 : i32
    %dma_start3A_3 = arith.constant 0 : i32
    %dma_start3A_4 = tpu.memref_slice %arg6[%dma_start3A_1, %dma_start3A_2, %dma_start3A_3] : memref<5x2x128xi32, #tpu.memory_space<vmem>> -> memref<1x2x128xi32, #tpu.memory_space<vmem>>
    %dma_start3A_5 = tpu.memref_squeeze %dma_start3A_4 : memref<1x2x128xi32, #tpu.memory_space<vmem>> -> memref<2x128xi32, #tpu.memory_space<vmem>>
    %dma_start3A_6 = arith.constant 0 : i32
    %dma_start3A_7 = arith.constant 0 : i32
    %dma_start3A_8 = tpu.memref_slice %arg3[%add3A, %dma_start3A, %dma_start3A_6, %dma_start3A_7] : memref<32x80x2x128xi32, #tpu.memory_space<hbm>> -> memref<1x1x2x128xi32, #tpu.memory_space<hbm>>
    %dma_start3A_9 = tpu.memref_squeeze %dma_start3A_8 : memref<1x1x2x128xi32, #tpu.memory_space<hbm>> -> memref<2x128xi32, #tpu.memory_space<hbm>>
    %dma_start3A_10 = arith.constant 0 : i32
    %dma_start3A_11 = arith.constant 0 : i32
    %dma_start3A_12 = tpu.memref_slice %arg6[%dma_start3A_1, %dma_start3A_10, %dma_start3A_11] : memref<5x2x128xi32, #tpu.memory_space<vmem>> -> memref<1x2x128xi32, #tpu.memory_space<vmem>>
    %dma_start3A_13 = tpu.memref_squeeze %dma_start3A_12 : memref<1x2x128xi32, #tpu.memory_space<vmem>> -> memref<2x128xi32, #tpu.memory_space<vmem>>
    %dma_start3A_14 = arith.constant 0 : i32
    %dma_start3A_15 = arith.constant 0 : i32
    %dma_start3A_16 = tpu.memref_slice %arg3[%add3A, %dma_start3A, %dma_start3A_14, %dma_start3A_15] : memref<32x80x2x128xi32, #tpu.memory_space<hbm>> -> memref<1x1x2x128xi32, #tpu.memory_space<hbm>>
    %dma_start3A_17 = tpu.memref_squeeze %dma_start3A_16 : memref<1x1x2x128xi32, #tpu.memory_space<hbm>> -> memref<2x128xi32, #tpu.memory_space<hbm>>
    tpu.enqueue_dma source(%dma_start3A_17 : memref<2x128xi32, #tpu.memory_space<hbm>>) target(%dma_start3A_13 : memref<2x128xi32, #tpu.memory_space<vmem>>) target_semaphore(%arg10 : memref<!tpu.dma_semaphore, #tpu.memory_space<semaphore_mem>>)
    %dma_start3A_18 = arith.constant 1 : i32
    %dma_start3A_19 = arith.constant 1 : i32
    %dma_start3A_20 = arith.constant 0 : i32
    %dma_start3A_21 = arith.constant 0 : i32
    %dma_start3A_22 = tpu.memref_slice %arg6[%dma_start3A_19, %dma_start3A_20, %dma_start3A_21] : memref<5x2x128xi32, #tpu.memory_space<vmem>> -> memref<1x2x128xi32, #tpu.memory_space<vmem>>
    %dma_start3A_23 = tpu.memref_squeeze %dma_start3A_22 : memref<1x2x128xi32, #tpu.memory_space<vmem>> -> memref<2x128xi32, #tpu.memory_space<vmem>>
    %dma_start3A_24 = arith.constant 0 : i32
    %dma_start3A_25 = arith.constant 0 : i32
    %dma_start3A_26 = tpu.memref_slice %arg3[%add3A, %dma_start3A_18, %dma_start3A_24, %dma_start3A_25] : memref<32x80x2x128xi32, #tpu.memory_space<hbm>> -> memref<1x1x2x128xi32, #tpu.memory_space<hbm>>
    %dma_start3A_27 = tpu.memref_squeeze %dma_start3A_26 : memref<1x1x2x128xi32, #tpu.memory_space<hbm>> -> memref<2x128xi32, #tpu.memory_space<hbm>>
    %dma_start3A_28 = arith.constant 0 : i32
    %dma_start3A_29 = arith.constant 0 : i32
    %dma_start3A_30 = tpu.memref_slice %arg6[%dma_start3A_19, %dma_start3A_28, %dma_start3A_29] : memref<5x2x128xi32, #tpu.memory_space<vmem>> -> memref<1x2x128xi32, #tpu.memory_space<vmem>>
    %dma_start3A_31 = tpu.memref_squeeze %dma_start3A_30 : memref<1x2x128xi32, #tpu.memory_space<vmem>> -> memref<2x128xi32, #tpu.memory_space<vmem>>
    %dma_start3A_32 = arith.constant 0 : i32
    %dma_start3A_33 = arith.constant 0 : i32
    %dma_start3A_34 = tpu.memref_slice %arg3[%add3A, %dma_start3A_18, %dma_start3A_32, %dma_start3A_33] : memref<32x80x2x128xi32, #tpu.memory_space<hbm>> -> memref<1x1x2x128xi32, #tpu.memory_space<hbm>>
    %dma_start3A_35 = tpu.memref_squeeze %dma_start3A_34 : memref<1x1x2x128xi32, #tpu.memory_space<hbm>> -> memref<2x128xi32, #tpu.memory_space<hbm>>
    tpu.enqueue_dma source(%dma_start3A_35 : memref<2x128xi32, #tpu.memory_space<hbm>>) target(%dma_start3A_31 : memref<2x128xi32, #tpu.memory_space<vmem>>) target_semaphore(%arg11 : memref<!tpu.dma_semaphore, #tpu.memory_space<semaphore_mem>>)
    %dma_start3A_36 = arith.constant 2 : i32
    %dma_start3A_37 = arith.constant 2 : i32
    %dma_start3A_38 = arith.constant 0 : i32
    %dma_start3A_39 = arith.constant 0 : i32
    %dma_start3A_40 = tpu.memref_slice %arg6[%dma_start3A_37, %dma_start3A_38, %dma_start3A_39] : memref<5x2x128xi32, #tpu.memory_space<vmem>> -> memref<1x2x128xi32, #tpu.memory_space<vmem>>
    %dma_start3A_41 = tpu.memref_squeeze %dma_start3A_40 : memref<1x2x128xi32, #tpu.memory_space<vmem>> -> memref<2x128xi32, #tpu.memory_space<vmem>>
    %dma_start3A_42 = arith.constant 0 : i32
    %dma_start3A_43 = arith.constant 0 : i32
    %dma_start3A_44 = tpu.memref_slice %arg3[%add3A, %dma_start3A_36, %dma_start3A_42, %dma_start3A_43] : memref<32x80x2x128xi32, #tpu.memory_space<hbm>> -> memref<1x1x2x128xi32, #tpu.memory_space<hbm>>
    %dma_start3A_45 = tpu.memref_squeeze %dma_start3A_44 : memref<1x1x2x128xi32, #tpu.memory_space<hbm>> -> memref<2x128xi32, #tpu.memory_space<hbm>>
    %dma_start3A_46 = arith.constant 0 : i32
    %dma_start3A_47 = arith.constant 0 : i32
    %dma_start3A_48 = tpu.memref_slice %arg6[%dma_start3A_37, %dma_start3A_46, %dma_start3A_47] : memref<5x2x128xi32, #tpu.memory_space<vmem>> -> memref<1x2x128xi32, #tpu.memory_space<vmem>>
    %dma_start3A_49 = tpu.memref_squeeze %dma_start3A_48 : memref<1x2x128xi32, #tpu.memory_space<vmem>> -> memref<2x128xi32, #tpu.memory_space<vmem>>
    %dma_start3A_50 = arith.constant 0 : i32
    %dma_start3A_51 = arith.constant 0 : i32
    %dma_start3A_52 = tpu.memref_slice %arg3[%add3A, %dma_start3A_36, %dma_start3A_50, %dma_start3A_51] : memref<32x80x2x128xi32, #tpu.memory_space<hbm>> -> memref<1x1x2x128xi32, #tpu.memory_space<hbm>>
    %dma_start3A_53 = tpu.memref_squeeze %dma_start3A_52 : memref<1x1x2x128xi32, #tpu.memory_space<hbm>> -> memref<2x128xi32, #tpu.memory_space<hbm>>
    tpu.enqueue_dma source(%dma_start3A_53 : memref<2x128xi32, #tpu.memory_space<hbm>>) target(%dma_start3A_49 : memref<2x128xi32, #tpu.memory_space<vmem>>) target_semaphore(%arg12 : memref<!tpu.dma_semaphore, #tpu.memory_space<semaphore_mem>>)
    %mul3A_54 = arith.constant 632 : i32
    %mul3A_55 = arith.muli %arg1, %mul3A_54 : i32
    "tpu.region"() ({
      %run_scoped3A_330 = tpu.sem_alloc : memref<!tpu.dma_semaphore, #tpu.memory_space<semaphore_mem>>
      %dma_start3A_331 = arith.constant 0 : i32
      %dma_start3A_332 = tpu.memref_slice %arg8[%mul3A_55, %dma_start3A_331] : memref<10112x128xbf16, #tpu.memory_space<vmem_shared>> -> memref<632x128xbf16, #tpu.memory_space<vmem_shared>>
      %dma_start3A_333 = arith.constant 0 : i32
      %dma_start3A_334 = tpu.memref_slice %arg4[%mul3A_55, %dma_start3A_333] : memref<10112x128xbf16, #tpu.memory_space<hbm>> -> memref<632x128xbf16, #tpu.memory_space<hbm>>
      tpu.enqueue_dma source(%dma_start3A_334 : memref<632x128xbf16, #tpu.memory_space<hbm>>) target(%dma_start3A_332 : memref<632x128xbf16, #tpu.memory_space<vmem_shared>>) target_semaphore(%run_scoped3A_330 : memref<!tpu.dma_semaphore, #tpu.memory_space<semaphore_mem>>)
      %dma_wait3A_335 = arith.constant 0 : i32
      %dma_wait3A_336 = tpu.memref_slice %arg8[%mul3A_55, %dma_wait3A_335] : memref<10112x128xbf16, #tpu.memory_space<vmem_shared>> -> memref<632x128xbf16, #tpu.memory_space<vmem_shared>>
      %dma_wait3A_337 = arith.constant 0 : i32
      %dma_wait3A_338 = tpu.memref_slice %arg4[%mul3A_55, %dma_wait3A_337] : memref<10112x128xbf16, #tpu.memory_space<hbm>> -> memref<632x128xbf16, #tpu.memory_space<hbm>>
      tpu.wait_dma2 semaphore(%run_scoped3A_330 : memref<!tpu.dma_semaphore, #tpu.memory_space<semaphore_mem>>) src(%dma_wait3A_338 : memref<632x128xbf16, #tpu.memory_space<hbm>>) dst(%dma_wait3A_336 : memref<632x128xbf16, #tpu.memory_space<vmem_shared>>)
      tpu.yield
    }) : () -> ()
    "tpu.region"() ({
      %run_scoped3A_330 = tpu.sem_alloc : memref<!tpu.dma_semaphore, #tpu.memory_space<semaphore_mem>>
      %dma_start3A_331 = arith.constant 0 : i32
      %dma_start3A_332 = tpu.memref_slice %arg9[%mul3A_55, %dma_start3A_331] : memref<10112x128xbf16, #tpu.memory_space<vmem_shared>> -> memref<632x128xbf16, #tpu.memory_space<vmem_shared>>
      %dma_start3A_333 = arith.constant 0 : i32
      %dma_start3A_334 = tpu.memref_slice %arg2[%mul3A_55, %dma_start3A_333] : memref<10112x128xbf16, #tpu.memory_space<hbm>> -> memref<632x128xbf16, #tpu.memory_space<hbm>>
      tpu.enqueue_dma source(%dma_start3A_334 : memref<632x128xbf16, #tpu.memory_space<hbm>>) target(%dma_start3A_332 : memref<632x128xbf16, #tpu.memory_space<vmem_shared>>) target_semaphore(%run_scoped3A_330 : memref<!tpu.dma_semaphore, #tpu.memory_space<semaphore_mem>>)
      %dma_wait3A_335 = arith.constant 0 : i32
      %dma_wait3A_336 = tpu.memref_slice %arg9[%mul3A_55, %dma_wait3A_335] : memref<10112x128xbf16, #tpu.memory_space<vmem_shared>> -> memref<632x128xbf16, #tpu.memory_space<vmem_shared>>
      %dma_wait3A_337 = arith.constant 0 : i32
      %dma_wait3A_338 = tpu.memref_slice %arg2[%mul3A_55, %dma_wait3A_337] : memref<10112x128xbf16, #tpu.memory_space<hbm>> -> memref<632x128xbf16, #tpu.memory_space<hbm>>
      tpu.wait_dma2 semaphore(%run_scoped3A_330 : memref<!tpu.dma_semaphore, #tpu.memory_space<semaphore_mem>>) src(%dma_wait3A_338 : memref<632x128xbf16, #tpu.memory_space<hbm>>) dst(%dma_wait3A_336 : memref<632x128xbf16, #tpu.memory_space<vmem_shared>>)
      tpu.yield
    }) : () -> ()
    %barrier3A = arith.constant 0 : index
    tpu.barrier barrier_id(%barrier3A)
    %dma_wait3A = arith.constant 0 : i32
    %dma_wait3A_56 = arith.constant 0 : i32
    %dma_wait3A_57 = arith.constant 0 : i32
    %dma_wait3A_58 = arith.constant 0 : i32
    %dma_wait3A_59 = tpu.memref_slice %arg6[%dma_wait3A_56, %dma_wait3A_57, %dma_wait3A_58] : memref<5x2x128xi32, #tpu.memory_space<vmem>> -> memref<1x2x128xi32, #tpu.memory_space<vmem>>
    %dma_wait3A_60 = tpu.memref_squeeze %dma_wait3A_59 : memref<1x2x128xi32, #tpu.memory_space<vmem>> -> memref<2x128xi32, #tpu.memory_space<vmem>>
    %dma_wait3A_61 = arith.constant 0 : i32
    %dma_wait3A_62 = arith.constant 0 : i32
    %dma_wait3A_63 = tpu.memref_slice %arg3[%add3A, %dma_wait3A, %dma_wait3A_61, %dma_wait3A_62] : memref<32x80x2x128xi32, #tpu.memory_space<hbm>> -> memref<1x1x2x128xi32, #tpu.memory_space<hbm>>
    %dma_wait3A_64 = tpu.memref_squeeze %dma_wait3A_63 : memref<1x1x2x128xi32, #tpu.memory_space<hbm>> -> memref<2x128xi32, #tpu.memory_space<hbm>>
    %dma_wait3A_65 = arith.constant 0 : i32
    %dma_wait3A_66 = arith.constant 0 : i32
    %dma_wait3A_67 = tpu.memref_slice %arg6[%dma_wait3A_56, %dma_wait3A_65, %dma_wait3A_66] : memref<5x2x128xi32, #tpu.memory_space<vmem>> -> memref<1x2x128xi32, #tpu.memory_space<vmem>>
    %dma_wait3A_68 = tpu.memref_squeeze %dma_wait3A_67 : memref<1x2x128xi32, #tpu.memory_space<vmem>> -> memref<2x128xi32, #tpu.memory_space<vmem>>
    %dma_wait3A_69 = arith.constant 0 : i32
    %dma_wait3A_70 = arith.constant 0 : i32
    %dma_wait3A_71 = tpu.memref_slice %arg3[%add3A, %dma_wait3A, %dma_wait3A_69, %dma_wait3A_70] : memref<32x80x2x128xi32, #tpu.memory_space<hbm>> -> memref<1x1x2x128xi32, #tpu.memory_space<hbm>>
    %dma_wait3A_72 = tpu.memref_squeeze %dma_wait3A_71 : memref<1x1x2x128xi32, #tpu.memory_space<hbm>> -> memref<2x128xi32, #tpu.memory_space<hbm>>
    tpu.wait_dma2 semaphore(%arg10 : memref<!tpu.dma_semaphore, #tpu.memory_space<semaphore_mem>>) src(%dma_wait3A_72 : memref<2x128xi32, #tpu.memory_space<hbm>>) dst(%dma_wait3A_68 : memref<2x128xi32, #tpu.memory_space<vmem>>)
    %dma_start3A_73 = arith.constant 0 : i32
    %dma_start3A_74 = arith.constant 0 : i32
    %dma_start3A_75 = arith.constant 0 : i32
    %dma_start3A_76 = arith.constant 0 : i32
    %dma_start3A_77 = arith.constant 0 : i32
    %dma_start3A_78 = tpu.memref_slice %arg7[%dma_start3A_75, %dma_start3A_76, %dma_start3A_77] : memref<5x128x128xbf16, #tpu.memory_space<vmem>> -> memref<1x128x128xbf16, #tpu.memory_space<vmem>>
    %dma_start3A_79 = tpu.memref_squeeze %dma_start3A_78 : memref<1x128x128xbf16, #tpu.memory_space<vmem>> -> memref<128x128xbf16, #tpu.memory_space<vmem>>
    %dma_start3A_80 = arith.constant 0 : i32
    %dma_start3A_81 = tpu.memref_slice %arg6[%dma_start3A_73, %dma_start3A_74, %dma_start3A_80] : memref<5x2x128xi32, #tpu.memory_space<vmem>> -> memref<1x1x128xi32, #tpu.memory_space<vmem>>
    %dma_start3A_82 = tpu.memref_squeeze %dma_start3A_81 : memref<1x1x128xi32, #tpu.memory_space<vmem>> -> memref<128xi32, #tpu.memory_space<vmem>>
    %dma_start3A_83 = arith.constant 0 : i32
    %dma_start3A_84 = arith.constant 0 : i32
    %dma_start3A_85 = tpu.memref_slice %arg9[%dma_start3A_83, %dma_start3A_84] : memref<10112x128xbf16, #tpu.memory_space<vmem_shared>> -> memref<10112x128xbf16, #tpu.memory_space<vmem_shared>>
    tpu.enqueue_indirect_dma source(%dma_start3A_85 : memref<10112x128xbf16, #tpu.memory_space<vmem_shared>>) target(%dma_start3A_79 : memref<128x128xbf16, #tpu.memory_space<vmem>>) offsets(%dma_start3A_82 : memref<128xi32, #tpu.memory_space<vmem>>) semaphore(%arg15 : memref<!tpu.dma_semaphore, #tpu.memory_space<semaphore_mem>>)
    %dma_wait3A_86 = arith.constant 1 : i32
    %dma_wait3A_87 = arith.constant 1 : i32
    %dma_wait3A_88 = arith.constant 0 : i32
    %dma_wait3A_89 = arith.constant 0 : i32
    %dma_wait3A_90 = tpu.memref_slice %arg6[%dma_wait3A_87, %dma_wait3A_88, %dma_wait3A_89] : memref<5x2x128xi32, #tpu.memory_space<vmem>> -> memref<1x2x128xi32, #tpu.memory_space<vmem>>
    %dma_wait3A_91 = tpu.memref_squeeze %dma_wait3A_90 : memref<1x2x128xi32, #tpu.memory_space<vmem>> -> memref<2x128xi32, #tpu.memory_space<vmem>>
    %dma_wait3A_92 = arith.constant 0 : i32
    %dma_wait3A_93 = arith.constant 0 : i32
    %dma_wait3A_94 = tpu.memref_slice %arg3[%add3A, %dma_wait3A_86, %dma_wait3A_92, %dma_wait3A_93] : memref<32x80x2x128xi32, #tpu.memory_space<hbm>> -> memref<1x1x2x128xi32, #tpu.memory_space<hbm>>
    %dma_wait3A_95 = tpu.memref_squeeze %dma_wait3A_94 : memref<1x1x2x128xi32, #tpu.memory_space<hbm>> -> memref<2x128xi32, #tpu.memory_space<hbm>>
    %dma_wait3A_96 = arith.constant 0 : i32
    %dma_wait3A_97 = arith.constant 0 : i32
    %dma_wait3A_98 = tpu.memref_slice %arg6[%dma_wait3A_87, %dma_wait3A_96, %dma_wait3A_97] : memref<5x2x128xi32, #tpu.memory_space<vmem>> -> memref<1x2x128xi32, #tpu.memory_space<vmem>>
    %dma_wait3A_99 = tpu.memref_squeeze %dma_wait3A_98 : memref<1x2x128xi32, #tpu.memory_space<vmem>> -> memref<2x128xi32, #tpu.memory_space<vmem>>
    %dma_wait3A_100 = arith.constant 0 : i32
    %dma_wait3A_101 = arith.constant 0 : i32
    %dma_wait3A_102 = tpu.memref_slice %arg3[%add3A, %dma_wait3A_86, %dma_wait3A_100, %dma_wait3A_101] : memref<32x80x2x128xi32, #tpu.memory_space<hbm>> -> memref<1x1x2x128xi32, #tpu.memory_space<hbm>>
    %dma_wait3A_103 = tpu.memref_squeeze %dma_wait3A_102 : memref<1x1x2x128xi32, #tpu.memory_space<hbm>> -> memref<2x128xi32, #tpu.memory_space<hbm>>
    tpu.wait_dma2 semaphore(%arg11 : memref<!tpu.dma_semaphore, #tpu.memory_space<semaphore_mem>>) src(%dma_wait3A_103 : memref<2x128xi32, #tpu.memory_space<hbm>>) dst(%dma_wait3A_99 : memref<2x128xi32, #tpu.memory_space<vmem>>)
    %dma_start3A_104 = arith.constant 1 : i32
    %dma_start3A_105 = arith.constant 0 : i32
    %dma_start3A_106 = arith.constant 1 : i32
    %dma_start3A_107 = arith.constant 0 : i32
    %dma_start3A_108 = arith.constant 0 : i32
    %dma_start3A_109 = tpu.memref_slice %arg7[%dma_start3A_106, %dma_start3A_107, %dma_start3A_108] : memref<5x128x128xbf16, #tpu.memory_space<vmem>> -> memref<1x128x128xbf16, #tpu.memory_space<vmem>>
    %dma_start3A_110 = tpu.memref_squeeze %dma_start3A_109 : memref<1x128x128xbf16, #tpu.memory_space<vmem>> -> memref<128x128xbf16, #tpu.memory_space<vmem>>
    %dma_start3A_111 = arith.constant 0 : i32
    %dma_start3A_112 = tpu.memref_slice %arg6[%dma_start3A_104, %dma_start3A_105, %dma_start3A_111] : memref<5x2x128xi32, #tpu.memory_space<vmem>> -> memref<1x1x128xi32, #tpu.memory_space<vmem>>
    %dma_start3A_113 = tpu.memref_squeeze %dma_start3A_112 : memref<1x1x128xi32, #tpu.memory_space<vmem>> -> memref<128xi32, #tpu.memory_space<vmem>>
    %dma_start3A_114 = arith.constant 0 : i32
    %dma_start3A_115 = arith.constant 0 : i32
    %dma_start3A_116 = tpu.memref_slice %arg9[%dma_start3A_114, %dma_start3A_115] : memref<10112x128xbf16, #tpu.memory_space<vmem_shared>> -> memref<10112x128xbf16, #tpu.memory_space<vmem_shared>>
    tpu.enqueue_indirect_dma source(%dma_start3A_116 : memref<10112x128xbf16, #tpu.memory_space<vmem_shared>>) target(%dma_start3A_110 : memref<128x128xbf16, #tpu.memory_space<vmem>>) offsets(%dma_start3A_113 : memref<128xi32, #tpu.memory_space<vmem>>) semaphore(%arg16 : memref<!tpu.dma_semaphore, #tpu.memory_space<semaphore_mem>>)
    %scan3A = arith.constant 0 : i32
    %scan3A_117 = arith.constant 15 : i32
    %scan3A_118 = arith.addi %scan3A, %scan3A_117 : i32
    %scan3A_119 = arith.constant 1 : i32
    scf.for %scan3A_330 = %scan3A to %scan3A_118 step %scan3A_119  : i32 {
      %mul3A_331 = arith.constant 5 : i32
      %mul3A_332 = arith.muli %scan3A_330, %mul3A_331 : i32
      %add3A_333 = arith.constant 0 : i32
      %add3A_334 = arith.addi %add3A_333, %mul3A_332 : i32
      %add3A_335 = arith.constant 0 : i32
      %add3A_336 = arith.addi %add3A_334, %add3A_335 : i32
      %dma_wait3A_337 = arith.constant 0 : i32
      %dma_wait3A_338 = arith.constant 0 : i32
      %dma_wait3A_339 = arith.constant 0 : i32
      %dma_wait3A_340 = arith.constant 0 : i32
      %dma_wait3A_341 = arith.constant 0 : i32
      %dma_wait3A_342 = tpu.memref_slice %arg7[%dma_wait3A_339, %dma_wait3A_340, %dma_wait3A_341] : memref<5x128x128xbf16, #tpu.memory_space<vmem>> -> memref<1x128x128xbf16, #tpu.memory_space<vmem>>
      %dma_wait3A_343 = tpu.memref_squeeze %dma_wait3A_342 : memref<1x128x128xbf16, #tpu.memory_space<vmem>> -> memref<128x128xbf16, #tpu.memory_space<vmem>>
      %dma_wait3A_344 = arith.constant 0 : i32
      %dma_wait3A_345 = tpu.memref_slice %arg6[%dma_wait3A_337, %dma_wait3A_338, %dma_wait3A_344] : memref<5x2x128xi32, #tpu.memory_space<vmem>> -> memref<1x1x128xi32, #tpu.memory_space<vmem>>
      %dma_wait3A_346 = tpu.memref_squeeze %dma_wait3A_345 : memref<1x1x128xi32, #tpu.memory_space<vmem>> -> memref<128xi32, #tpu.memory_space<vmem>>
      %dma_wait3A_347 = arith.constant 0 : i32
      %dma_wait3A_348 = arith.constant 0 : i32
      %dma_wait3A_349 = tpu.memref_slice %arg9[%dma_wait3A_347, %dma_wait3A_348] : memref<10112x128xbf16, #tpu.memory_space<vmem_shared>> -> memref<10112x128xbf16, #tpu.memory_space<vmem_shared>>
      tpu.wait_indirect_dma semaphore(%arg15 : memref<!tpu.dma_semaphore, #tpu.memory_space<semaphore_mem>>) src(%dma_wait3A_349 : memref<10112x128xbf16, #tpu.memory_space<vmem_shared>>) dst(%dma_wait3A_343 : memref<128x128xbf16, #tpu.memory_space<vmem>>)
      %run_scoped3A_350 = arith.constant 0 : i32
      %run_scoped3A_351 = arith.constant 0 : i32
      %run_scoped3A_352 = arith.constant 1 : i32
      "tpu.region"() ({
        %run_scoped3A_690 = tpu.sem_alloc : memref<!tpu.dma_semaphore, #tpu.memory_space<semaphore_mem>>
        %dma_start3A_691 = arith.constant 0 : i32
        %dma_start3A_692 = arith.constant 0 : i32
        %dma_start3A_693 = tpu.memref_slice %arg7[%run_scoped3A_350, %dma_start3A_691, %dma_start3A_692] : memref<5x128x128xbf16, #tpu.memory_space<vmem>> -> memref<1x128x128xbf16, #tpu.memory_space<vmem>>
        %dma_start3A_694 = tpu.memref_squeeze %dma_start3A_693 : memref<1x128x128xbf16, #tpu.memory_space<vmem>> -> memref<128x128xbf16, #tpu.memory_space<vmem>>
        %dma_start3A_695 = arith.constant 0 : i32
        %dma_start3A_696 = tpu.memref_slice %arg6[%run_scoped3A_351, %run_scoped3A_352, %dma_start3A_695] : memref<5x2x128xi32, #tpu.memory_space<vmem>> -> memref<1x1x128xi32, #tpu.memory_space<vmem>>
        %dma_start3A_697 = tpu.memref_squeeze %dma_start3A_696 : memref<1x1x128xi32, #tpu.memory_space<vmem>> -> memref<128xi32, #tpu.memory_space<vmem>>
        %dma_start3A_698 = arith.constant 0 : i32
        %dma_start3A_699 = arith.constant 0 : i32
        %dma_start3A_700 = tpu.memref_slice %arg8[%dma_start3A_698, %dma_start3A_699] : memref<10112x128xbf16, #tpu.memory_space<vmem_shared>> -> memref<10112x128xbf16, #tpu.memory_space<vmem_shared>>
        tpu.enqueue_indirect_dma source(%dma_start3A_694 : memref<128x128xbf16, #tpu.memory_space<vmem>>) target(%dma_start3A_700 : memref<10112x128xbf16, #tpu.memory_space<vmem_shared>>) offsets(%dma_start3A_697 : memref<128xi32, #tpu.memory_space<vmem>>) semaphore(%run_scoped3A_690 : memref<!tpu.dma_semaphore, #tpu.memory_space<semaphore_mem>>) {add = true}
        %dma_wait3A_701 = arith.constant 0 : i32
        %dma_wait3A_702 = arith.constant 0 : i32
        %dma_wait3A_703 = tpu.memref_slice %arg7[%run_scoped3A_350, %dma_wait3A_701, %dma_wait3A_702] : memref<5x128x128xbf16, #tpu.memory_space<vmem>> -> memref<1x128x128xbf16, #tpu.memory_space<vmem>>
        %dma_wait3A_704 = tpu.memref_squeeze %dma_wait3A_703 : memref<1x128x128xbf16, #tpu.memory_space<vmem>> -> memref<128x128xbf16, #tpu.memory_space<vmem>>
        %dma_wait3A_705 = arith.constant 0 : i32
        %dma_wait3A_706 = tpu.memref_slice %arg6[%run_scoped3A_351, %run_scoped3A_352, %dma_wait3A_705] : memref<5x2x128xi32, #tpu.memory_space<vmem>> -> memref<1x1x128xi32, #tpu.memory_space<vmem>>
        %dma_wait3A_707 = tpu.memref_squeeze %dma_wait3A_706 : memref<1x1x128xi32, #tpu.memory_space<vmem>> -> memref<128xi32, #tpu.memory_space<vmem>>
        %dma_wait3A_708 = arith.constant 0 : i32
        %dma_wait3A_709 = arith.constant 0 : i32
        %dma_wait3A_710 = tpu.memref_slice %arg8[%dma_wait3A_708, %dma_wait3A_709] : memref<10112x128xbf16, #tpu.memory_space<vmem_shared>> -> memref<10112x128xbf16, #tpu.memory_space<vmem_shared>>
        tpu.wait_indirect_dma semaphore(%run_scoped3A_690 : memref<!tpu.dma_semaphore, #tpu.memory_space<semaphore_mem>>) src(%dma_wait3A_704 : memref<128x128xbf16, #tpu.memory_space<vmem>>) dst(%dma_wait3A_710 : memref<10112x128xbf16, #tpu.memory_space<vmem_shared>>)
        tpu.yield
      }) : () -> ()
      %add3A_353 = arith.constant 3 : i32
      %add3A_354 = arith.addi %add3A_336, %add3A_353 : i32
      %dma_start3A_355 = arith.constant 3 : i32
      %dma_start3A_356 = arith.constant 0 : i32
      %dma_start3A_357 = arith.constant 0 : i32
      %dma_start3A_358 = tpu.memref_slice %arg6[%dma_start3A_355, %dma_start3A_356, %dma_start3A_357] : memref<5x2x128xi32, #tpu.memory_space<vmem>> -> memref<1x2x128xi32, #tpu.memory_space<vmem>>
      %dma_start3A_359 = tpu.memref_squeeze %dma_start3A_358 : memref<1x2x128xi32, #tpu.memory_space<vmem>> -> memref<2x128xi32, #tpu.memory_space<vmem>>
      %dma_start3A_360 = arith.constant 0 : i32
      %dma_start3A_361 = arith.constant 0 : i32
      %dma_start3A_362 = tpu.memref_slice %arg3[%add3A, %add3A_354, %dma_start3A_360, %dma_start3A_361] : memref<32x80x2x128xi32, #tpu.memory_space<hbm>> -> memref<1x1x2x128xi32, #tpu.memory_space<hbm>>
      %dma_start3A_363 = tpu.memref_squeeze %dma_start3A_362 : memref<1x1x2x128xi32, #tpu.memory_space<hbm>> -> memref<2x128xi32, #tpu.memory_space<hbm>>
      %dma_start3A_364 = arith.constant 0 : i32
      %dma_start3A_365 = arith.constant 0 : i32
      %dma_start3A_366 = tpu.memref_slice %arg6[%dma_start3A_355, %dma_start3A_364, %dma_start3A_365] : memref<5x2x128xi32, #tpu.memory_space<vmem>> -> memref<1x2x128xi32, #tpu.memory_space<vmem>>
      %dma_start3A_367 = tpu.memref_squeeze %dma_start3A_366 : memref<1x2x128xi32, #tpu.memory_space<vmem>> -> memref<2x128xi32, #tpu.memory_space<vmem>>
      %dma_start3A_368 = arith.constant 0 : i32
      %dma_start3A_369 = arith.constant 0 : i32
      %dma_start3A_370 = tpu.memref_slice %arg3[%add3A, %add3A_354, %dma_start3A_368, %dma_start3A_369] : memref<32x80x2x128xi32, #tpu.memory_space<hbm>> -> memref<1x1x2x128xi32, #tpu.memory_space<hbm>>
      %dma_start3A_371 = tpu.memref_squeeze %dma_start3A_370 : memref<1x1x2x128xi32, #tpu.memory_space<hbm>> -> memref<2x128xi32, #tpu.memory_space<hbm>>
      tpu.enqueue_dma source(%dma_start3A_371 : memref<2x128xi32, #tpu.memory_space<hbm>>) target(%dma_start3A_367 : memref<2x128xi32, #tpu.memory_space<vmem>>) target_semaphore(%arg13 : memref<!tpu.dma_semaphore, #tpu.memory_space<semaphore_mem>>)
      %add3A_372 = arith.constant 2 : i32
      %add3A_373 = arith.addi %add3A_336, %add3A_372 : i32
      %dma_wait3A_374 = arith.constant 2 : i32
      %dma_wait3A_375 = arith.constant 0 : i32
      %dma_wait3A_376 = arith.constant 0 : i32
      %dma_wait3A_377 = tpu.memref_slice %arg6[%dma_wait3A_374, %dma_wait3A_375, %dma_wait3A_376] : memref<5x2x128xi32, #tpu.memory_space<vmem>> -> memref<1x2x128xi32, #tpu.memory_space<vmem>>
      %dma_wait3A_378 = tpu.memref_squeeze %dma_wait3A_377 : memref<1x2x128xi32, #tpu.memory_space<vmem>> -> memref<2x128xi32, #tpu.memory_space<vmem>>
      %dma_wait3A_379 = arith.constant 0 : i32
      %dma_wait3A_380 = arith.constant 0 : i32
      %dma_wait3A_381 = tpu.memref_slice %arg3[%add3A, %add3A_373, %dma_wait3A_379, %dma_wait3A_380] : memref<32x80x2x128xi32, #tpu.memory_space<hbm>> -> memref<1x1x2x128xi32, #tpu.memory_space<hbm>>
      %dma_wait3A_382 = tpu.memref_squeeze %dma_wait3A_381 : memref<1x1x2x128xi32, #tpu.memory_space<hbm>> -> memref<2x128xi32, #tpu.memory_space<hbm>>
      %dma_wait3A_383 = arith.constant 0 : i32
      %dma_wait3A_384 = arith.constant 0 : i32
      %dma_wait3A_385 = tpu.memref_slice %arg6[%dma_wait3A_374, %dma_wait3A_383, %dma_wait3A_384] : memref<5x2x128xi32, #tpu.memory_space<vmem>> -> memref<1x2x128xi32, #tpu.memory_space<vmem>>
      %dma_wait3A_386 = tpu.memref_squeeze %dma_wait3A_385 : memref<1x2x128xi32, #tpu.memory_space<vmem>> -> memref<2x128xi32, #tpu.memory_space<vmem>>
      %dma_wait3A_387 = arith.constant 0 : i32
      %dma_wait3A_388 = arith.constant 0 : i32
      %dma_wait3A_389 = tpu.memref_slice %arg3[%add3A, %add3A_373, %dma_wait3A_387, %dma_wait3A_388] : memref<32x80x2x128xi32, #tpu.memory_space<hbm>> -> memref<1x1x2x128xi32, #tpu.memory_space<hbm>>
      %dma_wait3A_390 = tpu.memref_squeeze %dma_wait3A_389 : memref<1x1x2x128xi32, #tpu.memory_space<hbm>> -> memref<2x128xi32, #tpu.memory_space<hbm>>
      tpu.wait_dma2 semaphore(%arg12 : memref<!tpu.dma_semaphore, #tpu.memory_space<semaphore_mem>>) src(%dma_wait3A_390 : memref<2x128xi32, #tpu.memory_space<hbm>>) dst(%dma_wait3A_386 : memref<2x128xi32, #tpu.memory_space<vmem>>)
      %add3A_391 = arith.constant 2 : i32
      %add3A_392 = arith.addi %add3A_336, %add3A_391 : i32
      %dma_start3A_393 = arith.constant 2 : i32
      %dma_start3A_394 = arith.constant 0 : i32
      %dma_start3A_395 = arith.constant 2 : i32
      %dma_start3A_396 = arith.constant 0 : i32
      %dma_start3A_397 = arith.constant 0 : i32
      %dma_start3A_398 = tpu.memref_slice %arg7[%dma_start3A_395, %dma_start3A_396, %dma_start3A_397] : memref<5x128x128xbf16, #tpu.memory_space<vmem>> -> memref<1x128x128xbf16, #tpu.memory_space<vmem>>
      %dma_start3A_399 = tpu.memref_squeeze %dma_start3A_398 : memref<1x128x128xbf16, #tpu.memory_space<vmem>> -> memref<128x128xbf16, #tpu.memory_space<vmem>>
      %dma_start3A_400 = arith.constant 0 : i32
      %dma_start3A_401 = tpu.memref_slice %arg6[%dma_start3A_393, %dma_start3A_394, %dma_start3A_400] : memref<5x2x128xi32, #tpu.memory_space<vmem>> -> memref<1x1x128xi32, #tpu.memory_space<vmem>>
      %dma_start3A_402 = tpu.memref_squeeze %dma_start3A_401 : memref<1x1x128xi32, #tpu.memory_space<vmem>> -> memref<128xi32, #tpu.memory_space<vmem>>
      %dma_start3A_403 = arith.constant 0 : i32
      %dma_start3A_404 = arith.constant 0 : i32
      %dma_start3A_405 = tpu.memref_slice %arg9[%dma_start3A_403, %dma_start3A_404] : memref<10112x128xbf16, #tpu.memory_space<vmem_shared>> -> memref<10112x128xbf16, #tpu.memory_space<vmem_shared>>
      tpu.enqueue_indirect_dma source(%dma_start3A_405 : memref<10112x128xbf16, #tpu.memory_space<vmem_shared>>) target(%dma_start3A_399 : memref<128x128xbf16, #tpu.memory_space<vmem>>) offsets(%dma_start3A_402 : memref<128xi32, #tpu.memory_space<vmem>>) semaphore(%arg17 : memref<!tpu.dma_semaphore, #tpu.memory_space<semaphore_mem>>)
      %add3A_406 = arith.constant 1 : i32
      %add3A_407 = arith.addi %add3A_334, %add3A_406 : i32
      %dma_wait3A_408 = arith.constant 1 : i32
      %dma_wait3A_409 = arith.constant 0 : i32
      %dma_wait3A_410 = arith.constant 1 : i32
      %dma_wait3A_411 = arith.constant 0 : i32
      %dma_wait3A_412 = arith.constant 0 : i32
      %dma_wait3A_413 = tpu.memref_slice %arg7[%dma_wait3A_410, %dma_wait3A_411, %dma_wait3A_412] : memref<5x128x128xbf16, #tpu.memory_space<vmem>> -> memref<1x128x128xbf16, #tpu.memory_space<vmem>>
      %dma_wait3A_414 = tpu.memref_squeeze %dma_wait3A_413 : memref<1x128x128xbf16, #tpu.memory_space<vmem>> -> memref<128x128xbf16, #tpu.memory_space<vmem>>
      %dma_wait3A_415 = arith.constant 0 : i32
      %dma_wait3A_416 = tpu.memref_slice %arg6[%dma_wait3A_408, %dma_wait3A_409, %dma_wait3A_415] : memref<5x2x128xi32, #tpu.memory_space<vmem>> -> memref<1x1x128xi32, #tpu.memory_space<vmem>>
      %dma_wait3A_417 = tpu.memref_squeeze %dma_wait3A_416 : memref<1x1x128xi32, #tpu.memory_space<vmem>> -> memref<128xi32, #tpu.memory_space<vmem>>
      %dma_wait3A_418 = arith.constant 0 : i32
      %dma_wait3A_419 = arith.constant 0 : i32
      %dma_wait3A_420 = tpu.memref_slice %arg9[%dma_wait3A_418, %dma_wait3A_419] : memref<10112x128xbf16, #tpu.memory_space<vmem_shared>> -> memref<10112x128xbf16, #tpu.memory_space<vmem_shared>>
      tpu.wait_indirect_dma semaphore(%arg16 : memref<!tpu.dma_semaphore, #tpu.memory_space<semaphore_mem>>) src(%dma_wait3A_420 : memref<10112x128xbf16, #tpu.memory_space<vmem_shared>>) dst(%dma_wait3A_414 : memref<128x128xbf16, #tpu.memory_space<vmem>>)
      %run_scoped3A_421 = arith.constant 1 : i32
      %run_scoped3A_422 = arith.constant 1 : i32
      %run_scoped3A_423 = arith.constant 1 : i32
      "tpu.region"() ({
        %run_scoped3A_690 = tpu.sem_alloc : memref<!tpu.dma_semaphore, #tpu.memory_space<semaphore_mem>>
        %dma_start3A_691 = arith.constant 0 : i32
        %dma_start3A_692 = arith.constant 0 : i32
        %dma_start3A_693 = tpu.memref_slice %arg7[%run_scoped3A_421, %dma_start3A_691, %dma_start3A_692] : memref<5x128x128xbf16, #tpu.memory_space<vmem>> -> memref<1x128x128xbf16, #tpu.memory_space<vmem>>
        %dma_start3A_694 = tpu.memref_squeeze %dma_start3A_693 : memref<1x128x128xbf16, #tpu.memory_space<vmem>> -> memref<128x128xbf16, #tpu.memory_space<vmem>>
        %dma_start3A_695 = arith.constant 0 : i32
        %dma_start3A_696 = tpu.memref_slice %arg6[%run_scoped3A_422, %run_scoped3A_423, %dma_start3A_695] : memref<5x2x128xi32, #tpu.memory_space<vmem>> -> memref<1x1x128xi32, #tpu.memory_space<vmem>>
        %dma_start3A_697 = tpu.memref_squeeze %dma_start3A_696 : memref<1x1x128xi32, #tpu.memory_space<vmem>> -> memref<128xi32, #tpu.memory_space<vmem>>
        %dma_start3A_698 = arith.constant 0 : i32
        %dma_start3A_699 = arith.constant 0 : i32
        %dma_start3A_700 = tpu.memref_slice %arg8[%dma_start3A_698, %dma_start3A_699] : memref<10112x128xbf16, #tpu.memory_space<vmem_shared>> -> memref<10112x128xbf16, #tpu.memory_space<vmem_shared>>
        tpu.enqueue_indirect_dma source(%dma_start3A_694 : memref<128x128xbf16, #tpu.memory_space<vmem>>) target(%dma_start3A_700 : memref<10112x128xbf16, #tpu.memory_space<vmem_shared>>) offsets(%dma_start3A_697 : memref<128xi32, #tpu.memory_space<vmem>>) semaphore(%run_scoped3A_690 : memref<!tpu.dma_semaphore, #tpu.memory_space<semaphore_mem>>) {add = true}
        %dma_wait3A_701 = arith.constant 0 : i32
        %dma_wait3A_702 = arith.constant 0 : i32
        %dma_wait3A_703 = tpu.memref_slice %arg7[%run_scoped3A_421, %dma_wait3A_701, %dma_wait3A_702] : memref<5x128x128xbf16, #tpu.memory_space<vmem>> -> memref<1x128x128xbf16, #tpu.memory_space<vmem>>
        %dma_wait3A_704 = tpu.memref_squeeze %dma_wait3A_703 : memref<1x128x128xbf16, #tpu.memory_space<vmem>> -> memref<128x128xbf16, #tpu.memory_space<vmem>>
        %dma_wait3A_705 = arith.constant 0 : i32
        %dma_wait3A_706 = tpu.memref_slice %arg6[%run_scoped3A_422, %run_scoped3A_423, %dma_wait3A_705] : memref<5x2x128xi32, #tpu.memory_space<vmem>> -> memref<1x1x128xi32, #tpu.memory_space<vmem>>
        %dma_wait3A_707 = tpu.memref_squeeze %dma_wait3A_706 : memref<1x1x128xi32, #tpu.memory_space<vmem>> -> memref<128xi32, #tpu.memory_space<vmem>>
        %dma_wait3A_708 = arith.constant 0 : i32
        %dma_wait3A_709 = arith.constant 0 : i32
        %dma_wait3A_710 = tpu.memref_slice %arg8[%dma_wait3A_708, %dma_wait3A_709] : memref<10112x128xbf16, #tpu.memory_space<vmem_shared>> -> memref<10112x128xbf16, #tpu.memory_space<vmem_shared>>
        tpu.wait_indirect_dma semaphore(%run_scoped3A_690 : memref<!tpu.dma_semaphore, #tpu.memory_space<semaphore_mem>>) src(%dma_wait3A_704 : memref<128x128xbf16, #tpu.memory_space<vmem>>) dst(%dma_wait3A_710 : memref<10112x128xbf16, #tpu.memory_space<vmem_shared>>)
        tpu.yield
      }) : () -> ()
      %add3A_424 = arith.constant 3 : i32
      %add3A_425 = arith.addi %add3A_407, %add3A_424 : i32
      %dma_start3A_426 = arith.constant 4 : i32
      %dma_start3A_427 = arith.constant 0 : i32
      %dma_start3A_428 = arith.constant 0 : i32
      %dma_start3A_429 = tpu.memref_slice %arg6[%dma_start3A_426, %dma_start3A_427, %dma_start3A_428] : memref<5x2x128xi32, #tpu.memory_space<vmem>> -> memref<1x2x128xi32, #tpu.memory_space<vmem>>
      %dma_start3A_430 = tpu.memref_squeeze %dma_start3A_429 : memref<1x2x128xi32, #tpu.memory_space<vmem>> -> memref<2x128xi32, #tpu.memory_space<vmem>>
      %dma_start3A_431 = arith.constant 0 : i32
      %dma_start3A_432 = arith.constant 0 : i32
      %dma_start3A_433 = tpu.memref_slice %arg3[%add3A, %add3A_425, %dma_start3A_431, %dma_start3A_432] : memref<32x80x2x128xi32, #tpu.memory_space<hbm>> -> memref<1x1x2x128xi32, #tpu.memory_space<hbm>>
      %dma_start3A_434 = tpu.memref_squeeze %dma_start3A_433 : memref<1x1x2x128xi32, #tpu.memory_space<hbm>> -> memref<2x128xi32, #tpu.memory_space<hbm>>
      %dma_start3A_435 = arith.constant 0 : i32
      %dma_start3A_436 = arith.constant 0 : i32
      %dma_start3A_437 = tpu.memref_slice %arg6[%dma_start3A_426, %dma_start3A_435, %dma_start3A_436] : memref<5x2x128xi32, #tpu.memory_space<vmem>> -> memref<1x2x128xi32, #tpu.memory_space<vmem>>
      %dma_start3A_438 = tpu.memref_squeeze %dma_start3A_437 : memref<1x2x128xi32, #tpu.memory_space<vmem>> -> memref<2x128xi32, #tpu.memory_space<vmem>>
      %dma_start3A_439 = arith.constant 0 : i32
      %dma_start3A_440 = arith.constant 0 : i32
      %dma_start3A_441 = tpu.memref_slice %arg3[%add3A, %add3A_425, %dma_start3A_439, %dma_start3A_440] : memref<32x80x2x128xi32, #tpu.memory_space<hbm>> -> memref<1x1x2x128xi32, #tpu.memory_space<hbm>>
      %dma_start3A_442 = tpu.memref_squeeze %dma_start3A_441 : memref<1x1x2x128xi32, #tpu.memory_space<hbm>> -> memref<2x128xi32, #tpu.memory_space<hbm>>
      tpu.enqueue_dma source(%dma_start3A_442 : memref<2x128xi32, #tpu.memory_space<hbm>>) target(%dma_start3A_438 : memref<2x128xi32, #tpu.memory_space<vmem>>) target_semaphore(%arg14 : memref<!tpu.dma_semaphore, #tpu.memory_space<semaphore_mem>>)
      %add3A_443 = arith.constant 2 : i32
      %add3A_444 = arith.addi %add3A_407, %add3A_443 : i32
      %dma_wait3A_445 = arith.constant 3 : i32
      %dma_wait3A_446 = arith.constant 0 : i32
      %dma_wait3A_447 = arith.constant 0 : i32
      %dma_wait3A_448 = tpu.memref_slice %arg6[%dma_wait3A_445, %dma_wait3A_446, %dma_wait3A_447] : memref<5x2x128xi32, #tpu.memory_space<vmem>> -> memref<1x2x128xi32, #tpu.memory_space<vmem>>
      %dma_wait3A_449 = tpu.memref_squeeze %dma_wait3A_448 : memref<1x2x128xi32, #tpu.memory_space<vmem>> -> memref<2x128xi32, #tpu.memory_space<vmem>>
      %dma_wait3A_450 = arith.constant 0 : i32
      %dma_wait3A_451 = arith.constant 0 : i32
      %dma_wait3A_452 = tpu.memref_slice %arg3[%add3A, %add3A_444, %dma_wait3A_450, %dma_wait3A_451] : memref<32x80x2x128xi32, #tpu.memory_space<hbm>> -> memref<1x1x2x128xi32, #tpu.memory_space<hbm>>
      %dma_wait3A_453 = tpu.memref_squeeze %dma_wait3A_452 : memref<1x1x2x128xi32, #tpu.memory_space<hbm>> -> memref<2x128xi32, #tpu.memory_space<hbm>>
      %dma_wait3A_454 = arith.constant 0 : i32
      %dma_wait3A_455 = arith.constant 0 : i32
      %dma_wait3A_456 = tpu.memref_slice %arg6[%dma_wait3A_445, %dma_wait3A_454, %dma_wait3A_455] : memref<5x2x128xi32, #tpu.memory_space<vmem>> -> memref<1x2x128xi32, #tpu.memory_space<vmem>>
      %dma_wait3A_457 = tpu.memref_squeeze %dma_wait3A_456 : memref<1x2x128xi32, #tpu.memory_space<vmem>> -> memref<2x128xi32, #tpu.memory_space<vmem>>
      %dma_wait3A_458 = arith.constant 0 : i32
      %dma_wait3A_459 = arith.constant 0 : i32
      %dma_wait3A_460 = tpu.memref_slice %arg3[%add3A, %add3A_444, %dma_wait3A_458, %dma_wait3A_459] : memref<32x80x2x128xi32, #tpu.memory_space<hbm>> -> memref<1x1x2x128xi32, #tpu.memory_space<hbm>>
      %dma_wait3A_461 = tpu.memref_squeeze %dma_wait3A_460 : memref<1x1x2x128xi32, #tpu.memory_space<hbm>> -> memref<2x128xi32, #tpu.memory_space<hbm>>
      tpu.wait_dma2 semaphore(%arg13 : memref<!tpu.dma_semaphore, #tpu.memory_space<semaphore_mem>>) src(%dma_wait3A_461 : memref<2x128xi32, #tpu.memory_space<hbm>>) dst(%dma_wait3A_457 : memref<2x128xi32, #tpu.memory_space<vmem>>)
      %add3A_462 = arith.constant 2 : i32
      %add3A_463 = arith.addi %add3A_407, %add3A_462 : i32
      %dma_start3A_464 = arith.constant 3 : i32
      %dma_start3A_465 = arith.constant 0 : i32
      %dma_start3A_466 = arith.constant 3 : i32
      %dma_start3A_467 = arith.constant 0 : i32
      %dma_start3A_468 = arith.constant 0 : i32
      %dma_start3A_469 = tpu.memref_slice %arg7[%dma_start3A_466, %dma_start3A_467, %dma_start3A_468] : memref<5x128x128xbf16, #tpu.memory_space<vmem>> -> memref<1x128x128xbf16, #tpu.memory_space<vmem>>
      %dma_start3A_470 = tpu.memref_squeeze %dma_start3A_469 : memref<1x128x128xbf16, #tpu.memory_space<vmem>> -> memref<128x128xbf16, #tpu.memory_space<vmem>>
      %dma_start3A_471 = arith.constant 0 : i32
      %dma_start3A_472 = tpu.memref_slice %arg6[%dma_start3A_464, %dma_start3A_465, %dma_start3A_471] : memref<5x2x128xi32, #tpu.memory_space<vmem>> -> memref<1x1x128xi32, #tpu.memory_space<vmem>>
      %dma_start3A_473 = tpu.memref_squeeze %dma_start3A_472 : memref<1x1x128xi32, #tpu.memory_space<vmem>> -> memref<128xi32, #tpu.memory_space<vmem>>
      %dma_start3A_474 = arith.constant 0 : i32
      %dma_start3A_475 = arith.constant 0 : i32
      %dma_start3A_476 = tpu.memref_slice %arg9[%dma_start3A_474, %dma_start3A_475] : memref<10112x128xbf16, #tpu.memory_space<vmem_shared>> -> memref<10112x128xbf16, #tpu.memory_space<vmem_shared>>
      tpu.enqueue_indirect_dma source(%dma_start3A_476 : memref<10112x128xbf16, #tpu.memory_space<vmem_shared>>) target(%dma_start3A_470 : memref<128x128xbf16, #tpu.memory_space<vmem>>) offsets(%dma_start3A_473 : memref<128xi32, #tpu.memory_space<vmem>>) semaphore(%arg18 : memref<!tpu.dma_semaphore, #tpu.memory_space<semaphore_mem>>)
      %add3A_477 = arith.constant 2 : i32
      %add3A_478 = arith.addi %add3A_334, %add3A_477 : i32
      %dma_wait3A_479 = arith.constant 2 : i32
      %dma_wait3A_480 = arith.constant 0 : i32
      %dma_wait3A_481 = arith.constant 2 : i32
      %dma_wait3A_482 = arith.constant 0 : i32
      %dma_wait3A_483 = arith.constant 0 : i32
      %dma_wait3A_484 = tpu.memref_slice %arg7[%dma_wait3A_481, %dma_wait3A_482, %dma_wait3A_483] : memref<5x128x128xbf16, #tpu.memory_space<vmem>> -> memref<1x128x128xbf16, #tpu.memory_space<vmem>>
      %dma_wait3A_485 = tpu.memref_squeeze %dma_wait3A_484 : memref<1x128x128xbf16, #tpu.memory_space<vmem>> -> memref<128x128xbf16, #tpu.memory_space<vmem>>
      %dma_wait3A_486 = arith.constant 0 : i32
      %dma_wait3A_487 = tpu.memref_slice %arg6[%dma_wait3A_479, %dma_wait3A_480, %dma_wait3A_486] : memref<5x2x128xi32, #tpu.memory_space<vmem>> -> memref<1x1x128xi32, #tpu.memory_space<vmem>>
      %dma_wait3A_488 = tpu.memref_squeeze %dma_wait3A_487 : memref<1x1x128xi32, #tpu.memory_space<vmem>> -> memref<128xi32, #tpu.memory_space<vmem>>
      %dma_wait3A_489 = arith.constant 0 : i32
      %dma_wait3A_490 = arith.constant 0 : i32
      %dma_wait3A_491 = tpu.memref_slice %arg9[%dma_wait3A_489, %dma_wait3A_490] : memref<10112x128xbf16, #tpu.memory_space<vmem_shared>> -> memref<10112x128xbf16, #tpu.memory_space<vmem_shared>>
      tpu.wait_indirect_dma semaphore(%arg17 : memref<!tpu.dma_semaphore, #tpu.memory_space<semaphore_mem>>) src(%dma_wait3A_491 : memref<10112x128xbf16, #tpu.memory_space<vmem_shared>>) dst(%dma_wait3A_485 : memref<128x128xbf16, #tpu.memory_space<vmem>>)
      %run_scoped3A_492 = arith.constant 2 : i32
      %run_scoped3A_493 = arith.constant 2 : i32
      %run_scoped3A_494 = arith.constant 1 : i32
      "tpu.region"() ({
        %run_scoped3A_690 = tpu.sem_alloc : memref<!tpu.dma_semaphore, #tpu.memory_space<semaphore_mem>>
        %dma_start3A_691 = arith.constant 0 : i32
        %dma_start3A_692 = arith.constant 0 : i32
        %dma_start3A_693 = tpu.memref_slice %arg7[%run_scoped3A_492, %dma_start3A_691, %dma_start3A_692] : memref<5x128x128xbf16, #tpu.memory_space<vmem>> -> memref<1x128x128xbf16, #tpu.memory_space<vmem>>
        %dma_start3A_694 = tpu.memref_squeeze %dma_start3A_693 : memref<1x128x128xbf16, #tpu.memory_space<vmem>> -> memref<128x128xbf16, #tpu.memory_space<vmem>>
        %dma_start3A_695 = arith.constant 0 : i32
        %dma_start3A_696 = tpu.memref_slice %arg6[%run_scoped3A_493, %run_scoped3A_494, %dma_start3A_695] : memref<5x2x128xi32, #tpu.memory_space<vmem>> -> memref<1x1x128xi32, #tpu.memory_space<vmem>>
        %dma_start3A_697 = tpu.memref_squeeze %dma_start3A_696 : memref<1x1x128xi32, #tpu.memory_space<vmem>> -> memref<128xi32, #tpu.memory_space<vmem>>
        %dma_start3A_698 = arith.constant 0 : i32
        %dma_start3A_699 = arith.constant 0 : i32
        %dma_start3A_700 = tpu.memref_slice %arg8[%dma_start3A_698, %dma_start3A_699] : memref<10112x128xbf16, #tpu.memory_space<vmem_shared>> -> memref<10112x128xbf16, #tpu.memory_space<vmem_shared>>
        tpu.enqueue_indirect_dma source(%dma_start3A_694 : memref<128x128xbf16, #tpu.memory_space<vmem>>) target(%dma_start3A_700 : memref<10112x128xbf16, #tpu.memory_space<vmem_shared>>) offsets(%dma_start3A_697 : memref<128xi32, #tpu.memory_space<vmem>>) semaphore(%run_scoped3A_690 : memref<!tpu.dma_semaphore, #tpu.memory_space<semaphore_mem>>) {add = true}
        %dma_wait3A_701 = arith.constant 0 : i32
        %dma_wait3A_702 = arith.constant 0 : i32
        %dma_wait3A_703 = tpu.memref_slice %arg7[%run_scoped3A_492, %dma_wait3A_701, %dma_wait3A_702] : memref<5x128x128xbf16, #tpu.memory_space<vmem>> -> memref<1x128x128xbf16, #tpu.memory_space<vmem>>
        %dma_wait3A_704 = tpu.memref_squeeze %dma_wait3A_703 : memref<1x128x128xbf16, #tpu.memory_space<vmem>> -> memref<128x128xbf16, #tpu.memory_space<vmem>>
        %dma_wait3A_705 = arith.constant 0 : i32
        %dma_wait3A_706 = tpu.memref_slice %arg6[%run_scoped3A_493, %run_scoped3A_494, %dma_wait3A_705] : memref<5x2x128xi32, #tpu.memory_space<vmem>> -> memref<1x1x128xi32, #tpu.memory_space<vmem>>
        %dma_wait3A_707 = tpu.memref_squeeze %dma_wait3A_706 : memref<1x1x128xi32, #tpu.memory_space<vmem>> -> memref<128xi32, #tpu.memory_space<vmem>>
        %dma_wait3A_708 = arith.constant 0 : i32
        %dma_wait3A_709 = arith.constant 0 : i32
        %dma_wait3A_710 = tpu.memref_slice %arg8[%dma_wait3A_708, %dma_wait3A_709] : memref<10112x128xbf16, #tpu.memory_space<vmem_shared>> -> memref<10112x128xbf16, #tpu.memory_space<vmem_shared>>
        tpu.wait_indirect_dma semaphore(%run_scoped3A_690 : memref<!tpu.dma_semaphore, #tpu.memory_space<semaphore_mem>>) src(%dma_wait3A_704 : memref<128x128xbf16, #tpu.memory_space<vmem>>) dst(%dma_wait3A_710 : memref<10112x128xbf16, #tpu.memory_space<vmem_shared>>)
        tpu.yield
      }) : () -> ()
      %add3A_495 = arith.constant 3 : i32
      %add3A_496 = arith.addi %add3A_478, %add3A_495 : i32
      %dma_start3A_497 = arith.constant 0 : i32
      %dma_start3A_498 = arith.constant 0 : i32
      %dma_start3A_499 = arith.constant 0 : i32
      %dma_start3A_500 = tpu.memref_slice %arg6[%dma_start3A_497, %dma_start3A_498, %dma_start3A_499] : memref<5x2x128xi32, #tpu.memory_space<vmem>> -> memref<1x2x128xi32, #tpu.memory_space<vmem>>
      %dma_start3A_501 = tpu.memref_squeeze %dma_start3A_500 : memref<1x2x128xi32, #tpu.memory_space<vmem>> -> memref<2x128xi32, #tpu.memory_space<vmem>>
      %dma_start3A_502 = arith.constant 0 : i32
      %dma_start3A_503 = arith.constant 0 : i32
      %dma_start3A_504 = tpu.memref_slice %arg3[%add3A, %add3A_496, %dma_start3A_502, %dma_start3A_503] : memref<32x80x2x128xi32, #tpu.memory_space<hbm>> -> memref<1x1x2x128xi32, #tpu.memory_space<hbm>>
      %dma_start3A_505 = tpu.memref_squeeze %dma_start3A_504 : memref<1x1x2x128xi32, #tpu.memory_space<hbm>> -> memref<2x128xi32, #tpu.memory_space<hbm>>
      %dma_start3A_506 = arith.constant 0 : i32
      %dma_start3A_507 = arith.constant 0 : i32
      %dma_start3A_508 = tpu.memref_slice %arg6[%dma_start3A_497, %dma_start3A_506, %dma_start3A_507] : memref<5x2x128xi32, #tpu.memory_space<vmem>> -> memref<1x2x128xi32, #tpu.memory_space<vmem>>
      %dma_start3A_509 = tpu.memref_squeeze %dma_start3A_508 : memref<1x2x128xi32, #tpu.memory_space<vmem>> -> memref<2x128xi32, #tpu.memory_space<vmem>>
      %dma_start3A_510 = arith.constant 0 : i32
      %dma_start3A_511 = arith.constant 0 : i32
      %dma_start3A_512 = tpu.memref_slice %arg3[%add3A, %add3A_496, %dma_start3A_510, %dma_start3A_511] : memref<32x80x2x128xi32, #tpu.memory_space<hbm>> -> memref<1x1x2x128xi32, #tpu.memory_space<hbm>>
      %dma_start3A_513 = tpu.memref_squeeze %dma_start3A_512 : memref<1x1x2x128xi32, #tpu.memory_space<hbm>> -> memref<2x128xi32, #tpu.memory_space<hbm>>
      tpu.enqueue_dma source(%dma_start3A_513 : memref<2x128xi32, #tpu.memory_space<hbm>>) target(%dma_start3A_509 : memref<2x128xi32, #tpu.memory_space<vmem>>) target_semaphore(%arg10 : memref<!tpu.dma_semaphore, #tpu.memory_space<semaphore_mem>>)
      %add3A_514 = arith.constant 2 : i32
      %add3A_515 = arith.addi %add3A_478, %add3A_514 : i32
      %dma_wait3A_516 = arith.constant 4 : i32
      %dma_wait3A_517 = arith.constant 0 : i32
      %dma_wait3A_518 = arith.constant 0 : i32
      %dma_wait3A_519 = tpu.memref_slice %arg6[%dma_wait3A_516, %dma_wait3A_517, %dma_wait3A_518] : memref<5x2x128xi32, #tpu.memory_space<vmem>> -> memref<1x2x128xi32, #tpu.memory_space<vmem>>
      %dma_wait3A_520 = tpu.memref_squeeze %dma_wait3A_519 : memref<1x2x128xi32, #tpu.memory_space<vmem>> -> memref<2x128xi32, #tpu.memory_space<vmem>>
      %dma_wait3A_521 = arith.constant 0 : i32
      %dma_wait3A_522 = arith.constant 0 : i32
      %dma_wait3A_523 = tpu.memref_slice %arg3[%add3A, %add3A_515, %dma_wait3A_521, %dma_wait3A_522] : memref<32x80x2x128xi32, #tpu.memory_space<hbm>> -> memref<1x1x2x128xi32, #tpu.memory_space<hbm>>
      %dma_wait3A_524 = tpu.memref_squeeze %dma_wait3A_523 : memref<1x1x2x128xi32, #tpu.memory_space<hbm>> -> memref<2x128xi32, #tpu.memory_space<hbm>>
      %dma_wait3A_525 = arith.constant 0 : i32
      %dma_wait3A_526 = arith.constant 0 : i32
      %dma_wait3A_527 = tpu.memref_slice %arg6[%dma_wait3A_516, %dma_wait3A_525, %dma_wait3A_526] : memref<5x2x128xi32, #tpu.memory_space<vmem>> -> memref<1x2x128xi32, #tpu.memory_space<vmem>>
      %dma_wait3A_528 = tpu.memref_squeeze %dma_wait3A_527 : memref<1x2x128xi32, #tpu.memory_space<vmem>> -> memref<2x128xi32, #tpu.memory_space<vmem>>
      %dma_wait3A_529 = arith.constant 0 : i32
      %dma_wait3A_530 = arith.constant 0 : i32
      %dma_wait3A_531 = tpu.memref_slice %arg3[%add3A, %add3A_515, %dma_wait3A_529, %dma_wait3A_530] : memref<32x80x2x128xi32, #tpu.memory_space<hbm>> -> memref<1x1x2x128xi32, #tpu.memory_space<hbm>>
      %dma_wait3A_532 = tpu.memref_squeeze %dma_wait3A_531 : memref<1x1x2x128xi32, #tpu.memory_space<hbm>> -> memref<2x128xi32, #tpu.memory_space<hbm>>
      tpu.wait_dma2 semaphore(%arg14 : memref<!tpu.dma_semaphore, #tpu.memory_space<semaphore_mem>>) src(%dma_wait3A_532 : memref<2x128xi32, #tpu.memory_space<hbm>>) dst(%dma_wait3A_528 : memref<2x128xi32, #tpu.memory_space<vmem>>)
      %add3A_533 = arith.constant 2 : i32
      %add3A_534 = arith.addi %add3A_478, %add3A_533 : i32
      %dma_start3A_535 = arith.constant 4 : i32
      %dma_start3A_536 = arith.constant 0 : i32
      %dma_start3A_537 = arith.constant 4 : i32
      %dma_start3A_538 = arith.constant 0 : i32
      %dma_start3A_539 = arith.constant 0 : i32
      %dma_start3A_540 = tpu.memref_slice %arg7[%dma_start3A_537, %dma_start3A_538, %dma_start3A_539] : memref<5x128x128xbf16, #tpu.memory_space<vmem>> -> memref<1x128x128xbf16, #tpu.memory_space<vmem>>
      %dma_start3A_541 = tpu.memref_squeeze %dma_start3A_540 : memref<1x128x128xbf16, #tpu.memory_space<vmem>> -> memref<128x128xbf16, #tpu.memory_space<vmem>>
      %dma_start3A_542 = arith.constant 0 : i32
      %dma_start3A_543 = tpu.memref_slice %arg6[%dma_start3A_535, %dma_start3A_536, %dma_start3A_542] : memref<5x2x128xi32, #tpu.memory_space<vmem>> -> memref<1x1x128xi32, #tpu.memory_space<vmem>>
      %dma_start3A_544 = tpu.memref_squeeze %dma_start3A_543 : memref<1x1x128xi32, #tpu.memory_space<vmem>> -> memref<128xi32, #tpu.memory_space<vmem>>
      %dma_start3A_545 = arith.constant 0 : i32
      %dma_start3A_546 = arith.constant 0 : i32
      %dma_start3A_547 = tpu.memref_slice %arg9[%dma_start3A_545, %dma_start3A_546] : memref<10112x128xbf16, #tpu.memory_space<vmem_shared>> -> memref<10112x128xbf16, #tpu.memory_space<vmem_shared>>
      tpu.enqueue_indirect_dma source(%dma_start3A_547 : memref<10112x128xbf16, #tpu.memory_space<vmem_shared>>) target(%dma_start3A_541 : memref<128x128xbf16, #tpu.memory_space<vmem>>) offsets(%dma_start3A_544 : memref<128xi32, #tpu.memory_space<vmem>>) semaphore(%arg19 : memref<!tpu.dma_semaphore, #tpu.memory_space<semaphore_mem>>)
      %add3A_548 = arith.constant 3 : i32
      %add3A_549 = arith.addi %add3A_334, %add3A_548 : i32
      %dma_wait3A_550 = arith.constant 3 : i32
      %dma_wait3A_551 = arith.constant 0 : i32
      %dma_wait3A_552 = arith.constant 3 : i32
      %dma_wait3A_553 = arith.constant 0 : i32
      %dma_wait3A_554 = arith.constant 0 : i32
      %dma_wait3A_555 = tpu.memref_slice %arg7[%dma_wait3A_552, %dma_wait3A_553, %dma_wait3A_554] : memref<5x128x128xbf16, #tpu.memory_space<vmem>> -> memref<1x128x128xbf16, #tpu.memory_space<vmem>>
      %dma_wait3A_556 = tpu.memref_squeeze %dma_wait3A_555 : memref<1x128x128xbf16, #tpu.memory_space<vmem>> -> memref<128x128xbf16, #tpu.memory_space<vmem>>
      %dma_wait3A_557 = arith.constant 0 : i32
      %dma_wait3A_558 = tpu.memref_slice %arg6[%dma_wait3A_550, %dma_wait3A_551, %dma_wait3A_557] : memref<5x2x128xi32, #tpu.memory_space<vmem>> -> memref<1x1x128xi32, #tpu.memory_space<vmem>>
      %dma_wait3A_559 = tpu.memref_squeeze %dma_wait3A_558 : memref<1x1x128xi32, #tpu.memory_space<vmem>> -> memref<128xi32, #tpu.memory_space<vmem>>
      %dma_wait3A_560 = arith.constant 0 : i32
      %dma_wait3A_561 = arith.constant 0 : i32
      %dma_wait3A_562 = tpu.memref_slice %arg9[%dma_wait3A_560, %dma_wait3A_561] : memref<10112x128xbf16, #tpu.memory_space<vmem_shared>> -> memref<10112x128xbf16, #tpu.memory_space<vmem_shared>>
      tpu.wait_indirect_dma semaphore(%arg18 : memref<!tpu.dma_semaphore, #tpu.memory_space<semaphore_mem>>) src(%dma_wait3A_562 : memref<10112x128xbf16, #tpu.memory_space<vmem_shared>>) dst(%dma_wait3A_556 : memref<128x128xbf16, #tpu.memory_space<vmem>>)
      %run_scoped3A_563 = arith.constant 3 : i32
      %run_scoped3A_564 = arith.constant 3 : i32
      %run_scoped3A_565 = arith.constant 1 : i32
      "tpu.region"() ({
        %run_scoped3A_690 = tpu.sem_alloc : memref<!tpu.dma_semaphore, #tpu.memory_space<semaphore_mem>>
        %dma_start3A_691 = arith.constant 0 : i32
        %dma_start3A_692 = arith.constant 0 : i32
        %dma_start3A_693 = tpu.memref_slice %arg7[%run_scoped3A_563, %dma_start3A_691, %dma_start3A_692] : memref<5x128x128xbf16, #tpu.memory_space<vmem>> -> memref<1x128x128xbf16, #tpu.memory_space<vmem>>
        %dma_start3A_694 = tpu.memref_squeeze %dma_start3A_693 : memref<1x128x128xbf16, #tpu.memory_space<vmem>> -> memref<128x128xbf16, #tpu.memory_space<vmem>>
        %dma_start3A_695 = arith.constant 0 : i32
        %dma_start3A_696 = tpu.memref_slice %arg6[%run_scoped3A_564, %run_scoped3A_565, %dma_start3A_695] : memref<5x2x128xi32, #tpu.memory_space<vmem>> -> memref<1x1x128xi32, #tpu.memory_space<vmem>>
        %dma_start3A_697 = tpu.memref_squeeze %dma_start3A_696 : memref<1x1x128xi32, #tpu.memory_space<vmem>> -> memref<128xi32, #tpu.memory_space<vmem>>
        %dma_start3A_698 = arith.constant 0 : i32
        %dma_start3A_699 = arith.constant 0 : i32
        %dma_start3A_700 = tpu.memref_slice %arg8[%dma_start3A_698, %dma_start3A_699] : memref<10112x128xbf16, #tpu.memory_space<vmem_shared>> -> memref<10112x128xbf16, #tpu.memory_space<vmem_shared>>
        tpu.enqueue_indirect_dma source(%dma_start3A_694 : memref<128x128xbf16, #tpu.memory_space<vmem>>) target(%dma_start3A_700 : memref<10112x128xbf16, #tpu.memory_space<vmem_shared>>) offsets(%dma_start3A_697 : memref<128xi32, #tpu.memory_space<vmem>>) semaphore(%run_scoped3A_690 : memref<!tpu.dma_semaphore, #tpu.memory_space<semaphore_mem>>) {add = true}
        %dma_wait3A_701 = arith.constant 0 : i32
        %dma_wait3A_702 = arith.constant 0 : i32
        %dma_wait3A_703 = tpu.memref_slice %arg7[%run_scoped3A_563, %dma_wait3A_701, %dma_wait3A_702] : memref<5x128x128xbf16, #tpu.memory_space<vmem>> -> memref<1x128x128xbf16, #tpu.memory_space<vmem>>
        %dma_wait3A_704 = tpu.memref_squeeze %dma_wait3A_703 : memref<1x128x128xbf16, #tpu.memory_space<vmem>> -> memref<128x128xbf16, #tpu.memory_space<vmem>>
        %dma_wait3A_705 = arith.constant 0 : i32
        %dma_wait3A_706 = tpu.memref_slice %arg6[%run_scoped3A_564, %run_scoped3A_565, %dma_wait3A_705] : memref<5x2x128xi32, #tpu.memory_space<vmem>> -> memref<1x1x128xi32, #tpu.memory_space<vmem>>
        %dma_wait3A_707 = tpu.memref_squeeze %dma_wait3A_706 : memref<1x1x128xi32, #tpu.memory_space<vmem>> -> memref<128xi32, #tpu.memory_space<vmem>>
        %dma_wait3A_708 = arith.constant 0 : i32
        %dma_wait3A_709 = arith.constant 0 : i32
        %dma_wait3A_710 = tpu.memref_slice %arg8[%dma_wait3A_708, %dma_wait3A_709] : memref<10112x128xbf16, #tpu.memory_space<vmem_shared>> -> memref<10112x128xbf16, #tpu.memory_space<vmem_shared>>
        tpu.wait_indirect_dma semaphore(%run_scoped3A_690 : memref<!tpu.dma_semaphore, #tpu.memory_space<semaphore_mem>>) src(%dma_wait3A_704 : memref<128x128xbf16, #tpu.memory_space<vmem>>) dst(%dma_wait3A_710 : memref<10112x128xbf16, #tpu.memory_space<vmem_shared>>)
        tpu.yield
      }) : () -> ()
      %add3A_566 = arith.constant 3 : i32
      %add3A_567 = arith.addi %add3A_549, %add3A_566 : i32
      %dma_start3A_568 = arith.constant 1 : i32
      %dma_start3A_569 = arith.constant 0 : i32
      %dma_start3A_570 = arith.constant 0 : i32
      %dma_start3A_571 = tpu.memref_slice %arg6[%dma_start3A_568, %dma_start3A_569, %dma_start3A_570] : memref<5x2x128xi32, #tpu.memory_space<vmem>> -> memref<1x2x128xi32, #tpu.memory_space<vmem>>
      %dma_start3A_572 = tpu.memref_squeeze %dma_start3A_571 : memref<1x2x128xi32, #tpu.memory_space<vmem>> -> memref<2x128xi32, #tpu.memory_space<vmem>>
      %dma_start3A_573 = arith.constant 0 : i32
      %dma_start3A_574 = arith.constant 0 : i32
      %dma_start3A_575 = tpu.memref_slice %arg3[%add3A, %add3A_567, %dma_start3A_573, %dma_start3A_574] : memref<32x80x2x128xi32, #tpu.memory_space<hbm>> -> memref<1x1x2x128xi32, #tpu.memory_space<hbm>>
      %dma_start3A_576 = tpu.memref_squeeze %dma_start3A_575 : memref<1x1x2x128xi32, #tpu.memory_space<hbm>> -> memref<2x128xi32, #tpu.memory_space<hbm>>
      %dma_start3A_577 = arith.constant 0 : i32
      %dma_start3A_578 = arith.constant 0 : i32
      %dma_start3A_579 = tpu.memref_slice %arg6[%dma_start3A_568, %dma_start3A_577, %dma_start3A_578] : memref<5x2x128xi32, #tpu.memory_space<vmem>> -> memref<1x2x128xi32, #tpu.memory_space<vmem>>
      %dma_start3A_580 = tpu.memref_squeeze %dma_start3A_579 : memref<1x2x128xi32, #tpu.memory_space<vmem>> -> memref<2x128xi32, #tpu.memory_space<vmem>>
      %dma_start3A_581 = arith.constant 0 : i32
      %dma_start3A_582 = arith.constant 0 : i32
      %dma_start3A_583 = tpu.memref_slice %arg3[%add3A, %add3A_567, %dma_start3A_581, %dma_start3A_582] : memref<32x80x2x128xi32, #tpu.memory_space<hbm>> -> memref<1x1x2x128xi32, #tpu.memory_space<hbm>>
      %dma_start3A_584 = tpu.memref_squeeze %dma_start3A_583 : memref<1x1x2x128xi32, #tpu.memory_space<hbm>> -> memref<2x128xi32, #tpu.memory_space<hbm>>
      tpu.enqueue_dma source(%dma_start3A_584 : memref<2x128xi32, #tpu.memory_space<hbm>>) target(%dma_start3A_580 : memref<2x128xi32, #tpu.memory_space<vmem>>) target_semaphore(%arg11 : memref<!tpu.dma_semaphore, #tpu.memory_space<semaphore_mem>>)
      %add3A_585 = arith.constant 2 : i32
      %add3A_586 = arith.addi %add3A_549, %add3A_585 : i32
      %dma_wait3A_587 = arith.constant 0 : i32
      %dma_wait3A_588 = arith.constant 0 : i32
      %dma_wait3A_589 = arith.constant 0 : i32
      %dma_wait3A_590 = tpu.memref_slice %arg6[%dma_wait3A_587, %dma_wait3A_588, %dma_wait3A_589] : memref<5x2x128xi32, #tpu.memory_space<vmem>> -> memref<1x2x128xi32, #tpu.memory_space<vmem>>
      %dma_wait3A_591 = tpu.memref_squeeze %dma_wait3A_590 : memref<1x2x128xi32, #tpu.memory_space<vmem>> -> memref<2x128xi32, #tpu.memory_space<vmem>>
      %dma_wait3A_592 = arith.constant 0 : i32
      %dma_wait3A_593 = arith.constant 0 : i32
      %dma_wait3A_594 = tpu.memref_slice %arg3[%add3A, %add3A_586, %dma_wait3A_592, %dma_wait3A_593] : memref<32x80x2x128xi32, #tpu.memory_space<hbm>> -> memref<1x1x2x128xi32, #tpu.memory_space<hbm>>
      %dma_wait3A_595 = tpu.memref_squeeze %dma_wait3A_594 : memref<1x1x2x128xi32, #tpu.memory_space<hbm>> -> memref<2x128xi32, #tpu.memory_space<hbm>>
      %dma_wait3A_596 = arith.constant 0 : i32
      %dma_wait3A_597 = arith.constant 0 : i32
      %dma_wait3A_598 = tpu.memref_slice %arg6[%dma_wait3A_587, %dma_wait3A_596, %dma_wait3A_597] : memref<5x2x128xi32, #tpu.memory_space<vmem>> -> memref<1x2x128xi32, #tpu.memory_space<vmem>>
      %dma_wait3A_599 = tpu.memref_squeeze %dma_wait3A_598 : memref<1x2x128xi32, #tpu.memory_space<vmem>> -> memref<2x128xi32, #tpu.memory_space<vmem>>
      %dma_wait3A_600 = arith.constant 0 : i32
      %dma_wait3A_601 = arith.constant 0 : i32
      %dma_wait3A_602 = tpu.memref_slice %arg3[%add3A, %add3A_586, %dma_wait3A_600, %dma_wait3A_601] : memref<32x80x2x128xi32, #tpu.memory_space<hbm>> -> memref<1x1x2x128xi32, #tpu.memory_space<hbm>>
      %dma_wait3A_603 = tpu.memref_squeeze %dma_wait3A_602 : memref<1x1x2x128xi32, #tpu.memory_space<hbm>> -> memref<2x128xi32, #tpu.memory_space<hbm>>
      tpu.wait_dma2 semaphore(%arg10 : memref<!tpu.dma_semaphore, #tpu.memory_space<semaphore_mem>>) src(%dma_wait3A_603 : memref<2x128xi32, #tpu.memory_space<hbm>>) dst(%dma_wait3A_599 : memref<2x128xi32, #tpu.memory_space<vmem>>)
      %add3A_604 = arith.constant 2 : i32
      %add3A_605 = arith.addi %add3A_549, %add3A_604 : i32
      %dma_start3A_606 = arith.constant 0 : i32
      %dma_start3A_607 = arith.constant 0 : i32
      %dma_start3A_608 = arith.constant 0 : i32
      %dma_start3A_609 = arith.constant 0 : i32
      %dma_start3A_610 = arith.constant 0 : i32
      %dma_start3A_611 = tpu.memref_slice %arg7[%dma_start3A_608, %dma_start3A_609, %dma_start3A_610] : memref<5x128x128xbf16, #tpu.memory_space<vmem>> -> memref<1x128x128xbf16, #tpu.memory_space<vmem>>
      %dma_start3A_612 = tpu.memref_squeeze %dma_start3A_611 : memref<1x128x128xbf16, #tpu.memory_space<vmem>> -> memref<128x128xbf16, #tpu.memory_space<vmem>>
      %dma_start3A_613 = arith.constant 0 : i32
      %dma_start3A_614 = tpu.memref_slice %arg6[%dma_start3A_606, %dma_start3A_607, %dma_start3A_613] : memref<5x2x128xi32, #tpu.memory_space<vmem>> -> memref<1x1x128xi32, #tpu.memory_space<vmem>>
      %dma_start3A_615 = tpu.memref_squeeze %dma_start3A_614 : memref<1x1x128xi32, #tpu.memory_space<vmem>> -> memref<128xi32, #tpu.memory_space<vmem>>
      %dma_start3A_616 = arith.constant 0 : i32
      %dma_start3A_617 = arith.constant 0 : i32
      %dma_start3A_618 = tpu.memref_slice %arg9[%dma_start3A_616, %dma_start3A_617] : memref<10112x128xbf16, #tpu.memory_space<vmem_shared>> -> memref<10112x128xbf16, #tpu.memory_space<vmem_shared>>
      tpu.enqueue_indirect_dma source(%dma_start3A_618 : memref<10112x128xbf16, #tpu.memory_space<vmem_shared>>) target(%dma_start3A_612 : memref<128x128xbf16, #tpu.memory_space<vmem>>) offsets(%dma_start3A_615 : memref<128xi32, #tpu.memory_space<vmem>>) semaphore(%arg15 : memref<!tpu.dma_semaphore, #tpu.memory_space<semaphore_mem>>)
      %add3A_619 = arith.constant 4 : i32
      %add3A_620 = arith.addi %add3A_334, %add3A_619 : i32
      %dma_wait3A_621 = arith.constant 4 : i32
      %dma_wait3A_622 = arith.constant 0 : i32
      %dma_wait3A_623 = arith.constant 4 : i32
      %dma_wait3A_624 = arith.constant 0 : i32
      %dma_wait3A_625 = arith.constant 0 : i32
      %dma_wait3A_626 = tpu.memref_slice %arg7[%dma_wait3A_623, %dma_wait3A_624, %dma_wait3A_625] : memref<5x128x128xbf16, #tpu.memory_space<vmem>> -> memref<1x128x128xbf16, #tpu.memory_space<vmem>>
      %dma_wait3A_627 = tpu.memref_squeeze %dma_wait3A_626 : memref<1x128x128xbf16, #tpu.memory_space<vmem>> -> memref<128x128xbf16, #tpu.memory_space<vmem>>
      %dma_wait3A_628 = arith.constant 0 : i32
      %dma_wait3A_629 = tpu.memref_slice %arg6[%dma_wait3A_621, %dma_wait3A_622, %dma_wait3A_628] : memref<5x2x128xi32, #tpu.memory_space<vmem>> -> memref<1x1x128xi32, #tpu.memory_space<vmem>>
      %dma_wait3A_630 = tpu.memref_squeeze %dma_wait3A_629 : memref<1x1x128xi32, #tpu.memory_space<vmem>> -> memref<128xi32, #tpu.memory_space<vmem>>
      %dma_wait3A_631 = arith.constant 0 : i32
      %dma_wait3A_632 = arith.constant 0 : i32
      %dma_wait3A_633 = tpu.memref_slice %arg9[%dma_wait3A_631, %dma_wait3A_632] : memref<10112x128xbf16, #tpu.memory_space<vmem_shared>> -> memref<10112x128xbf16, #tpu.memory_space<vmem_shared>>
      tpu.wait_indirect_dma semaphore(%arg19 : memref<!tpu.dma_semaphore, #tpu.memory_space<semaphore_mem>>) src(%dma_wait3A_633 : memref<10112x128xbf16, #tpu.memory_space<vmem_shared>>) dst(%dma_wait3A_627 : memref<128x128xbf16, #tpu.memory_space<vmem>>)
      %run_scoped3A_634 = arith.constant 4 : i32
      %run_scoped3A_635 = arith.constant 4 : i32
      %run_scoped3A_636 = arith.constant 1 : i32
      "tpu.region"() ({
        %run_scoped3A_690 = tpu.sem_alloc : memref<!tpu.dma_semaphore, #tpu.memory_space<semaphore_mem>>
        %dma_start3A_691 = arith.constant 0 : i32
        %dma_start3A_692 = arith.constant 0 : i32
        %dma_start3A_693 = tpu.memref_slice %arg7[%run_scoped3A_634, %dma_start3A_691, %dma_start3A_692] : memref<5x128x128xbf16, #tpu.memory_space<vmem>> -> memref<1x128x128xbf16, #tpu.memory_space<vmem>>
        %dma_start3A_694 = tpu.memref_squeeze %dma_start3A_693 : memref<1x128x128xbf16, #tpu.memory_space<vmem>> -> memref<128x128xbf16, #tpu.memory_space<vmem>>
        %dma_start3A_695 = arith.constant 0 : i32
        %dma_start3A_696 = tpu.memref_slice %arg6[%run_scoped3A_635, %run_scoped3A_636, %dma_start3A_695] : memref<5x2x128xi32, #tpu.memory_space<vmem>> -> memref<1x1x128xi32, #tpu.memory_space<vmem>>
        %dma_start3A_697 = tpu.memref_squeeze %dma_start3A_696 : memref<1x1x128xi32, #tpu.memory_space<vmem>> -> memref<128xi32, #tpu.memory_space<vmem>>
        %dma_start3A_698 = arith.constant 0 : i32
        %dma_start3A_699 = arith.constant 0 : i32
        %dma_start3A_700 = tpu.memref_slice %arg8[%dma_start3A_698, %dma_start3A_699] : memref<10112x128xbf16, #tpu.memory_space<vmem_shared>> -> memref<10112x128xbf16, #tpu.memory_space<vmem_shared>>
        tpu.enqueue_indirect_dma source(%dma_start3A_694 : memref<128x128xbf16, #tpu.memory_space<vmem>>) target(%dma_start3A_700 : memref<10112x128xbf16, #tpu.memory_space<vmem_shared>>) offsets(%dma_start3A_697 : memref<128xi32, #tpu.memory_space<vmem>>) semaphore(%run_scoped3A_690 : memref<!tpu.dma_semaphore, #tpu.memory_space<semaphore_mem>>) {add = true}
        %dma_wait3A_701 = arith.constant 0 : i32
        %dma_wait3A_702 = arith.constant 0 : i32
        %dma_wait3A_703 = tpu.memref_slice %arg7[%run_scoped3A_634, %dma_wait3A_701, %dma_wait3A_702] : memref<5x128x128xbf16, #tpu.memory_space<vmem>> -> memref<1x128x128xbf16, #tpu.memory_space<vmem>>
        %dma_wait3A_704 = tpu.memref_squeeze %dma_wait3A_703 : memref<1x128x128xbf16, #tpu.memory_space<vmem>> -> memref<128x128xbf16, #tpu.memory_space<vmem>>
        %dma_wait3A_705 = arith.constant 0 : i32
        %dma_wait3A_706 = tpu.memref_slice %arg6[%run_scoped3A_635, %run_scoped3A_636, %dma_wait3A_705] : memref<5x2x128xi32, #tpu.memory_space<vmem>> -> memref<1x1x128xi32, #tpu.memory_space<vmem>>
        %dma_wait3A_707 = tpu.memref_squeeze %dma_wait3A_706 : memref<1x1x128xi32, #tpu.memory_space<vmem>> -> memref<128xi32, #tpu.memory_space<vmem>>
        %dma_wait3A_708 = arith.constant 0 : i32
        %dma_wait3A_709 = arith.constant 0 : i32
        %dma_wait3A_710 = tpu.memref_slice %arg8[%dma_wait3A_708, %dma_wait3A_709] : memref<10112x128xbf16, #tpu.memory_space<vmem_shared>> -> memref<10112x128xbf16, #tpu.memory_space<vmem_shared>>
        tpu.wait_indirect_dma semaphore(%run_scoped3A_690 : memref<!tpu.dma_semaphore, #tpu.memory_space<semaphore_mem>>) src(%dma_wait3A_704 : memref<128x128xbf16, #tpu.memory_space<vmem>>) dst(%dma_wait3A_710 : memref<10112x128xbf16, #tpu.memory_space<vmem_shared>>)
        tpu.yield
      }) : () -> ()
      %add3A_637 = arith.constant 3 : i32
      %add3A_638 = arith.addi %add3A_620, %add3A_637 : i32
      %dma_start3A_639 = arith.constant 2 : i32
      %dma_start3A_640 = arith.constant 0 : i32
      %dma_start3A_641 = arith.constant 0 : i32
      %dma_start3A_642 = tpu.memref_slice %arg6[%dma_start3A_639, %dma_start3A_640, %dma_start3A_641] : memref<5x2x128xi32, #tpu.memory_space<vmem>> -> memref<1x2x128xi32, #tpu.memory_space<vmem>>
      %dma_start3A_643 = tpu.memref_squeeze %dma_start3A_642 : memref<1x2x128xi32, #tpu.memory_space<vmem>> -> memref<2x128xi32, #tpu.memory_space<vmem>>
      %dma_start3A_644 = arith.constant 0 : i32
      %dma_start3A_645 = arith.constant 0 : i32
      %dma_start3A_646 = tpu.memref_slice %arg3[%add3A, %add3A_638, %dma_start3A_644, %dma_start3A_645] : memref<32x80x2x128xi32, #tpu.memory_space<hbm>> -> memref<1x1x2x128xi32, #tpu.memory_space<hbm>>
      %dma_start3A_647 = tpu.memref_squeeze %dma_start3A_646 : memref<1x1x2x128xi32, #tpu.memory_space<hbm>> -> memref<2x128xi32, #tpu.memory_space<hbm>>
      %dma_start3A_648 = arith.constant 0 : i32
      %dma_start3A_649 = arith.constant 0 : i32
      %dma_start3A_650 = tpu.memref_slice %arg6[%dma_start3A_639, %dma_start3A_648, %dma_start3A_649] : memref<5x2x128xi32, #tpu.memory_space<vmem>> -> memref<1x2x128xi32, #tpu.memory_space<vmem>>
      %dma_start3A_651 = tpu.memref_squeeze %dma_start3A_650 : memref<1x2x128xi32, #tpu.memory_space<vmem>> -> memref<2x128xi32, #tpu.memory_space<vmem>>
      %dma_start3A_652 = arith.constant 0 : i32
      %dma_start3A_653 = arith.constant 0 : i32
      %dma_start3A_654 = tpu.memref_slice %arg3[%add3A, %add3A_638, %dma_start3A_652, %dma_start3A_653] : memref<32x80x2x128xi32, #tpu.memory_space<hbm>> -> memref<1x1x2x128xi32, #tpu.memory_space<hbm>>
      %dma_start3A_655 = tpu.memref_squeeze %dma_start3A_654 : memref<1x1x2x128xi32, #tpu.memory_space<hbm>> -> memref<2x128xi32, #tpu.memory_space<hbm>>
      tpu.enqueue_dma source(%dma_start3A_655 : memref<2x128xi32, #tpu.memory_space<hbm>>) target(%dma_start3A_651 : memref<2x128xi32, #tpu.memory_space<vmem>>) target_semaphore(%arg12 : memref<!tpu.dma_semaphore, #tpu.memory_space<semaphore_mem>>)
      %add3A_656 = arith.constant 2 : i32
      %add3A_657 = arith.addi %add3A_620, %add3A_656 : i32
      %dma_wait3A_658 = arith.constant 1 : i32
      %dma_wait3A_659 = arith.constant 0 : i32
      %dma_wait3A_660 = arith.constant 0 : i32
      %dma_wait3A_661 = tpu.memref_slice %arg6[%dma_wait3A_658, %dma_wait3A_659, %dma_wait3A_660] : memref<5x2x128xi32, #tpu.memory_space<vmem>> -> memref<1x2x128xi32, #tpu.memory_space<vmem>>
      %dma_wait3A_662 = tpu.memref_squeeze %dma_wait3A_661 : memref<1x2x128xi32, #tpu.memory_space<vmem>> -> memref<2x128xi32, #tpu.memory_space<vmem>>
      %dma_wait3A_663 = arith.constant 0 : i32
      %dma_wait3A_664 = arith.constant 0 : i32
      %dma_wait3A_665 = tpu.memref_slice %arg3[%add3A, %add3A_657, %dma_wait3A_663, %dma_wait3A_664] : memref<32x80x2x128xi32, #tpu.memory_space<hbm>> -> memref<1x1x2x128xi32, #tpu.memory_space<hbm>>
      %dma_wait3A_666 = tpu.memref_squeeze %dma_wait3A_665 : memref<1x1x2x128xi32, #tpu.memory_space<hbm>> -> memref<2x128xi32, #tpu.memory_space<hbm>>
      %dma_wait3A_667 = arith.constant 0 : i32
      %dma_wait3A_668 = arith.constant 0 : i32
      %dma_wait3A_669 = tpu.memref_slice %arg6[%dma_wait3A_658, %dma_wait3A_667, %dma_wait3A_668] : memref<5x2x128xi32, #tpu.memory_space<vmem>> -> memref<1x2x128xi32, #tpu.memory_space<vmem>>
      %dma_wait3A_670 = tpu.memref_squeeze %dma_wait3A_669 : memref<1x2x128xi32, #tpu.memory_space<vmem>> -> memref<2x128xi32, #tpu.memory_space<vmem>>
      %dma_wait3A_671 = arith.constant 0 : i32
      %dma_wait3A_672 = arith.constant 0 : i32
      %dma_wait3A_673 = tpu.memref_slice %arg3[%add3A, %add3A_657, %dma_wait3A_671, %dma_wait3A_672] : memref<32x80x2x128xi32, #tpu.memory_space<hbm>> -> memref<1x1x2x128xi32, #tpu.memory_space<hbm>>
      %dma_wait3A_674 = tpu.memref_squeeze %dma_wait3A_673 : memref<1x1x2x128xi32, #tpu.memory_space<hbm>> -> memref<2x128xi32, #tpu.memory_space<hbm>>
      tpu.wait_dma2 semaphore(%arg11 : memref<!tpu.dma_semaphore, #tpu.memory_space<semaphore_mem>>) src(%dma_wait3A_674 : memref<2x128xi32, #tpu.memory_space<hbm>>) dst(%dma_wait3A_670 : memref<2x128xi32, #tpu.memory_space<vmem>>)
      %add3A_675 = arith.constant 2 : i32
      %add3A_676 = arith.addi %add3A_620, %add3A_675 : i32
      %dma_start3A_677 = arith.constant 1 : i32
      %dma_start3A_678 = arith.constant 0 : i32
      %dma_start3A_679 = arith.constant 1 : i32
      %dma_start3A_680 = arith.constant 0 : i32
      %dma_start3A_681 = arith.constant 0 : i32
      %dma_start3A_682 = tpu.memref_slice %arg7[%dma_start3A_679, %dma_start3A_680, %dma_start3A_681] : memref<5x128x128xbf16, #tpu.memory_space<vmem>> -> memref<1x128x128xbf16, #tpu.memory_space<vmem>>
      %dma_start3A_683 = tpu.memref_squeeze %dma_start3A_682 : memref<1x128x128xbf16, #tpu.memory_space<vmem>> -> memref<128x128xbf16, #tpu.memory_space<vmem>>
      %dma_start3A_684 = arith.constant 0 : i32
      %dma_start3A_685 = tpu.memref_slice %arg6[%dma_start3A_677, %dma_start3A_678, %dma_start3A_684] : memref<5x2x128xi32, #tpu.memory_space<vmem>> -> memref<1x1x128xi32, #tpu.memory_space<vmem>>
      %dma_start3A_686 = tpu.memref_squeeze %dma_start3A_685 : memref<1x1x128xi32, #tpu.memory_space<vmem>> -> memref<128xi32, #tpu.memory_space<vmem>>
      %dma_start3A_687 = arith.constant 0 : i32
      %dma_start3A_688 = arith.constant 0 : i32
      %dma_start3A_689 = tpu.memref_slice %arg9[%dma_start3A_687, %dma_start3A_688] : memref<10112x128xbf16, #tpu.memory_space<vmem_shared>> -> memref<10112x128xbf16, #tpu.memory_space<vmem_shared>>
      tpu.enqueue_indirect_dma source(%dma_start3A_689 : memref<10112x128xbf16, #tpu.memory_space<vmem_shared>>) target(%dma_start3A_683 : memref<128x128xbf16, #tpu.memory_space<vmem>>) offsets(%dma_start3A_686 : memref<128xi32, #tpu.memory_space<vmem>>) semaphore(%arg16 : memref<!tpu.dma_semaphore, #tpu.memory_space<semaphore_mem>>)
    }
    %scan3A_120 = arith.constant 15 : i32
    %dma_wait3A_121 = arith.constant 0 : i32
    %dma_wait3A_122 = arith.constant 0 : i32
    %dma_wait3A_123 = arith.constant 0 : i32
    %dma_wait3A_124 = arith.constant 0 : i32
    %dma_wait3A_125 = arith.constant 0 : i32
    %dma_wait3A_126 = tpu.memref_slice %arg7[%dma_wait3A_123, %dma_wait3A_124, %dma_wait3A_125] : memref<5x128x128xbf16, #tpu.memory_space<vmem>> -> memref<1x128x128xbf16, #tpu.memory_space<vmem>>
    %dma_wait3A_127 = tpu.memref_squeeze %dma_wait3A_126 : memref<1x128x128xbf16, #tpu.memory_space<vmem>> -> memref<128x128xbf16, #tpu.memory_space<vmem>>
    %dma_wait3A_128 = arith.constant 0 : i32
    %dma_wait3A_129 = tpu.memref_slice %arg6[%dma_wait3A_121, %dma_wait3A_122, %dma_wait3A_128] : memref<5x2x128xi32, #tpu.memory_space<vmem>> -> memref<1x1x128xi32, #tpu.memory_space<vmem>>
    %dma_wait3A_130 = tpu.memref_squeeze %dma_wait3A_129 : memref<1x1x128xi32, #tpu.memory_space<vmem>> -> memref<128xi32, #tpu.memory_space<vmem>>
    %dma_wait3A_131 = arith.constant 0 : i32
    %dma_wait3A_132 = arith.constant 0 : i32
    %dma_wait3A_133 = tpu.memref_slice %arg9[%dma_wait3A_131, %dma_wait3A_132] : memref<10112x128xbf16, #tpu.memory_space<vmem_shared>> -> memref<10112x128xbf16, #tpu.memory_space<vmem_shared>>
    tpu.wait_indirect_dma semaphore(%arg15 : memref<!tpu.dma_semaphore, #tpu.memory_space<semaphore_mem>>) src(%dma_wait3A_133 : memref<10112x128xbf16, #tpu.memory_space<vmem_shared>>) dst(%dma_wait3A_127 : memref<128x128xbf16, #tpu.memory_space<vmem>>)
    %run_scoped3A = arith.constant 0 : i32
    %run_scoped3A_134 = arith.constant 0 : i32
    %run_scoped3A_135 = arith.constant 1 : i32
    "tpu.region"() ({
      %run_scoped3A_330 = tpu.sem_alloc : memref<!tpu.dma_semaphore, #tpu.memory_space<semaphore_mem>>
      %dma_start3A_331 = arith.constant 0 : i32
      %dma_start3A_332 = arith.constant 0 : i32
      %dma_start3A_333 = tpu.memref_slice %arg7[%run_scoped3A, %dma_start3A_331, %dma_start3A_332] : memref<5x128x128xbf16, #tpu.memory_space<vmem>> -> memref<1x128x128xbf16, #tpu.memory_space<vmem>>
      %dma_start3A_334 = tpu.memref_squeeze %dma_start3A_333 : memref<1x128x128xbf16, #tpu.memory_space<vmem>> -> memref<128x128xbf16, #tpu.memory_space<vmem>>
      %dma_start3A_335 = arith.constant 0 : i32
      %dma_start3A_336 = tpu.memref_slice %arg6[%run_scoped3A_134, %run_scoped3A_135, %dma_start3A_335] : memref<5x2x128xi32, #tpu.memory_space<vmem>> -> memref<1x1x128xi32, #tpu.memory_space<vmem>>
      %dma_start3A_337 = tpu.memref_squeeze %dma_start3A_336 : memref<1x1x128xi32, #tpu.memory_space<vmem>> -> memref<128xi32, #tpu.memory_space<vmem>>
      %dma_start3A_338 = arith.constant 0 : i32
      %dma_start3A_339 = arith.constant 0 : i32
      %dma_start3A_340 = tpu.memref_slice %arg8[%dma_start3A_338, %dma_start3A_339] : memref<10112x128xbf16, #tpu.memory_space<vmem_shared>> -> memref<10112x128xbf16, #tpu.memory_space<vmem_shared>>
      tpu.enqueue_indirect_dma source(%dma_start3A_334 : memref<128x128xbf16, #tpu.memory_space<vmem>>) target(%dma_start3A_340 : memref<10112x128xbf16, #tpu.memory_space<vmem_shared>>) offsets(%dma_start3A_337 : memref<128xi32, #tpu.memory_space<vmem>>) semaphore(%run_scoped3A_330 : memref<!tpu.dma_semaphore, #tpu.memory_space<semaphore_mem>>) {add = true}
      %dma_wait3A_341 = arith.constant 0 : i32
      %dma_wait3A_342 = arith.constant 0 : i32
      %dma_wait3A_343 = tpu.memref_slice %arg7[%run_scoped3A, %dma_wait3A_341, %dma_wait3A_342] : memref<5x128x128xbf16, #tpu.memory_space<vmem>> -> memref<1x128x128xbf16, #tpu.memory_space<vmem>>
      %dma_wait3A_344 = tpu.memref_squeeze %dma_wait3A_343 : memref<1x128x128xbf16, #tpu.memory_space<vmem>> -> memref<128x128xbf16, #tpu.memory_space<vmem>>
      %dma_wait3A_345 = arith.constant 0 : i32
      %dma_wait3A_346 = tpu.memref_slice %arg6[%run_scoped3A_134, %run_scoped3A_135, %dma_wait3A_345] : memref<5x2x128xi32, #tpu.memory_space<vmem>> -> memref<1x1x128xi32, #tpu.memory_space<vmem>>
      %dma_wait3A_347 = tpu.memref_squeeze %dma_wait3A_346 : memref<1x1x128xi32, #tpu.memory_space<vmem>> -> memref<128xi32, #tpu.memory_space<vmem>>
      %dma_wait3A_348 = arith.constant 0 : i32
      %dma_wait3A_349 = arith.constant 0 : i32
      %dma_wait3A_350 = tpu.memref_slice %arg8[%dma_wait3A_348, %dma_wait3A_349] : memref<10112x128xbf16, #tpu.memory_space<vmem_shared>> -> memref<10112x128xbf16, #tpu.memory_space<vmem_shared>>
      tpu.wait_indirect_dma semaphore(%run_scoped3A_330 : memref<!tpu.dma_semaphore, #tpu.memory_space<semaphore_mem>>) src(%dma_wait3A_344 : memref<128x128xbf16, #tpu.memory_space<vmem>>) dst(%dma_wait3A_350 : memref<10112x128xbf16, #tpu.memory_space<vmem_shared>>)
      tpu.yield
    }) : () -> ()
    %dma_start3A_136 = arith.constant 78 : i32
    %dma_start3A_137 = arith.constant 3 : i32
    %dma_start3A_138 = arith.constant 0 : i32
    %dma_start3A_139 = arith.constant 0 : i32
    %dma_start3A_140 = tpu.memref_slice %arg6[%dma_start3A_137, %dma_start3A_138, %dma_start3A_139] : memref<5x2x128xi32, #tpu.memory_space<vmem>> -> memref<1x2x128xi32, #tpu.memory_space<vmem>>
    %dma_start3A_141 = tpu.memref_squeeze %dma_start3A_140 : memref<1x2x128xi32, #tpu.memory_space<vmem>> -> memref<2x128xi32, #tpu.memory_space<vmem>>
    %dma_start3A_142 = arith.constant 0 : i32
    %dma_start3A_143 = arith.constant 0 : i32
    %dma_start3A_144 = tpu.memref_slice %arg3[%add3A, %dma_start3A_136, %dma_start3A_142, %dma_start3A_143] : memref<32x80x2x128xi32, #tpu.memory_space<hbm>> -> memref<1x1x2x128xi32, #tpu.memory_space<hbm>>
    %dma_start3A_145 = tpu.memref_squeeze %dma_start3A_144 : memref<1x1x2x128xi32, #tpu.memory_space<hbm>> -> memref<2x128xi32, #tpu.memory_space<hbm>>
    %dma_start3A_146 = arith.constant 0 : i32
    %dma_start3A_147 = arith.constant 0 : i32
    %dma_start3A_148 = tpu.memref_slice %arg6[%dma_start3A_137, %dma_start3A_146, %dma_start3A_147] : memref<5x2x128xi32, #tpu.memory_space<vmem>> -> memref<1x2x128xi32, #tpu.memory_space<vmem>>
    %dma_start3A_149 = tpu.memref_squeeze %dma_start3A_148 : memref<1x2x128xi32, #tpu.memory_space<vmem>> -> memref<2x128xi32, #tpu.memory_space<vmem>>
    %dma_start3A_150 = arith.constant 0 : i32
    %dma_start3A_151 = arith.constant 0 : i32
    %dma_start3A_152 = tpu.memref_slice %arg3[%add3A, %dma_start3A_136, %dma_start3A_150, %dma_start3A_151] : memref<32x80x2x128xi32, #tpu.memory_space<hbm>> -> memref<1x1x2x128xi32, #tpu.memory_space<hbm>>
    %dma_start3A_153 = tpu.memref_squeeze %dma_start3A_152 : memref<1x1x2x128xi32, #tpu.memory_space<hbm>> -> memref<2x128xi32, #tpu.memory_space<hbm>>
    tpu.enqueue_dma source(%dma_start3A_153 : memref<2x128xi32, #tpu.memory_space<hbm>>) target(%dma_start3A_149 : memref<2x128xi32, #tpu.memory_space<vmem>>) target_semaphore(%arg13 : memref<!tpu.dma_semaphore, #tpu.memory_space<semaphore_mem>>)
    %dma_wait3A_154 = arith.constant 77 : i32
    %dma_wait3A_155 = arith.constant 2 : i32
    %dma_wait3A_156 = arith.constant 0 : i32
    %dma_wait3A_157 = arith.constant 0 : i32
    %dma_wait3A_158 = tpu.memref_slice %arg6[%dma_wait3A_155, %dma_wait3A_156, %dma_wait3A_157] : memref<5x2x128xi32, #tpu.memory_space<vmem>> -> memref<1x2x128xi32, #tpu.memory_space<vmem>>
    %dma_wait3A_159 = tpu.memref_squeeze %dma_wait3A_158 : memref<1x2x128xi32, #tpu.memory_space<vmem>> -> memref<2x128xi32, #tpu.memory_space<vmem>>
    %dma_wait3A_160 = arith.constant 0 : i32
    %dma_wait3A_161 = arith.constant 0 : i32
    %dma_wait3A_162 = tpu.memref_slice %arg3[%add3A, %dma_wait3A_154, %dma_wait3A_160, %dma_wait3A_161] : memref<32x80x2x128xi32, #tpu.memory_space<hbm>> -> memref<1x1x2x128xi32, #tpu.memory_space<hbm>>
    %dma_wait3A_163 = tpu.memref_squeeze %dma_wait3A_162 : memref<1x1x2x128xi32, #tpu.memory_space<hbm>> -> memref<2x128xi32, #tpu.memory_space<hbm>>
    %dma_wait3A_164 = arith.constant 0 : i32
    %dma_wait3A_165 = arith.constant 0 : i32
    %dma_wait3A_166 = tpu.memref_slice %arg6[%dma_wait3A_155, %dma_wait3A_164, %dma_wait3A_165] : memref<5x2x128xi32, #tpu.memory_space<vmem>> -> memref<1x2x128xi32, #tpu.memory_space<vmem>>
    %dma_wait3A_167 = tpu.memref_squeeze %dma_wait3A_166 : memref<1x2x128xi32, #tpu.memory_space<vmem>> -> memref<2x128xi32, #tpu.memory_space<vmem>>
    %dma_wait3A_168 = arith.constant 0 : i32
    %dma_wait3A_169 = arith.constant 0 : i32
    %dma_wait3A_170 = tpu.memref_slice %arg3[%add3A, %dma_wait3A_154, %dma_wait3A_168, %dma_wait3A_169] : memref<32x80x2x128xi32, #tpu.memory_space<hbm>> -> memref<1x1x2x128xi32, #tpu.memory_space<hbm>>
    %dma_wait3A_171 = tpu.memref_squeeze %dma_wait3A_170 : memref<1x1x2x128xi32, #tpu.memory_space<hbm>> -> memref<2x128xi32, #tpu.memory_space<hbm>>
    tpu.wait_dma2 semaphore(%arg12 : memref<!tpu.dma_semaphore, #tpu.memory_space<semaphore_mem>>) src(%dma_wait3A_171 : memref<2x128xi32, #tpu.memory_space<hbm>>) dst(%dma_wait3A_167 : memref<2x128xi32, #tpu.memory_space<vmem>>)
    %dma_start3A_172 = arith.constant 2 : i32
    %dma_start3A_173 = arith.constant 0 : i32
    %dma_start3A_174 = arith.constant 2 : i32
    %dma_start3A_175 = arith.constant 0 : i32
    %dma_start3A_176 = arith.constant 0 : i32
    %dma_start3A_177 = tpu.memref_slice %arg7[%dma_start3A_174, %dma_start3A_175, %dma_start3A_176] : memref<5x128x128xbf16, #tpu.memory_space<vmem>> -> memref<1x128x128xbf16, #tpu.memory_space<vmem>>
    %dma_start3A_178 = tpu.memref_squeeze %dma_start3A_177 : memref<1x128x128xbf16, #tpu.memory_space<vmem>> -> memref<128x128xbf16, #tpu.memory_space<vmem>>
    %dma_start3A_179 = arith.constant 0 : i32
    %dma_start3A_180 = tpu.memref_slice %arg6[%dma_start3A_172, %dma_start3A_173, %dma_start3A_179] : memref<5x2x128xi32, #tpu.memory_space<vmem>> -> memref<1x1x128xi32, #tpu.memory_space<vmem>>
    %dma_start3A_181 = tpu.memref_squeeze %dma_start3A_180 : memref<1x1x128xi32, #tpu.memory_space<vmem>> -> memref<128xi32, #tpu.memory_space<vmem>>
    %dma_start3A_182 = arith.constant 0 : i32
    %dma_start3A_183 = arith.constant 0 : i32
    %dma_start3A_184 = tpu.memref_slice %arg9[%dma_start3A_182, %dma_start3A_183] : memref<10112x128xbf16, #tpu.memory_space<vmem_shared>> -> memref<10112x128xbf16, #tpu.memory_space<vmem_shared>>
    tpu.enqueue_indirect_dma source(%dma_start3A_184 : memref<10112x128xbf16, #tpu.memory_space<vmem_shared>>) target(%dma_start3A_178 : memref<128x128xbf16, #tpu.memory_space<vmem>>) offsets(%dma_start3A_181 : memref<128xi32, #tpu.memory_space<vmem>>) semaphore(%arg17 : memref<!tpu.dma_semaphore, #tpu.memory_space<semaphore_mem>>)
    %dma_wait3A_185 = arith.constant 1 : i32
    %dma_wait3A_186 = arith.constant 0 : i32
    %dma_wait3A_187 = arith.constant 1 : i32
    %dma_wait3A_188 = arith.constant 0 : i32
    %dma_wait3A_189 = arith.constant 0 : i32
    %dma_wait3A_190 = tpu.memref_slice %arg7[%dma_wait3A_187, %dma_wait3A_188, %dma_wait3A_189] : memref<5x128x128xbf16, #tpu.memory_space<vmem>> -> memref<1x128x128xbf16, #tpu.memory_space<vmem>>
    %dma_wait3A_191 = tpu.memref_squeeze %dma_wait3A_190 : memref<1x128x128xbf16, #tpu.memory_space<vmem>> -> memref<128x128xbf16, #tpu.memory_space<vmem>>
    %dma_wait3A_192 = arith.constant 0 : i32
    %dma_wait3A_193 = tpu.memref_slice %arg6[%dma_wait3A_185, %dma_wait3A_186, %dma_wait3A_192] : memref<5x2x128xi32, #tpu.memory_space<vmem>> -> memref<1x1x128xi32, #tpu.memory_space<vmem>>
    %dma_wait3A_194 = tpu.memref_squeeze %dma_wait3A_193 : memref<1x1x128xi32, #tpu.memory_space<vmem>> -> memref<128xi32, #tpu.memory_space<vmem>>
    %dma_wait3A_195 = arith.constant 0 : i32
    %dma_wait3A_196 = arith.constant 0 : i32
    %dma_wait3A_197 = tpu.memref_slice %arg9[%dma_wait3A_195, %dma_wait3A_196] : memref<10112x128xbf16, #tpu.memory_space<vmem_shared>> -> memref<10112x128xbf16, #tpu.memory_space<vmem_shared>>
    tpu.wait_indirect_dma semaphore(%arg16 : memref<!tpu.dma_semaphore, #tpu.memory_space<semaphore_mem>>) src(%dma_wait3A_197 : memref<10112x128xbf16, #tpu.memory_space<vmem_shared>>) dst(%dma_wait3A_191 : memref<128x128xbf16, #tpu.memory_space<vmem>>)
    %run_scoped3A_198 = arith.constant 1 : i32
    %run_scoped3A_199 = arith.constant 1 : i32
    %run_scoped3A_200 = arith.constant 1 : i32
    "tpu.region"() ({
      %run_scoped3A_330 = tpu.sem_alloc : memref<!tpu.dma_semaphore, #tpu.memory_space<semaphore_mem>>
      %dma_start3A_331 = arith.constant 0 : i32
      %dma_start3A_332 = arith.constant 0 : i32
      %dma_start3A_333 = tpu.memref_slice %arg7[%run_scoped3A_198, %dma_start3A_331, %dma_start3A_332] : memref<5x128x128xbf16, #tpu.memory_space<vmem>> -> memref<1x128x128xbf16, #tpu.memory_space<vmem>>
      %dma_start3A_334 = tpu.memref_squeeze %dma_start3A_333 : memref<1x128x128xbf16, #tpu.memory_space<vmem>> -> memref<128x128xbf16, #tpu.memory_space<vmem>>
      %dma_start3A_335 = arith.constant 0 : i32
      %dma_start3A_336 = tpu.memref_slice %arg6[%run_scoped3A_199, %run_scoped3A_200, %dma_start3A_335] : memref<5x2x128xi32, #tpu.memory_space<vmem>> -> memref<1x1x128xi32, #tpu.memory_space<vmem>>
      %dma_start3A_337 = tpu.memref_squeeze %dma_start3A_336 : memref<1x1x128xi32, #tpu.memory_space<vmem>> -> memref<128xi32, #tpu.memory_space<vmem>>
      %dma_start3A_338 = arith.constant 0 : i32
      %dma_start3A_339 = arith.constant 0 : i32
      %dma_start3A_340 = tpu.memref_slice %arg8[%dma_start3A_338, %dma_start3A_339] : memref<10112x128xbf16, #tpu.memory_space<vmem_shared>> -> memref<10112x128xbf16, #tpu.memory_space<vmem_shared>>
      tpu.enqueue_indirect_dma source(%dma_start3A_334 : memref<128x128xbf16, #tpu.memory_space<vmem>>) target(%dma_start3A_340 : memref<10112x128xbf16, #tpu.memory_space<vmem_shared>>) offsets(%dma_start3A_337 : memref<128xi32, #tpu.memory_space<vmem>>) semaphore(%run_scoped3A_330 : memref<!tpu.dma_semaphore, #tpu.memory_space<semaphore_mem>>) {add = true}
      %dma_wait3A_341 = arith.constant 0 : i32
      %dma_wait3A_342 = arith.constant 0 : i32
      %dma_wait3A_343 = tpu.memref_slice %arg7[%run_scoped3A_198, %dma_wait3A_341, %dma_wait3A_342] : memref<5x128x128xbf16, #tpu.memory_space<vmem>> -> memref<1x128x128xbf16, #tpu.memory_space<vmem>>
      %dma_wait3A_344 = tpu.memref_squeeze %dma_wait3A_343 : memref<1x128x128xbf16, #tpu.memory_space<vmem>> -> memref<128x128xbf16, #tpu.memory_space<vmem>>
      %dma_wait3A_345 = arith.constant 0 : i32
      %dma_wait3A_346 = tpu.memref_slice %arg6[%run_scoped3A_199, %run_scoped3A_200, %dma_wait3A_345] : memref<5x2x128xi32, #tpu.memory_space<vmem>> -> memref<1x1x128xi32, #tpu.memory_space<vmem>>
      %dma_wait3A_347 = tpu.memref_squeeze %dma_wait3A_346 : memref<1x1x128xi32, #tpu.memory_space<vmem>> -> memref<128xi32, #tpu.memory_space<vmem>>
      %dma_wait3A_348 = arith.constant 0 : i32
      %dma_wait3A_349 = arith.constant 0 : i32
      %dma_wait3A_350 = tpu.memref_slice %arg8[%dma_wait3A_348, %dma_wait3A_349] : memref<10112x128xbf16, #tpu.memory_space<vmem_shared>> -> memref<10112x128xbf16, #tpu.memory_space<vmem_shared>>
      tpu.wait_indirect_dma semaphore(%run_scoped3A_330 : memref<!tpu.dma_semaphore, #tpu.memory_space<semaphore_mem>>) src(%dma_wait3A_344 : memref<128x128xbf16, #tpu.memory_space<vmem>>) dst(%dma_wait3A_350 : memref<10112x128xbf16, #tpu.memory_space<vmem_shared>>)
      tpu.yield
    }) : () -> ()
    %dma_start3A_201 = arith.constant 79 : i32
    %dma_start3A_202 = arith.constant 4 : i32
    %dma_start3A_203 = arith.constant 0 : i32
    %dma_start3A_204 = arith.constant 0 : i32
    %dma_start3A_205 = tpu.memref_slice %arg6[%dma_start3A_202, %dma_start3A_203, %dma_start3A_204] : memref<5x2x128xi32, #tpu.memory_space<vmem>> -> memref<1x2x128xi32, #tpu.memory_space<vmem>>
    %dma_start3A_206 = tpu.memref_squeeze %dma_start3A_205 : memref<1x2x128xi32, #tpu.memory_space<vmem>> -> memref<2x128xi32, #tpu.memory_space<vmem>>
    %dma_start3A_207 = arith.constant 0 : i32
    %dma_start3A_208 = arith.constant 0 : i32
    %dma_start3A_209 = tpu.memref_slice %arg3[%add3A, %dma_start3A_201, %dma_start3A_207, %dma_start3A_208] : memref<32x80x2x128xi32, #tpu.memory_space<hbm>> -> memref<1x1x2x128xi32, #tpu.memory_space<hbm>>
    %dma_start3A_210 = tpu.memref_squeeze %dma_start3A_209 : memref<1x1x2x128xi32, #tpu.memory_space<hbm>> -> memref<2x128xi32, #tpu.memory_space<hbm>>
    %dma_start3A_211 = arith.constant 0 : i32
    %dma_start3A_212 = arith.constant 0 : i32
    %dma_start3A_213 = tpu.memref_slice %arg6[%dma_start3A_202, %dma_start3A_211, %dma_start3A_212] : memref<5x2x128xi32, #tpu.memory_space<vmem>> -> memref<1x2x128xi32, #tpu.memory_space<vmem>>
    %dma_start3A_214 = tpu.memref_squeeze %dma_start3A_213 : memref<1x2x128xi32, #tpu.memory_space<vmem>> -> memref<2x128xi32, #tpu.memory_space<vmem>>
    %dma_start3A_215 = arith.constant 0 : i32
    %dma_start3A_216 = arith.constant 0 : i32
    %dma_start3A_217 = tpu.memref_slice %arg3[%add3A, %dma_start3A_201, %dma_start3A_215, %dma_start3A_216] : memref<32x80x2x128xi32, #tpu.memory_space<hbm>> -> memref<1x1x2x128xi32, #tpu.memory_space<hbm>>
    %dma_start3A_218 = tpu.memref_squeeze %dma_start3A_217 : memref<1x1x2x128xi32, #tpu.memory_space<hbm>> -> memref<2x128xi32, #tpu.memory_space<hbm>>
    tpu.enqueue_dma source(%dma_start3A_218 : memref<2x128xi32, #tpu.memory_space<hbm>>) target(%dma_start3A_214 : memref<2x128xi32, #tpu.memory_space<vmem>>) target_semaphore(%arg14 : memref<!tpu.dma_semaphore, #tpu.memory_space<semaphore_mem>>)
    %dma_wait3A_219 = arith.constant 78 : i32
    %dma_wait3A_220 = arith.constant 3 : i32
    %dma_wait3A_221 = arith.constant 0 : i32
    %dma_wait3A_222 = arith.constant 0 : i32
    %dma_wait3A_223 = tpu.memref_slice %arg6[%dma_wait3A_220, %dma_wait3A_221, %dma_wait3A_222] : memref<5x2x128xi32, #tpu.memory_space<vmem>> -> memref<1x2x128xi32, #tpu.memory_space<vmem>>
    %dma_wait3A_224 = tpu.memref_squeeze %dma_wait3A_223 : memref<1x2x128xi32, #tpu.memory_space<vmem>> -> memref<2x128xi32, #tpu.memory_space<vmem>>
    %dma_wait3A_225 = arith.constant 0 : i32
    %dma_wait3A_226 = arith.constant 0 : i32
    %dma_wait3A_227 = tpu.memref_slice %arg3[%add3A, %dma_wait3A_219, %dma_wait3A_225, %dma_wait3A_226] : memref<32x80x2x128xi32, #tpu.memory_space<hbm>> -> memref<1x1x2x128xi32, #tpu.memory_space<hbm>>
    %dma_wait3A_228 = tpu.memref_squeeze %dma_wait3A_227 : memref<1x1x2x128xi32, #tpu.memory_space<hbm>> -> memref<2x128xi32, #tpu.memory_space<hbm>>
    %dma_wait3A_229 = arith.constant 0 : i32
    %dma_wait3A_230 = arith.constant 0 : i32
    %dma_wait3A_231 = tpu.memref_slice %arg6[%dma_wait3A_220, %dma_wait3A_229, %dma_wait3A_230] : memref<5x2x128xi32, #tpu.memory_space<vmem>> -> memref<1x2x128xi32, #tpu.memory_space<vmem>>
    %dma_wait3A_232 = tpu.memref_squeeze %dma_wait3A_231 : memref<1x2x128xi32, #tpu.memory_space<vmem>> -> memref<2x128xi32, #tpu.memory_space<vmem>>
    %dma_wait3A_233 = arith.constant 0 : i32
    %dma_wait3A_234 = arith.constant 0 : i32
    %dma_wait3A_235 = tpu.memref_slice %arg3[%add3A, %dma_wait3A_219, %dma_wait3A_233, %dma_wait3A_234] : memref<32x80x2x128xi32, #tpu.memory_space<hbm>> -> memref<1x1x2x128xi32, #tpu.memory_space<hbm>>
    %dma_wait3A_236 = tpu.memref_squeeze %dma_wait3A_235 : memref<1x1x2x128xi32, #tpu.memory_space<hbm>> -> memref<2x128xi32, #tpu.memory_space<hbm>>
    tpu.wait_dma2 semaphore(%arg13 : memref<!tpu.dma_semaphore, #tpu.memory_space<semaphore_mem>>) src(%dma_wait3A_236 : memref<2x128xi32, #tpu.memory_space<hbm>>) dst(%dma_wait3A_232 : memref<2x128xi32, #tpu.memory_space<vmem>>)
    %dma_start3A_237 = arith.constant 3 : i32
    %dma_start3A_238 = arith.constant 0 : i32
    %dma_start3A_239 = arith.constant 3 : i32
    %dma_start3A_240 = arith.constant 0 : i32
    %dma_start3A_241 = arith.constant 0 : i32
    %dma_start3A_242 = tpu.memref_slice %arg7[%dma_start3A_239, %dma_start3A_240, %dma_start3A_241] : memref<5x128x128xbf16, #tpu.memory_space<vmem>> -> memref<1x128x128xbf16, #tpu.memory_space<vmem>>
    %dma_start3A_243 = tpu.memref_squeeze %dma_start3A_242 : memref<1x128x128xbf16, #tpu.memory_space<vmem>> -> memref<128x128xbf16, #tpu.memory_space<vmem>>
    %dma_start3A_244 = arith.constant 0 : i32
    %dma_start3A_245 = tpu.memref_slice %arg6[%dma_start3A_237, %dma_start3A_238, %dma_start3A_244] : memref<5x2x128xi32, #tpu.memory_space<vmem>> -> memref<1x1x128xi32, #tpu.memory_space<vmem>>
    %dma_start3A_246 = tpu.memref_squeeze %dma_start3A_245 : memref<1x1x128xi32, #tpu.memory_space<vmem>> -> memref<128xi32, #tpu.memory_space<vmem>>
    %dma_start3A_247 = arith.constant 0 : i32
    %dma_start3A_248 = arith.constant 0 : i32
    %dma_start3A_249 = tpu.memref_slice %arg9[%dma_start3A_247, %dma_start3A_248] : memref<10112x128xbf16, #tpu.memory_space<vmem_shared>> -> memref<10112x128xbf16, #tpu.memory_space<vmem_shared>>
    tpu.enqueue_indirect_dma source(%dma_start3A_249 : memref<10112x128xbf16, #tpu.memory_space<vmem_shared>>) target(%dma_start3A_243 : memref<128x128xbf16, #tpu.memory_space<vmem>>) offsets(%dma_start3A_246 : memref<128xi32, #tpu.memory_space<vmem>>) semaphore(%arg18 : memref<!tpu.dma_semaphore, #tpu.memory_space<semaphore_mem>>)
    %dma_wait3A_250 = arith.constant 2 : i32
    %dma_wait3A_251 = arith.constant 0 : i32
    %dma_wait3A_252 = arith.constant 2 : i32
    %dma_wait3A_253 = arith.constant 0 : i32
    %dma_wait3A_254 = arith.constant 0 : i32
    %dma_wait3A_255 = tpu.memref_slice %arg7[%dma_wait3A_252, %dma_wait3A_253, %dma_wait3A_254] : memref<5x128x128xbf16, #tpu.memory_space<vmem>> -> memref<1x128x128xbf16, #tpu.memory_space<vmem>>
    %dma_wait3A_256 = tpu.memref_squeeze %dma_wait3A_255 : memref<1x128x128xbf16, #tpu.memory_space<vmem>> -> memref<128x128xbf16, #tpu.memory_space<vmem>>
    %dma_wait3A_257 = arith.constant 0 : i32
    %dma_wait3A_258 = tpu.memref_slice %arg6[%dma_wait3A_250, %dma_wait3A_251, %dma_wait3A_257] : memref<5x2x128xi32, #tpu.memory_space<vmem>> -> memref<1x1x128xi32, #tpu.memory_space<vmem>>
    %dma_wait3A_259 = tpu.memref_squeeze %dma_wait3A_258 : memref<1x1x128xi32, #tpu.memory_space<vmem>> -> memref<128xi32, #tpu.memory_space<vmem>>
    %dma_wait3A_260 = arith.constant 0 : i32
    %dma_wait3A_261 = arith.constant 0 : i32
    %dma_wait3A_262 = tpu.memref_slice %arg9[%dma_wait3A_260, %dma_wait3A_261] : memref<10112x128xbf16, #tpu.memory_space<vmem_shared>> -> memref<10112x128xbf16, #tpu.memory_space<vmem_shared>>
    tpu.wait_indirect_dma semaphore(%arg17 : memref<!tpu.dma_semaphore, #tpu.memory_space<semaphore_mem>>) src(%dma_wait3A_262 : memref<10112x128xbf16, #tpu.memory_space<vmem_shared>>) dst(%dma_wait3A_256 : memref<128x128xbf16, #tpu.memory_space<vmem>>)
    %run_scoped3A_263 = arith.constant 2 : i32
    %run_scoped3A_264 = arith.constant 2 : i32
    %run_scoped3A_265 = arith.constant 1 : i32
    "tpu.region"() ({
      %run_scoped3A_330 = tpu.sem_alloc : memref<!tpu.dma_semaphore, #tpu.memory_space<semaphore_mem>>
      %dma_start3A_331 = arith.constant 0 : i32
      %dma_start3A_332 = arith.constant 0 : i32
      %dma_start3A_333 = tpu.memref_slice %arg7[%run_scoped3A_263, %dma_start3A_331, %dma_start3A_332] : memref<5x128x128xbf16, #tpu.memory_space<vmem>> -> memref<1x128x128xbf16, #tpu.memory_space<vmem>>
      %dma_start3A_334 = tpu.memref_squeeze %dma_start3A_333 : memref<1x128x128xbf16, #tpu.memory_space<vmem>> -> memref<128x128xbf16, #tpu.memory_space<vmem>>
      %dma_start3A_335 = arith.constant 0 : i32
      %dma_start3A_336 = tpu.memref_slice %arg6[%run_scoped3A_264, %run_scoped3A_265, %dma_start3A_335] : memref<5x2x128xi32, #tpu.memory_space<vmem>> -> memref<1x1x128xi32, #tpu.memory_space<vmem>>
      %dma_start3A_337 = tpu.memref_squeeze %dma_start3A_336 : memref<1x1x128xi32, #tpu.memory_space<vmem>> -> memref<128xi32, #tpu.memory_space<vmem>>
      %dma_start3A_338 = arith.constant 0 : i32
      %dma_start3A_339 = arith.constant 0 : i32
      %dma_start3A_340 = tpu.memref_slice %arg8[%dma_start3A_338, %dma_start3A_339] : memref<10112x128xbf16, #tpu.memory_space<vmem_shared>> -> memref<10112x128xbf16, #tpu.memory_space<vmem_shared>>
      tpu.enqueue_indirect_dma source(%dma_start3A_334 : memref<128x128xbf16, #tpu.memory_space<vmem>>) target(%dma_start3A_340 : memref<10112x128xbf16, #tpu.memory_space<vmem_shared>>) offsets(%dma_start3A_337 : memref<128xi32, #tpu.memory_space<vmem>>) semaphore(%run_scoped3A_330 : memref<!tpu.dma_semaphore, #tpu.memory_space<semaphore_mem>>) {add = true}
      %dma_wait3A_341 = arith.constant 0 : i32
      %dma_wait3A_342 = arith.constant 0 : i32
      %dma_wait3A_343 = tpu.memref_slice %arg7[%run_scoped3A_263, %dma_wait3A_341, %dma_wait3A_342] : memref<5x128x128xbf16, #tpu.memory_space<vmem>> -> memref<1x128x128xbf16, #tpu.memory_space<vmem>>
      %dma_wait3A_344 = tpu.memref_squeeze %dma_wait3A_343 : memref<1x128x128xbf16, #tpu.memory_space<vmem>> -> memref<128x128xbf16, #tpu.memory_space<vmem>>
      %dma_wait3A_345 = arith.constant 0 : i32
      %dma_wait3A_346 = tpu.memref_slice %arg6[%run_scoped3A_264, %run_scoped3A_265, %dma_wait3A_345] : memref<5x2x128xi32, #tpu.memory_space<vmem>> -> memref<1x1x128xi32, #tpu.memory_space<vmem>>
      %dma_wait3A_347 = tpu.memref_squeeze %dma_wait3A_346 : memref<1x1x128xi32, #tpu.memory_space<vmem>> -> memref<128xi32, #tpu.memory_space<vmem>>
      %dma_wait3A_348 = arith.constant 0 : i32
      %dma_wait3A_349 = arith.constant 0 : i32
      %dma_wait3A_350 = tpu.memref_slice %arg8[%dma_wait3A_348, %dma_wait3A_349] : memref<10112x128xbf16, #tpu.memory_space<vmem_shared>> -> memref<10112x128xbf16, #tpu.memory_space<vmem_shared>>
      tpu.wait_indirect_dma semaphore(%run_scoped3A_330 : memref<!tpu.dma_semaphore, #tpu.memory_space<semaphore_mem>>) src(%dma_wait3A_344 : memref<128x128xbf16, #tpu.memory_space<vmem>>) dst(%dma_wait3A_350 : memref<10112x128xbf16, #tpu.memory_space<vmem_shared>>)
      tpu.yield
    }) : () -> ()
    %dma_wait3A_266 = arith.constant 79 : i32
    %dma_wait3A_267 = arith.constant 4 : i32
    %dma_wait3A_268 = arith.constant 0 : i32
    %dma_wait3A_269 = arith.constant 0 : i32
    %dma_wait3A_270 = tpu.memref_slice %arg6[%dma_wait3A_267, %dma_wait3A_268, %dma_wait3A_269] : memref<5x2x128xi32, #tpu.memory_space<vmem>> -> memref<1x2x128xi32, #tpu.memory_space<vmem>>
    %dma_wait3A_271 = tpu.memref_squeeze %dma_wait3A_270 : memref<1x2x128xi32, #tpu.memory_space<vmem>> -> memref<2x128xi32, #tpu.memory_space<vmem>>
    %dma_wait3A_272 = arith.constant 0 : i32
    %dma_wait3A_273 = arith.constant 0 : i32
    %dma_wait3A_274 = tpu.memref_slice %arg3[%add3A, %dma_wait3A_266, %dma_wait3A_272, %dma_wait3A_273] : memref<32x80x2x128xi32, #tpu.memory_space<hbm>> -> memref<1x1x2x128xi32, #tpu.memory_space<hbm>>
    %dma_wait3A_275 = tpu.memref_squeeze %dma_wait3A_274 : memref<1x1x2x128xi32, #tpu.memory_space<hbm>> -> memref<2x128xi32, #tpu.memory_space<hbm>>
    %dma_wait3A_276 = arith.constant 0 : i32
    %dma_wait3A_277 = arith.constant 0 : i32
    %dma_wait3A_278 = tpu.memref_slice %arg6[%dma_wait3A_267, %dma_wait3A_276, %dma_wait3A_277] : memref<5x2x128xi32, #tpu.memory_space<vmem>> -> memref<1x2x128xi32, #tpu.memory_space<vmem>>
    %dma_wait3A_279 = tpu.memref_squeeze %dma_wait3A_278 : memref<1x2x128xi32, #tpu.memory_space<vmem>> -> memref<2x128xi32, #tpu.memory_space<vmem>>
    %dma_wait3A_280 = arith.constant 0 : i32
    %dma_wait3A_281 = arith.constant 0 : i32
    %dma_wait3A_282 = tpu.memref_slice %arg3[%add3A, %dma_wait3A_266, %dma_wait3A_280, %dma_wait3A_281] : memref<32x80x2x128xi32, #tpu.memory_space<hbm>> -> memref<1x1x2x128xi32, #tpu.memory_space<hbm>>
    %dma_wait3A_283 = tpu.memref_squeeze %dma_wait3A_282 : memref<1x1x2x128xi32, #tpu.memory_space<hbm>> -> memref<2x128xi32, #tpu.memory_space<hbm>>
    tpu.wait_dma2 semaphore(%arg14 : memref<!tpu.dma_semaphore, #tpu.memory_space<semaphore_mem>>) src(%dma_wait3A_283 : memref<2x128xi32, #tpu.memory_space<hbm>>) dst(%dma_wait3A_279 : memref<2x128xi32, #tpu.memory_space<vmem>>)
    %dma_start3A_284 = arith.constant 4 : i32
    %dma_start3A_285 = arith.constant 0 : i32
    %dma_start3A_286 = arith.constant 4 : i32
    %dma_start3A_287 = arith.constant 0 : i32
    %dma_start3A_288 = arith.constant 0 : i32
    %dma_start3A_289 = tpu.memref_slice %arg7[%dma_start3A_286, %dma_start3A_287, %dma_start3A_288] : memref<5x128x128xbf16, #tpu.memory_space<vmem>> -> memref<1x128x128xbf16, #tpu.memory_space<vmem>>
    %dma_start3A_290 = tpu.memref_squeeze %dma_start3A_289 : memref<1x128x128xbf16, #tpu.memory_space<vmem>> -> memref<128x128xbf16, #tpu.memory_space<vmem>>
    %dma_start3A_291 = arith.constant 0 : i32
    %dma_start3A_292 = tpu.memref_slice %arg6[%dma_start3A_284, %dma_start3A_285, %dma_start3A_291] : memref<5x2x128xi32, #tpu.memory_space<vmem>> -> memref<1x1x128xi32, #tpu.memory_space<vmem>>
    %dma_start3A_293 = tpu.memref_squeeze %dma_start3A_292 : memref<1x1x128xi32, #tpu.memory_space<vmem>> -> memref<128xi32, #tpu.memory_space<vmem>>
    %dma_start3A_294 = arith.constant 0 : i32
    %dma_start3A_295 = arith.constant 0 : i32
    %dma_start3A_296 = tpu.memref_slice %arg9[%dma_start3A_294, %dma_start3A_295] : memref<10112x128xbf16, #tpu.memory_space<vmem_shared>> -> memref<10112x128xbf16, #tpu.memory_space<vmem_shared>>
    tpu.enqueue_indirect_dma source(%dma_start3A_296 : memref<10112x128xbf16, #tpu.memory_space<vmem_shared>>) target(%dma_start3A_290 : memref<128x128xbf16, #tpu.memory_space<vmem>>) offsets(%dma_start3A_293 : memref<128xi32, #tpu.memory_space<vmem>>) semaphore(%arg19 : memref<!tpu.dma_semaphore, #tpu.memory_space<semaphore_mem>>)
    %dma_wait3A_297 = arith.constant 3 : i32
    %dma_wait3A_298 = arith.constant 0 : i32
    %dma_wait3A_299 = arith.constant 3 : i32
    %dma_wait3A_300 = arith.constant 0 : i32
    %dma_wait3A_301 = arith.constant 0 : i32
    %dma_wait3A_302 = tpu.memref_slice %arg7[%dma_wait3A_299, %dma_wait3A_300, %dma_wait3A_301] : memref<5x128x128xbf16, #tpu.memory_space<vmem>> -> memref<1x128x128xbf16, #tpu.memory_space<vmem>>
    %dma_wait3A_303 = tpu.memref_squeeze %dma_wait3A_302 : memref<1x128x128xbf16, #tpu.memory_space<vmem>> -> memref<128x128xbf16, #tpu.memory_space<vmem>>
    %dma_wait3A_304 = arith.constant 0 : i32
    %dma_wait3A_305 = tpu.memref_slice %arg6[%dma_wait3A_297, %dma_wait3A_298, %dma_wait3A_304] : memref<5x2x128xi32, #tpu.memory_space<vmem>> -> memref<1x1x128xi32, #tpu.memory_space<vmem>>
    %dma_wait3A_306 = tpu.memref_squeeze %dma_wait3A_305 : memref<1x1x128xi32, #tpu.memory_space<vmem>> -> memref<128xi32, #tpu.memory_space<vmem>>
    %dma_wait3A_307 = arith.constant 0 : i32
    %dma_wait3A_308 = arith.constant 0 : i32
    %dma_wait3A_309 = tpu.memref_slice %arg9[%dma_wait3A_307, %dma_wait3A_308] : memref<10112x128xbf16, #tpu.memory_space<vmem_shared>> -> memref<10112x128xbf16, #tpu.memory_space<vmem_shared>>
    tpu.wait_indirect_dma semaphore(%arg18 : memref<!tpu.dma_semaphore, #tpu.memory_space<semaphore_mem>>) src(%dma_wait3A_309 : memref<10112x128xbf16, #tpu.memory_space<vmem_shared>>) dst(%dma_wait3A_303 : memref<128x128xbf16, #tpu.memory_space<vmem>>)
    %run_scoped3A_310 = arith.constant 3 : i32
    %run_scoped3A_311 = arith.constant 3 : i32
    %run_scoped3A_312 = arith.constant 1 : i32
    "tpu.region"() ({
      %run_scoped3A_330 = tpu.sem_alloc : memref<!tpu.dma_semaphore, #tpu.memory_space<semaphore_mem>>
      %dma_start3A_331 = arith.constant 0 : i32
      %dma_start3A_332 = arith.constant 0 : i32
      %dma_start3A_333 = tpu.memref_slice %arg7[%run_scoped3A_310, %dma_start3A_331, %dma_start3A_332] : memref<5x128x128xbf16, #tpu.memory_space<vmem>> -> memref<1x128x128xbf16, #tpu.memory_space<vmem>>
      %dma_start3A_334 = tpu.memref_squeeze %dma_start3A_333 : memref<1x128x128xbf16, #tpu.memory_space<vmem>> -> memref<128x128xbf16, #tpu.memory_space<vmem>>
      %dma_start3A_335 = arith.constant 0 : i32
      %dma_start3A_336 = tpu.memref_slice %arg6[%run_scoped3A_311, %run_scoped3A_312, %dma_start3A_335] : memref<5x2x128xi32, #tpu.memory_space<vmem>> -> memref<1x1x128xi32, #tpu.memory_space<vmem>>
      %dma_start3A_337 = tpu.memref_squeeze %dma_start3A_336 : memref<1x1x128xi32, #tpu.memory_space<vmem>> -> memref<128xi32, #tpu.memory_space<vmem>>
      %dma_start3A_338 = arith.constant 0 : i32
      %dma_start3A_339 = arith.constant 0 : i32
      %dma_start3A_340 = tpu.memref_slice %arg8[%dma_start3A_338, %dma_start3A_339] : memref<10112x128xbf16, #tpu.memory_space<vmem_shared>> -> memref<10112x128xbf16, #tpu.memory_space<vmem_shared>>
      tpu.enqueue_indirect_dma source(%dma_start3A_334 : memref<128x128xbf16, #tpu.memory_space<vmem>>) target(%dma_start3A_340 : memref<10112x128xbf16, #tpu.memory_space<vmem_shared>>) offsets(%dma_start3A_337 : memref<128xi32, #tpu.memory_space<vmem>>) semaphore(%run_scoped3A_330 : memref<!tpu.dma_semaphore, #tpu.memory_space<semaphore_mem>>) {add = true}
      %dma_wait3A_341 = arith.constant 0 : i32
      %dma_wait3A_342 = arith.constant 0 : i32
      %dma_wait3A_343 = tpu.memref_slice %arg7[%run_scoped3A_310, %dma_wait3A_341, %dma_wait3A_342] : memref<5x128x128xbf16, #tpu.memory_space<vmem>> -> memref<1x128x128xbf16, #tpu.memory_space<vmem>>
      %dma_wait3A_344 = tpu.memref_squeeze %dma_wait3A_343 : memref<1x128x128xbf16, #tpu.memory_space<vmem>> -> memref<128x128xbf16, #tpu.memory_space<vmem>>
      %dma_wait3A_345 = arith.constant 0 : i32
      %dma_wait3A_346 = tpu.memref_slice %arg6[%run_scoped3A_311, %run_scoped3A_312, %dma_wait3A_345] : memref<5x2x128xi32, #tpu.memory_space<vmem>> -> memref<1x1x128xi32, #tpu.memory_space<vmem>>
      %dma_wait3A_347 = tpu.memref_squeeze %dma_wait3A_346 : memref<1x1x128xi32, #tpu.memory_space<vmem>> -> memref<128xi32, #tpu.memory_space<vmem>>
      %dma_wait3A_348 = arith.constant 0 : i32
      %dma_wait3A_349 = arith.constant 0 : i32
      %dma_wait3A_350 = tpu.memref_slice %arg8[%dma_wait3A_348, %dma_wait3A_349] : memref<10112x128xbf16, #tpu.memory_space<vmem_shared>> -> memref<10112x128xbf16, #tpu.memory_space<vmem_shared>>
      tpu.wait_indirect_dma semaphore(%run_scoped3A_330 : memref<!tpu.dma_semaphore, #tpu.memory_space<semaphore_mem>>) src(%dma_wait3A_344 : memref<128x128xbf16, #tpu.memory_space<vmem>>) dst(%dma_wait3A_350 : memref<10112x128xbf16, #tpu.memory_space<vmem_shared>>)
      tpu.yield
    }) : () -> ()
    %dma_wait3A_313 = arith.constant 4 : i32
    %dma_wait3A_314 = arith.constant 0 : i32
    %dma_wait3A_315 = arith.constant 4 : i32
    %dma_wait3A_316 = arith.constant 0 : i32
    %dma_wait3A_317 = arith.constant 0 : i32
    %dma_wait3A_318 = tpu.memref_slice %arg7[%dma_wait3A_315, %dma_wait3A_316, %dma_wait3A_317] : memref<5x128x128xbf16, #tpu.memory_space<vmem>> -> memref<1x128x128xbf16, #tpu.memory_space<vmem>>
    %dma_wait3A_319 = tpu.memref_squeeze %dma_wait3A_318 : memref<1x128x128xbf16, #tpu.memory_space<vmem>> -> memref<128x128xbf16, #tpu.memory_space<vmem>>
    %dma_wait3A_320 = arith.constant 0 : i32
    %dma_wait3A_321 = tpu.memref_slice %arg6[%dma_wait3A_313, %dma_wait3A_314, %dma_wait3A_320] : memref<5x2x128xi32, #tpu.memory_space<vmem>> -> memref<1x1x128xi32, #tpu.memory_space<vmem>>
    %dma_wait3A_322 = tpu.memref_squeeze %dma_wait3A_321 : memref<1x1x128xi32, #tpu.memory_space<vmem>> -> memref<128xi32, #tpu.memory_space<vmem>>
    %dma_wait3A_323 = arith.constant 0 : i32
    %dma_wait3A_324 = arith.constant 0 : i32
    %dma_wait3A_325 = tpu.memref_slice %arg9[%dma_wait3A_323, %dma_wait3A_324] : memref<10112x128xbf16, #tpu.memory_space<vmem_shared>> -> memref<10112x128xbf16, #tpu.memory_space<vmem_shared>>
    tpu.wait_indirect_dma semaphore(%arg19 : memref<!tpu.dma_semaphore, #tpu.memory_space<semaphore_mem>>) src(%dma_wait3A_325 : memref<10112x128xbf16, #tpu.memory_space<vmem_shared>>) dst(%dma_wait3A_319 : memref<128x128xbf16, #tpu.memory_space<vmem>>)
    %run_scoped3A_326 = arith.constant 4 : i32
    %run_scoped3A_327 = arith.constant 4 : i32
    %run_scoped3A_328 = arith.constant 1 : i32
    "tpu.region"() ({
      %run_scoped3A_330 = tpu.sem_alloc : memref<!tpu.dma_semaphore, #tpu.memory_space<semaphore_mem>>
      %dma_start3A_331 = arith.constant 0 : i32
      %dma_start3A_332 = arith.constant 0 : i32
      %dma_start3A_333 = tpu.memref_slice %arg7[%run_scoped3A_326, %dma_start3A_331, %dma_start3A_332] : memref<5x128x128xbf16, #tpu.memory_space<vmem>> -> memref<1x128x128xbf16, #tpu.memory_space<vmem>>
      %dma_start3A_334 = tpu.memref_squeeze %dma_start3A_333 : memref<1x128x128xbf16, #tpu.memory_space<vmem>> -> memref<128x128xbf16, #tpu.memory_space<vmem>>
      %dma_start3A_335 = arith.constant 0 : i32
      %dma_start3A_336 = tpu.memref_slice %arg6[%run_scoped3A_327, %run_scoped3A_328, %dma_start3A_335] : memref<5x2x128xi32, #tpu.memory_space<vmem>> -> memref<1x1x128xi32, #tpu.memory_space<vmem>>
      %dma_start3A_337 = tpu.memref_squeeze %dma_start3A_336 : memref<1x1x128xi32, #tpu.memory_space<vmem>> -> memref<128xi32, #tpu.memory_space<vmem>>
      %dma_start3A_338 = arith.constant 0 : i32
      %dma_start3A_339 = arith.constant 0 : i32
      %dma_start3A_340 = tpu.memref_slice %arg8[%dma_start3A_338, %dma_start3A_339] : memref<10112x128xbf16, #tpu.memory_space<vmem_shared>> -> memref<10112x128xbf16, #tpu.memory_space<vmem_shared>>
      tpu.enqueue_indirect_dma source(%dma_start3A_334 : memref<128x128xbf16, #tpu.memory_space<vmem>>) target(%dma_start3A_340 : memref<10112x128xbf16, #tpu.memory_space<vmem_shared>>) offsets(%dma_start3A_337 : memref<128xi32, #tpu.memory_space<vmem>>) semaphore(%run_scoped3A_330 : memref<!tpu.dma_semaphore, #tpu.memory_space<semaphore_mem>>) {add = true}
      %dma_wait3A_341 = arith.constant 0 : i32
      %dma_wait3A_342 = arith.constant 0 : i32
      %dma_wait3A_343 = tpu.memref_slice %arg7[%run_scoped3A_326, %dma_wait3A_341, %dma_wait3A_342] : memref<5x128x128xbf16, #tpu.memory_space<vmem>> -> memref<1x128x128xbf16, #tpu.memory_space<vmem>>
      %dma_wait3A_344 = tpu.memref_squeeze %dma_wait3A_343 : memref<1x128x128xbf16, #tpu.memory_space<vmem>> -> memref<128x128xbf16, #tpu.memory_space<vmem>>
      %dma_wait3A_345 = arith.constant 0 : i32
      %dma_wait3A_346 = tpu.memref_slice %arg6[%run_scoped3A_327, %run_scoped3A_328, %dma_wait3A_345] : memref<5x2x128xi32, #tpu.memory_space<vmem>> -> memref<1x1x128xi32, #tpu.memory_space<vmem>>
      %dma_wait3A_347 = tpu.memref_squeeze %dma_wait3A_346 : memref<1x1x128xi32, #tpu.memory_space<vmem>> -> memref<128xi32, #tpu.memory_space<vmem>>
      %dma_wait3A_348 = arith.constant 0 : i32
      %dma_wait3A_349 = arith.constant 0 : i32
      %dma_wait3A_350 = tpu.memref_slice %arg8[%dma_wait3A_348, %dma_wait3A_349] : memref<10112x128xbf16, #tpu.memory_space<vmem_shared>> -> memref<10112x128xbf16, #tpu.memory_space<vmem_shared>>
      tpu.wait_indirect_dma semaphore(%run_scoped3A_330 : memref<!tpu.dma_semaphore, #tpu.memory_space<semaphore_mem>>) src(%dma_wait3A_344 : memref<128x128xbf16, #tpu.memory_space<vmem>>) dst(%dma_wait3A_350 : memref<10112x128xbf16, #tpu.memory_space<vmem_shared>>)
      tpu.yield
    }) : () -> ()
    %barrier3A_329 = arith.constant 0 : index
    tpu.barrier barrier_id(%barrier3A_329)
    "tpu.region"() ({
      %run_scoped3A_330 = tpu.sem_alloc : memref<!tpu.dma_semaphore, #tpu.memory_space<semaphore_mem>>
      %dma_start3A_331 = arith.constant 0 : i32
      %dma_start3A_332 = tpu.memref_slice %arg5[%arg0, %mul3A_55, %dma_start3A_331] : memref<2x10112x128xbf16, #tpu.memory_space<hbm>> -> memref<1x632x128xbf16, #tpu.memory_space<hbm>>
      %dma_start3A_333 = tpu.memref_squeeze %dma_start3A_332 : memref<1x632x128xbf16, #tpu.memory_space<hbm>> -> memref<632x128xbf16, #tpu.memory_space<hbm>>
      %dma_start3A_334 = arith.constant 0 : i32
      %dma_start3A_335 = tpu.memref_slice %arg8[%mul3A_55, %dma_start3A_334] : memref<10112x128xbf16, #tpu.memory_space<vmem_shared>> -> memref<632x128xbf16, #tpu.memory_space<vmem_shared>>
      tpu.enqueue_dma source(%dma_start3A_335 : memref<632x128xbf16, #tpu.memory_space<vmem_shared>>) target(%dma_start3A_333 : memref<632x128xbf16, #tpu.memory_space<hbm>>) target_semaphore(%run_scoped3A_330 : memref<!tpu.dma_semaphore, #tpu.memory_space<semaphore_mem>>)
      %dma_wait3A_336 = arith.constant 0 : i32
      %dma_wait3A_337 = tpu.memref_slice %arg5[%arg0, %mul3A_55, %dma_wait3A_336] : memref<2x10112x128xbf16, #tpu.memory_space<hbm>> -> memref<1x632x128xbf16, #tpu.memory_space<hbm>>
      %dma_wait3A_338 = tpu.memref_squeeze %dma_wait3A_337 : memref<1x632x128xbf16, #tpu.memory_space<hbm>> -> memref<632x128xbf16, #tpu.memory_space<hbm>>
      %dma_wait3A_339 = arith.constant 0 : i32
      %dma_wait3A_340 = tpu.memref_slice %arg8[%mul3A_55, %dma_wait3A_339] : memref<10112x128xbf16, #tpu.memory_space<vmem_shared>> -> memref<632x128xbf16, #tpu.memory_space<vmem_shared>>
      tpu.wait_dma2 semaphore(%run_scoped3A_330 : memref<!tpu.dma_semaphore, #tpu.memory_space<semaphore_mem>>) src(%dma_wait3A_340 : memref<632x128xbf16, #tpu.memory_space<vmem_shared>>) dst(%dma_wait3A_338 : memref<632x128xbf16, #tpu.memory_space<hbm>>)
      tpu.yield
    }) : () -> ()
    return
  }
}

#map = affine_map<(d0, d1) -> (0, 0)>
module attributes {stable_mosaic.version = 14 : i64} {
  func.func @hist(%arg0: i32, %arg1: i32, %arg2: memref<32x10240xi32, #tpu.memory_space<hbm>>, %arg3: memref<32x10112xf32, #tpu.memory_space<hbm>>, %arg4: memref<10240xi32, #tpu.memory_space<vmem>>, %arg5: memref<10112xf32, #tpu.memory_space<vmem>>) attributes {dimension_semantics = [#tpu.dimension_semantics<core_parallel>, #tpu.dimension_semantics<subcore_parallel>], iteration_bounds = array<i64: 2, 16>, scalar_prefetch = 0 : i64, scratch_operands = 2 : i64, tpu.core_type = #tpu.core_type<sc_vector_subcore>, window_params = [{transform_indices = #map}, {transform_indices = #map}]} {
    %mul3A = arith.constant 2 : i32
    %mul3A_0 = arith.muli %arg1, %mul3A : i32
    %add3A = arith.addi %mul3A_0, %arg0 : i32
    "tpu.region"() ({
      %run_scoped3A = tpu.sem_alloc : memref<!tpu.dma_semaphore, #tpu.memory_space<semaphore_mem>>
      %dma_start3A = arith.constant 0 : i32
      %dma_start3A_13 = tpu.memref_slice %arg2[%add3A, %dma_start3A] : memref<32x10240xi32, #tpu.memory_space<hbm>> -> memref<1x10240xi32, #tpu.memory_space<hbm>>
      %dma_start3A_14 = tpu.memref_squeeze %dma_start3A_13 : memref<1x10240xi32, #tpu.memory_space<hbm>> -> memref<10240xi32, #tpu.memory_space<hbm>>
      %dma_start3A_15 = arith.constant 0 : i32
      %dma_start3A_16 = tpu.memref_slice %arg2[%add3A, %dma_start3A_15] : memref<32x10240xi32, #tpu.memory_space<hbm>> -> memref<1x10240xi32, #tpu.memory_space<hbm>>
      %dma_start3A_17 = tpu.memref_squeeze %dma_start3A_16 : memref<1x10240xi32, #tpu.memory_space<hbm>> -> memref<10240xi32, #tpu.memory_space<hbm>>
      tpu.enqueue_dma source(%dma_start3A_17 : memref<10240xi32, #tpu.memory_space<hbm>>) target(%arg4 : memref<10240xi32, #tpu.memory_space<vmem>>) target_semaphore(%run_scoped3A : memref<!tpu.dma_semaphore, #tpu.memory_space<semaphore_mem>>)
      %dma_wait3A = arith.constant 0 : i32
      %dma_wait3A_18 = tpu.memref_slice %arg2[%add3A, %dma_wait3A] : memref<32x10240xi32, #tpu.memory_space<hbm>> -> memref<1x10240xi32, #tpu.memory_space<hbm>>
      %dma_wait3A_19 = tpu.memref_squeeze %dma_wait3A_18 : memref<1x10240xi32, #tpu.memory_space<hbm>> -> memref<10240xi32, #tpu.memory_space<hbm>>
      %dma_wait3A_20 = arith.constant 0 : i32
      %dma_wait3A_21 = tpu.memref_slice %arg2[%add3A, %dma_wait3A_20] : memref<32x10240xi32, #tpu.memory_space<hbm>> -> memref<1x10240xi32, #tpu.memory_space<hbm>>
      %dma_wait3A_22 = tpu.memref_squeeze %dma_wait3A_21 : memref<1x10240xi32, #tpu.memory_space<hbm>> -> memref<10240xi32, #tpu.memory_space<hbm>>
      tpu.wait_dma2 semaphore(%run_scoped3A : memref<!tpu.dma_semaphore, #tpu.memory_space<semaphore_mem>>) src(%dma_wait3A_22 : memref<10240xi32, #tpu.memory_space<hbm>>) dst(%arg4 : memref<10240xi32, #tpu.memory_space<vmem>>)
      tpu.yield
    }) : () -> ()
    %broadcast_in_dim3A = arith.constant 0.000000e+00 : f32
    %broadcast_in_dim3A_1 = vector.broadcast %broadcast_in_dim3A : f32 to vector<16xf32>
    %scan3A = arith.constant 0 : i32
    %scan3A_2 = arith.constant 632 : i32
    %scan3A_3 = arith.addi %scan3A, %scan3A_2 : i32
    %scan3A_4 = arith.constant 1 : i32
    scf.for %scan3A_13 = %scan3A to %scan3A_3 step %scan3A_4  : i32 {
      %mul3A_14 = arith.constant 16 : i32
      %mul3A_15 = arith.muli %scan3A_13, %mul3A_14 : i32
      %add3A_16 = arith.constant 0 : i32
      %add3A_17 = arith.addi %add3A_16, %mul3A_15 : i32
      %swap3A = arith.index_cast %add3A_17 : i32 to index
      %swap3A_18 = tpu.vector_load %arg5[%swap3A] {strides = array<i32>} : memref<10112xf32, #tpu.memory_space<vmem>>, vector<16xf32>,
      tpu.vector_store %arg5[%swap3A], %broadcast_in_dim3A_1 {strides = array<i32>} : memref<10112xf32, #tpu.memory_space<vmem>>, vector<16xf32>,
    }
    %scan3A_5 = arith.constant 632 : i32
    %broadcast_in_dim3A_6 = arith.constant 1.000000e+00 : f32
    %broadcast_in_dim3A_7 = vector.broadcast %broadcast_in_dim3A_6 : f32 to vector<16xf32>
    %scan3A_8 = arith.constant 0 : i32
    %scan3A_9 = arith.constant 640 : i32
    %scan3A_10 = arith.addi %scan3A_8, %scan3A_9 : i32
    %scan3A_11 = arith.constant 1 : i32
    scf.for %scan3A_13 = %scan3A_8 to %scan3A_10 step %scan3A_11  : i32 {
      %mul3A_14 = arith.constant 16 : i32
      %mul3A_15 = arith.muli %scan3A_13, %mul3A_14 : i32
      %add3A_16 = arith.constant 0 : i32
      %add3A_17 = arith.addi %add3A_16, %mul3A_15 : i32
      %get3A = arith.index_cast %add3A_17 : i32 to index
      %get3A_18 = tpu.vector_load %arg4[%get3A] {strides = array<i32>} : memref<10240xi32, #tpu.memory_space<vmem>>, vector<16xi32>,
      tpu.vector_store_idx %arg5[%get3A_18], %broadcast_in_dim3A_7 {add = true} : memref<10112xf32, #tpu.memory_space<vmem>>[vector<16xi32>], vector<16xf32>,
    }
    %scan3A_12 = arith.constant 640 : i32
    "tpu.region"() ({
      %run_scoped3A = tpu.sem_alloc : memref<!tpu.dma_semaphore, #tpu.memory_space<semaphore_mem>>
      %dma_start3A = arith.constant 0 : i32
      %dma_start3A_13 = tpu.memref_slice %arg3[%add3A, %dma_start3A] : memref<32x10112xf32, #tpu.memory_space<hbm>> -> memref<1x10112xf32, #tpu.memory_space<hbm>>
      %dma_start3A_14 = tpu.memref_squeeze %dma_start3A_13 : memref<1x10112xf32, #tpu.memory_space<hbm>> -> memref<10112xf32, #tpu.memory_space<hbm>>
      %dma_start3A_15 = arith.constant 0 : i32
      %dma_start3A_16 = tpu.memref_slice %arg3[%add3A, %dma_start3A_15] : memref<32x10112xf32, #tpu.memory_space<hbm>> -> memref<1x10112xf32, #tpu.memory_space<hbm>>
      %dma_start3A_17 = tpu.memref_squeeze %dma_start3A_16 : memref<1x10112xf32, #tpu.memory_space<hbm>> -> memref<10112xf32, #tpu.memory_space<hbm>>
      tpu.enqueue_dma source(%arg5 : memref<10112xf32, #tpu.memory_space<vmem>>) target(%dma_start3A_17 : memref<10112xf32, #tpu.memory_space<hbm>>) target_semaphore(%run_scoped3A : memref<!tpu.dma_semaphore, #tpu.memory_space<semaphore_mem>>)
      %dma_wait3A = arith.constant 0 : i32
      %dma_wait3A_18 = tpu.memref_slice %arg3[%add3A, %dma_wait3A] : memref<32x10112xf32, #tpu.memory_space<hbm>> -> memref<1x10112xf32, #tpu.memory_space<hbm>>
      %dma_wait3A_19 = tpu.memref_squeeze %dma_wait3A_18 : memref<1x10112xf32, #tpu.memory_space<hbm>> -> memref<10112xf32, #tpu.memory_space<hbm>>
      %dma_wait3A_20 = arith.constant 0 : i32
      %dma_wait3A_21 = tpu.memref_slice %arg3[%add3A, %dma_wait3A_20] : memref<32x10112xf32, #tpu.memory_space<hbm>> -> memref<1x10112xf32, #tpu.memory_space<hbm>>
      %dma_wait3A_22 = tpu.memref_squeeze %dma_wait3A_21 : memref<1x10112xf32, #tpu.memory_space<hbm>> -> memref<10112xf32, #tpu.memory_space<hbm>>
      tpu.wait_dma2 semaphore(%run_scoped3A : memref<!tpu.dma_semaphore, #tpu.memory_space<semaphore_mem>>) src(%arg5 : memref<10112xf32, #tpu.memory_space<vmem>>) dst(%dma_wait3A_22 : memref<10112xf32, #tpu.memory_space<hbm>>)
      tpu.yield
    }) : () -> ()
    return
  }
}

module attributes {stable_mosaic.version = 14 : i64} {
  func.func @body(%arg0: memref<10000x128xf32, #tpu.memory_space<vmem>>, %arg1: memref<128x128xf32, #tpu.memory_space<vmem>>, %arg2: memref<32x10112xf32, #tpu.memory_space<vmem>>, %arg3: memref<10112x128xbf16, #tpu.memory_space<vmem>>, %arg4: memref<10112x1xf32, #tpu.memory_space<vmem>>) attributes {dimension_semantics = [], scalar_prefetch = 0 : i64, scratch_operands = 0 : i64, tpu.core_type = #tpu.core_type<tc>} {
    %get3A = arith.constant 0 : index
    %get3A_0 = arith.constant 0 : index
    %get3A_1 = vector.load %arg2[%get3A, %get3A_0] : memref<32x10112xf32, #tpu.memory_space<vmem>>, vector<32x10112xf32>
    %reduce_sum3A = arith.constant dense<0.000000e+00> : vector<10112xf32>
    %reduce_sum3A_2 = vector.multi_reduction <add>, %get3A_1, %reduce_sum3A [0] : vector<32x10112xf32> to vector<10112xf32>
    %add3A = arith.constant 1.000000e+00 : f32
    %add3A_3 = vector.broadcast %add3A : f32 to vector<10112xf32>
    %add3A_4 = arith.addf %add3A_3, %reduce_sum3A_2 : vector<10112xf32>
    %rsqrt3A = math.rsqrt %add3A_4 : vector<10112xf32>
    %broadcast_in_dim3A = vector.shape_cast %rsqrt3A : vector<10112xf32> to vector<10112x1xf32>
    %swap3A = arith.constant 0 : index
    %swap3A_5 = arith.constant 0 : index
    %swap3A_6 = vector.load %arg4[%swap3A, %swap3A_5] : memref<10112x1xf32, #tpu.memory_space<vmem>>, vector<10112x1xf32>
    tpu.vector_store %arg4[%swap3A, %swap3A_5], %broadcast_in_dim3A {strides = array<i32>} : memref<10112x1xf32, #tpu.memory_space<vmem>>, vector<10112x1xf32>,
    %get3A_7 = arith.constant 0 : index
    %get3A_8 = arith.constant 0 : index
    %get3A_9 = vector.load %arg0[%get3A_7, %get3A_8] : memref<10000x128xf32, #tpu.memory_space<vmem>>, vector<10000x128xf32>
    %get3A_10 = arith.constant 0 : index
    %get3A_11 = arith.constant 0 : index
    %get3A_12 = vector.load %arg1[%get3A_10, %get3A_11] : memref<128x128xf32, #tpu.memory_space<vmem>>, vector<128x128xf32>
    %dot_general3A = arith.constant dense<0.000000e+00> : vector<10000x128xf32>
    %dot_general3A_13 = tpu.matmul %get3A_9, %get3A_12, %dot_general3A {dimension_numbers = #tpu.dot_dimension_numbers<[1], [0], [0], [1], [0, 0, 1, 1], [], []>, transpose_lhs_hint = false} : vector<10000x128xf32>, vector<128x128xf32>, vector<10000x128xf32> -> vector<10000x128xf32>
    %broadcast_in_dim3A_14 = arith.constant 0.000000e+00 : bf16
    %broadcast_in_dim3A_15 = vector.broadcast %broadcast_in_dim3A_14 : bf16 to vector<10112x128xbf16>
    %swap3A_16 = arith.constant 0 : index
    %swap3A_17 = arith.constant 0 : index
    %swap3A_18 = vector.load %arg3[%swap3A_16, %swap3A_17] : memref<10112x128xbf16, #tpu.memory_space<vmem>>, vector<10112x128xbf16>
    tpu.vector_store %arg3[%swap3A_16, %swap3A_17], %broadcast_in_dim3A_15 {strides = array<i32>} : memref<10112x128xbf16, #tpu.memory_space<vmem>>, vector<10112x128xbf16>,
    %slice3A = vector.extract_strided_slice %broadcast_in_dim3A {offsets = [0, 0], sizes = [10000, 1], strides = [1, 1]} : vector<10112x1xf32> to vector<10000x1xf32>
    %mul3A = vector.broadcast %slice3A : vector<10000x1xf32> to vector<10000x128xf32>
    %mul3A_19 = arith.mulf %dot_general3A_13, %mul3A : vector<10000x128xf32>
    %convert_element_type3A = arith.truncf %mul3A_19 : vector<10000x128xf32> to vector<10000x128xbf16>
    %swap3A_20 = arith.constant 0 : index
    %swap3A_21 = arith.constant 0 : index
    %swap3A_22 = vector.load %arg3[%swap3A_20, %swap3A_21] : memref<10112x128xbf16, #tpu.memory_space<vmem>>, vector<10000x128xbf16>
    tpu.vector_store %arg3[%swap3A_20, %swap3A_21], %convert_element_type3A {strides = array<i32>} : memref<10112x128xbf16, #tpu.memory_space<vmem>>, vector<10000x128xbf16>,
    return
  }
}

module attributes {stable_mosaic.version = 14 : i64} {
  func.func @body(%arg0: memref<2x10112x128xbf16, #tpu.memory_space<vmem>>, %arg1: memref<10112x128xbf16, #tpu.memory_space<vmem>>, %arg2: memref<10112x1xf32, #tpu.memory_space<vmem>>, %arg3: memref<1x128xf32, #tpu.memory_space<vmem>>, %arg4: memref<128x64xf32, #tpu.memory_space<vmem>>, %arg5: memref<10112x64xbf16, #tpu.memory_space<vmem>>) attributes {dimension_semantics = [], scalar_prefetch = 0 : i64, scratch_operands = 0 : i64, tpu.core_type = #tpu.core_type<tc>} {
    %get3A = arith.constant 0 : index
    %get3A_0 = arith.constant 0 : index
    %get3A_1 = vector.load %arg2[%get3A, %get3A_0] : memref<10112x1xf32, #tpu.memory_space<vmem>>, vector<10112x1xf32>
    %get3A_2 = arith.constant 0 : index
    %get3A_3 = arith.constant 0 : index
    %get3A_4 = arith.constant 0 : index
    %get3A_5 = vector.load %arg0[%get3A_2, %get3A_3, %get3A_4] : memref<2x10112x128xbf16, #tpu.memory_space<vmem>>, vector<2x10112x128xbf16>
    %convert_element_type3A = arith.extf %get3A_5 : vector<2x10112x128xbf16> to vector<2x10112x128xf32>
    %slice3A = vector.extract_strided_slice %convert_element_type3A {offsets = [0, 0, 0], sizes = [1, 10112, 128], strides = [1, 1, 1]} : vector<2x10112x128xf32> to vector<1x10112x128xf32>
    %squeeze3A = vector.shape_cast %slice3A : vector<1x10112x128xf32> to vector<10112x128xf32>
    %slice3A_6 = vector.extract_strided_slice %convert_element_type3A {offsets = [1, 0, 0], sizes = [1, 10112, 128], strides = [1, 1, 1]} : vector<2x10112x128xf32> to vector<1x10112x128xf32>
    %squeeze3A_7 = vector.shape_cast %slice3A_6 : vector<1x10112x128xf32> to vector<10112x128xf32>
    %add3A = arith.addf %squeeze3A, %squeeze3A_7 : vector<10112x128xf32>
    %get3A_8 = arith.constant 0 : index
    %get3A_9 = arith.constant 0 : index
    %get3A_10 = vector.load %arg1[%get3A_8, %get3A_9] : memref<10112x128xbf16, #tpu.memory_space<vmem>>, vector<10112x128xbf16>
    %convert_element_type3A_11 = arith.extf %get3A_10 : vector<10112x128xbf16> to vector<10112x128xf32>
    %add3A_12 = arith.addf %add3A, %convert_element_type3A_11 : vector<10112x128xf32>
    %mul3A = vector.broadcast %get3A_1 : vector<10112x1xf32> to vector<10112x128xf32>
    %mul3A_13 = arith.mulf %add3A_12, %mul3A : vector<10112x128xf32>
    %get3A_14 = arith.constant 0 : index
    %get3A_15 = arith.constant 0 : index
    %get3A_16 = vector.load %arg3[%get3A_14, %get3A_15] : memref<1x128xf32, #tpu.memory_space<vmem>>, vector<1x128xf32>
    %add3A_17 = vector.broadcast %get3A_16 : vector<1x128xf32> to vector<10112x128xf32>
    %add3A_18 = arith.addf %mul3A_13, %add3A_17 : vector<10112x128xf32>
    %max3A = arith.constant 0.000000e+00 : f32
    %max3A_19 = vector.broadcast %max3A : f32 to vector<10112x128xf32>
    %max3A_20 = arith.maximumf %add3A_18, %max3A_19 : vector<10112x128xf32>
    %get3A_21 = arith.constant 0 : index
    %get3A_22 = arith.constant 0 : index
    %get3A_23 = vector.load %arg4[%get3A_21, %get3A_22] : memref<128x64xf32, #tpu.memory_space<vmem>>, vector<128x64xf32>
    %dot_general3A = arith.constant dense<0.000000e+00> : vector<10112x64xf32>
    %dot_general3A_24 = tpu.matmul %max3A_20, %get3A_23, %dot_general3A {dimension_numbers = #tpu.dot_dimension_numbers<[1], [0], [0], [1], [0, 0, 1, 1], [], []>, transpose_lhs_hint = false} : vector<10112x128xf32>, vector<128x64xf32>, vector<10112x64xf32> -> vector<10112x64xf32>
    %mul3A_25 = vector.broadcast %get3A_1 : vector<10112x1xf32> to vector<10112x64xf32>
    %mul3A_26 = arith.mulf %dot_general3A_24, %mul3A_25 : vector<10112x64xf32>
    %convert_element_type3A_27 = arith.truncf %mul3A_26 : vector<10112x64xf32> to vector<10112x64xbf16>
    %swap3A = arith.constant 0 : index
    %swap3A_28 = arith.constant 0 : index
    %swap3A_29 = vector.load %arg5[%swap3A, %swap3A_28] : memref<10112x64xbf16, #tpu.memory_space<vmem>>, vector<10112x64xbf16>
    tpu.vector_store %arg5[%swap3A, %swap3A_28], %convert_element_type3A_27 {strides = array<i32>} : memref<10112x64xbf16, #tpu.memory_space<vmem>>, vector<10112x64xbf16>,
    return
  }
}

module attributes {stable_mosaic.version = 14 : i64} {
  func.func @body(%arg0: memref<2x10112x64xbf16, #tpu.memory_space<vmem>>, %arg1: memref<10112x64xbf16, #tpu.memory_space<vmem>>, %arg2: memref<10112x1xf32, #tpu.memory_space<vmem>>, %arg3: memref<1x64xf32, #tpu.memory_space<vmem>>, %arg4: memref<10000x64xf32, #tpu.memory_space<vmem>>) attributes {dimension_semantics = [], scalar_prefetch = 0 : i64, scratch_operands = 0 : i64, tpu.core_type = #tpu.core_type<tc>} {
    %get3A = arith.constant 0 : index
    %get3A_0 = arith.constant 0 : index
    %get3A_1 = arith.constant 0 : index
    %get3A_2 = vector.load %arg0[%get3A, %get3A_0, %get3A_1] : memref<2x10112x64xbf16, #tpu.memory_space<vmem>>, vector<2x10112x64xbf16>
    %convert_element_type3A = arith.extf %get3A_2 : vector<2x10112x64xbf16> to vector<2x10112x64xf32>
    %slice3A = vector.extract_strided_slice %convert_element_type3A {offsets = [0, 0, 0], sizes = [1, 10112, 64], strides = [1, 1, 1]} : vector<2x10112x64xf32> to vector<1x10112x64xf32>
    %squeeze3A = vector.shape_cast %slice3A : vector<1x10112x64xf32> to vector<10112x64xf32>
    %slice3A_3 = vector.extract_strided_slice %convert_element_type3A {offsets = [1, 0, 0], sizes = [1, 10112, 64], strides = [1, 1, 1]} : vector<2x10112x64xf32> to vector<1x10112x64xf32>
    %squeeze3A_4 = vector.shape_cast %slice3A_3 : vector<1x10112x64xf32> to vector<10112x64xf32>
    %add3A = arith.addf %squeeze3A, %squeeze3A_4 : vector<10112x64xf32>
    %get3A_5 = arith.constant 0 : index
    %get3A_6 = arith.constant 0 : index
    %get3A_7 = vector.load %arg1[%get3A_5, %get3A_6] : memref<10112x64xbf16, #tpu.memory_space<vmem>>, vector<10112x64xbf16>
    %convert_element_type3A_8 = arith.extf %get3A_7 : vector<10112x64xbf16> to vector<10112x64xf32>
    %add3A_9 = arith.addf %add3A, %convert_element_type3A_8 : vector<10112x64xf32>
    %get3A_10 = arith.constant 0 : index
    %get3A_11 = arith.constant 0 : index
    %get3A_12 = vector.load %arg2[%get3A_10, %get3A_11] : memref<10112x1xf32, #tpu.memory_space<vmem>>, vector<10112x1xf32>
    %mul3A = vector.broadcast %get3A_12 : vector<10112x1xf32> to vector<10112x64xf32>
    %mul3A_13 = arith.mulf %add3A_9, %mul3A : vector<10112x64xf32>
    %get3A_14 = arith.constant 0 : index
    %get3A_15 = arith.constant 0 : index
    %get3A_16 = vector.load %arg3[%get3A_14, %get3A_15] : memref<1x64xf32, #tpu.memory_space<vmem>>, vector<1x64xf32>
    %add3A_17 = vector.broadcast %get3A_16 : vector<1x64xf32> to vector<10112x64xf32>
    %add3A_18 = arith.addf %mul3A_13, %add3A_17 : vector<10112x64xf32>
    %reduce_max3A = arith.constant dense<0xFF800000> : vector<10112xf32>
    %reduce_max3A_19 = vector.multi_reduction <maximumf>, %add3A_18, %reduce_max3A [1] : vector<10112x64xf32> to vector<10112xf32>
    %broadcast_in_dim3A = vector.shape_cast %reduce_max3A_19 : vector<10112xf32> to vector<10112x1xf32>
    %sub3A = vector.broadcast %broadcast_in_dim3A : vector<10112x1xf32> to vector<10112x64xf32>
    %sub3A_20 = arith.subf %add3A_18, %sub3A : vector<10112x64xf32>
    %exp3A = math.exp %sub3A_20 : vector<10112x64xf32>
    %reduce_sum3A = arith.constant dense<0.000000e+00> : vector<10112xf32>
    %reduce_sum3A_21 = vector.multi_reduction <add>, %exp3A, %reduce_sum3A [1] : vector<10112x64xf32> to vector<10112xf32>
    %broadcast_in_dim3A_22 = vector.shape_cast %reduce_sum3A_21 : vector<10112xf32> to vector<10112x1xf32>
    %log3A = math.log %broadcast_in_dim3A_22 : vector<10112x1xf32>
    %sub3A_23 = vector.broadcast %log3A : vector<10112x1xf32> to vector<10112x64xf32>
    %sub3A_24 = arith.subf %sub3A_20, %sub3A_23 : vector<10112x64xf32>
    %slice3A_25 = vector.extract_strided_slice %sub3A_24 {offsets = [0, 0], sizes = [10000, 64], strides = [1, 1]} : vector<10112x64xf32> to vector<10000x64xf32>
    %swap3A = arith.constant 0 : index
    %swap3A_26 = arith.constant 0 : index
    %swap3A_27 = vector.load %arg4[%swap3A, %swap3A_26] : memref<10000x64xf32, #tpu.memory_space<vmem>>, vector<10000x64xf32>
    tpu.vector_store %arg4[%swap3A, %swap3A_26], %slice3A_25 {strides = array<i32>} : memref<10000x64xf32, #tpu.memory_space<vmem>>, vector<10000x64xf32>,
    return
  }
}

</mosaic_0001>

<sc_bundles>
// kernel: kernel.11.cloned.1.call-start
scs
__scs_entry_jumppad:
0x0: {  	(pc) =	sbr.rel $0x88, $3  }
0x1: {  	(tag) =	ssettag $0x0;
	lr =	simm.s32 $0x1  }
0x2: {  	[smem:$0x3F9B] =	sst lr;
	_ =	strace $0xD0000000  }
0x3: {  	_ = 	snop  }
0x4: {  	_ = 	snop  }
0x5: {  	_ = 	snop  }
0x6: {  	_ = 	snop  }
0x7: {  	_ = 	snop  }
__scs_overlays_trampoline_lowered:
0x8: {  	[smem:$0x3FAA] =	sst s0  }
0x9: {  	[smem:$0x3FAB] =	sst s1  }
0xa: {  	[smem:$0x3FAC] =	sst s2  }
0xb: {  	[smem:$0x3FAD] =	sst s3  }
0xc: {  	[smem:$0x3FAE] =	sst s4  }
0xd: {  	[smem:$0x3FAF] =	sst s5  }
0xe: {  	[smem:$0x3FB0] =	sst s6  }
0xf: {  	[smem:$0x3FB1] =	sst s7  }
0x10: {  	[smem:$0x3FB2] =	sst s8  }
0x11: {  	[smem:$0x3FB3] =	sst s9;
	s0 =	simm.s32 @!p0 $0x0  }
0x12: {  	s1 =	sld [smem:$0x3F99];
	s0 =	simm.s32 @p0 $0x1  }
0x13: {  	[smem:$0x3FB4] =	sst s0;
	s0 =	simm.s32 @!p1 $0x0  }
0x14: {  	s2 =	sld [smem:$0x3F98];
	s0 =	simm.s32 @p1 $0x1  }
0x15: {  	[smem:$0x3FB5] =	sst s0;
	s0 =	simm.s32 @!p2 $0x0  }
0x16: {  	s3 =	sld [smem:$0x3FDB];
	s0 =	simm.s32 @p2 $0x1  }
0x17: {  	s4 =	simm.s32 $0x1BF5;
	[smem:$0x3FB7] =	sst s0  }
0x18: {  	s0 =	sld [smem:$0x3F9A];
	_ =	swait.ge [sflag:s4], $0x0  }
0x19: {  	s7 =	sld [smem:$0x3F9B]  }
0x1a: {  	s8 =	sadd.s32 $0xFFFFE003, lr  }
0x1b: {  	s9 =	sadd.s32 $0xFFFFFEF7, lr;
	s5 =	simm.s32 $0xFFFFFFFF;
	p2 =	slt.u32 s8, $0xFFFFF086  }
0x1c: {  	p1 =	slt.u32 s9, $0xF7A;
	s5 =	simm.s32 @!p2 $0x0  }
0x1d: {  	s5 =	simm.s32 @p1 $0x1;
	p0 =	seq.s32 s7, s2  }
0x1e: {  	s7 =	smul.u32 @!p0 $0xF7A, s2;
	p2 =	seq.s32 @!p0 s5, $0x0  }
0x1f: {  	s9 =	smul.u32 $0xF7A, s1;
	s8 =	simm.s32 @!p0 $0x1BF5;
	p2 =	por !p2, p0  }
0x20: {  	[sflag:s8] =	ssyncset.s32 @!p0 $0xFFFFF086;
	s6 =	sadd.s32 @!p0 s3, s7;
	s7 =	simm.s32 @!p0 $0x108  }
0x21: {  	s3 =	sadd.s32 s3, s9;
	s6 =	sadd.s32 @!p0 $0x88, s6;
	s7 =	simm.s32 @p2 $0x1082  }
0x22: {  	[simem:s7], [sflag:s8] =	dma.local @!p0 [hbm:s6], $0xF7A  }
0x23: {  	s9 =	sor.u32 $0xD0000000, s2;
	s6 =	simm.s32 $0x108;
	_ =	swait.ge @!p0 [sflag:s8], $0x0  }
0x24: {  	s3 =	sadd.s32 $0x88, s3;
	s6 =	simm.s32 @!p1 $0x1082;
	[sflag:s4] =	ssyncset.s32 $0xFFFFF086  }
0x25: {  	[simem:s6], [sflag:s4] =	dma.local [hbm:s3], $0xF7A  }
0x26: {  	[smem:$0x3F9B] =	sst s1;
	(tag) =	ssettag s2;
	_ =	strace s9  }
0x27: {  	s1 =	sld [smem:$0x3FAB]  }
0x28: {  	s2 =	sld [smem:$0x3FAC]  }
0x29: {  	s4 =	sld [smem:$0x3FAE]  }
0x2a: {  	p0 =	seq.s32 s5, $0x0;
	s5 =	sld [smem:$0x3FAF]  }
0x2b: {  	s6 =	sld [smem:$0x3FB0]  }
0x2c: {  	s7 =	sld [smem:$0x3FB1]  }
0x2d: {  	s3 =	simm.s32 $0x108;
	s8 =	sld [smem:$0x3FB2]  }
0x2e: {  	s3 =	simm.s32 @!p0 $0x1082;
	s9 =	sld [smem:$0x3FB3]  }
0x2f: {  	lr =	sadd.s32 s0, s3;
	s0 =	sld [smem:$0x3FAA]  }
0x30: {  	s3 =	sld [smem:$0x3FAD]  }
0x31: {  	[smem:$0x3FB6] =	sst s10  }
0x32: {  	s10 =	sld [smem:$0x3FB4];
	_ =	sdelay $0x3  }
0x33: {  	p0 =	seq.s32 s10, $0x1;
	s10 =	sld [smem:$0x3FB6];
	_ =	sdelay $0x3  }
0x34: {  	[smem:$0x3FB6] =	sst s10  }
0x35: {  	s10 =	sld [smem:$0x3FB5];
	_ =	sdelay $0x3  }
0x36: {  	p1 =	seq.s32 s10, $0x1;
	s10 =	sld [smem:$0x3FB6];
	_ =	sdelay $0x3  }
0x37: {  	[smem:$0x3FB6] =	sst s10  }
0x38: {  	s10 =	sld [smem:$0x3FB7]  }
0x39: {  	_ = 	snop;
	(pc) =	sbr.ind lr, $3  }
0x3a: {  	_ = 	snop  }
0x3b: {  	_ = 	snop  }
0x3c: {  	p2 =	seq.s32 s10, $0x1;
	s10 =	sld [smem:$0x3FB6]  }
0x3d: {  	_ =	shalt  }
0x3e: {  	_ =	shalt  }
0x3f: {  	_ =	shalt  }
0x40: {  	_ =	shalt  }
0x41: {  	_ =	shalt  }
0x42: {  	_ =	shalt  }
0x43: {  	_ =	shalt  }
0x44: {  	_ =	shalt  }
0x45: {  	_ =	shalt  }
0x46: {  	_ =	shalt  }
0x47: {  	_ =	shalt  }
0x48: {  	_ =	shalt  }
0x49: {  	_ =	shalt  }
0x4a: {  	_ =	shalt  }
0x4b: {  	_ =	shalt  }
0x4c: {  	_ =	shalt  }
0x4d: {  	_ =	shalt  }
0x4e: {  	_ =	shalt  }
0x4f: {  	_ =	shalt  }
0x50: {  	_ =	shalt  }
0x51: {  	_ =	shalt  }
0x52: {  	_ =	shalt  }
0x53: {  	_ =	shalt  }
0x54: {  	_ =	shalt  }
0x55: {  	_ =	shalt  }
0x56: {  	_ =	shalt  }
0x57: {  	_ =	shalt  }
0x58: {  	_ =	shalt  }
0x59: {  	_ =	shalt  }
0x5a: {  	_ =	shalt  }
0x5b: {  	_ =	shalt  }
0x5c: {  	_ =	shalt  }
0x5d: {  	_ =	shalt  }
0x5e: {  	_ =	shalt  }
0x5f: {  	_ =	shalt  }
0x60: {  	_ =	shalt  }
0x61: {  	_ =	shalt  }
0x62: {  	_ =	shalt  }
0x63: {  	_ =	shalt  }
0x64: {  	_ =	shalt  }
0x65: {  	_ =	shalt  }
0x66: {  	_ =	shalt  }
0x67: {  	_ =	shalt  }
0x68: {  	_ =	shalt  }
0x69: {  	_ =	shalt  }
0x6a: {  	_ =	shalt  }
0x6b: {  	_ =	shalt  }
0x6c: {  	_ =	shalt  }
0x6d: {  	_ =	shalt  }
0x6e: {  	_ =	shalt  }
0x6f: {  	_ =	shalt  }
0x70: {  	_ =	shalt  }
0x71: {  	_ =	shalt  }
0x72: {  	_ =	shalt  }
0x73: {  	_ =	shalt  }
0x74: {  	_ =	shalt  }
0x75: {  	_ =	shalt  }
0x76: {  	_ =	shalt  }
0x77: {  	_ =	shalt  }
0x78: {  	_ =	shalt  }
0x79: {  	_ =	shalt  }
0x7a: {  	_ =	shalt  }
0x7b: {  	_ =	shalt  }
0x7c: {  	_ =	shalt  }
0x7d: {  	_ =	shalt  }
0x7e: {  	_ =	shalt  }
0x7f: {  	_ =	shalt  }
0x80: {  	_ =	shalt  }
0x81: {  	_ =	shalt  }
0x82: {  	_ =	shalt  }
0x83: {  	_ =	shalt  }
0x84: {  	_ =	shalt  }
0x85: {  	_ =	shalt  }
0x86: {  	_ =	shalt  }
0x87: {  	_ =	shalt  }
.Lfunc_end0:
.L_simem_size_0:
called_computation.1_lowered:
.L_overlay_start_0:
0x88: {  	s2 =	sld [smem:$0x3FD9]  }
0x89: {  	s3 =	sld [smem:$0x3FFE];
	_ =	sdelay $0x1  }
0x8a: {  	s1 =	srdreg.scid  }
0x8b: {  	s0 =	sand.u32 $0x1, s1  }
0x8c: {  	s17 =	sshll.u32 s0, $0xA;
	s2 =	sadd.s32 s3, s2  }
0x8d: {  	s2 =	sadd.s32 s2, s17  }
0x8e: {  	[smem:$0x3FC2] =	sst s2  }
0x8f: {  	_ = 	snop  }
0x90: {  	s2 =	sld [smem:$0x3FD0];
	(tm) =	ssettm $0x1  }
0x91: {  	s18 =	sld [smem:$0x3FFB];
	_ =	sdelay $0x3  }
0x92: {  	_ =	strace s18  }
0x93: {  	s3 =	sld [smem:$0x3FFC];
	_ =	sdelay $0x3  }
0x94: {  	_ =	strace s3  }
0x95: {  	s3 =	sld [smem:$0x3FFD];
	_ =	sdelay $0x3  }
0x96: {  	_ =	strace s3  }
0x97: {  	_ =	strace $0x8FFFFFFF  }
0x98: {  	s19 =	sld [smem:$0x3FDB];
	_ =	sdelay $0x1  }
0x99: {  	s4 =	simm.s32 $_scs_section_size  }
0x9a: {  	s5 =	simm.s32 $_size__tile_overlayer_lowered;
	s6 =	simm.s32 $_tile_overlayer_lowered  }
0x9b: {  	s22 =	simm.s32 $0x1BFF;
	s21 =	sshll.u32 s6, $0x1;
	s3 =	sadd.s32 s4, s19  }
0x9c: {  	s7 =	simm.s32 $0x0;
	s20 =	sshll.u32 s5, $0x1;
	s5 =	sadd.s32 s21, s3  }
0x9d: {  	[timem:s7], [sflag:s22] =	dma.local [hbm:s5], s20  }
0x9e: {  	_ =	swait.ge [sflag:s22], s20  }
0x9f: {  	s4 =	ssub.s32 $0x0, s20;
	[sflag:s22] =	ssyncset.done $0x0  }
0xa0: {  	[sflag:s22] =	ssyncadd.s32 s4;
	_ =	sdelay $0x1  }
0xa1: {  	s23 =	simm.s32 $0x1B8B  }
0xa2: {  	_ =	swait.ge [sflag:s23], $0x1  }
0xa3: {  	[sflag:s23] =	ssyncset.done $0x0  }
0xa4: {  	s25 =	simm.s32 $0x1B8E;
	s24 =	sld [smem:$0x3FFE];
	[sflag:s23] =	ssyncadd.s32 $0xFFFFFFFF  }
0xa5: {  	s26 =	simm.s32 $execute0_lowered;
	[smem:$0x3FD2] =	sst s25  }
0xa6: {  	s5 =	sshll.u32 s26, $0x1;
	_ =	strace $0x80000049;
	[dreg:$0x1] =	wrdreg $0xFFFFFFFF  }
0xa7: {  	s28 =	simm.s32 $_size_execute0_lowered;
	s3 =	sadd.s32 s3, s5;
	[dreg:$0x0] =	wrdreg $0x0  }
0xa8: {  	s5 =	sshll.u32 s28, $0x1;
	[dreg:$0x2] =	wrdreg s3  }
0xa9: {  	[dreg:$0x3] =	wrdreg s5  }
0xaa: {  	[dreg:$0x4] =	wrdreg $0xC0  }
0xab: {  	_ =	task [dreg:s7], $0x5FFFF  }
0xac: {  	[dreg:$0x1] =	wrdreg $0xFFFFFFFF  }
0xad: {  	[dreg:$0x0] =	wrdreg $0x60  }
0xae: {  	[dreg:$0x2] =	wrdreg s2  }
0xaf: {  	[dreg:$0x3] =	wrdreg s24  }
0xb0: {  	[dreg:$0x4] =	wrdreg $0xA5000  }
0xb1: {  	[dreg:$0x5] =	wrdreg $0x143000  }
0xb2: {  	[dreg:$0x6] =	wrdreg $0x9  }
0xb3: {  	_ =	task.clear_ibuf [dreg:s7], $0x7FFFF;
	_ =	strace $0x90000049  }
0xb4: {  	s29 =	simm.s32 $0x9;
	_ =	strace $0x8000004B  }
0xb5: {  	_ =	swait.ge [sflag:s29], $0x1  }
0xb6: {  	[sflag:s29] =	ssyncadd.s32 $0xFFFFFFFF  }
0xb7: {  	_ =	strace $0x9000004B  }
0xb8: {  	_ =	sfence  }
0xb9: {  	s30 =	sld [smem:$0x0];
	_ =	sdelay $0x2  }
0xba: {  	s31 =	sshll.u32 s1, $0xD;
	s1 =	sshrl.u32 s1, $0x2  }
0xbb: {  	s3 =	sand.u32 $0x4000, s31;
	s1 =	sadd.s32 s1, s30  }
0xbc: {  	s0 =	sor.u32 s3, s0;
	s1 =	sshll.u32 s1, $0x11  }
0xbd: {  	s0 =	sor.u32 s1, s0  }
0xbe: {  	s0 =	sadd.s32 $0x8F2B, s0  }
0xbf: {  	[sflag:s0] =	ssyncadd.remote.s32 $0x1  }
0xc0: {  	_ =	sfence.sel $0xFFFF  }
0xc1: {  	[dreg:$0x0] =	wrdreg $0xFFFFFFFF;
	(pc) =	sbr.abs _section_cstart, $3  }
0xc2: {  	[dreg:$0x1] =	wrdreg $0xFFFFFFFF  }
0xc3: {  	_ =	task.clear_ibuf [dreg:s7], $0x2FFFF;
	_ =	strace $0x9FFFFFFF  }
0xc4: {  	(tm) =	ssettm $0x7FFFFFFF  }
0xc5: {  	_ =	shalt  }
tec
execute0_lowered:
.L_overlay_start_1:
0x0: {  	(tag) =	ssettag $0x1  }
0x1: {  	s0 =	rddreg [dreg:$0x0]  }
0x2: {  	s1 =	rddreg [dreg:$0x1]  }
0x3: {  	s2 =	rddreg [dreg:$0x2]  }
0x4: {  	s3 =	rddreg [dreg:$0x3];
	s13 =	stileid.u32  }
0x5: {  	s5 =	srdreg.scid;
	s4 =	simm.s32 $0x0;
	s28 =	simm.s32 $0x3  }
0x6: {  	s29 =	simm.s32 $0x4500;
	s30 =	simm.s32 $0x7;
	s31 =	simm.s32 $0x180  }
0x7: {  	s6 =	smul.u32 $0x13C00, s13;
	s5 =	sand.u32 $0x1, s5;
	[smem:$0x7FF] =	sst s4  }
0x8: {  	s8 =	sadd.s32 $0x1F400, s1;
	s9 =	sshll.u32 s13, $0x1;
	s22 =	smul.u32 $0xA000, s13  }
0x9: {  	s26 =	sshll.u32 s13, $0x6;
	s7 =	smul.u32 $0x13C000, s5;
	_ =	strace $0x8000004A  }
0xa: {  	s9 =	sor.u32 s5, s9;
	s11 =	ssub.s32 $0x2, s5;
	s5 =	smul.u32 $0x5000, s5  }
0xb: {  	s19 =	sor.u32 $0x1C0B, s26;
	s10 =	sshrl.u32 s6, $0x4;
	s9 =	smul.u32 $0x5000, s9  }
0xc: {  	s21 =	sshrl.u32 s11, $0x1;
	[dreg:$0xf] =	wrdreg s19;
	s7 =	sadd.s32 s6, s7  }
0xd: {  	s12 =	sadd.s32 s10, s1;
	s6 =	sshrl.u32 s6, $0x1;
	s5 =	sadd.s32 s5, s22  }
0xe: {  	s0 =	sadd.s32 s0, s10;
	s10 =	simm.s32 $0x0;
	s7 =	sshrl.u32 s7, $0x4  }
0xf: {  	s9 =	sshrl.u32 s9, $0x3;
	s24 =	sadd.s32 s6, s2;
	s25 =	sadd.s32 $0xB800, s12  }
0x10: {  	s6 =	sadd.s32 s6, s3;
	s12 =	sor.u32 $0x700, s5;
	[dreg:$0x10] =	wrdreg s0  }
0x11: {  	s15 =	sor.u32 $0x600, s5;
	s18 =	sor.u32 $0x500, s5;
	s1 =	sadd.s32 s7, s1  }
0x12: {  	s7 =	ssub.s32 s11, s21;
	s14 =	sadd.s32 s8, s9;
	[dreg:$0xd] =	wrdreg s24  }
0x13: {  	[dreg:$0xe] =	wrdreg s25;
	s13 =	sshrl.u32 s12, $0x3;
	s20 =	sshrl.u32 s18, $0x3  }
0x14: {  	s21 =	sor.u32 $0x400, s5;
	s5 =	sor.u32 $0x300, s5;
	s18 =	simm.s32 $0xB  }
0x15: {  	s26 =	sshrl.u32 s6, $0x3;
	s6 =	simm.s32 $0x6500;
	s11 =	simm.s32 $0x8500  }
0x16: {  	s12 =	simm.s32 $0x9;
	s9 =	sadd.s32 $0x20, s14;
	[dreg:$0xa] =	wrdreg s14  }
0x17: {  	s23 =	sadd.s32 $0x40, s14;
	s16 =	sadd.s32 $0x9C0, s14;
	[dreg:$0x15] =	wrdreg s26  }
0x18: {  	s0 =	sadd.s32 s13, s8;
	s5 =	sshrl.u32 s5, $0x3;
	[dreg:$0xb] =	wrdreg s9  }
0x19: {  	s1 =	sadd.s32 $0x33400, s1;
	s25 =	smax.u32 s7, $0x1;
	[dreg:$0xc] =	wrdreg s23  }
0x1a: {  	s26 =	simm.s32 $0x300;
	s7 =	simm.s32 $0x8;
	[dreg:$0x11] =	wrdreg s16  }
0x1b: {  	s13 =	simm.s32 $0x380;
	s9 =	sshrl.u32 s15, $0x3;
	[dreg:$0x5] =	wrdreg s0  }
0x1c: {  	s0 =	sadd.s32 s20, s8;
	s23 =	sadd.s32 $0x9E0, s14;
	[dreg:$0x13] =	wrdreg s1  }
0x1d: {  	s24 =	sadd.s32 s5, s8;
	[dreg:$0x14] =	wrdreg s25;
	s16 =	simm.s32 $0x100  }
0x1e: {  	s20 =	simm.s32 $0x1;
	s25 =	simm.s32 $0x6;
	s1 =	simm.s32 $0x4  }
0x1f: {  	s14 =	simm.s32 $0xA;
	s15 =	simm.s32 $0x480;
	[dreg:$0x7] =	wrdreg s0  }
0x20: {  	s17 =	sadd.s32 s9, s8;
	s9 =	sshrl.u32 s21, $0x3;
	[dreg:$0x12] =	wrdreg s23  }
0x21: {  	[dreg:$0x9] =	wrdreg s24;
	s21 =	simm.s32 $0x80;
	s23 =	simm.s32 $0x2  }
0x22: {  	s24 =	simm.s32 $0x2500;
	s0 =	simm.s32 $0x400;
	[dreg:$0x6] =	wrdreg s17  }
0x23: {  	s22 =	sadd.s32 s9, s8;
	s17 =	simm.s32 $0x200;
	s8 =	simm.s32 $0x280  }
0x24: {  	s9 =	simm.s32 $0x5;
	[dreg:$0x8] =	wrdreg s22;
	s22 =	simm.s32 $0x500  }
.LBB2_1:
0x25: {  	[dreg:$0x16] =	wrdreg s10  }
0x26: {  	s5 =	rddreg [dreg:$0xa]  }
0x27: {  	[tilespmem:s4], [sflag:$0x1] =	stream.linear.gather [hbm4b:s5+s4], $0x100, $0x38;
	[tilespmem:$0x1E100] =	vst v63  }
0x28: {  	s10 =	rddreg [dreg:$0xb]  }
0x29: {  	[tilespmem:s16], [sflag:$0x2] =	stream.linear.gather [hbm4b:s10+s4], $0x100, $0x38;
	[tilespmem:$0x1E100] =	vst v63  }
0x2a: {  	s10 =	rddreg [dreg:$0xc]  }
0x2b: {  	[tilespmem:s17], [sflag:$0x3] =	stream.linear.gather [hbm4b:s10+s4], $0x100, $0x38;
	[tilespmem:$0x1E100] =	vst v63  }
0x2c: {  	s10 =	rddreg [dreg:$0xd]  }
0x2d: {  	s5 =	rddreg [dreg:$0xe];
	s10 =	sshrl.u32 s10, $0x3  }
0x2e: {  	[dreg:$0x17] =	wrdreg s10  }
0x2f: {  	[spmem:s10], [sflag:s19] =	dma.local [hbm:s5], $0x13C0  }
0x30: {  	_ =	swait.ge [sflag:s18], $0x13C0  }
0x31: {  	[sflag:s18] =	ssyncset.done $0x0;
	s5 =	rddreg [dreg:$0x10]  }
0x32: {  	s10 =	rddreg [dreg:$0x15];
	[sflag:s18] =	ssyncadd.s32 $0xFFFFEC40  }
0x33: {  	[spmem:s10], [sflag:s19] =	dma.local [hbm:s5], $0x13C0  }
0x34: {  	_ =	swait.ge [sflag:s18], $0x13C0  }
0x35: {  	[sflag:s18] =	ssyncset.done $0x0  }
0x36: {  	[sflag:s18] =	ssyncadd.s32 $0xFFFFEC40  }
0x37: {  	[bflag:$0x0] =	sbarrier.arrive $0xFFFF  }
0x38: {  	_ =	swait.ge [sflag:s20], $0x100  }
0x39: {  	[sflag:s20] =	ssyncset.done $0x0  }
0x3a: {  	[sflag:s20] =	ssyncadd.s32 $0xFFFFFF00  }
0x3b: {  	[tilespmem:s22], [sflag:$0x6] =	stream.indirect.gather [spmem:s3], $0x40, s4, s21, $0xb8;
	[tilespmem:$0x1E100] =	vst v63  }
0x3c: {  	_ =	swait.ge [sflag:s23], $0x100  }
0x3d: {  	[sflag:s23] =	ssyncset.done $0x0  }
0x3e: {  	[sflag:s23] =	ssyncadd.s32 $0xFFFFFF00  }
0x3f: {  	[tilespmem:s24], [sflag:$0x7] =	stream.indirect.gather [spmem:s3], $0x40, s16, s21, $0xb8;
	[tilespmem:$0x1E100] =	vst v63  }
0x40: {  	_ =	swait.ge [sflag:s25], $0x2000  }
0x41: {  	[sflag:s25] =	ssyncset.done $0x0  }
0x42: {  	[sflag:s25] =	ssyncadd.s32 $0xFFFFE000  }
0x43: {  	[spmem:s2] =	stream.indirect.scatter.add.bf16 [tilespmem:s22], [sflag:$0xB], $0x40, s21, s21, $0xb8;
	[tilespmem:$0x1E100] =	vst v63  }
0x44: {  	_ =	swait.ge [sflag:s18], $0x2000  }
0x45: {  	s19 =	rddreg [dreg:$0x9];
	[sflag:s18] =	ssyncset.done $0x0  }
0x46: {  	[sflag:s18] =	ssyncadd.s32 $0xFFFFE000;
	s5 =	sadd.s32 $0x0, s19  }
0x47: {  	[tilespmem:s26], [sflag:$0x4] =	stream.linear.gather [hbm4b:s5+s4], $0x100, $0x38;
	[tilespmem:$0x1E100] =	vst v63  }
0x48: {  	_ =	swait.ge [sflag:s28], $0x100  }
0x49: {  	[sflag:s28] =	ssyncset.done $0x0  }
0x4a: {  	[sflag:s28] =	ssyncadd.s32 $0xFFFFFF00  }
0x4b: {  	[tilespmem:s29], [sflag:$0x8] =	stream.indirect.gather [spmem:s3], $0x40, s17, s21, $0xb8;
	[tilespmem:$0x1E100] =	vst v63  }
0x4c: {  	_ =	swait.ge [sflag:s30], $0x2000  }
0x4d: {  	[sflag:s30] =	ssyncset.done $0x0  }
0x4e: {  	[sflag:s30] =	ssyncadd.s32 $0xFFFFE000  }
0x4f: {  	[spmem:s2] =	stream.indirect.scatter.add.bf16 [tilespmem:s24], [sflag:$0xB], $0x40, s31, s21, $0xb8;
	[tilespmem:$0x1E100] =	vst v63  }
0x50: {  	_ =	swait.ge [sflag:s18], $0x2000  }
0x51: {  	s10 =	rddreg [dreg:$0x8];
	[sflag:s18] =	ssyncset.done $0x0  }
0x52: {  	[sflag:s18] =	ssyncadd.s32 $0xFFFFE000;
	s5 =	sadd.s32 $0x0, s10  }
0x53: {  	[tilespmem:s0], [sflag:$0x5] =	stream.linear.gather [hbm4b:s5+s4], $0x100, $0x38;
	[tilespmem:$0x1E100] =	vst v63  }
0x54: {  	_ =	swait.ge [sflag:s1], $0x100  }
0x55: {  	[sflag:s1] =	ssyncset.done $0x0  }
0x56: {  	[sflag:s1] =	ssyncadd.s32 $0xFFFFFF00  }
0x57: {  	[tilespmem:s6], [sflag:$0x9] =	stream.indirect.gather [spmem:s3], $0x40, s26, s21, $0xb8;
	[tilespmem:$0x1E100] =	vst v63  }
0x58: {  	_ =	swait.ge [sflag:s7], $0x2000  }
0x59: {  	[sflag:s7] =	ssyncset.done $0x0  }
0x5a: {  	[sflag:s7] =	ssyncadd.s32 $0xFFFFE000  }
0x5b: {  	[spmem:s2] =	stream.indirect.scatter.add.bf16 [tilespmem:s29], [sflag:$0xB], $0x40, s8, s21, $0xb8;
	[tilespmem:$0x1E100] =	vst v63  }
0x5c: {  	_ =	swait.ge [sflag:s18], $0x2000  }
0x5d: {  	s19 =	rddreg [dreg:$0x7];
	[sflag:s18] =	ssyncset.done $0x0  }
0x5e: {  	[sflag:s18] =	ssyncadd.s32 $0xFFFFE000;
	s5 =	sadd.s32 $0x0, s19  }
0x5f: {  	[tilespmem:s4], [sflag:$0x1] =	stream.linear.gather [hbm4b:s5+s4], $0x100, $0x38;
	[tilespmem:$0x1E100] =	vst v63  }
0x60: {  	_ =	swait.ge [sflag:s9], $0x100  }
0x61: {  	[sflag:s9] =	ssyncset.done $0x0  }
0x62: {  	[sflag:s9] =	ssyncadd.s32 $0xFFFFFF00  }
0x63: {  	[tilespmem:s11], [sflag:$0xA] =	stream.indirect.gather [spmem:s3], $0x40, s0, s21, $0xb8;
	[tilespmem:$0x1E100] =	vst v63  }
0x64: {  	_ =	swait.ge [sflag:s12], $0x2000  }
0x65: {  	[sflag:s12] =	ssyncset.done $0x0  }
0x66: {  	[sflag:s12] =	ssyncadd.s32 $0xFFFFE000  }
0x67: {  	[spmem:s2] =	stream.indirect.scatter.add.bf16 [tilespmem:s6], [sflag:$0xB], $0x40, s13, s21, $0xb8;
	[tilespmem:$0x1E100] =	vst v63  }
0x68: {  	_ =	swait.ge [sflag:s18], $0x2000  }
0x69: {  	s10 =	rddreg [dreg:$0x6];
	[sflag:s18] =	ssyncset.done $0x0  }
0x6a: {  	[sflag:s18] =	ssyncadd.s32 $0xFFFFE000;
	s5 =	sadd.s32 $0x0, s10  }
0x6b: {  	[tilespmem:s16], [sflag:$0x2] =	stream.linear.gather [hbm4b:s5+s4], $0x100, $0x38;
	[tilespmem:$0x1E100] =	vst v63  }
0x6c: {  	_ =	swait.ge [sflag:s20], $0x100  }
0x6d: {  	[sflag:s20] =	ssyncset.done $0x0  }
0x6e: {  	[sflag:s20] =	ssyncadd.s32 $0xFFFFFF00  }
0x6f: {  	[tilespmem:s22], [sflag:$0x6] =	stream.indirect.gather [spmem:s3], $0x40, s4, s21, $0xb8;
	[tilespmem:$0x1E100] =	vst v63  }
0x70: {  	_ =	swait.ge [sflag:s14], $0x2000  }
0x71: {  	[sflag:s14] =	ssyncset.done $0x0  }
0x72: {  	[sflag:s14] =	ssyncadd.s32 $0xFFFFE000  }
0x73: {  	[spmem:s2] =	stream.indirect.scatter.add.bf16 [tilespmem:s11], [sflag:$0xB], $0x40, s15, s21, $0xb8;
	[tilespmem:$0x1E100] =	vst v63  }
0x74: {  	_ =	swait.ge [sflag:s18], $0x2000  }
0x75: {  	s19 =	rddreg [dreg:$0x5];
	[sflag:s18] =	ssyncset.done $0x0  }
0x76: {  	[sflag:s18] =	ssyncadd.s32 $0xFFFFE000;
	s5 =	sadd.s32 $0x0, s19  }
0x77: {  	[tilespmem:s17], [sflag:$0x3] =	stream.linear.gather [hbm4b:s5+s4], $0x100, $0x38;
	[tilespmem:$0x1E100] =	vst v63  }
0x78: {  	_ =	swait.ge [sflag:s23], $0x100  }
0x79: {  	[sflag:s23] =	ssyncset.done $0x0  }
0x7a: {  	s10 =	simm.s32 $0xA0;
	[sflag:s23] =	ssyncadd.s32 $0xFFFFFF00  }
.LBB2_2:
0x7b: {  	[tilespmem:s24], [sflag:$0x7] =	stream.indirect.gather [spmem:s3], $0x40, s16, s21, $0xb8;
	[tilespmem:$0x1E100] =	vst v63  }
0x7c: {  	_ =	swait.ge [sflag:s25], $0x2000  }
0x7d: {  	[sflag:s25] =	ssyncset.done $0x0  }
0x7e: {  	[sflag:s25] =	ssyncadd.s32 $0xFFFFE000  }
0x7f: {  	[spmem:s2] =	stream.indirect.scatter.add.bf16 [tilespmem:s22], [sflag:$0xB], $0x40, s21, s21, $0xb8;
	[tilespmem:$0x1E100] =	vst v63  }
0x80: {  	_ =	swait.ge [sflag:s18], $0x2000  }
0x81: {  	s5 =	smov.u32 s10;
	s19 =	rddreg [dreg:$0x9];
	[sflag:s18] =	ssyncset.done $0x0  }
0x82: {  	[sflag:s18] =	ssyncadd.s32 $0xFFFFE000;
	s19 =	sadd.s32 s5, s19  }
0x83: {  	[tilespmem:s26], [sflag:$0x4] =	stream.linear.gather [hbm4b:s19+s4], $0x100, $0x38;
	[tilespmem:$0x1E100] =	vst v63  }
0x84: {  	_ =	swait.ge [sflag:s28], $0x100  }
0x85: {  	[sflag:s28] =	ssyncset.done $0x0  }
0x86: {  	[sflag:s28] =	ssyncadd.s32 $0xFFFFFF00  }
0x87: {  	[tilespmem:s29], [sflag:$0x8] =	stream.indirect.gather [spmem:s3], $0x40, s17, s21, $0xb8;
	[tilespmem:$0x1E100] =	vst v63  }
0x88: {  	_ =	swait.ge [sflag:s30], $0x2000  }
0x89: {  	[sflag:s30] =	ssyncset.done $0x0  }
0x8a: {  	[sflag:s30] =	ssyncadd.s32 $0xFFFFE000  }
0x8b: {  	[spmem:s2] =	stream.indirect.scatter.add.bf16 [tilespmem:s24], [sflag:$0xB], $0x40, s31, s21, $0xb8;
	[tilespmem:$0x1E100] =	vst v63  }
0x8c: {  	_ =	swait.ge [sflag:s18], $0x2000  }
0x8d: {  	s19 =	rddreg [dreg:$0x8];
	[sflag:s18] =	ssyncset.done $0x0  }
0x8e: {  	[sflag:s18] =	ssyncadd.s32 $0xFFFFE000;
	s19 =	sadd.s32 s5, s19  }
0x8f: {  	[tilespmem:s0], [sflag:$0x5] =	stream.linear.gather [hbm4b:s19+s4], $0x100, $0x38;
	[tilespmem:$0x1E100] =	vst v63  }
0x90: {  	_ =	swait.ge [sflag:s1], $0x100  }
0x91: {  	[sflag:s1] =	ssyncset.done $0x0  }
0x92: {  	[sflag:s1] =	ssyncadd.s32 $0xFFFFFF00  }
0x93: {  	[tilespmem:s6], [sflag:$0x9] =	stream.indirect.gather [spmem:s3], $0x40, s26, s21, $0xb8;
	[tilespmem:$0x1E100] =	vst v63  }
0x94: {  	_ =	swait.ge [sflag:s7], $0x2000  }
0x95: {  	[sflag:s7] =	ssyncset.done $0x0  }
0x96: {  	[sflag:s7] =	ssyncadd.s32 $0xFFFFE000  }
0x97: {  	[spmem:s2] =	stream.indirect.scatter.add.bf16 [tilespmem:s29], [sflag:$0xB], $0x40, s8, s21, $0xb8;
	[tilespmem:$0x1E100] =	vst v63  }
0x98: {  	_ =	swait.ge [sflag:s18], $0x2000  }
0x99: {  	s19 =	rddreg [dreg:$0x7];
	[sflag:s18] =	ssyncset.done $0x0  }
0x9a: {  	[sflag:s18] =	ssyncadd.s32 $0xFFFFE000;
	s19 =	sadd.s32 s5, s19  }
0x9b: {  	[tilespmem:s4], [sflag:$0x1] =	stream.linear.gather [hbm4b:s19+s4], $0x100, $0x38;
	[tilespmem:$0x1E100] =	vst v63  }
0x9c: {  	_ =	swait.ge [sflag:s9], $0x100  }
0x9d: {  	[sflag:s9] =	ssyncset.done $0x0  }
0x9e: {  	[sflag:s9] =	ssyncadd.s32 $0xFFFFFF00  }
0x9f: {  	[tilespmem:s11], [sflag:$0xA] =	stream.indirect.gather [spmem:s3], $0x40, s0, s21, $0xb8;
	[tilespmem:$0x1E100] =	vst v63  }
0xa0: {  	_ =	swait.ge [sflag:s12], $0x2000  }
0xa1: {  	[sflag:s12] =	ssyncset.done $0x0  }
0xa2: {  	[sflag:s12] =	ssyncadd.s32 $0xFFFFE000  }
0xa3: {  	[spmem:s2] =	stream.indirect.scatter.add.bf16 [tilespmem:s6], [sflag:$0xB], $0x40, s13, s21, $0xb8;
	[tilespmem:$0x1E100] =	vst v63  }
0xa4: {  	_ =	swait.ge [sflag:s18], $0x2000  }
0xa5: {  	s19 =	rddreg [dreg:$0x6];
	[sflag:s18] =	ssyncset.done $0x0  }
0xa6: {  	[sflag:s18] =	ssyncadd.s32 $0xFFFFE000;
	s19 =	sadd.s32 s5, s19  }
0xa7: {  	[tilespmem:s16], [sflag:$0x2] =	stream.linear.gather [hbm4b:s19+s4], $0x100, $0x38;
	[tilespmem:$0x1E100] =	vst v63  }
0xa8: {  	_ =	swait.ge [sflag:s20], $0x100  }
0xa9: {  	[sflag:s20] =	ssyncset.done $0x0  }
0xaa: {  	[sflag:s20] =	ssyncadd.s32 $0xFFFFFF00  }
0xab: {  	[tilespmem:s22], [sflag:$0x6] =	stream.indirect.gather [spmem:s3], $0x40, s4, s21, $0xb8;
	[tilespmem:$0x1E100] =	vst v63  }
0xac: {  	_ =	swait.ge [sflag:s14], $0x2000  }
0xad: {  	[sflag:s14] =	ssyncset.done $0x0  }
0xae: {  	[sflag:s14] =	ssyncadd.s32 $0xFFFFE000  }
0xaf: {  	[spmem:s2] =	stream.indirect.scatter.add.bf16 [tilespmem:s11], [sflag:$0xB], $0x40, s15, s21, $0xb8;
	[tilespmem:$0x1E100] =	vst v63  }
0xb0: {  	_ =	swait.ge [sflag:s18], $0x2000  }
0xb1: {  	p0 =	sne.s32 s10, $0x8C0;
	s19 =	rddreg [dreg:$0x5];
	[sflag:s18] =	ssyncset.done $0x0  }
.Ltmp0:
0xb2: {  	[sflag:s18] =	ssyncadd.s32 $0xFFFFE000;
	s5 =	sadd.s32 s5, s19;
	(pc) =	sbr.rel @p0 .LBB2_2-.Ltmp0, $4  }
0xb3: {  	[tilespmem:s17], [sflag:$0x3] =	stream.linear.gather [hbm4b:s5+s4], $0x100, $0x38;
	[tilespmem:$0x1E100] =	vst v63  }
0xb4: {  	_ =	swait.ge [sflag:s23], $0x100  }
0xb5: {  	[sflag:s23] =	ssyncset.done $0x0  }
0xb6: {  	s10 =	sadd.s32 $0xA0, s10;
	[sflag:s23] =	ssyncadd.s32 $0xFFFFFF00  }
0xb7: {  	[tilespmem:s24], [sflag:$0x7] =	stream.indirect.gather [spmem:s3], $0x40, s16, s21, $0xb8;
	[tilespmem:$0x1E100] =	vst v63  }
0xb8: {  	_ =	swait.ge [sflag:s25], $0x2000  }
0xb9: {  	[sflag:s25] =	ssyncset.done $0x0  }
0xba: {  	[sflag:s25] =	ssyncadd.s32 $0xFFFFE000  }
0xbb: {  	[spmem:s2] =	stream.indirect.scatter.add.bf16 [tilespmem:s22], [sflag:$0xB], $0x40, s21, s21, $0xb8;
	[tilespmem:$0x1E100] =	vst v63  }
0xbc: {  	_ =	swait.ge [sflag:s18], $0x2000  }
0xbd: {  	[sflag:s18] =	ssyncset.done $0x0  }
0xbe: {  	s5 =	rddreg [dreg:$0x11];
	[sflag:s18] =	ssyncadd.s32 $0xFFFFE000  }
0xbf: {  	[tilespmem:s26], [sflag:$0x4] =	stream.linear.gather [hbm4b:s5+s4], $0x100, $0x38;
	[tilespmem:$0x1E100] =	vst v63  }
0xc0: {  	_ =	swait.ge [sflag:s28], $0x100  }
0xc1: {  	[sflag:s28] =	ssyncset.done $0x0  }
0xc2: {  	[sflag:s28] =	ssyncadd.s32 $0xFFFFFF00  }
0xc3: {  	[tilespmem:s29], [sflag:$0x8] =	stream.indirect.gather [spmem:s3], $0x40, s17, s21, $0xb8;
	[tilespmem:$0x1E100] =	vst v63  }
0xc4: {  	_ =	swait.ge [sflag:s30], $0x2000  }
0xc5: {  	[sflag:s30] =	ssyncset.done $0x0  }
0xc6: {  	[sflag:s30] =	ssyncadd.s32 $0xFFFFE000  }
0xc7: {  	[spmem:s2] =	stream.indirect.scatter.add.bf16 [tilespmem:s24], [sflag:$0xB], $0x40, s31, s21, $0xb8;
	[tilespmem:$0x1E100] =	vst v63  }
0xc8: {  	_ =	swait.ge [sflag:s18], $0x2000  }
0xc9: {  	[sflag:s18] =	ssyncset.done $0x0  }
0xca: {  	s19 =	rddreg [dreg:$0x12];
	[sflag:s18] =	ssyncadd.s32 $0xFFFFE000  }
0xcb: {  	[tilespmem:s0], [sflag:$0x5] =	stream.linear.gather [hbm4b:s19+s4], $0x100, $0x38;
	[tilespmem:$0x1E100] =	vst v63  }
0xcc: {  	_ =	swait.ge [sflag:s1], $0x100  }
0xcd: {  	[sflag:s1] =	ssyncset.done $0x0  }
0xce: {  	[sflag:s1] =	ssyncadd.s32 $0xFFFFFF00  }
0xcf: {  	[tilespmem:s6], [sflag:$0x9] =	stream.indirect.gather [spmem:s3], $0x40, s26, s21, $0xb8;
	[tilespmem:$0x1E100] =	vst v63  }
0xd0: {  	_ =	swait.ge [sflag:s7], $0x2000  }
0xd1: {  	[sflag:s7] =	ssyncset.done $0x0  }
0xd2: {  	[sflag:s7] =	ssyncadd.s32 $0xFFFFE000  }
0xd3: {  	[spmem:s2] =	stream.indirect.scatter.add.bf16 [tilespmem:s29], [sflag:$0xB], $0x40, s8, s21, $0xb8;
	[tilespmem:$0x1E100] =	vst v63  }
0xd4: {  	_ =	swait.ge [sflag:s18], $0x2000  }
0xd5: {  	[sflag:s18] =	ssyncset.done $0x0  }
0xd6: {  	[sflag:s18] =	ssyncadd.s32 $0xFFFFE000  }
0xd7: {  	_ =	swait.ge [sflag:s9], $0x100  }
0xd8: {  	[sflag:s9] =	ssyncset.done $0x0  }
0xd9: {  	[sflag:s9] =	ssyncadd.s32 $0xFFFFFF00  }
0xda: {  	[tilespmem:s11], [sflag:$0xA] =	stream.indirect.gather [spmem:s3], $0x40, s0, s21, $0xb8;
	[tilespmem:$0x1E100] =	vst v63  }
0xdb: {  	_ =	swait.ge [sflag:s12], $0x2000  }
0xdc: {  	[sflag:s12] =	ssyncset.done $0x0  }
0xdd: {  	[sflag:s12] =	ssyncadd.s32 $0xFFFFE000  }
0xde: {  	[spmem:s2] =	stream.indirect.scatter.add.bf16 [tilespmem:s6], [sflag:$0xB], $0x40, s13, s21, $0xb8;
	[tilespmem:$0x1E100] =	vst v63  }
0xdf: {  	_ =	swait.ge [sflag:s18], $0x2000  }
0xe0: {  	[sflag:s18] =	ssyncset.done $0x0  }
0xe1: {  	[sflag:s18] =	ssyncadd.s32 $0xFFFFE000  }
0xe2: {  	_ =	swait.ge [sflag:s14], $0x2000  }
0xe3: {  	[sflag:s14] =	ssyncset.done $0x0  }
0xe4: {  	[sflag:s14] =	ssyncadd.s32 $0xFFFFE000  }
0xe5: {  	[spmem:s2] =	stream.indirect.scatter.add.bf16 [tilespmem:s11], [sflag:$0xB], $0x40, s15, s21, $0xb8;
	[tilespmem:$0x1E100] =	vst v63  }
0xe6: {  	_ =	swait.ge [sflag:s18], $0x2000  }
0xe7: {  	[sflag:s18] =	ssyncset.done $0x0  }
0xe8: {  	[sflag:s18] =	ssyncadd.s32 $0xFFFFE000  }
0xe9: {  	[bflag:$0x0] =	sbarrier.arrive $0xFFFF  }
0xea: {  	s19 =	rddreg [dreg:$0xf]  }
0xeb: {  	s5 =	rddreg [dreg:$0x13]  }
0xec: {  	s10 =	rddreg [dreg:$0x17]  }
0xed: {  	[hbm:s5], [sflag:s19] =	dma.local [spmem:s10], $0x13C0  }
0xee: {  	_ =	swait.ge [sflag:s18], $0x13C0  }
0xef: {  	s5 =	rddreg [dreg:$0x16]  }
0xf0: {  	s10 =	sadd.s32 $0x1, s5;
	s5 =	rddreg [dreg:$0x14]  }
0xf1: {  	p0 =	sne.s32 s10, s5  }
.Ltmp1:
0xf2: {  	_ = 	snop;
	(pc) =	sbr.rel @p0 .LBB2_1-.Ltmp1, $3  }
0xf3: {  	_ =	sdelay $0x1  }
0xf4: {  	[sflag:s18] =	ssyncset.done $0x0  }
0xf5: {  	[sflag:s18] =	ssyncadd.s32 $0xFFFFEC40  }
0xf6: {  	_ =	sfence.sel $0x180000  }
0xf7: {  	[bflag:$0x0] =	sbarrier.arrive $0xFFFF  }
0xf8: {  	_ =	strace $0x9000004A  }
0xf9: {  	s0 =	stileid.u32;
	[bflag:$0x2] =	sbarrier.arrive $0xFFFF  }
0xfa: {  	p0 =	sne.s32 s0, $0x0;
	s0 =	rddreg [dreg:$0x4]  }
0xfb: {  	s0 =	sadd.s32 @!p0 $0x100000, s0  }
0xfc: {  	[sflag:s0] =	ssyncadd.tile.s32 @!p0 $0x1;
	_ =	shalt  }
.Lfunc_end2:
_tile_overlayer_lowered:
.L_overlay_start_2:
0xfd: {  	(tag) =	ssettag $0x2  }
0xfe: {  	s0 =	rddreg [dreg:$0x0];
	s2 =	stileid.u32  }
0xff: {  	s1 =	rddreg [dreg:$0x1];
	p0 =	sne.s32 s2, $0x0  }
0x100: {  	s3 =	rddreg [dreg:$0x2];
	[bflag:$0x3] =	sbarrier.arrive $0xFFFF;
	s2 =	simm.s32 @!p0 $0x1C0B  }
0x101: {  	[timem:s3], [sflag:s2] =	dma.local @!p0 [hbm:s0], s1  }
0x102: {  	s0 =	simm.s32 @!p0 $0xB  }
0x103: {  	_ =	swait.ge @!p0 [sflag:s0], s1  }
0x104: {  	s1 =	ssub.s32 @!p0 $0x0, s1;
	[sflag:s0] =	ssyncset.done @!p0 $0x0  }
0x105: {  	[sflag:s0] =	ssyncadd.s32 @!p0 s1  }
0x106: {  	[bflag:$0x3] =	sbarrier.arrive $0xFFFF  }
0x107: {  	_ =	shalt  }

// kernel: kernel.14.cloned.1.call-start
scs
__scs_entry_jumppad:
0x0: {  	(pc) =	sbr.rel $0x88, $3  }
0x1: {  	(tag) =	ssettag $0x0;
	lr =	simm.s32 $0x1  }
0x2: {  	[smem:$0x3F9B] =	sst lr;
	_ =	strace $0xD0000000  }
0x3: {  	_ = 	snop  }
0x4: {  	_ = 	snop  }
0x5: {  	_ = 	snop  }
0x6: {  	_ = 	snop  }
0x7: {  	_ = 	snop  }
__scs_overlays_trampoline_lowered:
0x8: {  	[smem:$0x3FAA] =	sst s0  }
0x9: {  	[smem:$0x3FAB] =	sst s1  }
0xa: {  	[smem:$0x3FAC] =	sst s2  }
0xb: {  	[smem:$0x3FAD] =	sst s3  }
0xc: {  	[smem:$0x3FAE] =	sst s4  }
0xd: {  	[smem:$0x3FAF] =	sst s5  }
0xe: {  	[smem:$0x3FB0] =	sst s6  }
0xf: {  	[smem:$0x3FB1] =	sst s7  }
0x10: {  	[smem:$0x3FB2] =	sst s8  }
0x11: {  	[smem:$0x3FB3] =	sst s9;
	s0 =	simm.s32 @!p0 $0x0  }
0x12: {  	s1 =	sld [smem:$0x3F99];
	s0 =	simm.s32 @p0 $0x1  }
0x13: {  	[smem:$0x3FB4] =	sst s0;
	s0 =	simm.s32 @!p1 $0x0  }
0x14: {  	s2 =	sld [smem:$0x3F98];
	s0 =	simm.s32 @p1 $0x1  }
0x15: {  	[smem:$0x3FB5] =	sst s0;
	s0 =	simm.s32 @!p2 $0x0  }
0x16: {  	s3 =	sld [smem:$0x3FDB];
	s0 =	simm.s32 @p2 $0x1  }
0x17: {  	s4 =	simm.s32 $0x1BF5;
	[smem:$0x3FB7] =	sst s0  }
0x18: {  	s0 =	sld [smem:$0x3F9A];
	_ =	swait.ge [sflag:s4], $0x0  }
0x19: {  	s7 =	sld [smem:$0x3F9B]  }
0x1a: {  	s8 =	sadd.s32 $0xFFFFE003, lr  }
0x1b: {  	s9 =	sadd.s32 $0xFFFFFEF7, lr;
	s5 =	simm.s32 $0xFFFFFFFF;
	p2 =	slt.u32 s8, $0xFFFFF086  }
0x1c: {  	p1 =	slt.u32 s9, $0xF7A;
	s5 =	simm.s32 @!p2 $0x0  }
0x1d: {  	s5 =	simm.s32 @p1 $0x1;
	p0 =	seq.s32 s7, s2  }
0x1e: {  	s7 =	smul.u32 @!p0 $0xF7A, s2;
	p2 =	seq.s32 @!p0 s5, $0x0  }
0x1f: {  	s9 =	smul.u32 $0xF7A, s1;
	s8 =	simm.s32 @!p0 $0x1BF5;
	p2 =	por !p2, p0  }
0x20: {  	[sflag:s8] =	ssyncset.s32 @!p0 $0xFFFFF086;
	s6 =	sadd.s32 @!p0 s3, s7;
	s7 =	simm.s32 @!p0 $0x108  }
0x21: {  	s3 =	sadd.s32 s3, s9;
	s6 =	sadd.s32 @!p0 $0x88, s6;
	s7 =	simm.s32 @p2 $0x1082  }
0x22: {  	[simem:s7], [sflag:s8] =	dma.local @!p0 [hbm:s6], $0xF7A  }
0x23: {  	s9 =	sor.u32 $0xD0000000, s2;
	s6 =	simm.s32 $0x108;
	_ =	swait.ge @!p0 [sflag:s8], $0x0  }
0x24: {  	s3 =	sadd.s32 $0x88, s3;
	s6 =	simm.s32 @!p1 $0x1082;
	[sflag:s4] =	ssyncset.s32 $0xFFFFF086  }
0x25: {  	[simem:s6], [sflag:s4] =	dma.local [hbm:s3], $0xF7A  }
0x26: {  	[smem:$0x3F9B] =	sst s1;
	(tag) =	ssettag s2;
	_ =	strace s9  }
0x27: {  	s1 =	sld [smem:$0x3FAB]  }
0x28: {  	s2 =	sld [smem:$0x3FAC]  }
0x29: {  	s4 =	sld [smem:$0x3FAE]  }
0x2a: {  	p0 =	seq.s32 s5, $0x0;
	s5 =	sld [smem:$0x3FAF]  }
0x2b: {  	s6 =	sld [smem:$0x3FB0]  }
0x2c: {  	s7 =	sld [smem:$0x3FB1]  }
0x2d: {  	s3 =	simm.s32 $0x108;
	s8 =	sld [smem:$0x3FB2]  }
0x2e: {  	s3 =	simm.s32 @!p0 $0x1082;
	s9 =	sld [smem:$0x3FB3]  }
0x2f: {  	lr =	sadd.s32 s0, s3;
	s0 =	sld [smem:$0x3FAA]  }
0x30: {  	s3 =	sld [smem:$0x3FAD]  }
0x31: {  	[smem:$0x3FB6] =	sst s10  }
0x32: {  	s10 =	sld [smem:$0x3FB4];
	_ =	sdelay $0x3  }
0x33: {  	p0 =	seq.s32 s10, $0x1;
	s10 =	sld [smem:$0x3FB6];
	_ =	sdelay $0x3  }
0x34: {  	[smem:$0x3FB6] =	sst s10  }
0x35: {  	s10 =	sld [smem:$0x3FB5];
	_ =	sdelay $0x3  }
0x36: {  	p1 =	seq.s32 s10, $0x1;
	s10 =	sld [smem:$0x3FB6];
	_ =	sdelay $0x3  }
0x37: {  	[smem:$0x3FB6] =	sst s10  }
0x38: {  	s10 =	sld [smem:$0x3FB7]  }
0x39: {  	_ = 	snop;
	(pc) =	sbr.ind lr, $3  }
0x3a: {  	_ = 	snop  }
0x3b: {  	_ = 	snop  }
0x3c: {  	p2 =	seq.s32 s10, $0x1;
	s10 =	sld [smem:$0x3FB6]  }
0x3d: {  	_ =	shalt  }
0x3e: {  	_ =	shalt  }
0x3f: {  	_ =	shalt  }
0x40: {  	_ =	shalt  }
0x41: {  	_ =	shalt  }
0x42: {  	_ =	shalt  }
0x43: {  	_ =	shalt  }
0x44: {  	_ =	shalt  }
0x45: {  	_ =	shalt  }
0x46: {  	_ =	shalt  }
0x47: {  	_ =	shalt  }
0x48: {  	_ =	shalt  }
0x49: {  	_ =	shalt  }
0x4a: {  	_ =	shalt  }
0x4b: {  	_ =	shalt  }
0x4c: {  	_ =	shalt  }
0x4d: {  	_ =	shalt  }
0x4e: {  	_ =	shalt  }
0x4f: {  	_ =	shalt  }
0x50: {  	_ =	shalt  }
0x51: {  	_ =	shalt  }
0x52: {  	_ =	shalt  }
0x53: {  	_ =	shalt  }
0x54: {  	_ =	shalt  }
0x55: {  	_ =	shalt  }
0x56: {  	_ =	shalt  }
0x57: {  	_ =	shalt  }
0x58: {  	_ =	shalt  }
0x59: {  	_ =	shalt  }
0x5a: {  	_ =	shalt  }
0x5b: {  	_ =	shalt  }
0x5c: {  	_ =	shalt  }
0x5d: {  	_ =	shalt  }
0x5e: {  	_ =	shalt  }
0x5f: {  	_ =	shalt  }
0x60: {  	_ =	shalt  }
0x61: {  	_ =	shalt  }
0x62: {  	_ =	shalt  }
0x63: {  	_ =	shalt  }
0x64: {  	_ =	shalt  }
0x65: {  	_ =	shalt  }
0x66: {  	_ =	shalt  }
0x67: {  	_ =	shalt  }
0x68: {  	_ =	shalt  }
0x69: {  	_ =	shalt  }
0x6a: {  	_ =	shalt  }
0x6b: {  	_ =	shalt  }
0x6c: {  	_ =	shalt  }
0x6d: {  	_ =	shalt  }
0x6e: {  	_ =	shalt  }
0x6f: {  	_ =	shalt  }
0x70: {  	_ =	shalt  }
0x71: {  	_ =	shalt  }
0x72: {  	_ =	shalt  }
0x73: {  	_ =	shalt  }
0x74: {  	_ =	shalt  }
0x75: {  	_ =	shalt  }
0x76: {  	_ =	shalt  }
0x77: {  	_ =	shalt  }
0x78: {  	_ =	shalt  }
0x79: {  	_ =	shalt  }
0x7a: {  	_ =	shalt  }
0x7b: {  	_ =	shalt  }
0x7c: {  	_ =	shalt  }
0x7d: {  	_ =	shalt  }
0x7e: {  	_ =	shalt  }
0x7f: {  	_ =	shalt  }
0x80: {  	_ =	shalt  }
0x81: {  	_ =	shalt  }
0x82: {  	_ =	shalt  }
0x83: {  	_ =	shalt  }
0x84: {  	_ =	shalt  }
0x85: {  	_ =	shalt  }
0x86: {  	_ =	shalt  }
0x87: {  	_ =	shalt  }
.Lfunc_end0:
.L_simem_size_0:
called_computation.2_lowered:
.L_overlay_start_0:
0x88: {  	s2 =	sld [smem:$0x3FD9]  }
0x89: {  	s3 =	sld [smem:$0x3FFE];
	_ =	sdelay $0x1  }
0x8a: {  	s1 =	srdreg.scid  }
0x8b: {  	s0 =	sand.u32 $0x1, s1  }
0x8c: {  	s17 =	sshll.u32 s0, $0xA;
	s2 =	sadd.s32 s3, s2  }
0x8d: {  	s2 =	sadd.s32 s2, s17  }
0x8e: {  	[smem:$0x3FC2] =	sst s2  }
0x8f: {  	_ = 	snop  }
0x90: {  	s2 =	sld [smem:$0x3FD0];
	(tm) =	ssettm $0x1  }
0x91: {  	s18 =	sld [smem:$0x3FFB];
	_ =	sdelay $0x3  }
0x92: {  	_ =	strace s18  }
0x93: {  	s3 =	sld [smem:$0x3FFC];
	_ =	sdelay $0x3  }
0x94: {  	_ =	strace s3  }
0x95: {  	s3 =	sld [smem:$0x3FFD];
	_ =	sdelay $0x3  }
0x96: {  	_ =	strace s3  }
0x97: {  	_ =	strace $0x8FFFFFFF  }
0x98: {  	s19 =	sld [smem:$0x3FDB];
	_ =	sdelay $0x1  }
0x99: {  	s4 =	simm.s32 $_scs_section_size  }
0x9a: {  	s5 =	simm.s32 $_size__tile_overlayer_lowered;
	s6 =	simm.s32 $_tile_overlayer_lowered  }
0x9b: {  	s22 =	simm.s32 $0x1BFF;
	s21 =	sshll.u32 s6, $0x1;
	s3 =	sadd.s32 s4, s19  }
0x9c: {  	s7 =	simm.s32 $0x0;
	s20 =	sshll.u32 s5, $0x1;
	s5 =	sadd.s32 s21, s3  }
0x9d: {  	[timem:s7], [sflag:s22] =	dma.local [hbm:s5], s20  }
0x9e: {  	_ =	swait.ge [sflag:s22], s20  }
0x9f: {  	s4 =	ssub.s32 $0x0, s20;
	[sflag:s22] =	ssyncset.done $0x0  }
0xa0: {  	[sflag:s22] =	ssyncadd.s32 s4;
	_ =	sdelay $0x1  }
0xa1: {  	s23 =	simm.s32 $0x1B8B  }
0xa2: {  	_ =	swait.ge [sflag:s23], $0x1  }
0xa3: {  	[sflag:s23] =	ssyncset.done $0x0  }
0xa4: {  	s25 =	simm.s32 $0x1B8E;
	s24 =	sld [smem:$0x3FFE];
	[sflag:s23] =	ssyncadd.s32 $0xFFFFFFFF  }
0xa5: {  	s26 =	simm.s32 $execute0_lowered;
	[smem:$0x3FD2] =	sst s25  }
0xa6: {  	s5 =	sshll.u32 s26, $0x1;
	_ =	strace $0x8000004C;
	[dreg:$0x1] =	wrdreg $0xFFFFFFFF  }
0xa7: {  	s28 =	simm.s32 $_size_execute0_lowered;
	s3 =	sadd.s32 s3, s5;
	[dreg:$0x0] =	wrdreg $0x0  }
0xa8: {  	s5 =	sshll.u32 s28, $0x1;
	[dreg:$0x2] =	wrdreg s3  }
0xa9: {  	[dreg:$0x3] =	wrdreg s5  }
0xaa: {  	[dreg:$0x4] =	wrdreg $0xC0  }
0xab: {  	_ =	task [dreg:s7], $0x5FFFF  }
0xac: {  	[dreg:$0x1] =	wrdreg $0xFFFFFFFF  }
0xad: {  	[dreg:$0x0] =	wrdreg $0x60  }
0xae: {  	[dreg:$0x2] =	wrdreg s24  }
0xaf: {  	[dreg:$0x3] =	wrdreg s2  }
0xb0: {  	[dreg:$0x4] =	wrdreg $0x55000  }
0xb1: {  	[dreg:$0x5] =	wrdreg $0xA4000  }
0xb2: {  	[dreg:$0x6] =	wrdreg $0x9  }
0xb3: {  	_ =	task.clear_ibuf [dreg:s7], $0x7FFFF;
	_ =	strace $0x9000004C  }
0xb4: {  	s29 =	simm.s32 $0x9;
	_ =	strace $0x8000004E  }
0xb5: {  	_ =	swait.ge [sflag:s29], $0x1  }
0xb6: {  	[sflag:s29] =	ssyncadd.s32 $0xFFFFFFFF  }
0xb7: {  	_ =	strace $0x9000004E  }
0xb8: {  	_ =	sfence  }
0xb9: {  	s30 =	sld [smem:$0x0];
	_ =	sdelay $0x2  }
0xba: {  	s31 =	sshll.u32 s1, $0xD;
	s1 =	sshrl.u32 s1, $0x2  }
0xbb: {  	s3 =	sand.u32 $0x4000, s31;
	s1 =	sadd.s32 s1, s30  }
0xbc: {  	s0 =	sor.u32 s3, s0;
	s1 =	sshll.u32 s1, $0x11  }
0xbd: {  	s0 =	sor.u32 s1, s0  }
0xbe: {  	s0 =	sadd.s32 $0x8F2B, s0  }
0xbf: {  	[sflag:s0] =	ssyncadd.remote.s32 $0x1  }
0xc0: {  	_ =	sfence.sel $0xFFFF  }
0xc1: {  	[dreg:$0x0] =	wrdreg $0xFFFFFFFF;
	(pc) =	sbr.abs _section_cstart, $3  }
0xc2: {  	[dreg:$0x1] =	wrdreg $0xFFFFFFFF  }
0xc3: {  	_ =	task.clear_ibuf [dreg:s7], $0x2FFFF;
	_ =	strace $0x9FFFFFFF  }
0xc4: {  	(tm) =	ssettm $0x7FFFFFFF  }
0xc5: {  	_ =	shalt  }
tec
execute0_lowered:
.L_overlay_start_1:
0x0: {  	(tag) =	ssettag $0x1  }
0x1: {  	s0 =	rddreg [dreg:$0x0]  }
0x2: {  	s1 =	rddreg [dreg:$0x1]  }
0x3: {  	s2 =	rddreg [dreg:$0x2]  }
0x4: {  	s3 =	rddreg [dreg:$0x3]  }
0x5: {  	s12 =	stileid.u32;
	s4 =	srdreg.scid;
	s28 =	simm.s32 $0x3  }
0x6: {  	s29 =	simm.s32 $0x2500;
	s30 =	simm.s32 $0x7;
	s31 =	simm.s32 $0x180  }
0x7: {  	s5 =	sand.u32 $0x1, s4;
	s6 =	sshll.u32 s12, $0x1;
	s7 =	smul.u32 $0x9E00, s12  }
0x8: {  	s4 =	simm.s32 $0x0;
	s10 =	sadd.s32 $0x1F400, s0;
	s22 =	smul.u32 $0xA000, s12  }
0x9: {  	s24 =	sshll.u32 s12, $0x6;
	s6 =	sor.u32 s5, s6;
	s25 =	smul.u32 $0x5000, s5  }
0xa: {  	[smem:$0x7FF] =	sst s4;
	s9 =	ssub.s32 $0x2, s5;
	s5 =	smul.u32 $0x9E000, s5  }
0xb: {  	s19 =	sor.u32 $0x1C0B, s24;
	s6 =	smul.u32 $0x5000, s6;
	_ =	strace $0x8000004D  }
0xc: {  	s8 =	sshrl.u32 s7, $0x4;
	s11 =	sshrl.u32 s9, $0x1;
	s23 =	sshrl.u32 s7, $0x1  }
0xd: {  	[dreg:$0xf] =	wrdreg s19;
	s0 =	sadd.s32 s8, s0;
	s8 =	ssub.s32 s9, s11  }
0xe: {  	s14 =	sadd.s32 s23, s2;
	s9 =	sadd.s32 s23, s3;
	s12 =	sadd.s32 s25, s22  }
0xf: {  	s5 =	sadd.s32 s7, s5;
	s11 =	simm.s32 $0x4500;
	s6 =	sshrl.u32 s6, $0x3  }
0x10: {  	[dreg:$0xd] =	wrdreg s14;
	s26 =	sadd.s32 $0x1A00, s0;
	s0 =	sadd.s32 $0xB800, s0  }
0x11: {  	s15 =	sor.u32 $0x700, s12;
	s17 =	sor.u32 $0x600, s12;
	s23 =	sor.u32 $0x400, s12  }
0x12: {  	s5 =	sshrl.u32 s5, $0x4;
	s25 =	smax.u32 s8, $0x1;
	[dreg:$0xe] =	wrdreg s26  }
0x13: {  	s8 =	simm.s32 $0x280;
	s13 =	sadd.s32 s10, s6;
	[dreg:$0x10] =	wrdreg s0  }
0x14: {  	s18 =	sshrl.u32 s17, $0x3;
	s7 =	sshrl.u32 s23, $0x3;
	s0 =	sor.u32 $0x300, s12  }
0x15: {  	s1 =	sadd.s32 s1, s5;
	[dreg:$0x14] =	wrdreg s25;
	s17 =	simm.s32 $0x200  }
0x16: {  	s26 =	sshrl.u32 s9, $0x3;
	s23 =	simm.s32 $0x2;
	[dreg:$0xa] =	wrdreg s13  }
0x17: {  	s25 =	simm.s32 $0x6;
	s9 =	simm.s32 $0x5;
	[dreg:$0x13] =	wrdreg s1  }
0x18: {  	s6 =	sadd.s32 $0x20, s13;
	s21 =	sadd.s32 $0x40, s13;
	[dreg:$0x15] =	wrdreg s26  }
0x19: {  	s14 =	sadd.s32 $0x9C0, s13;
	s16 =	sadd.s32 $0x9E0, s13;
	[dreg:$0xb] =	wrdreg s6  }
0x1a: {  	s20 =	sadd.s32 s18, s10;
	s24 =	sadd.s32 s7, s10;
	[dreg:$0xc] =	wrdreg s21  }
0x1b: {  	s0 =	sshrl.u32 s0, $0x3;
	s18 =	simm.s32 $0xB;
	[dreg:$0x11] =	wrdreg s14  }
0x1c: {  	s26 =	simm.s32 $0x300;
	s1 =	simm.s32 $0x4;
	[dreg:$0x12] =	wrdreg s16  }
0x1d: {  	s7 =	simm.s32 $0x8;
	s13 =	simm.s32 $0x380;
	[dreg:$0x6] =	wrdreg s20  }
0x1e: {  	s6 =	sshrl.u32 s15, $0x3;
	s21 =	sor.u32 $0x500, s12;
	[dreg:$0x8] =	wrdreg s24  }
0x1f: {  	s0 =	sadd.s32 s0, s10;
	s16 =	simm.s32 $0x100;
	s20 =	simm.s32 $0x1  }
0x20: {  	s24 =	simm.s32 $0x1500;
	s12 =	simm.s32 $0x9;
	s14 =	simm.s32 $0xA  }
0x21: {  	s15 =	simm.s32 $0x480;
	s6 =	sadd.s32 s6, s10;
	s22 =	sshrl.u32 s21, $0x3  }
0x22: {  	[dreg:$0x9] =	wrdreg s0;
	s21 =	simm.s32 $0x80;
	s0 =	simm.s32 $0x400  }
0x23: {  	[dreg:$0x5] =	wrdreg s6;
	s6 =	sadd.s32 s22, s10;
	s22 =	simm.s32 $0x500  }
0x24: {  	s10 =	simm.s32 $0x0;
	[dreg:$0x7] =	wrdreg s6;
	s6 =	simm.s32 $0x3500  }
.LBB2_1:
0x25: {  	[dreg:$0x16] =	wrdreg s10  }
0x26: {  	s5 =	rddreg [dreg:$0xa]  }
0x27: {  	[tilespmem:s4], [sflag:$0x1] =	stream.linear.gather [hbm4b:s5+s4], $0x100, $0x38;
	[tilespmem:$0xF300] =	vst v63  }
0x28: {  	s10 =	rddreg [dreg:$0xb]  }
0x29: {  	[tilespmem:s16], [sflag:$0x2] =	stream.linear.gather [hbm4b:s10+s4], $0x100, $0x38;
	[tilespmem:$0xF300] =	vst v63  }
0x2a: {  	s10 =	rddreg [dreg:$0xc]  }
0x2b: {  	[tilespmem:s17], [sflag:$0x3] =	stream.linear.gather [hbm4b:s10+s4], $0x100, $0x38;
	[tilespmem:$0xF300] =	vst v63  }
0x2c: {  	s10 =	rddreg [dreg:$0xd]  }
0x2d: {  	s5 =	rddreg [dreg:$0xe];
	s10 =	sshrl.u32 s10, $0x3  }
0x2e: {  	[dreg:$0x17] =	wrdreg s10  }
0x2f: {  	[spmem:s10], [sflag:s19] =	dma.local [hbm:s5], $0x9E0  }
0x30: {  	_ =	swait.ge [sflag:s18], $0x9E0  }
0x31: {  	[sflag:s18] =	ssyncset.done $0x0;
	s5 =	rddreg [dreg:$0x10]  }
0x32: {  	s10 =	rddreg [dreg:$0x15];
	[sflag:s18] =	ssyncadd.s32 $0xFFFFF620  }
0x33: {  	[spmem:s10], [sflag:s19] =	dma.local [hbm:s5], $0x9E0  }
0x34: {  	_ =	swait.ge [sflag:s18], $0x9E0  }
0x35: {  	[sflag:s18] =	ssyncset.done $0x0  }
0x36: {  	[sflag:s18] =	ssyncadd.s32 $0xFFFFF620  }
0x37: {  	[bflag:$0x0] =	sbarrier.arrive $0xFFFF  }
0x38: {  	_ =	swait.ge [sflag:s20], $0x100  }
0x39: {  	[sflag:s20] =	ssyncset.done $0x0  }
0x3a: {  	[sflag:s20] =	ssyncadd.s32 $0xFFFFFF00  }
0x3b: {  	[tilespmem:s22], [sflag:$0x6] =	stream.indirect.gather [spmem:s3], $0x20, s4, s21, $0xb8;
	[tilespmem:$0xF300] =	vst v63  }
0x3c: {  	_ =	swait.ge [sflag:s23], $0x100  }
0x3d: {  	[sflag:s23] =	ssyncset.done $0x0  }
0x3e: {  	[sflag:s23] =	ssyncadd.s32 $0xFFFFFF00  }
0x3f: {  	[tilespmem:s24], [sflag:$0x7] =	stream.indirect.gather [spmem:s3], $0x20, s16, s21, $0xb8;
	[tilespmem:$0xF300] =	vst v63  }
0x40: {  	_ =	swait.ge [sflag:s25], $0x1000  }
0x41: {  	[sflag:s25] =	ssyncset.done $0x0  }
0x42: {  	[sflag:s25] =	ssyncadd.s32 $0xFFFFF000  }
0x43: {  	[spmem:s2] =	stream.indirect.scatter.add.bf16 [tilespmem:s22], [sflag:$0xB], $0x20, s21, s21, $0xb8;
	[tilespmem:$0xF300] =	vst v63  }
0x44: {  	_ =	swait.ge [sflag:s18], $0x1000  }
0x45: {  	s19 =	rddreg [dreg:$0x9];
	[sflag:s18] =	ssyncset.done $0x0  }
0x46: {  	[sflag:s18] =	ssyncadd.s32 $0xFFFFF000;
	s10 =	sadd.s32 $0x0, s19  }
0x47: {  	[tilespmem:s26], [sflag:$0x4] =	stream.linear.gather [hbm4b:s10+s4], $0x100, $0x38;
	[tilespmem:$0xF300] =	vst v63  }
0x48: {  	_ =	swait.ge [sflag:s28], $0x100  }
0x49: {  	[sflag:s28] =	ssyncset.done $0x0  }
0x4a: {  	[sflag:s28] =	ssyncadd.s32 $0xFFFFFF00  }
0x4b: {  	[tilespmem:s29], [sflag:$0x8] =	stream.indirect.gather [spmem:s3], $0x20, s17, s21, $0xb8;
	[tilespmem:$0xF300] =	vst v63  }
0x4c: {  	_ =	swait.ge [sflag:s30], $0x1000  }
0x4d: {  	[sflag:s30] =	ssyncset.done $0x0  }
0x4e: {  	[sflag:s30] =	ssyncadd.s32 $0xFFFFF000  }
0x4f: {  	[spmem:s2] =	stream.indirect.scatter.add.bf16 [tilespmem:s24], [sflag:$0xB], $0x20, s31, s21, $0xb8;
	[tilespmem:$0xF300] =	vst v63  }
0x50: {  	_ =	swait.ge [sflag:s18], $0x1000  }
0x51: {  	s5 =	rddreg [dreg:$0x8];
	[sflag:s18] =	ssyncset.done $0x0  }
0x52: {  	[sflag:s18] =	ssyncadd.s32 $0xFFFFF000;
	s10 =	sadd.s32 $0x0, s5  }
0x53: {  	[tilespmem:s0], [sflag:$0x5] =	stream.linear.gather [hbm4b:s10+s4], $0x100, $0x38;
	[tilespmem:$0xF300] =	vst v63  }
0x54: {  	_ =	swait.ge [sflag:s1], $0x100  }
0x55: {  	[sflag:s1] =	ssyncset.done $0x0  }
0x56: {  	[sflag:s1] =	ssyncadd.s32 $0xFFFFFF00  }
0x57: {  	[tilespmem:s6], [sflag:$0x9] =	stream.indirect.gather [spmem:s3], $0x20, s26, s21, $0xb8;
	[tilespmem:$0xF300] =	vst v63  }
0x58: {  	_ =	swait.ge [sflag:s7], $0x1000  }
0x59: {  	[sflag:s7] =	ssyncset.done $0x0  }
0x5a: {  	[sflag:s7] =	ssyncadd.s32 $0xFFFFF000  }
0x5b: {  	[spmem:s2] =	stream.indirect.scatter.add.bf16 [tilespmem:s29], [sflag:$0xB], $0x20, s8, s21, $0xb8;
	[tilespmem:$0xF300] =	vst v63  }
0x5c: {  	_ =	swait.ge [sflag:s18], $0x1000  }
0x5d: {  	s19 =	rddreg [dreg:$0x7];
	[sflag:s18] =	ssyncset.done $0x0  }
0x5e: {  	[sflag:s18] =	ssyncadd.s32 $0xFFFFF000;
	s10 =	sadd.s32 $0x0, s19  }
0x5f: {  	[tilespmem:s4], [sflag:$0x1] =	stream.linear.gather [hbm4b:s10+s4], $0x100, $0x38;
	[tilespmem:$0xF300] =	vst v63  }
0x60: {  	_ =	swait.ge [sflag:s9], $0x100  }
0x61: {  	[sflag:s9] =	ssyncset.done $0x0  }
0x62: {  	[sflag:s9] =	ssyncadd.s32 $0xFFFFFF00  }
0x63: {  	[tilespmem:s11], [sflag:$0xA] =	stream.indirect.gather [spmem:s3], $0x20, s0, s21, $0xb8;
	[tilespmem:$0xF300] =	vst v63  }
0x64: {  	_ =	swait.ge [sflag:s12], $0x1000  }
0x65: {  	[sflag:s12] =	ssyncset.done $0x0  }
0x66: {  	[sflag:s12] =	ssyncadd.s32 $0xFFFFF000  }
0x67: {  	[spmem:s2] =	stream.indirect.scatter.add.bf16 [tilespmem:s6], [sflag:$0xB], $0x20, s13, s21, $0xb8;
	[tilespmem:$0xF300] =	vst v63  }
0x68: {  	_ =	swait.ge [sflag:s18], $0x1000  }
0x69: {  	s5 =	rddreg [dreg:$0x6];
	[sflag:s18] =	ssyncset.done $0x0  }
0x6a: {  	[sflag:s18] =	ssyncadd.s32 $0xFFFFF000;
	s10 =	sadd.s32 $0x0, s5  }
0x6b: {  	[tilespmem:s16], [sflag:$0x2] =	stream.linear.gather [hbm4b:s10+s4], $0x100, $0x38;
	[tilespmem:$0xF300] =	vst v63  }
0x6c: {  	_ =	swait.ge [sflag:s20], $0x100  }
0x6d: {  	[sflag:s20] =	ssyncset.done $0x0  }
0x6e: {  	[sflag:s20] =	ssyncadd.s32 $0xFFFFFF00  }
0x6f: {  	[tilespmem:s22], [sflag:$0x6] =	stream.indirect.gather [spmem:s3], $0x20, s4, s21, $0xb8;
	[tilespmem:$0xF300] =	vst v63  }
0x70: {  	_ =	swait.ge [sflag:s14], $0x1000  }
0x71: {  	[sflag:s14] =	ssyncset.done $0x0  }
0x72: {  	[sflag:s14] =	ssyncadd.s32 $0xFFFFF000  }
0x73: {  	[spmem:s2] =	stream.indirect.scatter.add.bf16 [tilespmem:s11], [sflag:$0xB], $0x20, s15, s21, $0xb8;
	[tilespmem:$0xF300] =	vst v63  }
0x74: {  	_ =	swait.ge [sflag:s18], $0x1000  }
0x75: {  	s19 =	rddreg [dreg:$0x5];
	[sflag:s18] =	ssyncset.done $0x0  }
0x76: {  	[sflag:s18] =	ssyncadd.s32 $0xFFFFF000;
	s10 =	sadd.s32 $0x0, s19  }
0x77: {  	[tilespmem:s17], [sflag:$0x3] =	stream.linear.gather [hbm4b:s10+s4], $0x100, $0x38;
	[tilespmem:$0xF300] =	vst v63  }
0x78: {  	_ =	swait.ge [sflag:s23], $0x100  }
0x79: {  	[sflag:s23] =	ssyncset.done $0x0  }
0x7a: {  	s10 =	simm.s32 $0xA0;
	[sflag:s23] =	ssyncadd.s32 $0xFFFFFF00  }
.LBB2_2:
0x7b: {  	[tilespmem:s24], [sflag:$0x7] =	stream.indirect.gather [spmem:s3], $0x20, s16, s21, $0xb8;
	[tilespmem:$0xF300] =	vst v63  }
0x7c: {  	_ =	swait.ge [sflag:s25], $0x1000  }
0x7d: {  	[sflag:s25] =	ssyncset.done $0x0  }
0x7e: {  	[sflag:s25] =	ssyncadd.s32 $0xFFFFF000  }
0x7f: {  	[spmem:s2] =	stream.indirect.scatter.add.bf16 [tilespmem:s22], [sflag:$0xB], $0x20, s21, s21, $0xb8;
	[tilespmem:$0xF300] =	vst v63  }
0x80: {  	_ =	swait.ge [sflag:s18], $0x1000  }
0x81: {  	s19 =	smov.u32 s10;
	s5 =	rddreg [dreg:$0x9];
	[sflag:s18] =	ssyncset.done $0x0  }
0x82: {  	[sflag:s18] =	ssyncadd.s32 $0xFFFFF000;
	s5 =	sadd.s32 s19, s5  }
0x83: {  	[tilespmem:s26], [sflag:$0x4] =	stream.linear.gather [hbm4b:s5+s4], $0x100, $0x38;
	[tilespmem:$0xF300] =	vst v63  }
0x84: {  	_ =	swait.ge [sflag:s28], $0x100  }
0x85: {  	[sflag:s28] =	ssyncset.done $0x0  }
0x86: {  	[sflag:s28] =	ssyncadd.s32 $0xFFFFFF00  }
0x87: {  	[tilespmem:s29], [sflag:$0x8] =	stream.indirect.gather [spmem:s3], $0x20, s17, s21, $0xb8;
	[tilespmem:$0xF300] =	vst v63  }
0x88: {  	_ =	swait.ge [sflag:s30], $0x1000  }
0x89: {  	[sflag:s30] =	ssyncset.done $0x0  }
0x8a: {  	[sflag:s30] =	ssyncadd.s32 $0xFFFFF000  }
0x8b: {  	[spmem:s2] =	stream.indirect.scatter.add.bf16 [tilespmem:s24], [sflag:$0xB], $0x20, s31, s21, $0xb8;
	[tilespmem:$0xF300] =	vst v63  }
0x8c: {  	_ =	swait.ge [sflag:s18], $0x1000  }
0x8d: {  	s5 =	rddreg [dreg:$0x8];
	[sflag:s18] =	ssyncset.done $0x0  }
0x8e: {  	[sflag:s18] =	ssyncadd.s32 $0xFFFFF000;
	s5 =	sadd.s32 s19, s5  }
0x8f: {  	[tilespmem:s0], [sflag:$0x5] =	stream.linear.gather [hbm4b:s5+s4], $0x100, $0x38;
	[tilespmem:$0xF300] =	vst v63  }
0x90: {  	_ =	swait.ge [sflag:s1], $0x100  }
0x91: {  	[sflag:s1] =	ssyncset.done $0x0  }
0x92: {  	[sflag:s1] =	ssyncadd.s32 $0xFFFFFF00  }
0x93: {  	[tilespmem:s6], [sflag:$0x9] =	stream.indirect.gather [spmem:s3], $0x20, s26, s21, $0xb8;
	[tilespmem:$0xF300] =	vst v63  }
0x94: {  	_ =	swait.ge [sflag:s7], $0x1000  }
0x95: {  	[sflag:s7] =	ssyncset.done $0x0  }
0x96: {  	[sflag:s7] =	ssyncadd.s32 $0xFFFFF000  }
0x97: {  	[spmem:s2] =	stream.indirect.scatter.add.bf16 [tilespmem:s29], [sflag:$0xB], $0x20, s8, s21, $0xb8;
	[tilespmem:$0xF300] =	vst v63  }
0x98: {  	_ =	swait.ge [sflag:s18], $0x1000  }
0x99: {  	s5 =	rddreg [dreg:$0x7];
	[sflag:s18] =	ssyncset.done $0x0  }
0x9a: {  	[sflag:s18] =	ssyncadd.s32 $0xFFFFF000;
	s5 =	sadd.s32 s19, s5  }
0x9b: {  	[tilespmem:s4], [sflag:$0x1] =	stream.linear.gather [hbm4b:s5+s4], $0x100, $0x38;
	[tilespmem:$0xF300] =	vst v63  }
0x9c: {  	_ =	swait.ge [sflag:s9], $0x100  }
0x9d: {  	[sflag:s9] =	ssyncset.done $0x0  }
0x9e: {  	[sflag:s9] =	ssyncadd.s32 $0xFFFFFF00  }
0x9f: {  	[tilespmem:s11], [sflag:$0xA] =	stream.indirect.gather [spmem:s3], $0x20, s0, s21, $0xb8;
	[tilespmem:$0xF300] =	vst v63  }
0xa0: {  	_ =	swait.ge [sflag:s12], $0x1000  }
0xa1: {  	[sflag:s12] =	ssyncset.done $0x0  }
0xa2: {  	[sflag:s12] =	ssyncadd.s32 $0xFFFFF000  }
0xa3: {  	[spmem:s2] =	stream.indirect.scatter.add.bf16 [tilespmem:s6], [sflag:$0xB], $0x20, s13, s21, $0xb8;
	[tilespmem:$0xF300] =	vst v63  }
0xa4: {  	_ =	swait.ge [sflag:s18], $0x1000  }
0xa5: {  	s5 =	rddreg [dreg:$0x6];
	[sflag:s18] =	ssyncset.done $0x0  }
0xa6: {  	[sflag:s18] =	ssyncadd.s32 $0xFFFFF000;
	s5 =	sadd.s32 s19, s5  }
0xa7: {  	[tilespmem:s16], [sflag:$0x2] =	stream.linear.gather [hbm4b:s5+s4], $0x100, $0x38;
	[tilespmem:$0xF300] =	vst v63  }
0xa8: {  	_ =	swait.ge [sflag:s20], $0x100  }
0xa9: {  	[sflag:s20] =	ssyncset.done $0x0  }
0xaa: {  	[sflag:s20] =	ssyncadd.s32 $0xFFFFFF00  }
0xab: {  	[tilespmem:s22], [sflag:$0x6] =	stream.indirect.gather [spmem:s3], $0x20, s4, s21, $0xb8;
	[tilespmem:$0xF300] =	vst v63  }
0xac: {  	_ =	swait.ge [sflag:s14], $0x1000  }
0xad: {  	[sflag:s14] =	ssyncset.done $0x0  }
0xae: {  	[sflag:s14] =	ssyncadd.s32 $0xFFFFF000  }
0xaf: {  	[spmem:s2] =	stream.indirect.scatter.add.bf16 [tilespmem:s11], [sflag:$0xB], $0x20, s15, s21, $0xb8;
	[tilespmem:$0xF300] =	vst v63  }
0xb0: {  	_ =	swait.ge [sflag:s18], $0x1000  }
0xb1: {  	p0 =	sne.s32 s10, $0x8C0;
	s5 =	rddreg [dreg:$0x5];
	[sflag:s18] =	ssyncset.done $0x0  }
.Ltmp0:
0xb2: {  	[sflag:s18] =	ssyncadd.s32 $0xFFFFF000;
	s5 =	sadd.s32 s19, s5;
	(pc) =	sbr.rel @p0 .LBB2_2-.Ltmp0, $4  }
0xb3: {  	[tilespmem:s17], [sflag:$0x3] =	stream.linear.gather [hbm4b:s5+s4], $0x100, $0x38;
	[tilespmem:$0xF300] =	vst v63  }
0xb4: {  	_ =	swait.ge [sflag:s23], $0x100  }
0xb5: {  	[sflag:s23] =	ssyncset.done $0x0  }
0xb6: {  	s10 =	sadd.s32 $0xA0, s10;
	[sflag:s23] =	ssyncadd.s32 $0xFFFFFF00  }
0xb7: {  	[tilespmem:s24], [sflag:$0x7] =	stream.indirect.gather [spmem:s3], $0x20, s16, s21, $0xb8;
	[tilespmem:$0xF300] =	vst v63  }
0xb8: {  	_ =	swait.ge [sflag:s25], $0x1000  }
0xb9: {  	[sflag:s25] =	ssyncset.done $0x0  }
0xba: {  	[sflag:s25] =	ssyncadd.s32 $0xFFFFF000  }
0xbb: {  	[spmem:s2] =	stream.indirect.scatter.add.bf16 [tilespmem:s22], [sflag:$0xB], $0x20, s21, s21, $0xb8;
	[tilespmem:$0xF300] =	vst v63  }
0xbc: {  	_ =	swait.ge [sflag:s18], $0x1000  }
0xbd: {  	[sflag:s18] =	ssyncset.done $0x0  }
0xbe: {  	s5 =	rddreg [dreg:$0x11];
	[sflag:s18] =	ssyncadd.s32 $0xFFFFF000  }
0xbf: {  	[tilespmem:s26], [sflag:$0x4] =	stream.linear.gather [hbm4b:s5+s4], $0x100, $0x38;
	[tilespmem:$0xF300] =	vst v63  }
0xc0: {  	_ =	swait.ge [sflag:s28], $0x100  }
0xc1: {  	[sflag:s28] =	ssyncset.done $0x0  }
0xc2: {  	[sflag:s28] =	ssyncadd.s32 $0xFFFFFF00  }
0xc3: {  	[tilespmem:s29], [sflag:$0x8] =	stream.indirect.gather [spmem:s3], $0x20, s17, s21, $0xb8;
	[tilespmem:$0xF300] =	vst v63  }
0xc4: {  	_ =	swait.ge [sflag:s30], $0x1000  }
0xc5: {  	[sflag:s30] =	ssyncset.done $0x0  }
0xc6: {  	[sflag:s30] =	ssyncadd.s32 $0xFFFFF000  }
0xc7: {  	[spmem:s2] =	stream.indirect.scatter.add.bf16 [tilespmem:s24], [sflag:$0xB], $0x20, s31, s21, $0xb8;
	[tilespmem:$0xF300] =	vst v63  }
0xc8: {  	_ =	swait.ge [sflag:s18], $0x1000  }
0xc9: {  	[sflag:s18] =	ssyncset.done $0x0  }
0xca: {  	s19 =	rddreg [dreg:$0x12];
	[sflag:s18] =	ssyncadd.s32 $0xFFFFF000  }
0xcb: {  	[tilespmem:s0], [sflag:$0x5] =	stream.linear.gather [hbm4b:s19+s4], $0x100, $0x38;
	[tilespmem:$0xF300] =	vst v63  }
0xcc: {  	_ =	swait.ge [sflag:s1], $0x100  }
0xcd: {  	[sflag:s1] =	ssyncset.done $0x0  }
0xce: {  	[sflag:s1] =	ssyncadd.s32 $0xFFFFFF00  }
0xcf: {  	[tilespmem:s6], [sflag:$0x9] =	stream.indirect.gather [spmem:s3], $0x20, s26, s21, $0xb8;
	[tilespmem:$0xF300] =	vst v63  }
0xd0: {  	_ =	swait.ge [sflag:s7], $0x1000  }
0xd1: {  	[sflag:s7] =	ssyncset.done $0x0  }
0xd2: {  	[sflag:s7] =	ssyncadd.s32 $0xFFFFF000  }
0xd3: {  	[spmem:s2] =	stream.indirect.scatter.add.bf16 [tilespmem:s29], [sflag:$0xB], $0x20, s8, s21, $0xb8;
	[tilespmem:$0xF300] =	vst v63  }
0xd4: {  	_ =	swait.ge [sflag:s18], $0x1000  }
0xd5: {  	[sflag:s18] =	ssyncset.done $0x0  }
0xd6: {  	[sflag:s18] =	ssyncadd.s32 $0xFFFFF000  }
0xd7: {  	_ =	swait.ge [sflag:s9], $0x100  }
0xd8: {  	[sflag:s9] =	ssyncset.done $0x0  }
0xd9: {  	[sflag:s9] =	ssyncadd.s32 $0xFFFFFF00  }
0xda: {  	[tilespmem:s11], [sflag:$0xA] =	stream.indirect.gather [spmem:s3], $0x20, s0, s21, $0xb8;
	[tilespmem:$0xF300] =	vst v63  }
0xdb: {  	_ =	swait.ge [sflag:s12], $0x1000  }
0xdc: {  	[sflag:s12] =	ssyncset.done $0x0  }
0xdd: {  	[sflag:s12] =	ssyncadd.s32 $0xFFFFF000  }
0xde: {  	[spmem:s2] =	stream.indirect.scatter.add.bf16 [tilespmem:s6], [sflag:$0xB], $0x20, s13, s21, $0xb8;
	[tilespmem:$0xF300] =	vst v63  }
0xdf: {  	_ =	swait.ge [sflag:s18], $0x1000  }
0xe0: {  	[sflag:s18] =	ssyncset.done $0x0  }
0xe1: {  	[sflag:s18] =	ssyncadd.s32 $0xFFFFF000  }
0xe2: {  	_ =	swait.ge [sflag:s14], $0x1000  }
0xe3: {  	[sflag:s14] =	ssyncset.done $0x0  }
0xe4: {  	[sflag:s14] =	ssyncadd.s32 $0xFFFFF000  }
0xe5: {  	[spmem:s2] =	stream.indirect.scatter.add.bf16 [tilespmem:s11], [sflag:$0xB], $0x20, s15, s21, $0xb8;
	[tilespmem:$0xF300] =	vst v63  }
0xe6: {  	_ =	swait.ge [sflag:s18], $0x1000  }
0xe7: {  	[sflag:s18] =	ssyncset.done $0x0  }
0xe8: {  	[sflag:s18] =	ssyncadd.s32 $0xFFFFF000  }
0xe9: {  	[bflag:$0x0] =	sbarrier.arrive $0xFFFF  }
0xea: {  	s19 =	rddreg [dreg:$0xf]  }
0xeb: {  	s5 =	rddreg [dreg:$0x13]  }
0xec: {  	s10 =	rddreg [dreg:$0x17]  }
0xed: {  	[hbm:s5], [sflag:s19] =	dma.local [spmem:s10], $0x9E0  }
0xee: {  	_ =	swait.ge [sflag:s18], $0x9E0  }
0xef: {  	s5 =	rddreg [dreg:$0x16]  }
0xf0: {  	s10 =	sadd.s32 $0x1, s5;
	s5 =	rddreg [dreg:$0x14]  }
0xf1: {  	p0 =	sne.s32 s10, s5  }
.Ltmp1:
0xf2: {  	_ = 	snop;
	(pc) =	sbr.rel @p0 .LBB2_1-.Ltmp1, $3  }
0xf3: {  	_ =	sdelay $0x1  }
0xf4: {  	[sflag:s18] =	ssyncset.done $0x0  }
0xf5: {  	[sflag:s18] =	ssyncadd.s32 $0xFFFFF620  }
0xf6: {  	_ =	sfence.sel $0x180000  }
0xf7: {  	[bflag:$0x0] =	sbarrier.arrive $0xFFFF  }
0xf8: {  	_ =	strace $0x9000004D  }
0xf9: {  	s0 =	stileid.u32;
	[bflag:$0x2] =	sbarrier.arrive $0xFFFF  }
0xfa: {  	p0 =	sne.s32 s0, $0x0;
	s0 =	rddreg [dreg:$0x4]  }
0xfb: {  	s0 =	sadd.s32 @!p0 $0x100000, s0  }
0xfc: {  	[sflag:s0] =	ssyncadd.tile.s32 @!p0 $0x1;
	_ =	shalt  }
.Lfunc_end2:
_tile_overlayer_lowered:
.L_overlay_start_2:
0xfd: {  	(tag) =	ssettag $0x2  }
0xfe: {  	s0 =	rddreg [dreg:$0x0];
	s2 =	stileid.u32  }
0xff: {  	s1 =	rddreg [dreg:$0x1];
	p0 =	sne.s32 s2, $0x0  }
0x100: {  	s3 =	rddreg [dreg:$0x2];
	[bflag:$0x3] =	sbarrier.arrive $0xFFFF;
	s2 =	simm.s32 @!p0 $0x1C0B  }
0x101: {  	[timem:s3], [sflag:s2] =	dma.local @!p0 [hbm:s0], s1  }
0x102: {  	s0 =	simm.s32 @!p0 $0xB  }
0x103: {  	_ =	swait.ge @!p0 [sflag:s0], s1  }
0x104: {  	s1 =	ssub.s32 @!p0 $0x0, s1;
	[sflag:s0] =	ssyncset.done @!p0 $0x0  }
0x105: {  	[sflag:s0] =	ssyncadd.s32 @!p0 s1  }
0x106: {  	[bflag:$0x3] =	sbarrier.arrive $0xFFFF  }
0x107: {  	_ =	shalt  }

// kernel: kernel.8.cloned.1.call-start
scs
__scs_entry_jumppad:
0x0: {  	(pc) =	sbr.rel $0x88, $3  }
0x1: {  	(tag) =	ssettag $0x0;
	lr =	simm.s32 $0x1  }
0x2: {  	[smem:$0x3F9B] =	sst lr;
	_ =	strace $0xD0000000  }
0x3: {  	_ = 	snop  }
0x4: {  	_ = 	snop  }
0x5: {  	_ = 	snop  }
0x6: {  	_ = 	snop  }
0x7: {  	_ = 	snop  }
__scs_overlays_trampoline_lowered:
0x8: {  	[smem:$0x3FAA] =	sst s0  }
0x9: {  	[smem:$0x3FAB] =	sst s1  }
0xa: {  	[smem:$0x3FAC] =	sst s2  }
0xb: {  	[smem:$0x3FAD] =	sst s3  }
0xc: {  	[smem:$0x3FAE] =	sst s4  }
0xd: {  	[smem:$0x3FAF] =	sst s5  }
0xe: {  	[smem:$0x3FB0] =	sst s6  }
0xf: {  	[smem:$0x3FB1] =	sst s7  }
0x10: {  	[smem:$0x3FB2] =	sst s8  }
0x11: {  	[smem:$0x3FB3] =	sst s9;
	s0 =	simm.s32 @!p0 $0x0  }
0x12: {  	s1 =	sld [smem:$0x3F99];
	s0 =	simm.s32 @p0 $0x1  }
0x13: {  	[smem:$0x3FB4] =	sst s0;
	s0 =	simm.s32 @!p1 $0x0  }
0x14: {  	s2 =	sld [smem:$0x3F98];
	s0 =	simm.s32 @p1 $0x1  }
0x15: {  	[smem:$0x3FB5] =	sst s0;
	s0 =	simm.s32 @!p2 $0x0  }
0x16: {  	s3 =	sld [smem:$0x3FDB];
	s0 =	simm.s32 @p2 $0x1  }
0x17: {  	s4 =	simm.s32 $0x1BF5;
	[smem:$0x3FB7] =	sst s0  }
0x18: {  	s0 =	sld [smem:$0x3F9A];
	_ =	swait.ge [sflag:s4], $0x0  }
0x19: {  	s7 =	sld [smem:$0x3F9B]  }
0x1a: {  	s8 =	sadd.s32 $0xFFFFE003, lr  }
0x1b: {  	s9 =	sadd.s32 $0xFFFFFEF7, lr;
	s5 =	simm.s32 $0xFFFFFFFF;
	p2 =	slt.u32 s8, $0xFFFFF086  }
0x1c: {  	p1 =	slt.u32 s9, $0xF7A;
	s5 =	simm.s32 @!p2 $0x0  }
0x1d: {  	s5 =	simm.s32 @p1 $0x1;
	p0 =	seq.s32 s7, s2  }
0x1e: {  	s7 =	smul.u32 @!p0 $0xF7A, s2;
	p2 =	seq.s32 @!p0 s5, $0x0  }
0x1f: {  	s9 =	smul.u32 $0xF7A, s1;
	s8 =	simm.s32 @!p0 $0x1BF5;
	p2 =	por !p2, p0  }
0x20: {  	[sflag:s8] =	ssyncset.s32 @!p0 $0xFFFFF086;
	s6 =	sadd.s32 @!p0 s3, s7;
	s7 =	simm.s32 @!p0 $0x108  }
0x21: {  	s3 =	sadd.s32 s3, s9;
	s6 =	sadd.s32 @!p0 $0x88, s6;
	s7 =	simm.s32 @p2 $0x1082  }
0x22: {  	[simem:s7], [sflag:s8] =	dma.local @!p0 [hbm:s6], $0xF7A  }
0x23: {  	s9 =	sor.u32 $0xD0000000, s2;
	s6 =	simm.s32 $0x108;
	_ =	swait.ge @!p0 [sflag:s8], $0x0  }
0x24: {  	s3 =	sadd.s32 $0x88, s3;
	s6 =	simm.s32 @!p1 $0x1082;
	[sflag:s4] =	ssyncset.s32 $0xFFFFF086  }
0x25: {  	[simem:s6], [sflag:s4] =	dma.local [hbm:s3], $0xF7A  }
0x26: {  	[smem:$0x3F9B] =	sst s1;
	(tag) =	ssettag s2;
	_ =	strace s9  }
0x27: {  	s1 =	sld [smem:$0x3FAB]  }
0x28: {  	s2 =	sld [smem:$0x3FAC]  }
0x29: {  	s4 =	sld [smem:$0x3FAE]  }
0x2a: {  	p0 =	seq.s32 s5, $0x0;
	s5 =	sld [smem:$0x3FAF]  }
0x2b: {  	s6 =	sld [smem:$0x3FB0]  }
0x2c: {  	s7 =	sld [smem:$0x3FB1]  }
0x2d: {  	s3 =	simm.s32 $0x108;
	s8 =	sld [smem:$0x3FB2]  }
0x2e: {  	s3 =	simm.s32 @!p0 $0x1082;
	s9 =	sld [smem:$0x3FB3]  }
0x2f: {  	lr =	sadd.s32 s0, s3;
	s0 =	sld [smem:$0x3FAA]  }
0x30: {  	s3 =	sld [smem:$0x3FAD]  }
0x31: {  	[smem:$0x3FB6] =	sst s10  }
0x32: {  	s10 =	sld [smem:$0x3FB4];
	_ =	sdelay $0x3  }
0x33: {  	p0 =	seq.s32 s10, $0x1;
	s10 =	sld [smem:$0x3FB6];
	_ =	sdelay $0x3  }
0x34: {  	[smem:$0x3FB6] =	sst s10  }
0x35: {  	s10 =	sld [smem:$0x3FB5];
	_ =	sdelay $0x3  }
0x36: {  	p1 =	seq.s32 s10, $0x1;
	s10 =	sld [smem:$0x3FB6];
	_ =	sdelay $0x3  }
0x37: {  	[smem:$0x3FB6] =	sst s10  }
0x38: {  	s10 =	sld [smem:$0x3FB7]  }
0x39: {  	_ = 	snop;
	(pc) =	sbr.ind lr, $3  }
0x3a: {  	_ = 	snop  }
0x3b: {  	_ = 	snop  }
0x3c: {  	p2 =	seq.s32 s10, $0x1;
	s10 =	sld [smem:$0x3FB6]  }
0x3d: {  	_ =	shalt  }
0x3e: {  	_ =	shalt  }
0x3f: {  	_ =	shalt  }
0x40: {  	_ =	shalt  }
0x41: {  	_ =	shalt  }
0x42: {  	_ =	shalt  }
0x43: {  	_ =	shalt  }
0x44: {  	_ =	shalt  }
0x45: {  	_ =	shalt  }
0x46: {  	_ =	shalt  }
0x47: {  	_ =	shalt  }
0x48: {  	_ =	shalt  }
0x49: {  	_ =	shalt  }
0x4a: {  	_ =	shalt  }
0x4b: {  	_ =	shalt  }
0x4c: {  	_ =	shalt  }
0x4d: {  	_ =	shalt  }
0x4e: {  	_ =	shalt  }
0x4f: {  	_ =	shalt  }
0x50: {  	_ =	shalt  }
0x51: {  	_ =	shalt  }
0x52: {  	_ =	shalt  }
0x53: {  	_ =	shalt  }
0x54: {  	_ =	shalt  }
0x55: {  	_ =	shalt  }
0x56: {  	_ =	shalt  }
0x57: {  	_ =	shalt  }
0x58: {  	_ =	shalt  }
0x59: {  	_ =	shalt  }
0x5a: {  	_ =	shalt  }
0x5b: {  	_ =	shalt  }
0x5c: {  	_ =	shalt  }
0x5d: {  	_ =	shalt  }
0x5e: {  	_ =	shalt  }
0x5f: {  	_ =	shalt  }
0x60: {  	_ =	shalt  }
0x61: {  	_ =	shalt  }
0x62: {  	_ =	shalt  }
0x63: {  	_ =	shalt  }
0x64: {  	_ =	shalt  }
0x65: {  	_ =	shalt  }
0x66: {  	_ =	shalt  }
0x67: {  	_ =	shalt  }
0x68: {  	_ =	shalt  }
0x69: {  	_ =	shalt  }
0x6a: {  	_ =	shalt  }
0x6b: {  	_ =	shalt  }
0x6c: {  	_ =	shalt  }
0x6d: {  	_ =	shalt  }
0x6e: {  	_ =	shalt  }
0x6f: {  	_ =	shalt  }
0x70: {  	_ =	shalt  }
0x71: {  	_ =	shalt  }
0x72: {  	_ =	shalt  }
0x73: {  	_ =	shalt  }
0x74: {  	_ =	shalt  }
0x75: {  	_ =	shalt  }
0x76: {  	_ =	shalt  }
0x77: {  	_ =	shalt  }
0x78: {  	_ =	shalt  }
0x79: {  	_ =	shalt  }
0x7a: {  	_ =	shalt  }
0x7b: {  	_ =	shalt  }
0x7c: {  	_ =	shalt  }
0x7d: {  	_ =	shalt  }
0x7e: {  	_ =	shalt  }
0x7f: {  	_ =	shalt  }
0x80: {  	_ =	shalt  }
0x81: {  	_ =	shalt  }
0x82: {  	_ =	shalt  }
0x83: {  	_ =	shalt  }
0x84: {  	_ =	shalt  }
0x85: {  	_ =	shalt  }
0x86: {  	_ =	shalt  }
0x87: {  	_ =	shalt  }
.Lfunc_end0:
.L_simem_size_0:
called_computation_lowered:
.L_overlay_start_0:
0x88: {  	s2 =	sld [smem:$0x3FD9]  }
0x89: {  	s3 =	sld [smem:$0x3FFE];
	_ =	sdelay $0x1  }
0x8a: {  	s1 =	srdreg.scid  }
0x8b: {  	s0 =	sand.u32 $0x1, s1  }
0x8c: {  	s17 =	sshll.u32 s0, $0xA;
	s2 =	sadd.s32 s3, s2  }
0x8d: {  	s2 =	sadd.s32 s2, s17  }
0x8e: {  	[smem:$0x3FC2] =	sst s2  }
0x8f: {  	_ = 	snop  }
0x90: {  	s2 =	sld [smem:$0x3FD0];
	(tm) =	ssettm $0x1  }
0x91: {  	s18 =	sld [smem:$0x3FFB];
	_ =	sdelay $0x3  }
0x92: {  	_ =	strace s18  }
0x93: {  	s3 =	sld [smem:$0x3FFC];
	_ =	sdelay $0x3  }
0x94: {  	_ =	strace s3  }
0x95: {  	s3 =	sld [smem:$0x3FFD];
	_ =	sdelay $0x3  }
0x96: {  	_ =	strace s3  }
0x97: {  	_ =	strace $0x8FFFFFFF  }
0x98: {  	s19 =	sld [smem:$0x3FDB];
	_ =	sdelay $0x1  }
0x99: {  	s4 =	simm.s32 $_scs_section_size  }
0x9a: {  	s5 =	simm.s32 $_size__tile_overlayer_lowered;
	s6 =	simm.s32 $_tile_overlayer_lowered  }
0x9b: {  	s22 =	simm.s32 $0x1BFF;
	s21 =	sshll.u32 s6, $0x1;
	s3 =	sadd.s32 s4, s19  }
0x9c: {  	s7 =	simm.s32 $0x0;
	s20 =	sshll.u32 s5, $0x1;
	s5 =	sadd.s32 s21, s3  }
0x9d: {  	[timem:s7], [sflag:s22] =	dma.local [hbm:s5], s20  }
0x9e: {  	_ =	swait.ge [sflag:s22], s20  }
0x9f: {  	s4 =	ssub.s32 $0x0, s20;
	[sflag:s22] =	ssyncset.done $0x0  }
0xa0: {  	[sflag:s22] =	ssyncadd.s32 s4;
	_ =	sdelay $0x1  }
0xa1: {  	s23 =	simm.s32 $0x1B8B  }
0xa2: {  	_ =	swait.ge [sflag:s23], $0x1  }
0xa3: {  	[sflag:s23] =	ssyncset.done $0x0  }
0xa4: {  	s25 =	simm.s32 $0x1B8E;
	s24 =	sld [smem:$0x3FFE];
	[sflag:s23] =	ssyncadd.s32 $0xFFFFFFFF  }
0xa5: {  	s26 =	simm.s32 $execute0_lowered;
	[smem:$0x3FD2] =	sst s25  }
0xa6: {  	s5 =	sshll.u32 s26, $0x1;
	_ =	strace $0x80000046;
	[dreg:$0x1] =	wrdreg $0xFFFFFFFF  }
0xa7: {  	s28 =	simm.s32 $_size_execute0_lowered;
	s3 =	sadd.s32 s3, s5;
	[dreg:$0x0] =	wrdreg $0x0  }
0xa8: {  	s5 =	sshll.u32 s28, $0x1;
	[dreg:$0x2] =	wrdreg s3  }
0xa9: {  	[dreg:$0x3] =	wrdreg s5  }
0xaa: {  	[dreg:$0x4] =	wrdreg $0xC0  }
0xab: {  	_ =	task [dreg:s7], $0x5FFFF  }
0xac: {  	[dreg:$0x1] =	wrdreg $0xFFFFFFFF  }
0xad: {  	[dreg:$0x0] =	wrdreg $0x60  }
0xae: {  	[dreg:$0x2] =	wrdreg s2  }
0xaf: {  	[dreg:$0x3] =	wrdreg s24  }
0xb0: {  	[dreg:$0x4] =	wrdreg $0x9  }
0xb1: {  	_ =	task.clear_ibuf [dreg:s7], $0x5FFFF;
	_ =	strace $0x90000046  }
0xb2: {  	s29 =	simm.s32 $0x9;
	_ =	strace $0x80000048  }
0xb3: {  	_ =	swait.ge [sflag:s29], $0x1  }
0xb4: {  	[sflag:s29] =	ssyncadd.s32 $0xFFFFFFFF  }
0xb5: {  	_ =	strace $0x90000048  }
0xb6: {  	_ =	sfence  }
0xb7: {  	s30 =	sld [smem:$0x0];
	_ =	sdelay $0x2  }
0xb8: {  	s31 =	sshll.u32 s1, $0xD;
	s1 =	sshrl.u32 s1, $0x2  }
0xb9: {  	s3 =	sand.u32 $0x4000, s31;
	s1 =	sadd.s32 s1, s30  }
0xba: {  	s0 =	sor.u32 s3, s0;
	s1 =	sshll.u32 s1, $0x11  }
0xbb: {  	s0 =	sor.u32 s1, s0  }
0xbc: {  	s0 =	sadd.s32 $0x8F2B, s0  }
0xbd: {  	[sflag:s0] =	ssyncadd.remote.s32 $0x1  }
0xbe: {  	_ =	sfence.sel $0xFFFF  }
0xbf: {  	[dreg:$0x0] =	wrdreg $0xFFFFFFFF;
	(pc) =	sbr.abs _section_cstart, $3  }
0xc0: {  	[dreg:$0x1] =	wrdreg $0xFFFFFFFF  }
0xc1: {  	_ =	task.clear_ibuf [dreg:s7], $0x2FFFF;
	_ =	strace $0x9FFFFFFF  }
0xc2: {  	(tm) =	ssettm $0x7FFFFFFF  }
0xc3: {  	_ =	shalt  }
tec
execute0_lowered:
.L_overlay_start_1:
0x0: {  	(tag) =	ssettag $0x1  }
0x1: {  	s3 =	rddreg [dreg:$0x0]  }
0x2: {  	s4 =	rddreg [dreg:$0x1]  }
0x3: {  	s0 =	rddreg [dreg:$0x2];
	s2 =	simm.s32 $0x0;
	s5 =	srdreg.scid  }
0x4: {  	s1 =	stileid.u32;
	s10 =	simm.s32 $0x0;
	s5 =	sand.u32 $0x1, s5  }
0x5: {  	s6 =	sshrl.u32 s1, $0x2;
	s7 =	sshll.u32 s1, $0x8;
	[smem:$0x7FF] =	sst s2  }
0x6: {  	s8 =	sshll.u32 s5, $0x7;
	s7 =	sand.u32 $0x300, s7;
	s9 =	smul.u32 $0x13C00, s6  }
0x7: {  	s6 =	smul.u32 $0x14000, s6;
	s5 =	ssub.s32 $0x2, s5;
	s7 =	sor.u32 s8, s7  }
0x8: {  	_ =	strace $0x80000047;
	s31 =	sshrl.u32 s5, $0x1;
	s8 =	sor.u32 s9, s7  }
0x9: {  	s6 =	sor.u32 s6, s7;
	s5 =	ssub.s32 s5, s31;
	s7 =	simm.s32 $0x400  }
0xa: {  	s9 =	simm.s32 $0x2800;
	s8 =	sshrl.u32 s8, $0x3;
	s6 =	sshrl.u32 s6, $0x3  }
0xb: {  	s5 =	smax.u32 s5, $0x1;
	s4 =	sadd.s32 s8, s4;
	s3 =	sadd.s32 s3, s6  }
0xc: {  	v0 =	vimm.f32 $0.0e+00;
	v1 =	vimm.f32 $1.000000000e+00;
	s6 =	simm.s32 $0x80;
	s8 =	simm.s32 $0x1;
	s4 =	sadd.s32 $0x1A00, s4  }
.LBB2_1:
0xd: {  	[tilespmem:s2], [sflag:$0x1] =	stream.strided.gather [hbm4b:s3+s6], $0x2800, s7, s6, $0x38;
	[tilespmem:$0x4F80] =	vst v63  }
0xe: {  	_ =	swait.ge [sflag:s8], $0x2800  }
0xf: {  	[sflag:s8] =	ssyncset.done $0x0  }
0x10: {  	s11 =	simm.s32 $0x0;
	[sflag:s8] =	ssyncadd.s32 $0xFFFFD800  }
.LBB2_2:
0x11: {  	p0 =	sne.s32 s11, $0x9DC0  }
.Ltmp0:
0x12: {  	_ = 	snop;
	(pc) =	sbr.rel @p0 .LBB2_2-.Ltmp0, $3  }
0x13: {  	_ =	sdelay $0x1  }
0x14: {  	s12 =	sshra.s32 s11, $0x2  }
0x15: {  	s11 =	sadd.s32 $0x40, s11;
	[tilespmem:s12+$0x2800] =	vst v0  }
0x16: {  	s12 =	simm.s32 $0x0;
	s11 =	simm.s32 $0x40  }
.LBB2_4:
0x17: {  	p0 =	sne.s32 s11, $0x9FC0;
	v2 =	vld [tilespmem:s12+$0x0];
	_ =	sdelay $0x3  }
.Ltmp1:
0x18: {  	(pc) =	sbr.rel @p0 .LBB2_4-.Ltmp1, $2  }
0x19: {  	_ =	sdelay $0x2  }
0x1a: {  	s12 =	sshra.s32 s11, $0x2;
	s11 =	sadd.s32 $0x40, s11;
	[tilespmem:v2+s9+$0x0] =	vst.idx.add.f32.msk $0xffff, v1  }
0x1b: {  	v2 =	vld [tilespmem:s12+$0x0];
	_ =	sdelay $0x5  }
0x1c: {  	s10 =	sadd.s32 $0x1, s10  }
0x1d: {  	p0 =	sne.s32 s10, s5  }
.Ltmp2:
0x1e: {  	[tilespmem:v2+s9+$0x0] =	vst.idx.add.f32.msk $0xffff, v1;
	(pc) =	sbr.rel @p0 .LBB2_1-.Ltmp2, $4  }
0x1f: {  	[hbm4b:s4+s6] =	stream.strided.scatter [tilespmem:s9], [sflag:$0x1], $0x2780, s7, s6, $0x38;
	[tilespmem:$0x4F80] =	vst v63  }
0x20: {  	_ =	swait.ge [sflag:s8], $0x2780  }
0x21: {  	[sflag:s8] =	ssyncset.done $0x0  }
0x22: {  	[sflag:s8] =	ssyncadd.s32 $0xFFFFD880  }
0x23: {  	_ =	sfence.sel $0x180000  }
0x24: {  	[bflag:$0x0] =	sbarrier.arrive $0xFFFF  }
0x25: {  	p0 =	sne.s32 s1, $0x0;
	_ =	strace $0x90000047  }
0x26: {  	s0 =	sadd.s32 @!p0 $0x100000, s0;
	[bflag:$0x2] =	sbarrier.arrive $0xFFFF  }
0x27: {  	[sflag:s0] =	ssyncadd.tile.s32 @!p0 $0x1;
	_ =	shalt  }
.Lfunc_end2:
_tile_overlayer_lowered:
.L_overlay_start_2:
0x28: {  	(tag) =	ssettag $0x2  }
0x29: {  	s0 =	rddreg [dreg:$0x0];
	s2 =	stileid.u32  }
0x2a: {  	s1 =	rddreg [dreg:$0x1];
	p0 =	sne.s32 s2, $0x0  }
0x2b: {  	s3 =	rddreg [dreg:$0x2];
	[bflag:$0x3] =	sbarrier.arrive $0xFFFF;
	s2 =	simm.s32 @!p0 $0x1C01  }
0x2c: {  	[timem:s3], [sflag:s2] =	dma.local @!p0 [hbm:s0], s1  }
0x2d: {  	s0 =	simm.s32 @!p0 $0x1  }
0x2e: {  	_ =	swait.ge @!p0 [sflag:s0], s1  }
0x2f: {  	s1 =	ssub.s32 @!p0 $0x0, s1;
	[sflag:s0] =	ssyncset.done @!p0 $0x0  }
0x30: {  	[sflag:s0] =	ssyncadd.s32 @!p0 s1  }
0x31: {  	[bflag:$0x3] =	sbarrier.arrive $0xFFFF  }
0x32: {  	_ =	shalt  }

</sc_bundles>
